<compile_context>
chip_gen: v7x
topology: tpu7x:2x2x1
jax: 0.10.2.dev20260603
libtpu: 0.0.44.dev20260713+nightly
codegen_flags: <defaults>
</compile_context>

<pallas_src>
import functools

import jax
import jax.numpy as jnp
from jax import lax
from jax.experimental import pallas as pl
from jax.experimental.pallas import tpu as pltpu
from jax.experimental.pallas import tpu_sc as plsc

N = 10000
E = 320000
F = 128

NC = 2
NS = 16
NW = NC * NS
CH = 128
NCHT = E // CH
CPW = NCHT // NW
XTRA = NCHT - CPW * NW

NB = 3
NR = CPW // NB
NBD = 8

NPAD = 10112
PT = NPAD // NS
NBLK = NPAD // F

_sc_mesh = plsc.VectorSubcoreMesh(core_axis_name="c", subcore_axis_name="s")



@functools.partial(
    pl.kernel,
    out_type=jax.ShapeDtypeStruct((NC * NPAD,), jnp.float32),
    mesh=_sc_mesh,
    scratch_types=[
        [pltpu.VMEM((2, CH), jnp.int32)] * NBD,
        pltpu.VMEM((CH,), jnp.float32),
        pltpu.VMEM((PT,), jnp.float32),
        pltpu.VMEM_SHARED((NPAD,), jnp.float32),
        pltpu.SemaphoreType.DMA((NBD,)),
        pltpu.SemaphoreType.DMA((NBD,)),
    ],
)
def _deg_kernel(ei_hbm, out_hbm, idxs, ones_v, stage_v, acc_sh, isems, ssems):
    c = lax.axis_index("c")
    s = lax.axis_index("s")
    wid = c * NS + s

    def _init_ones(i, carry):
        ones_v[pl.ds(i * 16, 16)] = jnp.ones((16,), jnp.float32)
        return carry

    lax.fori_loop(0, CH // 16, _init_ones, 0)

    def _init_zero(i, carry):
        stage_v[pl.ds(i * 16, 16)] = jnp.zeros((16,), jnp.float32)
        return carry

    lax.fori_loop(0, PT // 16, _init_zero, 0)
    pltpu.sync_copy(stage_v, acc_sh.at[pl.ds(s * PT, PT)])
    plsc.subcore_barrier()

    def _deg_round(r, nb):
        idn = []
        for j in range(nb):
            ck = wid * CPW + r * NBD + j
            idn.append(pltpu.async_copy(
                ei_hbm.at[:, pl.ds(ck * CH, CH)], idxs[j], isems.at[j]))
        sd = []
        for j in range(nb):
            idn[j].wait()
            sd.append(pltpu.async_copy(
                ones_v, acc_sh.at[idxs[j].at[1]], ssems.at[j], add=True))
        for d in sd:
            d.wait()

    def _round(r, carry):
        _deg_round(r, NBD)
        return carry

    lax.fori_loop(0, CPW // NBD, _round, 0)
    _deg_round(CPW // NBD, CPW - (CPW // NBD) * NBD)

    @pl.when(wid < XTRA)
    def _extra():
        ck = NW * CPW + wid
        pltpu.sync_copy(ei_hbm.at[:, pl.ds(ck * CH, CH)], idxs[0])
        pltpu.sync_copy(ones_v, acc_sh.at[idxs[0].at[1]], add=True)

    plsc.subcore_barrier()
    pltpu.sync_copy(acc_sh.at[pl.ds(s * PT, PT)], stage_v)
    pltpu.sync_copy(stage_v, out_hbm.at[pl.ds(c * NPAD + s * PT, PT)])


@functools.partial(
    pl.kernel,
    out_type=jax.ShapeDtypeStruct((NC * NPAD, F), jnp.float32),
    mesh=_sc_mesh,
    scratch_types=[
        [pltpu.VMEM((2, CH), jnp.int32)] * NB,
        [pltpu.VMEM((CH, F), jnp.float32)] * NB,
        pltpu.VMEM_SHARED((NPAD, F), jnp.float32),
        pltpu.SemaphoreType.DMA((NB,)),
        pltpu.SemaphoreType.DMA((NB,)),
        pltpu.SemaphoreType.DMA((NB,)),
    ],
)
def _agg_kernel(tab_hbm, ei_hbm, out_hbm,
                idxs, rows, acc_sh, isems, gsems, ssems):
    c = lax.axis_index("c")
    s = lax.axis_index("s")
    wid = c * NS + s

    def _zrow(i, carry):
        def _zcol(j, inner):
            rows[0][i, pl.ds(j * 16, 16)] = jnp.zeros((16,), jnp.float32)
            return inner

        return lax.fori_loop(0, F // 16, _zcol, carry)

    lax.fori_loop(0, CH, _zrow, 0)
    for m, nr_m in enumerate((128, 128, 128, 128, 120)):
        pltpu.sync_copy(rows[0].at[pl.ds(0, nr_m)],
                        acc_sh.at[pl.ds(s * PT + m * 128, nr_m)])
    plsc.subcore_barrier()

    def _do_round(r, nb, first, last):
        idn = []
        for j in range(nb):
            if first is None:
                pltpu.make_async_copy(
                    rows[j], acc_sh.at[idxs[j].at[1]], ssems.at[j]).wait()
            elif not first:
                @pl.when(r > 0)
                def _drain(j=j):
                    pltpu.make_async_copy(
                        rows[j], acc_sh.at[idxs[j].at[1]], ssems.at[j]).wait()
            ck = wid * CPW + r * NB + j
            idn.append(pltpu.async_copy(
                ei_hbm.at[:, pl.ds(ck * CH, CH)], idxs[j], isems.at[j]))
        gd = []
        for j in range(nb):
            idn[j].wait()
            gd.append(pltpu.async_copy(
                tab_hbm.at[idxs[j].at[0]], rows[j], gsems.at[j]))
        sd = []
        for j in range(nb):
            gd[j].wait()
            sd.append(pltpu.async_copy(
                rows[j], acc_sh.at[idxs[j].at[1]], ssems.at[j], add=True))
        if last:
            for d in sd:
                d.wait()

    def _round(r, carry):
        _do_round(r, NB, first=False, last=False)
        return carry

    _do_round(0, NB, first=True, last=False)
    lax.fori_loop(1, NR, _round, 0)
    for j in range(NB):
        pltpu.make_async_copy(
            rows[j], acc_sh.at[idxs[j].at[1]], ssems.at[j]).wait()

    @pl.when(wid < XTRA)
    def _extra():
        ck = NW * CPW + wid
        pltpu.sync_copy(ei_hbm.at[:, pl.ds(ck * CH, CH)], idxs[0])
        pltpu.sync_copy(tab_hbm.at[idxs[0].at[0]], rows[0])
        pltpu.sync_copy(rows[0], acc_sh.at[idxs[0].at[1]], add=True)

    plsc.subcore_barrier()
    descs = [None, None]
    for m, nr_m in enumerate((128, 128, 128, 128, 120)):
        b = m % 2
        if descs[b] is not None:
            descs[b].wait()
        r0 = s * PT + m * 128
        pltpu.sync_copy(acc_sh.at[pl.ds(r0, nr_m)], rows[b].at[pl.ds(0, nr_m)])
        descs[b] = pltpu.async_copy(
            rows[b].at[pl.ds(0, nr_m)], out_hbm.at[pl.ds(c * NPAD + r0, nr_m)],
            gsems.at[b])
    for d in descs:
        if d is not None:
            d.wait()



def _tcmm_body(x_ref, w1_ref, o_ref):
    h = jnp.dot(x_ref[...], w1_ref[...], preferred_element_type=jnp.float32)
    o_ref[...] = jnp.concatenate(
        [h, jnp.zeros((NPAD - N, F), jnp.float32)], axis=0)


def _tc1b_body(degp_ref, h1_ref, h1s_ref, normc_ref, nscr):
    d2 = degp_ref[...]
    n80 = lax.rsqrt(d2[:NBLK] + d2[NBLK:] + 1.0)
    rows = lax.broadcasted_iota(jnp.int32, (NPAD, 1), 0)
    blk = lax.broadcasted_iota(jnp.int32, (NPAD, NBLK), 1)
    sel = jnp.where(blk == rows // F, 1.0, 0.0)
    rep = jnp.dot(sel, n80, preferred_element_type=jnp.float32)
    lane = lax.broadcasted_iota(jnp.int32, (NPAD, F), 1)
    nc = jnp.sum(jnp.where(lane == rows % F, rep, 0.0), axis=1, keepdims=True)
    normc_ref[...] = nc
    h1s_ref[...] = h1_ref[...] * nc
    del nscr


def _tc2_body(pp_ref, h1s_ref, normc_ref, b1_ref, w2_ref, o_ref):
    p01 = pp_ref[...]
    nc = normc_ref[...]
    p = p01[:NPAD] + p01[NPAD:]
    z = jnp.maximum((p + h1s_ref[...]) * nc + b1_ref[...], 0.0)
    rows = lax.broadcasted_iota(jnp.int32, (NPAD, 1), 0)
    z = jnp.where(rows < N, z, 0.0)
    o_ref[...] = jnp.dot(z * nc, w2_ref[...],
                         preferred_element_type=jnp.float32)


def _tc3_body(pp_ref, h2s_ref, normc_ref, b2_ref, wp_ref, bp_ref, o_ref):
    p01 = pp_ref[...]
    p = p01[:NPAD] + p01[NPAD:]
    nr = (p + h2s_ref[...]) * normc_ref[...]
    g = jnp.sum(nr, axis=0, keepdims=True) * (1.0 / N) + b2_ref[...]
    proj = jnp.dot(g, wp_ref[...], preferred_element_type=jnp.float32) \
        + bp_ref[...]
    nrm = jnp.sqrt(jnp.sum(proj * proj, keepdims=True))
    o_ref[...] = proj / jnp.maximum(nrm, 1e-12)


_tcmm = pl.pallas_call(
    _tcmm_body, out_shape=jax.ShapeDtypeStruct((NPAD, F), jnp.float32))
_tc1b = pl.pallas_call(
    _tc1b_body,
    out_shape=[jax.ShapeDtypeStruct((NPAD, F), jnp.float32),
               jax.ShapeDtypeStruct((NPAD, 1), jnp.float32)],
    scratch_shapes=[pltpu.VMEM((NBLK, F), jnp.float32)])
_tc2 = pl.pallas_call(
    _tc2_body, out_shape=jax.ShapeDtypeStruct((NPAD, F), jnp.float32))
_tc3 = pl.pallas_call(
    _tc3_body, out_shape=jax.ShapeDtypeStruct((1, F), jnp.float32))



def kernel(x, edge_index, W1, b1, W2, b2, Wp, bp):
    degp = _deg_kernel(edge_index).reshape(2 * NBLK, F)
    h1 = _tcmm(x, W1)
    h1s, normc = _tc1b(degp, h1)
    pp1 = _agg_kernel(h1s, edge_index)
    h2s = _tc2(pp1, h1s, normc, b1.reshape(1, F), W2)
    pp2 = _agg_kernel(h2s, edge_index)
    return _tc3(pp2, h2s, normc, b2.reshape(1, F), Wp, bp.reshape(1, F))

# --- scband reference (transcript-rebuilt; emitter-appended) ---
"""Pipeline reference for scband-net-encoder-15590731285066 (READ-ONLY COPY).

The authoritative reference and input builder live on the scoring server;
editing this copy changes nothing except your own understanding.
"""

import jax, jax.numpy as jnp
import numpy as np

N = 10000
E = 320000
D = 128
H = 128
EMB = 128


def setup_inputs(seed: int = 0) -> dict:
    key = jax.random.key(seed)
    ks = jax.random.split(key, 8)
    x = jax.random.normal(ks[0], (N, D), dtype=jnp.float32)
    edge_index = jax.random.randint(ks[1], (2, E), 0, N, dtype=jnp.int32)
    W1 = jax.random.normal(ks[2], (D, H), dtype=jnp.float32) * (1.0 / np.sqrt(D))
    b1 = jnp.zeros((H,), dtype=jnp.float32)
    W2 = jax.random.normal(ks[3], (H, H), dtype=jnp.float32) * (1.0 / np.sqrt(H))
    b2 = jnp.zeros((H,), dtype=jnp.float32)
    Wp = jax.random.normal(ks[4], (H, EMB), dtype=jnp.float32) * (1.0 / np.sqrt(H))
    bp = jnp.zeros((EMB,), dtype=jnp.float32)
    return {"x": x, "edge_index": edge_index, "W1": W1, "b1": b1, "W2": W2, "b2": b2, "Wp": Wp, "bp": bp}


def reference(x, edge_index, W1, b1, W2, b2, Wp, bp):
    # Net_Encoder.finetune_forward: GCN node encoding -> mean readout -> graph_proj -> F.normalize
    src = edge_index[0]
    dst = edge_index[1]
    # symmetric GCN normalization with implicit self-loops
    deg = jax.ops.segment_sum(jnp.ones((E,), dtype=jnp.float32), dst, num_segments=N) + 1.0
    norm = jax.lax.rsqrt(deg)

    def gcn_layer(h, W, b):
        h = h @ W
        msg = h[src] * norm[src][:, None]          # gather by src (memory-bound)
        agg = jax.ops.segment_sum(msg, dst, num_segments=N)  # scatter-add by dst
        agg = agg + h * norm[:, None]              # self-loop contribution
        agg = agg * norm[:, None] + b
        return agg

    h = jax.nn.relu(gcn_layer(x, W1, b1))
    node_rep = gcn_layer(h, W2, b2)
    graph_rep = jnp.mean(node_rep, axis=0, keepdims=True)  # mean readout
    proj = graph_rep @ Wp + bp
    embeds = proj / jnp.maximum(jnp.linalg.norm(proj, axis=-1, keepdims=True), 1e-12)
    return embeds

if __name__ == "__main__":
    import jax
    _d = setup_inputs()
    print(jax.jit(kernel)(*tuple(_d.values())))

</pallas_src>

<mosaic_0001>
#map = affine_map<(d0, d1) -> (0, 0)>
#map1 = affine_map<(d0, d1) -> (0)>
module attributes {stable_mosaic.version = 14 : i64} {
  func.func @_deg_kernel(%arg0: i32, %arg1: i32, %arg2: memref<2x320000xi32, #tpu.memory_space<hbm>>, %arg3: memref<20224xf32, #tpu.memory_space<hbm>>, %arg4: memref<2x128xi32, #tpu.memory_space<vmem>>, %arg5: memref<2x128xi32, #tpu.memory_space<vmem>>, %arg6: memref<2x128xi32, #tpu.memory_space<vmem>>, %arg7: memref<2x128xi32, #tpu.memory_space<vmem>>, %arg8: memref<2x128xi32, #tpu.memory_space<vmem>>, %arg9: memref<2x128xi32, #tpu.memory_space<vmem>>, %arg10: memref<2x128xi32, #tpu.memory_space<vmem>>, %arg11: memref<2x128xi32, #tpu.memory_space<vmem>>, %arg12: memref<128xf32, #tpu.memory_space<vmem>>, %arg13: memref<632xf32, #tpu.memory_space<vmem>>, %arg14: memref<10112xf32, #tpu.memory_space<vmem_shared>>, %arg15: memref<8x!tpu.dma_semaphore, #tpu.memory_space<semaphore_mem>>, %arg16: memref<8x!tpu.dma_semaphore, #tpu.memory_space<semaphore_mem>>) attributes {dimension_semantics = [#tpu.dimension_semantics<core_parallel>, #tpu.dimension_semantics<subcore_parallel>], iteration_bounds = array<i64: 2, 16>, scalar_prefetch = 0 : i64, scratch_operands = 13 : i64, tpu.core_type = #tpu.core_type<sc_vector_subcore>, window_params = [{transform_indices = #map}, {transform_indices = #map1}]} {
    %mul3A = arith.constant 16 : i32
    %mul3A_0 = arith.muli %arg0, %mul3A : i32
    %add3A = arith.addi %mul3A_0, %arg1 : i32
    %scan3A = arith.constant 0 : i32
    %scan3A_1 = arith.constant 0 : i32
    %scan3A_2 = arith.constant 8 : i32
    %scan3A_3 = arith.addi %scan3A_1, %scan3A_2 : i32
    %scan3A_4 = arith.constant 1 : i32
    scf.for %scan3A_268 = %scan3A_1 to %scan3A_3 step %scan3A_4  : i32 {
      %broadcast_in_dim3A = arith.constant 1.000000e+00 : f32
      %broadcast_in_dim3A_269 = vector.broadcast %broadcast_in_dim3A : f32 to vector<16xf32>
      %mul3A_270 = arith.constant 16 : i32
      %mul3A_271 = arith.muli %scan3A_268, %mul3A_270 : i32
      %swap3A = arith.index_cast %mul3A_271 : i32 to index
      %swap3A_272 = tpu.vector_load %arg12[%swap3A] {strides = array<i32>} : memref<128xf32, #tpu.memory_space<vmem>>, vector<16xf32>,
      %swap3A_273 = vector.shape_cast %swap3A_272 : vector<16xf32> to vector<16xf32>
      %swap3A_274 = vector.shape_cast %broadcast_in_dim3A_269 : vector<16xf32> to vector<16xf32>
      tpu.vector_store %arg12[%swap3A], %swap3A_274 {strides = array<i32>} : memref<128xf32, #tpu.memory_space<vmem>>, vector<16xf32>,
    }
    %scan3A_5 = arith.constant 8 : i32
    %scan3A_6 = arith.constant 0 : i32
    %scan3A_7 = arith.constant 0 : i32
    %scan3A_8 = arith.constant 39 : i32
    %scan3A_9 = arith.addi %scan3A_7, %scan3A_8 : i32
    %scan3A_10 = arith.constant 1 : i32
    scf.for %scan3A_268 = %scan3A_7 to %scan3A_9 step %scan3A_10  : i32 {
      %broadcast_in_dim3A = arith.constant 0.000000e+00 : f32
      %broadcast_in_dim3A_269 = vector.broadcast %broadcast_in_dim3A : f32 to vector<16xf32>
      %mul3A_270 = arith.constant 16 : i32
      %mul3A_271 = arith.muli %scan3A_268, %mul3A_270 : i32
      %swap3A = arith.index_cast %mul3A_271 : i32 to index
      %swap3A_272 = tpu.vector_load %arg13[%swap3A] {strides = array<i32>} : memref<632xf32, #tpu.memory_space<vmem>>, vector<16xf32>,
      %swap3A_273 = vector.shape_cast %swap3A_272 : vector<16xf32> to vector<16xf32>
      %swap3A_274 = vector.shape_cast %broadcast_in_dim3A_269 : vector<16xf32> to vector<16xf32>
      tpu.vector_store %arg13[%swap3A], %swap3A_274 {strides = array<i32>} : memref<632xf32, #tpu.memory_space<vmem>>, vector<16xf32>,
    }
    %scan3A_11 = arith.constant 39 : i32
    %mul3A_12 = arith.constant 632 : i32
    %mul3A_13 = arith.muli %arg1, %mul3A_12 : i32
    "tpu.region"() ({
      %run_scoped3A = tpu.sem_alloc : memref<!tpu.dma_semaphore, #tpu.memory_space<semaphore_mem>>
      %dma_start3A_268 = tpu.memref_slice %arg14[%mul3A_13] : memref<10112xf32, #tpu.memory_space<vmem_shared>> -> memref<632xf32, #tpu.memory_space<vmem_shared>>
      %dma_start3A_269 = tpu.memref_slice %arg14[%mul3A_13] : memref<10112xf32, #tpu.memory_space<vmem_shared>> -> memref<632xf32, #tpu.memory_space<vmem_shared>>
      tpu.enqueue_dma source(%arg13 : memref<632xf32, #tpu.memory_space<vmem>>) target(%dma_start3A_269 : memref<632xf32, #tpu.memory_space<vmem_shared>>) target_semaphore(%run_scoped3A : memref<!tpu.dma_semaphore, #tpu.memory_space<semaphore_mem>>)
      %dma_wait3A_270 = tpu.memref_slice %arg14[%mul3A_13] : memref<10112xf32, #tpu.memory_space<vmem_shared>> -> memref<632xf32, #tpu.memory_space<vmem_shared>>
      %dma_wait3A_271 = tpu.memref_slice %arg14[%mul3A_13] : memref<10112xf32, #tpu.memory_space<vmem_shared>> -> memref<632xf32, #tpu.memory_space<vmem_shared>>
      tpu.wait_dma2 semaphore(%run_scoped3A : memref<!tpu.dma_semaphore, #tpu.memory_space<semaphore_mem>>) src(%arg13 : memref<632xf32, #tpu.memory_space<vmem>>) dst(%dma_wait3A_271 : memref<632xf32, #tpu.memory_space<vmem_shared>>)
      tpu.yield
    }) : () -> ()
    %barrier3A = arith.constant 0 : index
    tpu.barrier barrier_id(%barrier3A)
    %scan3A_14 = arith.constant 0 : i32
    %scan3A_15 = arith.constant 0 : i32
    %scan3A_16 = arith.constant 9 : i32
    %scan3A_17 = arith.addi %scan3A_15, %scan3A_16 : i32
    %scan3A_18 = arith.constant 1 : i32
    scf.for %scan3A_268 = %scan3A_15 to %scan3A_17 step %scan3A_18  : i32 {
      %mul3A_269 = arith.constant 78 : i32
      %mul3A_270 = arith.muli %add3A, %mul3A_269 : i32
      %mul3A_271 = arith.constant 8 : i32
      %mul3A_272 = arith.muli %scan3A_268, %mul3A_271 : i32
      %add3A_273 = arith.addi %mul3A_270, %mul3A_272 : i32
      %add3A_274 = arith.constant 0 : i32
      %add3A_275 = arith.addi %add3A_273, %add3A_274 : i32
      %mul3A_276 = arith.constant 128 : i32
      %mul3A_277 = arith.muli %add3A_275, %mul3A_276 : i32
      %dma_start3A_278 = arith.constant 0 : i32
      %dma_start3A_279 = arith.constant 0 : i32
      %dma_start3A_280 = tpu.memref_slice %arg2[%dma_start3A_279, %mul3A_277] : memref<2x320000xi32, #tpu.memory_space<hbm>> -> memref<2x128xi32, #tpu.memory_space<hbm>>
      %dma_start3A_281 = tpu.memref_slice %arg15[%dma_start3A_278] : memref<8x!tpu.dma_semaphore, #tpu.memory_space<semaphore_mem>> -> memref<1x!tpu.dma_semaphore, #tpu.memory_space<semaphore_mem>>
      %dma_start3A_282 = tpu.memref_squeeze %dma_start3A_281 : memref<1x!tpu.dma_semaphore, #tpu.memory_space<semaphore_mem>> -> memref<!tpu.dma_semaphore, #tpu.memory_space<semaphore_mem>>
      %dma_start3A_283 = arith.constant 0 : i32
      %dma_start3A_284 = tpu.memref_slice %arg2[%dma_start3A_283, %mul3A_277] : memref<2x320000xi32, #tpu.memory_space<hbm>> -> memref<2x128xi32, #tpu.memory_space<hbm>>
      tpu.enqueue_dma source(%dma_start3A_284 : memref<2x128xi32, #tpu.memory_space<hbm>>) target(%arg4 : memref<2x128xi32, #tpu.memory_space<vmem>>) target_semaphore(%dma_start3A_282 : memref<!tpu.dma_semaphore, #tpu.memory_space<semaphore_mem>>)
      %mul3A_285 = arith.constant 78 : i32
      %mul3A_286 = arith.muli %add3A, %mul3A_285 : i32
      %mul3A_287 = arith.constant 8 : i32
      %mul3A_288 = arith.muli %scan3A_268, %mul3A_287 : i32
      %add3A_289 = arith.addi %mul3A_286, %mul3A_288 : i32
      %add3A_290 = arith.constant 1 : i32
      %add3A_291 = arith.addi %add3A_289, %add3A_290 : i32
      %mul3A_292 = arith.constant 128 : i32
      %mul3A_293 = arith.muli %add3A_291, %mul3A_292 : i32
      %dma_start3A_294 = arith.constant 1 : i32
      %dma_start3A_295 = arith.constant 0 : i32
      %dma_start3A_296 = tpu.memref_slice %arg2[%dma_start3A_295, %mul3A_293] : memref<2x320000xi32, #tpu.memory_space<hbm>> -> memref<2x128xi32, #tpu.memory_space<hbm>>
      %dma_start3A_297 = tpu.memref_slice %arg15[%dma_start3A_294] : memref<8x!tpu.dma_semaphore, #tpu.memory_space<semaphore_mem>> -> memref<1x!tpu.dma_semaphore, #tpu.memory_space<semaphore_mem>>
      %dma_start3A_298 = tpu.memref_squeeze %dma_start3A_297 : memref<1x!tpu.dma_semaphore, #tpu.memory_space<semaphore_mem>> -> memref<!tpu.dma_semaphore, #tpu.memory_space<semaphore_mem>>
      %dma_start3A_299 = arith.constant 0 : i32
      %dma_start3A_300 = tpu.memref_slice %arg2[%dma_start3A_299, %mul3A_293] : memref<2x320000xi32, #tpu.memory_space<hbm>> -> memref<2x128xi32, #tpu.memory_space<hbm>>
      tpu.enqueue_dma source(%dma_start3A_300 : memref<2x128xi32, #tpu.memory_space<hbm>>) target(%arg5 : memref<2x128xi32, #tpu.memory_space<vmem>>) target_semaphore(%dma_start3A_298 : memref<!tpu.dma_semaphore, #tpu.memory_space<semaphore_mem>>)
      %mul3A_301 = arith.constant 78 : i32
      %mul3A_302 = arith.muli %add3A, %mul3A_301 : i32
      %mul3A_303 = arith.constant 8 : i32
      %mul3A_304 = arith.muli %scan3A_268, %mul3A_303 : i32
      %add3A_305 = arith.addi %mul3A_302, %mul3A_304 : i32
      %add3A_306 = arith.constant 2 : i32
      %add3A_307 = arith.addi %add3A_305, %add3A_306 : i32
      %mul3A_308 = arith.constant 128 : i32
      %mul3A_309 = arith.muli %add3A_307, %mul3A_308 : i32
      %dma_start3A_310 = arith.constant 2 : i32
      %dma_start3A_311 = arith.constant 0 : i32
      %dma_start3A_312 = tpu.memref_slice %arg2[%dma_start3A_311, %mul3A_309] : memref<2x320000xi32, #tpu.memory_space<hbm>> -> memref<2x128xi32, #tpu.memory_space<hbm>>
      %dma_start3A_313 = tpu.memref_slice %arg15[%dma_start3A_310] : memref<8x!tpu.dma_semaphore, #tpu.memory_space<semaphore_mem>> -> memref<1x!tpu.dma_semaphore, #tpu.memory_space<semaphore_mem>>
      %dma_start3A_314 = tpu.memref_squeeze %dma_start3A_313 : memref<1x!tpu.dma_semaphore, #tpu.memory_space<semaphore_mem>> -> memref<!tpu.dma_semaphore, #tpu.memory_space<semaphore_mem>>
      %dma_start3A_315 = arith.constant 0 : i32
      %dma_start3A_316 = tpu.memref_slice %arg2[%dma_start3A_315, %mul3A_309] : memref<2x320000xi32, #tpu.memory_space<hbm>> -> memref<2x128xi32, #tpu.memory_space<hbm>>
      tpu.enqueue_dma source(%dma_start3A_316 : memref<2x128xi32, #tpu.memory_space<hbm>>) target(%arg6 : memref<2x128xi32, #tpu.memory_space<vmem>>) target_semaphore(%dma_start3A_314 : memref<!tpu.dma_semaphore, #tpu.memory_space<semaphore_mem>>)
      %mul3A_317 = arith.constant 78 : i32
      %mul3A_318 = arith.muli %add3A, %mul3A_317 : i32
      %mul3A_319 = arith.constant 8 : i32
      %mul3A_320 = arith.muli %scan3A_268, %mul3A_319 : i32
      %add3A_321 = arith.addi %mul3A_318, %mul3A_320 : i32
      %add3A_322 = arith.constant 3 : i32
      %add3A_323 = arith.addi %add3A_321, %add3A_322 : i32
      %mul3A_324 = arith.constant 128 : i32
      %mul3A_325 = arith.muli %add3A_323, %mul3A_324 : i32
      %dma_start3A_326 = arith.constant 3 : i32
      %dma_start3A_327 = arith.constant 0 : i32
      %dma_start3A_328 = tpu.memref_slice %arg2[%dma_start3A_327, %mul3A_325] : memref<2x320000xi32, #tpu.memory_space<hbm>> -> memref<2x128xi32, #tpu.memory_space<hbm>>
      %dma_start3A_329 = tpu.memref_slice %arg15[%dma_start3A_326] : memref<8x!tpu.dma_semaphore, #tpu.memory_space<semaphore_mem>> -> memref<1x!tpu.dma_semaphore, #tpu.memory_space<semaphore_mem>>
      %dma_start3A_330 = tpu.memref_squeeze %dma_start3A_329 : memref<1x!tpu.dma_semaphore, #tpu.memory_space<semaphore_mem>> -> memref<!tpu.dma_semaphore, #tpu.memory_space<semaphore_mem>>
      %dma_start3A_331 = arith.constant 0 : i32
      %dma_start3A_332 = tpu.memref_slice %arg2[%dma_start3A_331, %mul3A_325] : memref<2x320000xi32, #tpu.memory_space<hbm>> -> memref<2x128xi32, #tpu.memory_space<hbm>>
      tpu.enqueue_dma source(%dma_start3A_332 : memref<2x128xi32, #tpu.memory_space<hbm>>) target(%arg7 : memref<2x128xi32, #tpu.memory_space<vmem>>) target_semaphore(%dma_start3A_330 : memref<!tpu.dma_semaphore, #tpu.memory_space<semaphore_mem>>)
      %mul3A_333 = arith.constant 78 : i32
      %mul3A_334 = arith.muli %add3A, %mul3A_333 : i32
      %mul3A_335 = arith.constant 8 : i32
      %mul3A_336 = arith.muli %scan3A_268, %mul3A_335 : i32
      %add3A_337 = arith.addi %mul3A_334, %mul3A_336 : i32
      %add3A_338 = arith.constant 4 : i32
      %add3A_339 = arith.addi %add3A_337, %add3A_338 : i32
      %mul3A_340 = arith.constant 128 : i32
      %mul3A_341 = arith.muli %add3A_339, %mul3A_340 : i32
      %dma_start3A_342 = arith.constant 4 : i32
      %dma_start3A_343 = arith.constant 0 : i32
      %dma_start3A_344 = tpu.memref_slice %arg2[%dma_start3A_343, %mul3A_341] : memref<2x320000xi32, #tpu.memory_space<hbm>> -> memref<2x128xi32, #tpu.memory_space<hbm>>
      %dma_start3A_345 = tpu.memref_slice %arg15[%dma_start3A_342] : memref<8x!tpu.dma_semaphore, #tpu.memory_space<semaphore_mem>> -> memref<1x!tpu.dma_semaphore, #tpu.memory_space<semaphore_mem>>
      %dma_start3A_346 = tpu.memref_squeeze %dma_start3A_345 : memref<1x!tpu.dma_semaphore, #tpu.memory_space<semaphore_mem>> -> memref<!tpu.dma_semaphore, #tpu.memory_space<semaphore_mem>>
      %dma_start3A_347 = arith.constant 0 : i32
      %dma_start3A_348 = tpu.memref_slice %arg2[%dma_start3A_347, %mul3A_341] : memref<2x320000xi32, #tpu.memory_space<hbm>> -> memref<2x128xi32, #tpu.memory_space<hbm>>
      tpu.enqueue_dma source(%dma_start3A_348 : memref<2x128xi32, #tpu.memory_space<hbm>>) target(%arg8 : memref<2x128xi32, #tpu.memory_space<vmem>>) target_semaphore(%dma_start3A_346 : memref<!tpu.dma_semaphore, #tpu.memory_space<semaphore_mem>>)
      %mul3A_349 = arith.constant 78 : i32
      %mul3A_350 = arith.muli %add3A, %mul3A_349 : i32
      %mul3A_351 = arith.constant 8 : i32
      %mul3A_352 = arith.muli %scan3A_268, %mul3A_351 : i32
      %add3A_353 = arith.addi %mul3A_350, %mul3A_352 : i32
      %add3A_354 = arith.constant 5 : i32
      %add3A_355 = arith.addi %add3A_353, %add3A_354 : i32
      %mul3A_356 = arith.constant 128 : i32
      %mul3A_357 = arith.muli %add3A_355, %mul3A_356 : i32
      %dma_start3A_358 = arith.constant 5 : i32
      %dma_start3A_359 = arith.constant 0 : i32
      %dma_start3A_360 = tpu.memref_slice %arg2[%dma_start3A_359, %mul3A_357] : memref<2x320000xi32, #tpu.memory_space<hbm>> -> memref<2x128xi32, #tpu.memory_space<hbm>>
      %dma_start3A_361 = tpu.memref_slice %arg15[%dma_start3A_358] : memref<8x!tpu.dma_semaphore, #tpu.memory_space<semaphore_mem>> -> memref<1x!tpu.dma_semaphore, #tpu.memory_space<semaphore_mem>>
      %dma_start3A_362 = tpu.memref_squeeze %dma_start3A_361 : memref<1x!tpu.dma_semaphore, #tpu.memory_space<semaphore_mem>> -> memref<!tpu.dma_semaphore, #tpu.memory_space<semaphore_mem>>
      %dma_start3A_363 = arith.constant 0 : i32
      %dma_start3A_364 = tpu.memref_slice %arg2[%dma_start3A_363, %mul3A_357] : memref<2x320000xi32, #tpu.memory_space<hbm>> -> memref<2x128xi32, #tpu.memory_space<hbm>>
      tpu.enqueue_dma source(%dma_start3A_364 : memref<2x128xi32, #tpu.memory_space<hbm>>) target(%arg9 : memref<2x128xi32, #tpu.memory_space<vmem>>) target_semaphore(%dma_start3A_362 : memref<!tpu.dma_semaphore, #tpu.memory_space<semaphore_mem>>)
      %mul3A_365 = arith.constant 78 : i32
      %mul3A_366 = arith.muli %add3A, %mul3A_365 : i32
      %mul3A_367 = arith.constant 8 : i32
      %mul3A_368 = arith.muli %scan3A_268, %mul3A_367 : i32
      %add3A_369 = arith.addi %mul3A_366, %mul3A_368 : i32
      %add3A_370 = arith.constant 6 : i32
      %add3A_371 = arith.addi %add3A_369, %add3A_370 : i32
      %mul3A_372 = arith.constant 128 : i32
      %mul3A_373 = arith.muli %add3A_371, %mul3A_372 : i32
      %dma_start3A_374 = arith.constant 6 : i32
      %dma_start3A_375 = arith.constant 0 : i32
      %dma_start3A_376 = tpu.memref_slice %arg2[%dma_start3A_375, %mul3A_373] : memref<2x320000xi32, #tpu.memory_space<hbm>> -> memref<2x128xi32, #tpu.memory_space<hbm>>
      %dma_start3A_377 = tpu.memref_slice %arg15[%dma_start3A_374] : memref<8x!tpu.dma_semaphore, #tpu.memory_space<semaphore_mem>> -> memref<1x!tpu.dma_semaphore, #tpu.memory_space<semaphore_mem>>
      %dma_start3A_378 = tpu.memref_squeeze %dma_start3A_377 : memref<1x!tpu.dma_semaphore, #tpu.memory_space<semaphore_mem>> -> memref<!tpu.dma_semaphore, #tpu.memory_space<semaphore_mem>>
      %dma_start3A_379 = arith.constant 0 : i32
      %dma_start3A_380 = tpu.memref_slice %arg2[%dma_start3A_379, %mul3A_373] : memref<2x320000xi32, #tpu.memory_space<hbm>> -> memref<2x128xi32, #tpu.memory_space<hbm>>
      tpu.enqueue_dma source(%dma_start3A_380 : memref<2x128xi32, #tpu.memory_space<hbm>>) target(%arg10 : memref<2x128xi32, #tpu.memory_space<vmem>>) target_semaphore(%dma_start3A_378 : memref<!tpu.dma_semaphore, #tpu.memory_space<semaphore_mem>>)
      %mul3A_381 = arith.constant 78 : i32
      %mul3A_382 = arith.muli %add3A, %mul3A_381 : i32
      %mul3A_383 = arith.constant 8 : i32
      %mul3A_384 = arith.muli %scan3A_268, %mul3A_383 : i32
      %add3A_385 = arith.addi %mul3A_382, %mul3A_384 : i32
      %add3A_386 = arith.constant 7 : i32
      %add3A_387 = arith.addi %add3A_385, %add3A_386 : i32
      %mul3A_388 = arith.constant 128 : i32
      %mul3A_389 = arith.muli %add3A_387, %mul3A_388 : i32
      %dma_start3A_390 = arith.constant 7 : i32
      %dma_start3A_391 = arith.constant 0 : i32
      %dma_start3A_392 = tpu.memref_slice %arg2[%dma_start3A_391, %mul3A_389] : memref<2x320000xi32, #tpu.memory_space<hbm>> -> memref<2x128xi32, #tpu.memory_space<hbm>>
      %dma_start3A_393 = tpu.memref_slice %arg15[%dma_start3A_390] : memref<8x!tpu.dma_semaphore, #tpu.memory_space<semaphore_mem>> -> memref<1x!tpu.dma_semaphore, #tpu.memory_space<semaphore_mem>>
      %dma_start3A_394 = tpu.memref_squeeze %dma_start3A_393 : memref<1x!tpu.dma_semaphore, #tpu.memory_space<semaphore_mem>> -> memref<!tpu.dma_semaphore, #tpu.memory_space<semaphore_mem>>
      %dma_start3A_395 = arith.constant 0 : i32
      %dma_start3A_396 = tpu.memref_slice %arg2[%dma_start3A_395, %mul3A_389] : memref<2x320000xi32, #tpu.memory_space<hbm>> -> memref<2x128xi32, #tpu.memory_space<hbm>>
      tpu.enqueue_dma source(%dma_start3A_396 : memref<2x128xi32, #tpu.memory_space<hbm>>) target(%arg11 : memref<2x128xi32, #tpu.memory_space<vmem>>) target_semaphore(%dma_start3A_394 : memref<!tpu.dma_semaphore, #tpu.memory_space<semaphore_mem>>)
      %dma_wait3A_397 = arith.constant 0 : i32
      %dma_wait3A_398 = arith.constant 0 : i32
      %dma_wait3A_399 = tpu.memref_slice %arg2[%dma_wait3A_398, %mul3A_277] : memref<2x320000xi32, #tpu.memory_space<hbm>> -> memref<2x128xi32, #tpu.memory_space<hbm>>
      %dma_wait3A_400 = tpu.memref_slice %arg15[%dma_wait3A_397] : memref<8x!tpu.dma_semaphore, #tpu.memory_space<semaphore_mem>> -> memref<1x!tpu.dma_semaphore, #tpu.memory_space<semaphore_mem>>
      %dma_wait3A_401 = tpu.memref_squeeze %dma_wait3A_400 : memref<1x!tpu.dma_semaphore, #tpu.memory_space<semaphore_mem>> -> memref<!tpu.dma_semaphore, #tpu.memory_space<semaphore_mem>>
      %dma_wait3A_402 = arith.constant 0 : i32
      %dma_wait3A_403 = tpu.memref_slice %arg2[%dma_wait3A_402, %mul3A_277] : memref<2x320000xi32, #tpu.memory_space<hbm>> -> memref<2x128xi32, #tpu.memory_space<hbm>>
      tpu.wait_dma2 semaphore(%dma_wait3A_401 : memref<!tpu.dma_semaphore, #tpu.memory_space<semaphore_mem>>) src(%dma_wait3A_403 : memref<2x128xi32, #tpu.memory_space<hbm>>) dst(%arg4 : memref<2x128xi32, #tpu.memory_space<vmem>>)
      %dma_start3A_404 = arith.constant 1 : i32
      %dma_start3A_405 = arith.constant 0 : i32
      %dma_start3A_406 = arith.constant 0 : i32
      %dma_start3A_407 = tpu.memref_slice %arg4[%dma_start3A_404, %dma_start3A_406] : memref<2x128xi32, #tpu.memory_space<vmem>> -> memref<1x128xi32, #tpu.memory_space<vmem>>
      %dma_start3A_408 = tpu.memref_squeeze %dma_start3A_407 : memref<1x128xi32, #tpu.memory_space<vmem>> -> memref<128xi32, #tpu.memory_space<vmem>>
      %dma_start3A_409 = arith.constant 0 : i32
      %dma_start3A_410 = tpu.memref_slice %arg14[%dma_start3A_409] : memref<10112xf32, #tpu.memory_space<vmem_shared>> -> memref<10112xf32, #tpu.memory_space<vmem_shared>>
      %dma_start3A_411 = tpu.memref_slice %arg16[%dma_start3A_405] : memref<8x!tpu.dma_semaphore, #tpu.memory_space<semaphore_mem>> -> memref<1x!tpu.dma_semaphore, #tpu.memory_space<semaphore_mem>>
      %dma_start3A_412 = tpu.memref_squeeze %dma_start3A_411 : memref<1x!tpu.dma_semaphore, #tpu.memory_space<semaphore_mem>> -> memref<!tpu.dma_semaphore, #tpu.memory_space<semaphore_mem>>
      tpu.enqueue_indirect_dma source(%arg12 : memref<128xf32, #tpu.memory_space<vmem>>) target(%dma_start3A_410 : memref<10112xf32, #tpu.memory_space<vmem_shared>>) offsets(%dma_start3A_408 : memref<128xi32, #tpu.memory_space<vmem>>) semaphore(%dma_start3A_412 : memref<!tpu.dma_semaphore, #tpu.memory_space<semaphore_mem>>) {add = true}
      %dma_wait3A_413 = arith.constant 1 : i32
      %dma_wait3A_414 = arith.constant 0 : i32
      %dma_wait3A_415 = tpu.memref_slice %arg2[%dma_wait3A_414, %mul3A_293] : memref<2x320000xi32, #tpu.memory_space<hbm>> -> memref<2x128xi32, #tpu.memory_space<hbm>>
      %dma_wait3A_416 = tpu.memref_slice %arg15[%dma_wait3A_413] : memref<8x!tpu.dma_semaphore, #tpu.memory_space<semaphore_mem>> -> memref<1x!tpu.dma_semaphore, #tpu.memory_space<semaphore_mem>>
      %dma_wait3A_417 = tpu.memref_squeeze %dma_wait3A_416 : memref<1x!tpu.dma_semaphore, #tpu.memory_space<semaphore_mem>> -> memref<!tpu.dma_semaphore, #tpu.memory_space<semaphore_mem>>
      %dma_wait3A_418 = arith.constant 0 : i32
      %dma_wait3A_419 = tpu.memref_slice %arg2[%dma_wait3A_418, %mul3A_293] : memref<2x320000xi32, #tpu.memory_space<hbm>> -> memref<2x128xi32, #tpu.memory_space<hbm>>
      tpu.wait_dma2 semaphore(%dma_wait3A_417 : memref<!tpu.dma_semaphore, #tpu.memory_space<semaphore_mem>>) src(%dma_wait3A_419 : memref<2x128xi32, #tpu.memory_space<hbm>>) dst(%arg5 : memref<2x128xi32, #tpu.memory_space<vmem>>)
      %dma_start3A_420 = arith.constant 1 : i32
      %dma_start3A_421 = arith.constant 1 : i32
      %dma_start3A_422 = arith.constant 0 : i32
      %dma_start3A_423 = tpu.memref_slice %arg5[%dma_start3A_420, %dma_start3A_422] : memref<2x128xi32, #tpu.memory_space<vmem>> -> memref<1x128xi32, #tpu.memory_space<vmem>>
      %dma_start3A_424 = tpu.memref_squeeze %dma_start3A_423 : memref<1x128xi32, #tpu.memory_space<vmem>> -> memref<128xi32, #tpu.memory_space<vmem>>
      %dma_start3A_425 = arith.constant 0 : i32
      %dma_start3A_426 = tpu.memref_slice %arg14[%dma_start3A_425] : memref<10112xf32, #tpu.memory_space<vmem_shared>> -> memref<10112xf32, #tpu.memory_space<vmem_shared>>
      %dma_start3A_427 = tpu.memref_slice %arg16[%dma_start3A_421] : memref<8x!tpu.dma_semaphore, #tpu.memory_space<semaphore_mem>> -> memref<1x!tpu.dma_semaphore, #tpu.memory_space<semaphore_mem>>
      %dma_start3A_428 = tpu.memref_squeeze %dma_start3A_427 : memref<1x!tpu.dma_semaphore, #tpu.memory_space<semaphore_mem>> -> memref<!tpu.dma_semaphore, #tpu.memory_space<semaphore_mem>>
      tpu.enqueue_indirect_dma source(%arg12 : memref<128xf32, #tpu.memory_space<vmem>>) target(%dma_start3A_426 : memref<10112xf32, #tpu.memory_space<vmem_shared>>) offsets(%dma_start3A_424 : memref<128xi32, #tpu.memory_space<vmem>>) semaphore(%dma_start3A_428 : memref<!tpu.dma_semaphore, #tpu.memory_space<semaphore_mem>>) {add = true}
      %dma_wait3A_429 = arith.constant 2 : i32
      %dma_wait3A_430 = arith.constant 0 : i32
      %dma_wait3A_431 = tpu.memref_slice %arg2[%dma_wait3A_430, %mul3A_309] : memref<2x320000xi32, #tpu.memory_space<hbm>> -> memref<2x128xi32, #tpu.memory_space<hbm>>
      %dma_wait3A_432 = tpu.memref_slice %arg15[%dma_wait3A_429] : memref<8x!tpu.dma_semaphore, #tpu.memory_space<semaphore_mem>> -> memref<1x!tpu.dma_semaphore, #tpu.memory_space<semaphore_mem>>
      %dma_wait3A_433 = tpu.memref_squeeze %dma_wait3A_432 : memref<1x!tpu.dma_semaphore, #tpu.memory_space<semaphore_mem>> -> memref<!tpu.dma_semaphore, #tpu.memory_space<semaphore_mem>>
      %dma_wait3A_434 = arith.constant 0 : i32
      %dma_wait3A_435 = tpu.memref_slice %arg2[%dma_wait3A_434, %mul3A_309] : memref<2x320000xi32, #tpu.memory_space<hbm>> -> memref<2x128xi32, #tpu.memory_space<hbm>>
      tpu.wait_dma2 semaphore(%dma_wait3A_433 : memref<!tpu.dma_semaphore, #tpu.memory_space<semaphore_mem>>) src(%dma_wait3A_435 : memref<2x128xi32, #tpu.memory_space<hbm>>) dst(%arg6 : memref<2x128xi32, #tpu.memory_space<vmem>>)
      %dma_start3A_436 = arith.constant 1 : i32
      %dma_start3A_437 = arith.constant 2 : i32
      %dma_start3A_438 = arith.constant 0 : i32
      %dma_start3A_439 = tpu.memref_slice %arg6[%dma_start3A_436, %dma_start3A_438] : memref<2x128xi32, #tpu.memory_space<vmem>> -> memref<1x128xi32, #tpu.memory_space<vmem>>
      %dma_start3A_440 = tpu.memref_squeeze %dma_start3A_439 : memref<1x128xi32, #tpu.memory_space<vmem>> -> memref<128xi32, #tpu.memory_space<vmem>>
      %dma_start3A_441 = arith.constant 0 : i32
      %dma_start3A_442 = tpu.memref_slice %arg14[%dma_start3A_441] : memref<10112xf32, #tpu.memory_space<vmem_shared>> -> memref<10112xf32, #tpu.memory_space<vmem_shared>>
      %dma_start3A_443 = tpu.memref_slice %arg16[%dma_start3A_437] : memref<8x!tpu.dma_semaphore, #tpu.memory_space<semaphore_mem>> -> memref<1x!tpu.dma_semaphore, #tpu.memory_space<semaphore_mem>>
      %dma_start3A_444 = tpu.memref_squeeze %dma_start3A_443 : memref<1x!tpu.dma_semaphore, #tpu.memory_space<semaphore_mem>> -> memref<!tpu.dma_semaphore, #tpu.memory_space<semaphore_mem>>
      tpu.enqueue_indirect_dma source(%arg12 : memref<128xf32, #tpu.memory_space<vmem>>) target(%dma_start3A_442 : memref<10112xf32, #tpu.memory_space<vmem_shared>>) offsets(%dma_start3A_440 : memref<128xi32, #tpu.memory_space<vmem>>) semaphore(%dma_start3A_444 : memref<!tpu.dma_semaphore, #tpu.memory_space<semaphore_mem>>) {add = true}
      %dma_wait3A_445 = arith.constant 3 : i32
      %dma_wait3A_446 = arith.constant 0 : i32
      %dma_wait3A_447 = tpu.memref_slice %arg2[%dma_wait3A_446, %mul3A_325] : memref<2x320000xi32, #tpu.memory_space<hbm>> -> memref<2x128xi32, #tpu.memory_space<hbm>>
      %dma_wait3A_448 = tpu.memref_slice %arg15[%dma_wait3A_445] : memref<8x!tpu.dma_semaphore, #tpu.memory_space<semaphore_mem>> -> memref<1x!tpu.dma_semaphore, #tpu.memory_space<semaphore_mem>>
      %dma_wait3A_449 = tpu.memref_squeeze %dma_wait3A_448 : memref<1x!tpu.dma_semaphore, #tpu.memory_space<semaphore_mem>> -> memref<!tpu.dma_semaphore, #tpu.memory_space<semaphore_mem>>
      %dma_wait3A_450 = arith.constant 0 : i32
      %dma_wait3A_451 = tpu.memref_slice %arg2[%dma_wait3A_450, %mul3A_325] : memref<2x320000xi32, #tpu.memory_space<hbm>> -> memref<2x128xi32, #tpu.memory_space<hbm>>
      tpu.wait_dma2 semaphore(%dma_wait3A_449 : memref<!tpu.dma_semaphore, #tpu.memory_space<semaphore_mem>>) src(%dma_wait3A_451 : memref<2x128xi32, #tpu.memory_space<hbm>>) dst(%arg7 : memref<2x128xi32, #tpu.memory_space<vmem>>)
      %dma_start3A_452 = arith.constant 1 : i32
      %dma_start3A_453 = arith.constant 3 : i32
      %dma_start3A_454 = arith.constant 0 : i32
      %dma_start3A_455 = tpu.memref_slice %arg7[%dma_start3A_452, %dma_start3A_454] : memref<2x128xi32, #tpu.memory_space<vmem>> -> memref<1x128xi32, #tpu.memory_space<vmem>>
      %dma_start3A_456 = tpu.memref_squeeze %dma_start3A_455 : memref<1x128xi32, #tpu.memory_space<vmem>> -> memref<128xi32, #tpu.memory_space<vmem>>
      %dma_start3A_457 = arith.constant 0 : i32
      %dma_start3A_458 = tpu.memref_slice %arg14[%dma_start3A_457] : memref<10112xf32, #tpu.memory_space<vmem_shared>> -> memref<10112xf32, #tpu.memory_space<vmem_shared>>
      %dma_start3A_459 = tpu.memref_slice %arg16[%dma_start3A_453] : memref<8x!tpu.dma_semaphore, #tpu.memory_space<semaphore_mem>> -> memref<1x!tpu.dma_semaphore, #tpu.memory_space<semaphore_mem>>
      %dma_start3A_460 = tpu.memref_squeeze %dma_start3A_459 : memref<1x!tpu.dma_semaphore, #tpu.memory_space<semaphore_mem>> -> memref<!tpu.dma_semaphore, #tpu.memory_space<semaphore_mem>>
      tpu.enqueue_indirect_dma source(%arg12 : memref<128xf32, #tpu.memory_space<vmem>>) target(%dma_start3A_458 : memref<10112xf32, #tpu.memory_space<vmem_shared>>) offsets(%dma_start3A_456 : memref<128xi32, #tpu.memory_space<vmem>>) semaphore(%dma_start3A_460 : memref<!tpu.dma_semaphore, #tpu.memory_space<semaphore_mem>>) {add = true}
      %dma_wait3A_461 = arith.constant 4 : i32
      %dma_wait3A_462 = arith.constant 0 : i32
      %dma_wait3A_463 = tpu.memref_slice %arg2[%dma_wait3A_462, %mul3A_341] : memref<2x320000xi32, #tpu.memory_space<hbm>> -> memref<2x128xi32, #tpu.memory_space<hbm>>
      %dma_wait3A_464 = tpu.memref_slice %arg15[%dma_wait3A_461] : memref<8x!tpu.dma_semaphore, #tpu.memory_space<semaphore_mem>> -> memref<1x!tpu.dma_semaphore, #tpu.memory_space<semaphore_mem>>
      %dma_wait3A_465 = tpu.memref_squeeze %dma_wait3A_464 : memref<1x!tpu.dma_semaphore, #tpu.memory_space<semaphore_mem>> -> memref<!tpu.dma_semaphore, #tpu.memory_space<semaphore_mem>>
      %dma_wait3A_466 = arith.constant 0 : i32
      %dma_wait3A_467 = tpu.memref_slice %arg2[%dma_wait3A_466, %mul3A_341] : memref<2x320000xi32, #tpu.memory_space<hbm>> -> memref<2x128xi32, #tpu.memory_space<hbm>>
      tpu.wait_dma2 semaphore(%dma_wait3A_465 : memref<!tpu.dma_semaphore, #tpu.memory_space<semaphore_mem>>) src(%dma_wait3A_467 : memref<2x128xi32, #tpu.memory_space<hbm>>) dst(%arg8 : memref<2x128xi32, #tpu.memory_space<vmem>>)
      %dma_start3A_468 = arith.constant 1 : i32
      %dma_start3A_469 = arith.constant 4 : i32
      %dma_start3A_470 = arith.constant 0 : i32
      %dma_start3A_471 = tpu.memref_slice %arg8[%dma_start3A_468, %dma_start3A_470] : memref<2x128xi32, #tpu.memory_space<vmem>> -> memref<1x128xi32, #tpu.memory_space<vmem>>
      %dma_start3A_472 = tpu.memref_squeeze %dma_start3A_471 : memref<1x128xi32, #tpu.memory_space<vmem>> -> memref<128xi32, #tpu.memory_space<vmem>>
      %dma_start3A_473 = arith.constant 0 : i32
      %dma_start3A_474 = tpu.memref_slice %arg14[%dma_start3A_473] : memref<10112xf32, #tpu.memory_space<vmem_shared>> -> memref<10112xf32, #tpu.memory_space<vmem_shared>>
      %dma_start3A_475 = tpu.memref_slice %arg16[%dma_start3A_469] : memref<8x!tpu.dma_semaphore, #tpu.memory_space<semaphore_mem>> -> memref<1x!tpu.dma_semaphore, #tpu.memory_space<semaphore_mem>>
      %dma_start3A_476 = tpu.memref_squeeze %dma_start3A_475 : memref<1x!tpu.dma_semaphore, #tpu.memory_space<semaphore_mem>> -> memref<!tpu.dma_semaphore, #tpu.memory_space<semaphore_mem>>
      tpu.enqueue_indirect_dma source(%arg12 : memref<128xf32, #tpu.memory_space<vmem>>) target(%dma_start3A_474 : memref<10112xf32, #tpu.memory_space<vmem_shared>>) offsets(%dma_start3A_472 : memref<128xi32, #tpu.memory_space<vmem>>) semaphore(%dma_start3A_476 : memref<!tpu.dma_semaphore, #tpu.memory_space<semaphore_mem>>) {add = true}
      %dma_wait3A_477 = arith.constant 5 : i32
      %dma_wait3A_478 = arith.constant 0 : i32
      %dma_wait3A_479 = tpu.memref_slice %arg2[%dma_wait3A_478, %mul3A_357] : memref<2x320000xi32, #tpu.memory_space<hbm>> -> memref<2x128xi32, #tpu.memory_space<hbm>>
      %dma_wait3A_480 = tpu.memref_slice %arg15[%dma_wait3A_477] : memref<8x!tpu.dma_semaphore, #tpu.memory_space<semaphore_mem>> -> memref<1x!tpu.dma_semaphore, #tpu.memory_space<semaphore_mem>>
      %dma_wait3A_481 = tpu.memref_squeeze %dma_wait3A_480 : memref<1x!tpu.dma_semaphore, #tpu.memory_space<semaphore_mem>> -> memref<!tpu.dma_semaphore, #tpu.memory_space<semaphore_mem>>
      %dma_wait3A_482 = arith.constant 0 : i32
      %dma_wait3A_483 = tpu.memref_slice %arg2[%dma_wait3A_482, %mul3A_357] : memref<2x320000xi32, #tpu.memory_space<hbm>> -> memref<2x128xi32, #tpu.memory_space<hbm>>
      tpu.wait_dma2 semaphore(%dma_wait3A_481 : memref<!tpu.dma_semaphore, #tpu.memory_space<semaphore_mem>>) src(%dma_wait3A_483 : memref<2x128xi32, #tpu.memory_space<hbm>>) dst(%arg9 : memref<2x128xi32, #tpu.memory_space<vmem>>)
      %dma_start3A_484 = arith.constant 1 : i32
      %dma_start3A_485 = arith.constant 5 : i32
      %dma_start3A_486 = arith.constant 0 : i32
      %dma_start3A_487 = tpu.memref_slice %arg9[%dma_start3A_484, %dma_start3A_486] : memref<2x128xi32, #tpu.memory_space<vmem>> -> memref<1x128xi32, #tpu.memory_space<vmem>>
      %dma_start3A_488 = tpu.memref_squeeze %dma_start3A_487 : memref<1x128xi32, #tpu.memory_space<vmem>> -> memref<128xi32, #tpu.memory_space<vmem>>
      %dma_start3A_489 = arith.constant 0 : i32
      %dma_start3A_490 = tpu.memref_slice %arg14[%dma_start3A_489] : memref<10112xf32, #tpu.memory_space<vmem_shared>> -> memref<10112xf32, #tpu.memory_space<vmem_shared>>
      %dma_start3A_491 = tpu.memref_slice %arg16[%dma_start3A_485] : memref<8x!tpu.dma_semaphore, #tpu.memory_space<semaphore_mem>> -> memref<1x!tpu.dma_semaphore, #tpu.memory_space<semaphore_mem>>
      %dma_start3A_492 = tpu.memref_squeeze %dma_start3A_491 : memref<1x!tpu.dma_semaphore, #tpu.memory_space<semaphore_mem>> -> memref<!tpu.dma_semaphore, #tpu.memory_space<semaphore_mem>>
      tpu.enqueue_indirect_dma source(%arg12 : memref<128xf32, #tpu.memory_space<vmem>>) target(%dma_start3A_490 : memref<10112xf32, #tpu.memory_space<vmem_shared>>) offsets(%dma_start3A_488 : memref<128xi32, #tpu.memory_space<vmem>>) semaphore(%dma_start3A_492 : memref<!tpu.dma_semaphore, #tpu.memory_space<semaphore_mem>>) {add = true}
      %dma_wait3A_493 = arith.constant 6 : i32
      %dma_wait3A_494 = arith.constant 0 : i32
      %dma_wait3A_495 = tpu.memref_slice %arg2[%dma_wait3A_494, %mul3A_373] : memref<2x320000xi32, #tpu.memory_space<hbm>> -> memref<2x128xi32, #tpu.memory_space<hbm>>
      %dma_wait3A_496 = tpu.memref_slice %arg15[%dma_wait3A_493] : memref<8x!tpu.dma_semaphore, #tpu.memory_space<semaphore_mem>> -> memref<1x!tpu.dma_semaphore, #tpu.memory_space<semaphore_mem>>
      %dma_wait3A_497 = tpu.memref_squeeze %dma_wait3A_496 : memref<1x!tpu.dma_semaphore, #tpu.memory_space<semaphore_mem>> -> memref<!tpu.dma_semaphore, #tpu.memory_space<semaphore_mem>>
      %dma_wait3A_498 = arith.constant 0 : i32
      %dma_wait3A_499 = tpu.memref_slice %arg2[%dma_wait3A_498, %mul3A_373] : memref<2x320000xi32, #tpu.memory_space<hbm>> -> memref<2x128xi32, #tpu.memory_space<hbm>>
      tpu.wait_dma2 semaphore(%dma_wait3A_497 : memref<!tpu.dma_semaphore, #tpu.memory_space<semaphore_mem>>) src(%dma_wait3A_499 : memref<2x128xi32, #tpu.memory_space<hbm>>) dst(%arg10 : memref<2x128xi32, #tpu.memory_space<vmem>>)
      %dma_start3A_500 = arith.constant 1 : i32
      %dma_start3A_501 = arith.constant 6 : i32
      %dma_start3A_502 = arith.constant 0 : i32
      %dma_start3A_503 = tpu.memref_slice %arg10[%dma_start3A_500, %dma_start3A_502] : memref<2x128xi32, #tpu.memory_space<vmem>> -> memref<1x128xi32, #tpu.memory_space<vmem>>
      %dma_start3A_504 = tpu.memref_squeeze %dma_start3A_503 : memref<1x128xi32, #tpu.memory_space<vmem>> -> memref<128xi32, #tpu.memory_space<vmem>>
      %dma_start3A_505 = arith.constant 0 : i32
      %dma_start3A_506 = tpu.memref_slice %arg14[%dma_start3A_505] : memref<10112xf32, #tpu.memory_space<vmem_shared>> -> memref<10112xf32, #tpu.memory_space<vmem_shared>>
      %dma_start3A_507 = tpu.memref_slice %arg16[%dma_start3A_501] : memref<8x!tpu.dma_semaphore, #tpu.memory_space<semaphore_mem>> -> memref<1x!tpu.dma_semaphore, #tpu.memory_space<semaphore_mem>>
      %dma_start3A_508 = tpu.memref_squeeze %dma_start3A_507 : memref<1x!tpu.dma_semaphore, #tpu.memory_space<semaphore_mem>> -> memref<!tpu.dma_semaphore, #tpu.memory_space<semaphore_mem>>
      tpu.enqueue_indirect_dma source(%arg12 : memref<128xf32, #tpu.memory_space<vmem>>) target(%dma_start3A_506 : memref<10112xf32, #tpu.memory_space<vmem_shared>>) offsets(%dma_start3A_504 : memref<128xi32, #tpu.memory_space<vmem>>) semaphore(%dma_start3A_508 : memref<!tpu.dma_semaphore, #tpu.memory_space<semaphore_mem>>) {add = true}
      %dma_wait3A_509 = arith.constant 7 : i32
      %dma_wait3A_510 = arith.constant 0 : i32
      %dma_wait3A_511 = tpu.memref_slice %arg2[%dma_wait3A_510, %mul3A_389] : memref<2x320000xi32, #tpu.memory_space<hbm>> -> memref<2x128xi32, #tpu.memory_space<hbm>>
      %dma_wait3A_512 = tpu.memref_slice %arg15[%dma_wait3A_509] : memref<8x!tpu.dma_semaphore, #tpu.memory_space<semaphore_mem>> -> memref<1x!tpu.dma_semaphore, #tpu.memory_space<semaphore_mem>>
      %dma_wait3A_513 = tpu.memref_squeeze %dma_wait3A_512 : memref<1x!tpu.dma_semaphore, #tpu.memory_space<semaphore_mem>> -> memref<!tpu.dma_semaphore, #tpu.memory_space<semaphore_mem>>
      %dma_wait3A_514 = arith.constant 0 : i32
      %dma_wait3A_515 = tpu.memref_slice %arg2[%dma_wait3A_514, %mul3A_389] : memref<2x320000xi32, #tpu.memory_space<hbm>> -> memref<2x128xi32, #tpu.memory_space<hbm>>
      tpu.wait_dma2 semaphore(%dma_wait3A_513 : memref<!tpu.dma_semaphore, #tpu.memory_space<semaphore_mem>>) src(%dma_wait3A_515 : memref<2x128xi32, #tpu.memory_space<hbm>>) dst(%arg11 : memref<2x128xi32, #tpu.memory_space<vmem>>)
      %dma_start3A_516 = arith.constant 1 : i32
      %dma_start3A_517 = arith.constant 7 : i32
      %dma_start3A_518 = arith.constant 0 : i32
      %dma_start3A_519 = tpu.memref_slice %arg11[%dma_start3A_516, %dma_start3A_518] : memref<2x128xi32, #tpu.memory_space<vmem>> -> memref<1x128xi32, #tpu.memory_space<vmem>>
      %dma_start3A_520 = tpu.memref_squeeze %dma_start3A_519 : memref<1x128xi32, #tpu.memory_space<vmem>> -> memref<128xi32, #tpu.memory_space<vmem>>
      %dma_start3A_521 = arith.constant 0 : i32
      %dma_start3A_522 = tpu.memref_slice %arg14[%dma_start3A_521] : memref<10112xf32, #tpu.memory_space<vmem_shared>> -> memref<10112xf32, #tpu.memory_space<vmem_shared>>
      %dma_start3A_523 = tpu.memref_slice %arg16[%dma_start3A_517] : memref<8x!tpu.dma_semaphore, #tpu.memory_space<semaphore_mem>> -> memref<1x!tpu.dma_semaphore, #tpu.memory_space<semaphore_mem>>
      %dma_start3A_524 = tpu.memref_squeeze %dma_start3A_523 : memref<1x!tpu.dma_semaphore, #tpu.memory_space<semaphore_mem>> -> memref<!tpu.dma_semaphore, #tpu.memory_space<semaphore_mem>>
      tpu.enqueue_indirect_dma source(%arg12 : memref<128xf32, #tpu.memory_space<vmem>>) target(%dma_start3A_522 : memref<10112xf32, #tpu.memory_space<vmem_shared>>) offsets(%dma_start3A_520 : memref<128xi32, #tpu.memory_space<vmem>>) semaphore(%dma_start3A_524 : memref<!tpu.dma_semaphore, #tpu.memory_space<semaphore_mem>>) {add = true}
      %dma_wait3A_525 = arith.constant 1 : i32
      %dma_wait3A_526 = arith.constant 0 : i32
      %dma_wait3A_527 = arith.constant 0 : i32
      %dma_wait3A_528 = tpu.memref_slice %arg4[%dma_wait3A_525, %dma_wait3A_527] : memref<2x128xi32, #tpu.memory_space<vmem>> -> memref<1x128xi32, #tpu.memory_space<vmem>>
      %dma_wait3A_529 = tpu.memref_squeeze %dma_wait3A_528 : memref<1x128xi32, #tpu.memory_space<vmem>> -> memref<128xi32, #tpu.memory_space<vmem>>
      %dma_wait3A_530 = arith.constant 0 : i32
      %dma_wait3A_531 = tpu.memref_slice %arg14[%dma_wait3A_530] : memref<10112xf32, #tpu.memory_space<vmem_shared>> -> memref<10112xf32, #tpu.memory_space<vmem_shared>>
      %dma_wait3A_532 = tpu.memref_slice %arg16[%dma_wait3A_526] : memref<8x!tpu.dma_semaphore, #tpu.memory_space<semaphore_mem>> -> memref<1x!tpu.dma_semaphore, #tpu.memory_space<semaphore_mem>>
      %dma_wait3A_533 = tpu.memref_squeeze %dma_wait3A_532 : memref<1x!tpu.dma_semaphore, #tpu.memory_space<semaphore_mem>> -> memref<!tpu.dma_semaphore, #tpu.memory_space<semaphore_mem>>
      tpu.wait_indirect_dma semaphore(%dma_wait3A_533 : memref<!tpu.dma_semaphore, #tpu.memory_space<semaphore_mem>>) src(%arg12 : memref<128xf32, #tpu.memory_space<vmem>>) dst(%dma_wait3A_531 : memref<10112xf32, #tpu.memory_space<vmem_shared>>)
      %dma_wait3A_534 = arith.constant 1 : i32
      %dma_wait3A_535 = arith.constant 1 : i32
      %dma_wait3A_536 = arith.constant 0 : i32
      %dma_wait3A_537 = tpu.memref_slice %arg5[%dma_wait3A_534, %dma_wait3A_536] : memref<2x128xi32, #tpu.memory_space<vmem>> -> memref<1x128xi32, #tpu.memory_space<vmem>>
      %dma_wait3A_538 = tpu.memref_squeeze %dma_wait3A_537 : memref<1x128xi32, #tpu.memory_space<vmem>> -> memref<128xi32, #tpu.memory_space<vmem>>
      %dma_wait3A_539 = arith.constant 0 : i32
      %dma_wait3A_540 = tpu.memref_slice %arg14[%dma_wait3A_539] : memref<10112xf32, #tpu.memory_space<vmem_shared>> -> memref<10112xf32, #tpu.memory_space<vmem_shared>>
      %dma_wait3A_541 = tpu.memref_slice %arg16[%dma_wait3A_535] : memref<8x!tpu.dma_semaphore, #tpu.memory_space<semaphore_mem>> -> memref<1x!tpu.dma_semaphore, #tpu.memory_space<semaphore_mem>>
      %dma_wait3A_542 = tpu.memref_squeeze %dma_wait3A_541 : memref<1x!tpu.dma_semaphore, #tpu.memory_space<semaphore_mem>> -> memref<!tpu.dma_semaphore, #tpu.memory_space<semaphore_mem>>
      tpu.wait_indirect_dma semaphore(%dma_wait3A_542 : memref<!tpu.dma_semaphore, #tpu.memory_space<semaphore_mem>>) src(%arg12 : memref<128xf32, #tpu.memory_space<vmem>>) dst(%dma_wait3A_540 : memref<10112xf32, #tpu.memory_space<vmem_shared>>)
      %dma_wait3A_543 = arith.constant 1 : i32
      %dma_wait3A_544 = arith.constant 2 : i32
      %dma_wait3A_545 = arith.constant 0 : i32
      %dma_wait3A_546 = tpu.memref_slice %arg6[%dma_wait3A_543, %dma_wait3A_545] : memref<2x128xi32, #tpu.memory_space<vmem>> -> memref<1x128xi32, #tpu.memory_space<vmem>>
      %dma_wait3A_547 = tpu.memref_squeeze %dma_wait3A_546 : memref<1x128xi32, #tpu.memory_space<vmem>> -> memref<128xi32, #tpu.memory_space<vmem>>
      %dma_wait3A_548 = arith.constant 0 : i32
      %dma_wait3A_549 = tpu.memref_slice %arg14[%dma_wait3A_548] : memref<10112xf32, #tpu.memory_space<vmem_shared>> -> memref<10112xf32, #tpu.memory_space<vmem_shared>>
      %dma_wait3A_550 = tpu.memref_slice %arg16[%dma_wait3A_544] : memref<8x!tpu.dma_semaphore, #tpu.memory_space<semaphore_mem>> -> memref<1x!tpu.dma_semaphore, #tpu.memory_space<semaphore_mem>>
      %dma_wait3A_551 = tpu.memref_squeeze %dma_wait3A_550 : memref<1x!tpu.dma_semaphore, #tpu.memory_space<semaphore_mem>> -> memref<!tpu.dma_semaphore, #tpu.memory_space<semaphore_mem>>
      tpu.wait_indirect_dma semaphore(%dma_wait3A_551 : memref<!tpu.dma_semaphore, #tpu.memory_space<semaphore_mem>>) src(%arg12 : memref<128xf32, #tpu.memory_space<vmem>>) dst(%dma_wait3A_549 : memref<10112xf32, #tpu.memory_space<vmem_shared>>)
      %dma_wait3A_552 = arith.constant 1 : i32
      %dma_wait3A_553 = arith.constant 3 : i32
      %dma_wait3A_554 = arith.constant 0 : i32
      %dma_wait3A_555 = tpu.memref_slice %arg7[%dma_wait3A_552, %dma_wait3A_554] : memref<2x128xi32, #tpu.memory_space<vmem>> -> memref<1x128xi32, #tpu.memory_space<vmem>>
      %dma_wait3A_556 = tpu.memref_squeeze %dma_wait3A_555 : memref<1x128xi32, #tpu.memory_space<vmem>> -> memref<128xi32, #tpu.memory_space<vmem>>
      %dma_wait3A_557 = arith.constant 0 : i32
      %dma_wait3A_558 = tpu.memref_slice %arg14[%dma_wait3A_557] : memref<10112xf32, #tpu.memory_space<vmem_shared>> -> memref<10112xf32, #tpu.memory_space<vmem_shared>>
      %dma_wait3A_559 = tpu.memref_slice %arg16[%dma_wait3A_553] : memref<8x!tpu.dma_semaphore, #tpu.memory_space<semaphore_mem>> -> memref<1x!tpu.dma_semaphore, #tpu.memory_space<semaphore_mem>>
      %dma_wait3A_560 = tpu.memref_squeeze %dma_wait3A_559 : memref<1x!tpu.dma_semaphore, #tpu.memory_space<semaphore_mem>> -> memref<!tpu.dma_semaphore, #tpu.memory_space<semaphore_mem>>
      tpu.wait_indirect_dma semaphore(%dma_wait3A_560 : memref<!tpu.dma_semaphore, #tpu.memory_space<semaphore_mem>>) src(%arg12 : memref<128xf32, #tpu.memory_space<vmem>>) dst(%dma_wait3A_558 : memref<10112xf32, #tpu.memory_space<vmem_shared>>)
      %dma_wait3A_561 = arith.constant 1 : i32
      %dma_wait3A_562 = arith.constant 4 : i32
      %dma_wait3A_563 = arith.constant 0 : i32
      %dma_wait3A_564 = tpu.memref_slice %arg8[%dma_wait3A_561, %dma_wait3A_563] : memref<2x128xi32, #tpu.memory_space<vmem>> -> memref<1x128xi32, #tpu.memory_space<vmem>>
      %dma_wait3A_565 = tpu.memref_squeeze %dma_wait3A_564 : memref<1x128xi32, #tpu.memory_space<vmem>> -> memref<128xi32, #tpu.memory_space<vmem>>
      %dma_wait3A_566 = arith.constant 0 : i32
      %dma_wait3A_567 = tpu.memref_slice %arg14[%dma_wait3A_566] : memref<10112xf32, #tpu.memory_space<vmem_shared>> -> memref<10112xf32, #tpu.memory_space<vmem_shared>>
      %dma_wait3A_568 = tpu.memref_slice %arg16[%dma_wait3A_562] : memref<8x!tpu.dma_semaphore, #tpu.memory_space<semaphore_mem>> -> memref<1x!tpu.dma_semaphore, #tpu.memory_space<semaphore_mem>>
      %dma_wait3A_569 = tpu.memref_squeeze %dma_wait3A_568 : memref<1x!tpu.dma_semaphore, #tpu.memory_space<semaphore_mem>> -> memref<!tpu.dma_semaphore, #tpu.memory_space<semaphore_mem>>
      tpu.wait_indirect_dma semaphore(%dma_wait3A_569 : memref<!tpu.dma_semaphore, #tpu.memory_space<semaphore_mem>>) src(%arg12 : memref<128xf32, #tpu.memory_space<vmem>>) dst(%dma_wait3A_567 : memref<10112xf32, #tpu.memory_space<vmem_shared>>)
      %dma_wait3A_570 = arith.constant 1 : i32
      %dma_wait3A_571 = arith.constant 5 : i32
      %dma_wait3A_572 = arith.constant 0 : i32
      %dma_wait3A_573 = tpu.memref_slice %arg9[%dma_wait3A_570, %dma_wait3A_572] : memref<2x128xi32, #tpu.memory_space<vmem>> -> memref<1x128xi32, #tpu.memory_space<vmem>>
      %dma_wait3A_574 = tpu.memref_squeeze %dma_wait3A_573 : memref<1x128xi32, #tpu.memory_space<vmem>> -> memref<128xi32, #tpu.memory_space<vmem>>
      %dma_wait3A_575 = arith.constant 0 : i32
      %dma_wait3A_576 = tpu.memref_slice %arg14[%dma_wait3A_575] : memref<10112xf32, #tpu.memory_space<vmem_shared>> -> memref<10112xf32, #tpu.memory_space<vmem_shared>>
      %dma_wait3A_577 = tpu.memref_slice %arg16[%dma_wait3A_571] : memref<8x!tpu.dma_semaphore, #tpu.memory_space<semaphore_mem>> -> memref<1x!tpu.dma_semaphore, #tpu.memory_space<semaphore_mem>>
      %dma_wait3A_578 = tpu.memref_squeeze %dma_wait3A_577 : memref<1x!tpu.dma_semaphore, #tpu.memory_space<semaphore_mem>> -> memref<!tpu.dma_semaphore, #tpu.memory_space<semaphore_mem>>
      tpu.wait_indirect_dma semaphore(%dma_wait3A_578 : memref<!tpu.dma_semaphore, #tpu.memory_space<semaphore_mem>>) src(%arg12 : memref<128xf32, #tpu.memory_space<vmem>>) dst(%dma_wait3A_576 : memref<10112xf32, #tpu.memory_space<vmem_shared>>)
      %dma_wait3A_579 = arith.constant 1 : i32
      %dma_wait3A_580 = arith.constant 6 : i32
      %dma_wait3A_581 = arith.constant 0 : i32
      %dma_wait3A_582 = tpu.memref_slice %arg10[%dma_wait3A_579, %dma_wait3A_581] : memref<2x128xi32, #tpu.memory_space<vmem>> -> memref<1x128xi32, #tpu.memory_space<vmem>>
      %dma_wait3A_583 = tpu.memref_squeeze %dma_wait3A_582 : memref<1x128xi32, #tpu.memory_space<vmem>> -> memref<128xi32, #tpu.memory_space<vmem>>
      %dma_wait3A_584 = arith.constant 0 : i32
      %dma_wait3A_585 = tpu.memref_slice %arg14[%dma_wait3A_584] : memref<10112xf32, #tpu.memory_space<vmem_shared>> -> memref<10112xf32, #tpu.memory_space<vmem_shared>>
      %dma_wait3A_586 = tpu.memref_slice %arg16[%dma_wait3A_580] : memref<8x!tpu.dma_semaphore, #tpu.memory_space<semaphore_mem>> -> memref<1x!tpu.dma_semaphore, #tpu.memory_space<semaphore_mem>>
      %dma_wait3A_587 = tpu.memref_squeeze %dma_wait3A_586 : memref<1x!tpu.dma_semaphore, #tpu.memory_space<semaphore_mem>> -> memref<!tpu.dma_semaphore, #tpu.memory_space<semaphore_mem>>
      tpu.wait_indirect_dma semaphore(%dma_wait3A_587 : memref<!tpu.dma_semaphore, #tpu.memory_space<semaphore_mem>>) src(%arg12 : memref<128xf32, #tpu.memory_space<vmem>>) dst(%dma_wait3A_585 : memref<10112xf32, #tpu.memory_space<vmem_shared>>)
      %dma_wait3A_588 = arith.constant 1 : i32
      %dma_wait3A_589 = arith.constant 7 : i32
      %dma_wait3A_590 = arith.constant 0 : i32
      %dma_wait3A_591 = tpu.memref_slice %arg11[%dma_wait3A_588, %dma_wait3A_590] : memref<2x128xi32, #tpu.memory_space<vmem>> -> memref<1x128xi32, #tpu.memory_space<vmem>>
      %dma_wait3A_592 = tpu.memref_squeeze %dma_wait3A_591 : memref<1x128xi32, #tpu.memory_space<vmem>> -> memref<128xi32, #tpu.memory_space<vmem>>
      %dma_wait3A_593 = arith.constant 0 : i32
      %dma_wait3A_594 = tpu.memref_slice %arg14[%dma_wait3A_593] : memref<10112xf32, #tpu.memory_space<vmem_shared>> -> memref<10112xf32, #tpu.memory_space<vmem_shared>>
      %dma_wait3A_595 = tpu.memref_slice %arg16[%dma_wait3A_589] : memref<8x!tpu.dma_semaphore, #tpu.memory_space<semaphore_mem>> -> memref<1x!tpu.dma_semaphore, #tpu.memory_space<semaphore_mem>>
      %dma_wait3A_596 = tpu.memref_squeeze %dma_wait3A_595 : memref<1x!tpu.dma_semaphore, #tpu.memory_space<semaphore_mem>> -> memref<!tpu.dma_semaphore, #tpu.memory_space<semaphore_mem>>
      tpu.wait_indirect_dma semaphore(%dma_wait3A_596 : memref<!tpu.dma_semaphore, #tpu.memory_space<semaphore_mem>>) src(%arg12 : memref<128xf32, #tpu.memory_space<vmem>>) dst(%dma_wait3A_594 : memref<10112xf32, #tpu.memory_space<vmem_shared>>)
    }
    %scan3A_19 = arith.constant 9 : i32
    %mul3A_20 = arith.constant 78 : i32
    %mul3A_21 = arith.muli %add3A, %mul3A_20 : i32
    %add3A_22 = arith.constant 72 : i32
    %add3A_23 = arith.addi %mul3A_21, %add3A_22 : i32
    %add3A_24 = arith.constant 0 : i32
    %add3A_25 = arith.addi %add3A_23, %add3A_24 : i32
    %mul3A_26 = arith.constant 128 : i32
    %mul3A_27 = arith.muli %add3A_25, %mul3A_26 : i32
    %dma_start3A = arith.constant 0 : i32
    %dma_start3A_28 = arith.constant 0 : i32
    %dma_start3A_29 = tpu.memref_slice %arg2[%dma_start3A_28, %mul3A_27] : memref<2x320000xi32, #tpu.memory_space<hbm>> -> memref<2x128xi32, #tpu.memory_space<hbm>>
    %dma_start3A_30 = tpu.memref_slice %arg15[%dma_start3A] : memref<8x!tpu.dma_semaphore, #tpu.memory_space<semaphore_mem>> -> memref<1x!tpu.dma_semaphore, #tpu.memory_space<semaphore_mem>>
    %dma_start3A_31 = tpu.memref_squeeze %dma_start3A_30 : memref<1x!tpu.dma_semaphore, #tpu.memory_space<semaphore_mem>> -> memref<!tpu.dma_semaphore, #tpu.memory_space<semaphore_mem>>
    %dma_start3A_32 = arith.constant 0 : i32
    %dma_start3A_33 = tpu.memref_slice %arg2[%dma_start3A_32, %mul3A_27] : memref<2x320000xi32, #tpu.memory_space<hbm>> -> memref<2x128xi32, #tpu.memory_space<hbm>>
    tpu.enqueue_dma source(%dma_start3A_33 : memref<2x128xi32, #tpu.memory_space<hbm>>) target(%arg4 : memref<2x128xi32, #tpu.memory_space<vmem>>) target_semaphore(%dma_start3A_31 : memref<!tpu.dma_semaphore, #tpu.memory_space<semaphore_mem>>)
    %mul3A_34 = arith.constant 78 : i32
    %mul3A_35 = arith.muli %add3A, %mul3A_34 : i32
    %add3A_36 = arith.constant 72 : i32
    %add3A_37 = arith.addi %mul3A_35, %add3A_36 : i32
    %add3A_38 = arith.constant 1 : i32
    %add3A_39 = arith.addi %add3A_37, %add3A_38 : i32
    %mul3A_40 = arith.constant 128 : i32
    %mul3A_41 = arith.muli %add3A_39, %mul3A_40 : i32
    %dma_start3A_42 = arith.constant 1 : i32
    %dma_start3A_43 = arith.constant 0 : i32
    %dma_start3A_44 = tpu.memref_slice %arg2[%dma_start3A_43, %mul3A_41] : memref<2x320000xi32, #tpu.memory_space<hbm>> -> memref<2x128xi32, #tpu.memory_space<hbm>>
    %dma_start3A_45 = tpu.memref_slice %arg15[%dma_start3A_42] : memref<8x!tpu.dma_semaphore, #tpu.memory_space<semaphore_mem>> -> memref<1x!tpu.dma_semaphore, #tpu.memory_space<semaphore_mem>>
    %dma_start3A_46 = tpu.memref_squeeze %dma_start3A_45 : memref<1x!tpu.dma_semaphore, #tpu.memory_space<semaphore_mem>> -> memref<!tpu.dma_semaphore, #tpu.memory_space<semaphore_mem>>
    %dma_start3A_47 = arith.constant 0 : i32
    %dma_start3A_48 = tpu.memref_slice %arg2[%dma_start3A_47, %mul3A_41] : memref<2x320000xi32, #tpu.memory_space<hbm>> -> memref<2x128xi32, #tpu.memory_space<hbm>>
    tpu.enqueue_dma source(%dma_start3A_48 : memref<2x128xi32, #tpu.memory_space<hbm>>) target(%arg5 : memref<2x128xi32, #tpu.memory_space<vmem>>) target_semaphore(%dma_start3A_46 : memref<!tpu.dma_semaphore, #tpu.memory_space<semaphore_mem>>)
    %mul3A_49 = arith.constant 78 : i32
    %mul3A_50 = arith.muli %add3A, %mul3A_49 : i32
    %add3A_51 = arith.constant 72 : i32
    %add3A_52 = arith.addi %mul3A_50, %add3A_51 : i32
    %add3A_53 = arith.constant 2 : i32
    %add3A_54 = arith.addi %add3A_52, %add3A_53 : i32
    %mul3A_55 = arith.constant 128 : i32
    %mul3A_56 = arith.muli %add3A_54, %mul3A_55 : i32
    %dma_start3A_57 = arith.constant 2 : i32
    %dma_start3A_58 = arith.constant 0 : i32
    %dma_start3A_59 = tpu.memref_slice %arg2[%dma_start3A_58, %mul3A_56] : memref<2x320000xi32, #tpu.memory_space<hbm>> -> memref<2x128xi32, #tpu.memory_space<hbm>>
    %dma_start3A_60 = tpu.memref_slice %arg15[%dma_start3A_57] : memref<8x!tpu.dma_semaphore, #tpu.memory_space<semaphore_mem>> -> memref<1x!tpu.dma_semaphore, #tpu.memory_space<semaphore_mem>>
    %dma_start3A_61 = tpu.memref_squeeze %dma_start3A_60 : memref<1x!tpu.dma_semaphore, #tpu.memory_space<semaphore_mem>> -> memref<!tpu.dma_semaphore, #tpu.memory_space<semaphore_mem>>
    %dma_start3A_62 = arith.constant 0 : i32
    %dma_start3A_63 = tpu.memref_slice %arg2[%dma_start3A_62, %mul3A_56] : memref<2x320000xi32, #tpu.memory_space<hbm>> -> memref<2x128xi32, #tpu.memory_space<hbm>>
    tpu.enqueue_dma source(%dma_start3A_63 : memref<2x128xi32, #tpu.memory_space<hbm>>) target(%arg6 : memref<2x128xi32, #tpu.memory_space<vmem>>) target_semaphore(%dma_start3A_61 : memref<!tpu.dma_semaphore, #tpu.memory_space<semaphore_mem>>)
    %mul3A_64 = arith.constant 78 : i32
    %mul3A_65 = arith.muli %add3A, %mul3A_64 : i32
    %add3A_66 = arith.constant 72 : i32
    %add3A_67 = arith.addi %mul3A_65, %add3A_66 : i32
    %add3A_68 = arith.constant 3 : i32
    %add3A_69 = arith.addi %add3A_67, %add3A_68 : i32
    %mul3A_70 = arith.constant 128 : i32
    %mul3A_71 = arith.muli %add3A_69, %mul3A_70 : i32
    %dma_start3A_72 = arith.constant 3 : i32
    %dma_start3A_73 = arith.constant 0 : i32
    %dma_start3A_74 = tpu.memref_slice %arg2[%dma_start3A_73, %mul3A_71] : memref<2x320000xi32, #tpu.memory_space<hbm>> -> memref<2x128xi32, #tpu.memory_space<hbm>>
    %dma_start3A_75 = tpu.memref_slice %arg15[%dma_start3A_72] : memref<8x!tpu.dma_semaphore, #tpu.memory_space<semaphore_mem>> -> memref<1x!tpu.dma_semaphore, #tpu.memory_space<semaphore_mem>>
    %dma_start3A_76 = tpu.memref_squeeze %dma_start3A_75 : memref<1x!tpu.dma_semaphore, #tpu.memory_space<semaphore_mem>> -> memref<!tpu.dma_semaphore, #tpu.memory_space<semaphore_mem>>
    %dma_start3A_77 = arith.constant 0 : i32
    %dma_start3A_78 = tpu.memref_slice %arg2[%dma_start3A_77, %mul3A_71] : memref<2x320000xi32, #tpu.memory_space<hbm>> -> memref<2x128xi32, #tpu.memory_space<hbm>>
    tpu.enqueue_dma source(%dma_start3A_78 : memref<2x128xi32, #tpu.memory_space<hbm>>) target(%arg7 : memref<2x128xi32, #tpu.memory_space<vmem>>) target_semaphore(%dma_start3A_76 : memref<!tpu.dma_semaphore, #tpu.memory_space<semaphore_mem>>)
    %mul3A_79 = arith.constant 78 : i32
    %mul3A_80 = arith.muli %add3A, %mul3A_79 : i32
    %add3A_81 = arith.constant 72 : i32
    %add3A_82 = arith.addi %mul3A_80, %add3A_81 : i32
    %add3A_83 = arith.constant 4 : i32
    %add3A_84 = arith.addi %add3A_82, %add3A_83 : i32
    %mul3A_85 = arith.constant 128 : i32
    %mul3A_86 = arith.muli %add3A_84, %mul3A_85 : i32
    %dma_start3A_87 = arith.constant 4 : i32
    %dma_start3A_88 = arith.constant 0 : i32
    %dma_start3A_89 = tpu.memref_slice %arg2[%dma_start3A_88, %mul3A_86] : memref<2x320000xi32, #tpu.memory_space<hbm>> -> memref<2x128xi32, #tpu.memory_space<hbm>>
    %dma_start3A_90 = tpu.memref_slice %arg15[%dma_start3A_87] : memref<8x!tpu.dma_semaphore, #tpu.memory_space<semaphore_mem>> -> memref<1x!tpu.dma_semaphore, #tpu.memory_space<semaphore_mem>>
    %dma_start3A_91 = tpu.memref_squeeze %dma_start3A_90 : memref<1x!tpu.dma_semaphore, #tpu.memory_space<semaphore_mem>> -> memref<!tpu.dma_semaphore, #tpu.memory_space<semaphore_mem>>
    %dma_start3A_92 = arith.constant 0 : i32
    %dma_start3A_93 = tpu.memref_slice %arg2[%dma_start3A_92, %mul3A_86] : memref<2x320000xi32, #tpu.memory_space<hbm>> -> memref<2x128xi32, #tpu.memory_space<hbm>>
    tpu.enqueue_dma source(%dma_start3A_93 : memref<2x128xi32, #tpu.memory_space<hbm>>) target(%arg8 : memref<2x128xi32, #tpu.memory_space<vmem>>) target_semaphore(%dma_start3A_91 : memref<!tpu.dma_semaphore, #tpu.memory_space<semaphore_mem>>)
    %mul3A_94 = arith.constant 78 : i32
    %mul3A_95 = arith.muli %add3A, %mul3A_94 : i32
    %add3A_96 = arith.constant 72 : i32
    %add3A_97 = arith.addi %mul3A_95, %add3A_96 : i32
    %add3A_98 = arith.constant 5 : i32
    %add3A_99 = arith.addi %add3A_97, %add3A_98 : i32
    %mul3A_100 = arith.constant 128 : i32
    %mul3A_101 = arith.muli %add3A_99, %mul3A_100 : i32
    %dma_start3A_102 = arith.constant 5 : i32
    %dma_start3A_103 = arith.constant 0 : i32
    %dma_start3A_104 = tpu.memref_slice %arg2[%dma_start3A_103, %mul3A_101] : memref<2x320000xi32, #tpu.memory_space<hbm>> -> memref<2x128xi32, #tpu.memory_space<hbm>>
    %dma_start3A_105 = tpu.memref_slice %arg15[%dma_start3A_102] : memref<8x!tpu.dma_semaphore, #tpu.memory_space<semaphore_mem>> -> memref<1x!tpu.dma_semaphore, #tpu.memory_space<semaphore_mem>>
    %dma_start3A_106 = tpu.memref_squeeze %dma_start3A_105 : memref<1x!tpu.dma_semaphore, #tpu.memory_space<semaphore_mem>> -> memref<!tpu.dma_semaphore, #tpu.memory_space<semaphore_mem>>
    %dma_start3A_107 = arith.constant 0 : i32
    %dma_start3A_108 = tpu.memref_slice %arg2[%dma_start3A_107, %mul3A_101] : memref<2x320000xi32, #tpu.memory_space<hbm>> -> memref<2x128xi32, #tpu.memory_space<hbm>>
    tpu.enqueue_dma source(%dma_start3A_108 : memref<2x128xi32, #tpu.memory_space<hbm>>) target(%arg9 : memref<2x128xi32, #tpu.memory_space<vmem>>) target_semaphore(%dma_start3A_106 : memref<!tpu.dma_semaphore, #tpu.memory_space<semaphore_mem>>)
    %dma_wait3A = arith.constant 0 : i32
    %dma_wait3A_109 = arith.constant 0 : i32
    %dma_wait3A_110 = tpu.memref_slice %arg2[%dma_wait3A_109, %mul3A_27] : memref<2x320000xi32, #tpu.memory_space<hbm>> -> memref<2x128xi32, #tpu.memory_space<hbm>>
    %dma_wait3A_111 = tpu.memref_slice %arg15[%dma_wait3A] : memref<8x!tpu.dma_semaphore, #tpu.memory_space<semaphore_mem>> -> memref<1x!tpu.dma_semaphore, #tpu.memory_space<semaphore_mem>>
    %dma_wait3A_112 = tpu.memref_squeeze %dma_wait3A_111 : memref<1x!tpu.dma_semaphore, #tpu.memory_space<semaphore_mem>> -> memref<!tpu.dma_semaphore, #tpu.memory_space<semaphore_mem>>
    %dma_wait3A_113 = arith.constant 0 : i32
    %dma_wait3A_114 = tpu.memref_slice %arg2[%dma_wait3A_113, %mul3A_27] : memref<2x320000xi32, #tpu.memory_space<hbm>> -> memref<2x128xi32, #tpu.memory_space<hbm>>
    tpu.wait_dma2 semaphore(%dma_wait3A_112 : memref<!tpu.dma_semaphore, #tpu.memory_space<semaphore_mem>>) src(%dma_wait3A_114 : memref<2x128xi32, #tpu.memory_space<hbm>>) dst(%arg4 : memref<2x128xi32, #tpu.memory_space<vmem>>)
    %dma_start3A_115 = arith.constant 1 : i32
    %dma_start3A_116 = arith.constant 0 : i32
    %dma_start3A_117 = arith.constant 0 : i32
    %dma_start3A_118 = tpu.memref_slice %arg4[%dma_start3A_115, %dma_start3A_117] : memref<2x128xi32, #tpu.memory_space<vmem>> -> memref<1x128xi32, #tpu.memory_space<vmem>>
    %dma_start3A_119 = tpu.memref_squeeze %dma_start3A_118 : memref<1x128xi32, #tpu.memory_space<vmem>> -> memref<128xi32, #tpu.memory_space<vmem>>
    %dma_start3A_120 = arith.constant 0 : i32
    %dma_start3A_121 = tpu.memref_slice %arg14[%dma_start3A_120] : memref<10112xf32, #tpu.memory_space<vmem_shared>> -> memref<10112xf32, #tpu.memory_space<vmem_shared>>
    %dma_start3A_122 = tpu.memref_slice %arg16[%dma_start3A_116] : memref<8x!tpu.dma_semaphore, #tpu.memory_space<semaphore_mem>> -> memref<1x!tpu.dma_semaphore, #tpu.memory_space<semaphore_mem>>
    %dma_start3A_123 = tpu.memref_squeeze %dma_start3A_122 : memref<1x!tpu.dma_semaphore, #tpu.memory_space<semaphore_mem>> -> memref<!tpu.dma_semaphore, #tpu.memory_space<semaphore_mem>>
    tpu.enqueue_indirect_dma source(%arg12 : memref<128xf32, #tpu.memory_space<vmem>>) target(%dma_start3A_121 : memref<10112xf32, #tpu.memory_space<vmem_shared>>) offsets(%dma_start3A_119 : memref<128xi32, #tpu.memory_space<vmem>>) semaphore(%dma_start3A_123 : memref<!tpu.dma_semaphore, #tpu.memory_space<semaphore_mem>>) {add = true}
    %dma_wait3A_124 = arith.constant 1 : i32
    %dma_wait3A_125 = arith.constant 0 : i32
    %dma_wait3A_126 = tpu.memref_slice %arg2[%dma_wait3A_125, %mul3A_41] : memref<2x320000xi32, #tpu.memory_space<hbm>> -> memref<2x128xi32, #tpu.memory_space<hbm>>
    %dma_wait3A_127 = tpu.memref_slice %arg15[%dma_wait3A_124] : memref<8x!tpu.dma_semaphore, #tpu.memory_space<semaphore_mem>> -> memref<1x!tpu.dma_semaphore, #tpu.memory_space<semaphore_mem>>
    %dma_wait3A_128 = tpu.memref_squeeze %dma_wait3A_127 : memref<1x!tpu.dma_semaphore, #tpu.memory_space<semaphore_mem>> -> memref<!tpu.dma_semaphore, #tpu.memory_space<semaphore_mem>>
    %dma_wait3A_129 = arith.constant 0 : i32
    %dma_wait3A_130 = tpu.memref_slice %arg2[%dma_wait3A_129, %mul3A_41] : memref<2x320000xi32, #tpu.memory_space<hbm>> -> memref<2x128xi32, #tpu.memory_space<hbm>>
    tpu.wait_dma2 semaphore(%dma_wait3A_128 : memref<!tpu.dma_semaphore, #tpu.memory_space<semaphore_mem>>) src(%dma_wait3A_130 : memref<2x128xi32, #tpu.memory_space<hbm>>) dst(%arg5 : memref<2x128xi32, #tpu.memory_space<vmem>>)
    %dma_start3A_131 = arith.constant 1 : i32
    %dma_start3A_132 = arith.constant 1 : i32
    %dma_start3A_133 = arith.constant 0 : i32
    %dma_start3A_134 = tpu.memref_slice %arg5[%dma_start3A_131, %dma_start3A_133] : memref<2x128xi32, #tpu.memory_space<vmem>> -> memref<1x128xi32, #tpu.memory_space<vmem>>
    %dma_start3A_135 = tpu.memref_squeeze %dma_start3A_134 : memref<1x128xi32, #tpu.memory_space<vmem>> -> memref<128xi32, #tpu.memory_space<vmem>>
    %dma_start3A_136 = arith.constant 0 : i32
    %dma_start3A_137 = tpu.memref_slice %arg14[%dma_start3A_136] : memref<10112xf32, #tpu.memory_space<vmem_shared>> -> memref<10112xf32, #tpu.memory_space<vmem_shared>>
    %dma_start3A_138 = tpu.memref_slice %arg16[%dma_start3A_132] : memref<8x!tpu.dma_semaphore, #tpu.memory_space<semaphore_mem>> -> memref<1x!tpu.dma_semaphore, #tpu.memory_space<semaphore_mem>>
    %dma_start3A_139 = tpu.memref_squeeze %dma_start3A_138 : memref<1x!tpu.dma_semaphore, #tpu.memory_space<semaphore_mem>> -> memref<!tpu.dma_semaphore, #tpu.memory_space<semaphore_mem>>
    tpu.enqueue_indirect_dma source(%arg12 : memref<128xf32, #tpu.memory_space<vmem>>) target(%dma_start3A_137 : memref<10112xf32, #tpu.memory_space<vmem_shared>>) offsets(%dma_start3A_135 : memref<128xi32, #tpu.memory_space<vmem>>) semaphore(%dma_start3A_139 : memref<!tpu.dma_semaphore, #tpu.memory_space<semaphore_mem>>) {add = true}
    %dma_wait3A_140 = arith.constant 2 : i32
    %dma_wait3A_141 = arith.constant 0 : i32
    %dma_wait3A_142 = tpu.memref_slice %arg2[%dma_wait3A_141, %mul3A_56] : memref<2x320000xi32, #tpu.memory_space<hbm>> -> memref<2x128xi32, #tpu.memory_space<hbm>>
    %dma_wait3A_143 = tpu.memref_slice %arg15[%dma_wait3A_140] : memref<8x!tpu.dma_semaphore, #tpu.memory_space<semaphore_mem>> -> memref<1x!tpu.dma_semaphore, #tpu.memory_space<semaphore_mem>>
    %dma_wait3A_144 = tpu.memref_squeeze %dma_wait3A_143 : memref<1x!tpu.dma_semaphore, #tpu.memory_space<semaphore_mem>> -> memref<!tpu.dma_semaphore, #tpu.memory_space<semaphore_mem>>
    %dma_wait3A_145 = arith.constant 0 : i32
    %dma_wait3A_146 = tpu.memref_slice %arg2[%dma_wait3A_145, %mul3A_56] : memref<2x320000xi32, #tpu.memory_space<hbm>> -> memref<2x128xi32, #tpu.memory_space<hbm>>
    tpu.wait_dma2 semaphore(%dma_wait3A_144 : memref<!tpu.dma_semaphore, #tpu.memory_space<semaphore_mem>>) src(%dma_wait3A_146 : memref<2x128xi32, #tpu.memory_space<hbm>>) dst(%arg6 : memref<2x128xi32, #tpu.memory_space<vmem>>)
    %dma_start3A_147 = arith.constant 1 : i32
    %dma_start3A_148 = arith.constant 2 : i32
    %dma_start3A_149 = arith.constant 0 : i32
    %dma_start3A_150 = tpu.memref_slice %arg6[%dma_start3A_147, %dma_start3A_149] : memref<2x128xi32, #tpu.memory_space<vmem>> -> memref<1x128xi32, #tpu.memory_space<vmem>>
    %dma_start3A_151 = tpu.memref_squeeze %dma_start3A_150 : memref<1x128xi32, #tpu.memory_space<vmem>> -> memref<128xi32, #tpu.memory_space<vmem>>
    %dma_start3A_152 = arith.constant 0 : i32
    %dma_start3A_153 = tpu.memref_slice %arg14[%dma_start3A_152] : memref<10112xf32, #tpu.memory_space<vmem_shared>> -> memref<10112xf32, #tpu.memory_space<vmem_shared>>
    %dma_start3A_154 = tpu.memref_slice %arg16[%dma_start3A_148] : memref<8x!tpu.dma_semaphore, #tpu.memory_space<semaphore_mem>> -> memref<1x!tpu.dma_semaphore, #tpu.memory_space<semaphore_mem>>
    %dma_start3A_155 = tpu.memref_squeeze %dma_start3A_154 : memref<1x!tpu.dma_semaphore, #tpu.memory_space<semaphore_mem>> -> memref<!tpu.dma_semaphore, #tpu.memory_space<semaphore_mem>>
    tpu.enqueue_indirect_dma source(%arg12 : memref<128xf32, #tpu.memory_space<vmem>>) target(%dma_start3A_153 : memref<10112xf32, #tpu.memory_space<vmem_shared>>) offsets(%dma_start3A_151 : memref<128xi32, #tpu.memory_space<vmem>>) semaphore(%dma_start3A_155 : memref<!tpu.dma_semaphore, #tpu.memory_space<semaphore_mem>>) {add = true}
    %dma_wait3A_156 = arith.constant 3 : i32
    %dma_wait3A_157 = arith.constant 0 : i32
    %dma_wait3A_158 = tpu.memref_slice %arg2[%dma_wait3A_157, %mul3A_71] : memref<2x320000xi32, #tpu.memory_space<hbm>> -> memref<2x128xi32, #tpu.memory_space<hbm>>
    %dma_wait3A_159 = tpu.memref_slice %arg15[%dma_wait3A_156] : memref<8x!tpu.dma_semaphore, #tpu.memory_space<semaphore_mem>> -> memref<1x!tpu.dma_semaphore, #tpu.memory_space<semaphore_mem>>
    %dma_wait3A_160 = tpu.memref_squeeze %dma_wait3A_159 : memref<1x!tpu.dma_semaphore, #tpu.memory_space<semaphore_mem>> -> memref<!tpu.dma_semaphore, #tpu.memory_space<semaphore_mem>>
    %dma_wait3A_161 = arith.constant 0 : i32
    %dma_wait3A_162 = tpu.memref_slice %arg2[%dma_wait3A_161, %mul3A_71] : memref<2x320000xi32, #tpu.memory_space<hbm>> -> memref<2x128xi32, #tpu.memory_space<hbm>>
    tpu.wait_dma2 semaphore(%dma_wait3A_160 : memref<!tpu.dma_semaphore, #tpu.memory_space<semaphore_mem>>) src(%dma_wait3A_162 : memref<2x128xi32, #tpu.memory_space<hbm>>) dst(%arg7 : memref<2x128xi32, #tpu.memory_space<vmem>>)
    %dma_start3A_163 = arith.constant 1 : i32
    %dma_start3A_164 = arith.constant 3 : i32
    %dma_start3A_165 = arith.constant 0 : i32
    %dma_start3A_166 = tpu.memref_slice %arg7[%dma_start3A_163, %dma_start3A_165] : memref<2x128xi32, #tpu.memory_space<vmem>> -> memref<1x128xi32, #tpu.memory_space<vmem>>
    %dma_start3A_167 = tpu.memref_squeeze %dma_start3A_166 : memref<1x128xi32, #tpu.memory_space<vmem>> -> memref<128xi32, #tpu.memory_space<vmem>>
    %dma_start3A_168 = arith.constant 0 : i32
    %dma_start3A_169 = tpu.memref_slice %arg14[%dma_start3A_168] : memref<10112xf32, #tpu.memory_space<vmem_shared>> -> memref<10112xf32, #tpu.memory_space<vmem_shared>>
    %dma_start3A_170 = tpu.memref_slice %arg16[%dma_start3A_164] : memref<8x!tpu.dma_semaphore, #tpu.memory_space<semaphore_mem>> -> memref<1x!tpu.dma_semaphore, #tpu.memory_space<semaphore_mem>>
    %dma_start3A_171 = tpu.memref_squeeze %dma_start3A_170 : memref<1x!tpu.dma_semaphore, #tpu.memory_space<semaphore_mem>> -> memref<!tpu.dma_semaphore, #tpu.memory_space<semaphore_mem>>
    tpu.enqueue_indirect_dma source(%arg12 : memref<128xf32, #tpu.memory_space<vmem>>) target(%dma_start3A_169 : memref<10112xf32, #tpu.memory_space<vmem_shared>>) offsets(%dma_start3A_167 : memref<128xi32, #tpu.memory_space<vmem>>) semaphore(%dma_start3A_171 : memref<!tpu.dma_semaphore, #tpu.memory_space<semaphore_mem>>) {add = true}
    %dma_wait3A_172 = arith.constant 4 : i32
    %dma_wait3A_173 = arith.constant 0 : i32
    %dma_wait3A_174 = tpu.memref_slice %arg2[%dma_wait3A_173, %mul3A_86] : memref<2x320000xi32, #tpu.memory_space<hbm>> -> memref<2x128xi32, #tpu.memory_space<hbm>>
    %dma_wait3A_175 = tpu.memref_slice %arg15[%dma_wait3A_172] : memref<8x!tpu.dma_semaphore, #tpu.memory_space<semaphore_mem>> -> memref<1x!tpu.dma_semaphore, #tpu.memory_space<semaphore_mem>>
    %dma_wait3A_176 = tpu.memref_squeeze %dma_wait3A_175 : memref<1x!tpu.dma_semaphore, #tpu.memory_space<semaphore_mem>> -> memref<!tpu.dma_semaphore, #tpu.memory_space<semaphore_mem>>
    %dma_wait3A_177 = arith.constant 0 : i32
    %dma_wait3A_178 = tpu.memref_slice %arg2[%dma_wait3A_177, %mul3A_86] : memref<2x320000xi32, #tpu.memory_space<hbm>> -> memref<2x128xi32, #tpu.memory_space<hbm>>
    tpu.wait_dma2 semaphore(%dma_wait3A_176 : memref<!tpu.dma_semaphore, #tpu.memory_space<semaphore_mem>>) src(%dma_wait3A_178 : memref<2x128xi32, #tpu.memory_space<hbm>>) dst(%arg8 : memref<2x128xi32, #tpu.memory_space<vmem>>)
    %dma_start3A_179 = arith.constant 1 : i32
    %dma_start3A_180 = arith.constant 4 : i32
    %dma_start3A_181 = arith.constant 0 : i32
    %dma_start3A_182 = tpu.memref_slice %arg8[%dma_start3A_179, %dma_start3A_181] : memref<2x128xi32, #tpu.memory_space<vmem>> -> memref<1x128xi32, #tpu.memory_space<vmem>>
    %dma_start3A_183 = tpu.memref_squeeze %dma_start3A_182 : memref<1x128xi32, #tpu.memory_space<vmem>> -> memref<128xi32, #tpu.memory_space<vmem>>
    %dma_start3A_184 = arith.constant 0 : i32
    %dma_start3A_185 = tpu.memref_slice %arg14[%dma_start3A_184] : memref<10112xf32, #tpu.memory_space<vmem_shared>> -> memref<10112xf32, #tpu.memory_space<vmem_shared>>
    %dma_start3A_186 = tpu.memref_slice %arg16[%dma_start3A_180] : memref<8x!tpu.dma_semaphore, #tpu.memory_space<semaphore_mem>> -> memref<1x!tpu.dma_semaphore, #tpu.memory_space<semaphore_mem>>
    %dma_start3A_187 = tpu.memref_squeeze %dma_start3A_186 : memref<1x!tpu.dma_semaphore, #tpu.memory_space<semaphore_mem>> -> memref<!tpu.dma_semaphore, #tpu.memory_space<semaphore_mem>>
    tpu.enqueue_indirect_dma source(%arg12 : memref<128xf32, #tpu.memory_space<vmem>>) target(%dma_start3A_185 : memref<10112xf32, #tpu.memory_space<vmem_shared>>) offsets(%dma_start3A_183 : memref<128xi32, #tpu.memory_space<vmem>>) semaphore(%dma_start3A_187 : memref<!tpu.dma_semaphore, #tpu.memory_space<semaphore_mem>>) {add = true}
    %dma_wait3A_188 = arith.constant 5 : i32
    %dma_wait3A_189 = arith.constant 0 : i32
    %dma_wait3A_190 = tpu.memref_slice %arg2[%dma_wait3A_189, %mul3A_101] : memref<2x320000xi32, #tpu.memory_space<hbm>> -> memref<2x128xi32, #tpu.memory_space<hbm>>
    %dma_wait3A_191 = tpu.memref_slice %arg15[%dma_wait3A_188] : memref<8x!tpu.dma_semaphore, #tpu.memory_space<semaphore_mem>> -> memref<1x!tpu.dma_semaphore, #tpu.memory_space<semaphore_mem>>
    %dma_wait3A_192 = tpu.memref_squeeze %dma_wait3A_191 : memref<1x!tpu.dma_semaphore, #tpu.memory_space<semaphore_mem>> -> memref<!tpu.dma_semaphore, #tpu.memory_space<semaphore_mem>>
    %dma_wait3A_193 = arith.constant 0 : i32
    %dma_wait3A_194 = tpu.memref_slice %arg2[%dma_wait3A_193, %mul3A_101] : memref<2x320000xi32, #tpu.memory_space<hbm>> -> memref<2x128xi32, #tpu.memory_space<hbm>>
    tpu.wait_dma2 semaphore(%dma_wait3A_192 : memref<!tpu.dma_semaphore, #tpu.memory_space<semaphore_mem>>) src(%dma_wait3A_194 : memref<2x128xi32, #tpu.memory_space<hbm>>) dst(%arg9 : memref<2x128xi32, #tpu.memory_space<vmem>>)
    %dma_start3A_195 = arith.constant 1 : i32
    %dma_start3A_196 = arith.constant 5 : i32
    %dma_start3A_197 = arith.constant 0 : i32
    %dma_start3A_198 = tpu.memref_slice %arg9[%dma_start3A_195, %dma_start3A_197] : memref<2x128xi32, #tpu.memory_space<vmem>> -> memref<1x128xi32, #tpu.memory_space<vmem>>
    %dma_start3A_199 = tpu.memref_squeeze %dma_start3A_198 : memref<1x128xi32, #tpu.memory_space<vmem>> -> memref<128xi32, #tpu.memory_space<vmem>>
    %dma_start3A_200 = arith.constant 0 : i32
    %dma_start3A_201 = tpu.memref_slice %arg14[%dma_start3A_200] : memref<10112xf32, #tpu.memory_space<vmem_shared>> -> memref<10112xf32, #tpu.memory_space<vmem_shared>>
    %dma_start3A_202 = tpu.memref_slice %arg16[%dma_start3A_196] : memref<8x!tpu.dma_semaphore, #tpu.memory_space<semaphore_mem>> -> memref<1x!tpu.dma_semaphore, #tpu.memory_space<semaphore_mem>>
    %dma_start3A_203 = tpu.memref_squeeze %dma_start3A_202 : memref<1x!tpu.dma_semaphore, #tpu.memory_space<semaphore_mem>> -> memref<!tpu.dma_semaphore, #tpu.memory_space<semaphore_mem>>
    tpu.enqueue_indirect_dma source(%arg12 : memref<128xf32, #tpu.memory_space<vmem>>) target(%dma_start3A_201 : memref<10112xf32, #tpu.memory_space<vmem_shared>>) offsets(%dma_start3A_199 : memref<128xi32, #tpu.memory_space<vmem>>) semaphore(%dma_start3A_203 : memref<!tpu.dma_semaphore, #tpu.memory_space<semaphore_mem>>) {add = true}
    %dma_wait3A_204 = arith.constant 1 : i32
    %dma_wait3A_205 = arith.constant 0 : i32
    %dma_wait3A_206 = arith.constant 0 : i32
    %dma_wait3A_207 = tpu.memref_slice %arg4[%dma_wait3A_204, %dma_wait3A_206] : memref<2x128xi32, #tpu.memory_space<vmem>> -> memref<1x128xi32, #tpu.memory_space<vmem>>
    %dma_wait3A_208 = tpu.memref_squeeze %dma_wait3A_207 : memref<1x128xi32, #tpu.memory_space<vmem>> -> memref<128xi32, #tpu.memory_space<vmem>>
    %dma_wait3A_209 = arith.constant 0 : i32
    %dma_wait3A_210 = tpu.memref_slice %arg14[%dma_wait3A_209] : memref<10112xf32, #tpu.memory_space<vmem_shared>> -> memref<10112xf32, #tpu.memory_space<vmem_shared>>
    %dma_wait3A_211 = tpu.memref_slice %arg16[%dma_wait3A_205] : memref<8x!tpu.dma_semaphore, #tpu.memory_space<semaphore_mem>> -> memref<1x!tpu.dma_semaphore, #tpu.memory_space<semaphore_mem>>
    %dma_wait3A_212 = tpu.memref_squeeze %dma_wait3A_211 : memref<1x!tpu.dma_semaphore, #tpu.memory_space<semaphore_mem>> -> memref<!tpu.dma_semaphore, #tpu.memory_space<semaphore_mem>>
    tpu.wait_indirect_dma semaphore(%dma_wait3A_212 : memref<!tpu.dma_semaphore, #tpu.memory_space<semaphore_mem>>) src(%arg12 : memref<128xf32, #tpu.memory_space<vmem>>) dst(%dma_wait3A_210 : memref<10112xf32, #tpu.memory_space<vmem_shared>>)
    %dma_wait3A_213 = arith.constant 1 : i32
    %dma_wait3A_214 = arith.constant 1 : i32
    %dma_wait3A_215 = arith.constant 0 : i32
    %dma_wait3A_216 = tpu.memref_slice %arg5[%dma_wait3A_213, %dma_wait3A_215] : memref<2x128xi32, #tpu.memory_space<vmem>> -> memref<1x128xi32, #tpu.memory_space<vmem>>
    %dma_wait3A_217 = tpu.memref_squeeze %dma_wait3A_216 : memref<1x128xi32, #tpu.memory_space<vmem>> -> memref<128xi32, #tpu.memory_space<vmem>>
    %dma_wait3A_218 = arith.constant 0 : i32
    %dma_wait3A_219 = tpu.memref_slice %arg14[%dma_wait3A_218] : memref<10112xf32, #tpu.memory_space<vmem_shared>> -> memref<10112xf32, #tpu.memory_space<vmem_shared>>
    %dma_wait3A_220 = tpu.memref_slice %arg16[%dma_wait3A_214] : memref<8x!tpu.dma_semaphore, #tpu.memory_space<semaphore_mem>> -> memref<1x!tpu.dma_semaphore, #tpu.memory_space<semaphore_mem>>
    %dma_wait3A_221 = tpu.memref_squeeze %dma_wait3A_220 : memref<1x!tpu.dma_semaphore, #tpu.memory_space<semaphore_mem>> -> memref<!tpu.dma_semaphore, #tpu.memory_space<semaphore_mem>>
    tpu.wait_indirect_dma semaphore(%dma_wait3A_221 : memref<!tpu.dma_semaphore, #tpu.memory_space<semaphore_mem>>) src(%arg12 : memref<128xf32, #tpu.memory_space<vmem>>) dst(%dma_wait3A_219 : memref<10112xf32, #tpu.memory_space<vmem_shared>>)
    %dma_wait3A_222 = arith.constant 1 : i32
    %dma_wait3A_223 = arith.constant 2 : i32
    %dma_wait3A_224 = arith.constant 0 : i32
    %dma_wait3A_225 = tpu.memref_slice %arg6[%dma_wait3A_222, %dma_wait3A_224] : memref<2x128xi32, #tpu.memory_space<vmem>> -> memref<1x128xi32, #tpu.memory_space<vmem>>
    %dma_wait3A_226 = tpu.memref_squeeze %dma_wait3A_225 : memref<1x128xi32, #tpu.memory_space<vmem>> -> memref<128xi32, #tpu.memory_space<vmem>>
    %dma_wait3A_227 = arith.constant 0 : i32
    %dma_wait3A_228 = tpu.memref_slice %arg14[%dma_wait3A_227] : memref<10112xf32, #tpu.memory_space<vmem_shared>> -> memref<10112xf32, #tpu.memory_space<vmem_shared>>
    %dma_wait3A_229 = tpu.memref_slice %arg16[%dma_wait3A_223] : memref<8x!tpu.dma_semaphore, #tpu.memory_space<semaphore_mem>> -> memref<1x!tpu.dma_semaphore, #tpu.memory_space<semaphore_mem>>
    %dma_wait3A_230 = tpu.memref_squeeze %dma_wait3A_229 : memref<1x!tpu.dma_semaphore, #tpu.memory_space<semaphore_mem>> -> memref<!tpu.dma_semaphore, #tpu.memory_space<semaphore_mem>>
    tpu.wait_indirect_dma semaphore(%dma_wait3A_230 : memref<!tpu.dma_semaphore, #tpu.memory_space<semaphore_mem>>) src(%arg12 : memref<128xf32, #tpu.memory_space<vmem>>) dst(%dma_wait3A_228 : memref<10112xf32, #tpu.memory_space<vmem_shared>>)
    %dma_wait3A_231 = arith.constant 1 : i32
    %dma_wait3A_232 = arith.constant 3 : i32
    %dma_wait3A_233 = arith.constant 0 : i32
    %dma_wait3A_234 = tpu.memref_slice %arg7[%dma_wait3A_231, %dma_wait3A_233] : memref<2x128xi32, #tpu.memory_space<vmem>> -> memref<1x128xi32, #tpu.memory_space<vmem>>
    %dma_wait3A_235 = tpu.memref_squeeze %dma_wait3A_234 : memref<1x128xi32, #tpu.memory_space<vmem>> -> memref<128xi32, #tpu.memory_space<vmem>>
    %dma_wait3A_236 = arith.constant 0 : i32
    %dma_wait3A_237 = tpu.memref_slice %arg14[%dma_wait3A_236] : memref<10112xf32, #tpu.memory_space<vmem_shared>> -> memref<10112xf32, #tpu.memory_space<vmem_shared>>
    %dma_wait3A_238 = tpu.memref_slice %arg16[%dma_wait3A_232] : memref<8x!tpu.dma_semaphore, #tpu.memory_space<semaphore_mem>> -> memref<1x!tpu.dma_semaphore, #tpu.memory_space<semaphore_mem>>
    %dma_wait3A_239 = tpu.memref_squeeze %dma_wait3A_238 : memref<1x!tpu.dma_semaphore, #tpu.memory_space<semaphore_mem>> -> memref<!tpu.dma_semaphore, #tpu.memory_space<semaphore_mem>>
    tpu.wait_indirect_dma semaphore(%dma_wait3A_239 : memref<!tpu.dma_semaphore, #tpu.memory_space<semaphore_mem>>) src(%arg12 : memref<128xf32, #tpu.memory_space<vmem>>) dst(%dma_wait3A_237 : memref<10112xf32, #tpu.memory_space<vmem_shared>>)
    %dma_wait3A_240 = arith.constant 1 : i32
    %dma_wait3A_241 = arith.constant 4 : i32
    %dma_wait3A_242 = arith.constant 0 : i32
    %dma_wait3A_243 = tpu.memref_slice %arg8[%dma_wait3A_240, %dma_wait3A_242] : memref<2x128xi32, #tpu.memory_space<vmem>> -> memref<1x128xi32, #tpu.memory_space<vmem>>
    %dma_wait3A_244 = tpu.memref_squeeze %dma_wait3A_243 : memref<1x128xi32, #tpu.memory_space<vmem>> -> memref<128xi32, #tpu.memory_space<vmem>>
    %dma_wait3A_245 = arith.constant 0 : i32
    %dma_wait3A_246 = tpu.memref_slice %arg14[%dma_wait3A_245] : memref<10112xf32, #tpu.memory_space<vmem_shared>> -> memref<10112xf32, #tpu.memory_space<vmem_shared>>
    %dma_wait3A_247 = tpu.memref_slice %arg16[%dma_wait3A_241] : memref<8x!tpu.dma_semaphore, #tpu.memory_space<semaphore_mem>> -> memref<1x!tpu.dma_semaphore, #tpu.memory_space<semaphore_mem>>
    %dma_wait3A_248 = tpu.memref_squeeze %dma_wait3A_247 : memref<1x!tpu.dma_semaphore, #tpu.memory_space<semaphore_mem>> -> memref<!tpu.dma_semaphore, #tpu.memory_space<semaphore_mem>>
    tpu.wait_indirect_dma semaphore(%dma_wait3A_248 : memref<!tpu.dma_semaphore, #tpu.memory_space<semaphore_mem>>) src(%arg12 : memref<128xf32, #tpu.memory_space<vmem>>) dst(%dma_wait3A_246 : memref<10112xf32, #tpu.memory_space<vmem_shared>>)
    %dma_wait3A_249 = arith.constant 1 : i32
    %dma_wait3A_250 = arith.constant 5 : i32
    %dma_wait3A_251 = arith.constant 0 : i32
    %dma_wait3A_252 = tpu.memref_slice %arg9[%dma_wait3A_249, %dma_wait3A_251] : memref<2x128xi32, #tpu.memory_space<vmem>> -> memref<1x128xi32, #tpu.memory_space<vmem>>
    %dma_wait3A_253 = tpu.memref_squeeze %dma_wait3A_252 : memref<1x128xi32, #tpu.memory_space<vmem>> -> memref<128xi32, #tpu.memory_space<vmem>>
    %dma_wait3A_254 = arith.constant 0 : i32
    %dma_wait3A_255 = tpu.memref_slice %arg14[%dma_wait3A_254] : memref<10112xf32, #tpu.memory_space<vmem_shared>> -> memref<10112xf32, #tpu.memory_space<vmem_shared>>
    %dma_wait3A_256 = tpu.memref_slice %arg16[%dma_wait3A_250] : memref<8x!tpu.dma_semaphore, #tpu.memory_space<semaphore_mem>> -> memref<1x!tpu.dma_semaphore, #tpu.memory_space<semaphore_mem>>
    %dma_wait3A_257 = tpu.memref_squeeze %dma_wait3A_256 : memref<1x!tpu.dma_semaphore, #tpu.memory_space<semaphore_mem>> -> memref<!tpu.dma_semaphore, #tpu.memory_space<semaphore_mem>>
    tpu.wait_indirect_dma semaphore(%dma_wait3A_257 : memref<!tpu.dma_semaphore, #tpu.memory_space<semaphore_mem>>) src(%arg12 : memref<128xf32, #tpu.memory_space<vmem>>) dst(%dma_wait3A_255 : memref<10112xf32, #tpu.memory_space<vmem_shared>>)
    %lt3A = arith.constant 4 : i32
    %lt3A_258 = arith.cmpi slt, %add3A, %lt3A : i32
    %convert_element_type3A = arith.extui %lt3A_258 : i1 to i32
    %cond3A = arith.constant 0 : i32
    %cond3A_259 = arith.cmpi ne, %convert_element_type3A, %cond3A : i32
    scf.if %cond3A_259 {
      %add3A_268 = arith.constant 2496 : i32
      %add3A_269 = arith.addi %add3A_268, %add3A : i32
      %mul3A_270 = arith.constant 128 : i32
      %mul3A_271 = arith.muli %add3A_269, %mul3A_270 : i32
      "tpu.region"() ({
        %run_scoped3A_272 = tpu.sem_alloc : memref<!tpu.dma_semaphore, #tpu.memory_space<semaphore_mem>>
        %dma_start3A_273 = arith.constant 0 : i32
        %dma_start3A_274 = tpu.memref_slice %arg2[%dma_start3A_273, %mul3A_271] : memref<2x320000xi32, #tpu.memory_space<hbm>> -> memref<2x128xi32, #tpu.memory_space<hbm>>
        %dma_start3A_275 = arith.constant 0 : i32
        %dma_start3A_276 = tpu.memref_slice %arg2[%dma_start3A_275, %mul3A_271] : memref<2x320000xi32, #tpu.memory_space<hbm>> -> memref<2x128xi32, #tpu.memory_space<hbm>>
        tpu.enqueue_dma source(%dma_start3A_276 : memref<2x128xi32, #tpu.memory_space<hbm>>) target(%arg4 : memref<2x128xi32, #tpu.memory_space<vmem>>) target_semaphore(%run_scoped3A_272 : memref<!tpu.dma_semaphore, #tpu.memory_space<semaphore_mem>>)
        %dma_wait3A_277 = arith.constant 0 : i32
        %dma_wait3A_278 = tpu.memref_slice %arg2[%dma_wait3A_277, %mul3A_271] : memref<2x320000xi32, #tpu.memory_space<hbm>> -> memref<2x128xi32, #tpu.memory_space<hbm>>
        %dma_wait3A_279 = arith.constant 0 : i32
        %dma_wait3A_280 = tpu.memref_slice %arg2[%dma_wait3A_279, %mul3A_271] : memref<2x320000xi32, #tpu.memory_space<hbm>> -> memref<2x128xi32, #tpu.memory_space<hbm>>
        tpu.wait_dma2 semaphore(%run_scoped3A_272 : memref<!tpu.dma_semaphore, #tpu.memory_space<semaphore_mem>>) src(%dma_wait3A_280 : memref<2x128xi32, #tpu.memory_space<hbm>>) dst(%arg4 : memref<2x128xi32, #tpu.memory_space<vmem>>)
        tpu.yield
      }) : () -> ()
      %run_scoped3A = arith.constant 1 : i32
      "tpu.region"() ({
        %run_scoped3A_272 = tpu.sem_alloc : memref<!tpu.dma_semaphore, #tpu.memory_space<semaphore_mem>>
        %dma_start3A_273 = arith.constant 0 : i32
        %dma_start3A_274 = tpu.memref_slice %arg4[%run_scoped3A, %dma_start3A_273] : memref<2x128xi32, #tpu.memory_space<vmem>> -> memref<1x128xi32, #tpu.memory_space<vmem>>
        %dma_start3A_275 = tpu.memref_squeeze %dma_start3A_274 : memref<1x128xi32, #tpu.memory_space<vmem>> -> memref<128xi32, #tpu.memory_space<vmem>>
        %dma_start3A_276 = arith.constant 0 : i32
        %dma_start3A_277 = tpu.memref_slice %arg14[%dma_start3A_276] : memref<10112xf32, #tpu.memory_space<vmem_shared>> -> memref<10112xf32, #tpu.memory_space<vmem_shared>>
        tpu.enqueue_indirect_dma source(%arg12 : memref<128xf32, #tpu.memory_space<vmem>>) target(%dma_start3A_277 : memref<10112xf32, #tpu.memory_space<vmem_shared>>) offsets(%dma_start3A_275 : memref<128xi32, #tpu.memory_space<vmem>>) semaphore(%run_scoped3A_272 : memref<!tpu.dma_semaphore, #tpu.memory_space<semaphore_mem>>) {add = true}
        %dma_wait3A_278 = arith.constant 0 : i32
        %dma_wait3A_279 = tpu.memref_slice %arg4[%run_scoped3A, %dma_wait3A_278] : memref<2x128xi32, #tpu.memory_space<vmem>> -> memref<1x128xi32, #tpu.memory_space<vmem>>
        %dma_wait3A_280 = tpu.memref_squeeze %dma_wait3A_279 : memref<1x128xi32, #tpu.memory_space<vmem>> -> memref<128xi32, #tpu.memory_space<vmem>>
        %dma_wait3A_281 = arith.constant 0 : i32
        %dma_wait3A_282 = tpu.memref_slice %arg14[%dma_wait3A_281] : memref<10112xf32, #tpu.memory_space<vmem_shared>> -> memref<10112xf32, #tpu.memory_space<vmem_shared>>
        tpu.wait_indirect_dma semaphore(%run_scoped3A_272 : memref<!tpu.dma_semaphore, #tpu.memory_space<semaphore_mem>>) src(%arg12 : memref<128xf32, #tpu.memory_space<vmem>>) dst(%dma_wait3A_282 : memref<10112xf32, #tpu.memory_space<vmem_shared>>)
        tpu.yield
      }) : () -> ()
    } else {
    }
    %barrier3A_260 = arith.constant 0 : index
    tpu.barrier barrier_id(%barrier3A_260)
    %mul3A_261 = arith.constant 632 : i32
    %mul3A_262 = arith.muli %arg1, %mul3A_261 : i32
    "tpu.region"() ({
      %run_scoped3A = tpu.sem_alloc : memref<!tpu.dma_semaphore, #tpu.memory_space<semaphore_mem>>
      %dma_start3A_268 = tpu.memref_slice %arg14[%mul3A_262] : memref<10112xf32, #tpu.memory_space<vmem_shared>> -> memref<632xf32, #tpu.memory_space<vmem_shared>>
      %dma_start3A_269 = tpu.memref_slice %arg14[%mul3A_262] : memref<10112xf32, #tpu.memory_space<vmem_shared>> -> memref<632xf32, #tpu.memory_space<vmem_shared>>
      tpu.enqueue_dma source(%dma_start3A_269 : memref<632xf32, #tpu.memory_space<vmem_shared>>) target(%arg13 : memref<632xf32, #tpu.memory_space<vmem>>) target_semaphore(%run_scoped3A : memref<!tpu.dma_semaphore, #tpu.memory_space<semaphore_mem>>)
      %dma_wait3A_270 = tpu.memref_slice %arg14[%mul3A_262] : memref<10112xf32, #tpu.memory_space<vmem_shared>> -> memref<632xf32, #tpu.memory_space<vmem_shared>>
      %dma_wait3A_271 = tpu.memref_slice %arg14[%mul3A_262] : memref<10112xf32, #tpu.memory_space<vmem_shared>> -> memref<632xf32, #tpu.memory_space<vmem_shared>>
      tpu.wait_dma2 semaphore(%run_scoped3A : memref<!tpu.dma_semaphore, #tpu.memory_space<semaphore_mem>>) src(%dma_wait3A_271 : memref<632xf32, #tpu.memory_space<vmem_shared>>) dst(%arg13 : memref<632xf32, #tpu.memory_space<vmem>>)
      tpu.yield
    }) : () -> ()
    %mul3A_263 = arith.constant 10112 : i32
    %mul3A_264 = arith.muli %arg0, %mul3A_263 : i32
    %mul3A_265 = arith.constant 632 : i32
    %mul3A_266 = arith.muli %arg1, %mul3A_265 : i32
    %add3A_267 = arith.addi %mul3A_264, %mul3A_266 : i32
    "tpu.region"() ({
      %run_scoped3A = tpu.sem_alloc : memref<!tpu.dma_semaphore, #tpu.memory_space<semaphore_mem>>
      %dma_start3A_268 = tpu.memref_slice %arg3[%add3A_267] : memref<20224xf32, #tpu.memory_space<hbm>> -> memref<632xf32, #tpu.memory_space<hbm>>
      %dma_start3A_269 = tpu.memref_slice %arg3[%add3A_267] : memref<20224xf32, #tpu.memory_space<hbm>> -> memref<632xf32, #tpu.memory_space<hbm>>
      tpu.enqueue_dma source(%arg13 : memref<632xf32, #tpu.memory_space<vmem>>) target(%dma_start3A_269 : memref<632xf32, #tpu.memory_space<hbm>>) target_semaphore(%run_scoped3A : memref<!tpu.dma_semaphore, #tpu.memory_space<semaphore_mem>>)
      %dma_wait3A_270 = tpu.memref_slice %arg3[%add3A_267] : memref<20224xf32, #tpu.memory_space<hbm>> -> memref<632xf32, #tpu.memory_space<hbm>>
      %dma_wait3A_271 = tpu.memref_slice %arg3[%add3A_267] : memref<20224xf32, #tpu.memory_space<hbm>> -> memref<632xf32, #tpu.memory_space<hbm>>
      tpu.wait_dma2 semaphore(%run_scoped3A : memref<!tpu.dma_semaphore, #tpu.memory_space<semaphore_mem>>) src(%arg13 : memref<632xf32, #tpu.memory_space<vmem>>) dst(%dma_wait3A_271 : memref<632xf32, #tpu.memory_space<hbm>>)
      tpu.yield
    }) : () -> ()
    return
  }
}

#map = affine_map<(d0, d1) -> (0, 0)>
module attributes {stable_mosaic.version = 14 : i64} {
  func.func @_agg_kernel(%arg0: i32, %arg1: i32, %arg2: memref<10112x128xf32, #tpu.memory_space<hbm>>, %arg3: memref<2x320000xi32, #tpu.memory_space<hbm>>, %arg4: memref<20224x128xf32, #tpu.memory_space<hbm>>, %arg5: memref<2x128xi32, #tpu.memory_space<vmem>>, %arg6: memref<2x128xi32, #tpu.memory_space<vmem>>, %arg7: memref<2x128xi32, #tpu.memory_space<vmem>>, %arg8: memref<128x128xf32, #tpu.memory_space<vmem>>, %arg9: memref<128x128xf32, #tpu.memory_space<vmem>>, %arg10: memref<128x128xf32, #tpu.memory_space<vmem>>, %arg11: memref<10112x128xf32, #tpu.memory_space<vmem_shared>>, %arg12: memref<3x!tpu.dma_semaphore, #tpu.memory_space<semaphore_mem>>, %arg13: memref<3x!tpu.dma_semaphore, #tpu.memory_space<semaphore_mem>>, %arg14: memref<3x!tpu.dma_semaphore, #tpu.memory_space<semaphore_mem>>) attributes {dimension_semantics = [#tpu.dimension_semantics<core_parallel>, #tpu.dimension_semantics<subcore_parallel>], iteration_bounds = array<i64: 2, 16>, scalar_prefetch = 0 : i64, scratch_operands = 10 : i64, tpu.core_type = #tpu.core_type<sc_vector_subcore>, window_params = [{transform_indices = #map}, {transform_indices = #map}, {transform_indices = #map}]} {
    %mul3A = arith.constant 16 : i32
    %mul3A_0 = arith.muli %arg0, %mul3A : i32
    %add3A = arith.addi %mul3A_0, %arg1 : i32
    %scan3A = arith.constant 0 : i32
    %scan3A_1 = arith.constant 0 : i32
    %scan3A_2 = arith.constant 128 : i32
    %scan3A_3 = arith.addi %scan3A_1, %scan3A_2 : i32
    %scan3A_4 = arith.constant 1 : i32
    scf.for %scan3A_384 = %scan3A_1 to %scan3A_3 step %scan3A_4  : i32 {
      %scan3A_385 = arith.constant 0 : i32
      %scan3A_386 = arith.constant 8 : i32
      %scan3A_387 = arith.addi %scan3A_385, %scan3A_386 : i32
      %scan3A_388 = arith.constant 1 : i32
      scf.for %scan3A_390 = %scan3A_385 to %scan3A_387 step %scan3A_388  : i32 {
        %broadcast_in_dim3A = arith.constant 0.000000e+00 : f32
        %broadcast_in_dim3A_391 = vector.broadcast %broadcast_in_dim3A : f32 to vector<16xf32>
        %mul3A_392 = arith.constant 16 : i32
        %mul3A_393 = arith.muli %scan3A_390, %mul3A_392 : i32
        %swap3A = arith.index_cast %scan3A_384 : i32 to index
        %swap3A_394 = arith.index_cast %mul3A_393 : i32 to index
        %swap3A_395 = tpu.vector_load %arg8[%swap3A, %swap3A_394] {strides = array<i32>} : memref<128x128xf32, #tpu.memory_space<vmem>>, vector<1x16xf32>,
        %swap3A_396 = vector.shape_cast %swap3A_395 : vector<1x16xf32> to vector<16xf32>
        %swap3A_397 = vector.shape_cast %broadcast_in_dim3A_391 : vector<16xf32> to vector<1x16xf32>
        tpu.vector_store %arg8[%swap3A, %swap3A_394], %swap3A_397 {strides = array<i32>} : memref<128x128xf32, #tpu.memory_space<vmem>>, vector<1x16xf32>,
      }
      %scan3A_389 = arith.constant 8 : i32
    }
    %scan3A_5 = arith.constant 128 : i32
    %mul3A_6 = arith.constant 632 : i32
    %mul3A_7 = arith.muli %arg1, %mul3A_6 : i32
    %add3A_8 = arith.constant 0 : i32
    %add3A_9 = arith.addi %mul3A_7, %add3A_8 : i32
    "tpu.region"() ({
      %run_scoped3A = tpu.sem_alloc : memref<!tpu.dma_semaphore, #tpu.memory_space<semaphore_mem>>
      %dma_start3A_384 = arith.constant 0 : i32
      %dma_start3A_385 = arith.constant 0 : i32
      %dma_start3A_386 = tpu.memref_slice %arg8[%dma_start3A_384, %dma_start3A_385] : memref<128x128xf32, #tpu.memory_space<vmem>> -> memref<128x128xf32, #tpu.memory_space<vmem>>
      %dma_start3A_387 = arith.constant 0 : i32
      %dma_start3A_388 = tpu.memref_slice %arg11[%add3A_9, %dma_start3A_387] : memref<10112x128xf32, #tpu.memory_space<vmem_shared>> -> memref<128x128xf32, #tpu.memory_space<vmem_shared>>
      %dma_start3A_389 = arith.constant 0 : i32
      %dma_start3A_390 = tpu.memref_slice %arg11[%add3A_9, %dma_start3A_389] : memref<10112x128xf32, #tpu.memory_space<vmem_shared>> -> memref<128x128xf32, #tpu.memory_space<vmem_shared>>
      %dma_start3A_391 = arith.constant 0 : i32
      %dma_start3A_392 = arith.constant 0 : i32
      %dma_start3A_393 = tpu.memref_slice %arg8[%dma_start3A_391, %dma_start3A_392] : memref<128x128xf32, #tpu.memory_space<vmem>> -> memref<128x128xf32, #tpu.memory_space<vmem>>
      tpu.enqueue_dma source(%dma_start3A_393 : memref<128x128xf32, #tpu.memory_space<vmem>>) target(%dma_start3A_390 : memref<128x128xf32, #tpu.memory_space<vmem_shared>>) target_semaphore(%run_scoped3A : memref<!tpu.dma_semaphore, #tpu.memory_space<semaphore_mem>>)
      %dma_wait3A_394 = arith.constant 0 : i32
      %dma_wait3A_395 = arith.constant 0 : i32
      %dma_wait3A_396 = tpu.memref_slice %arg8[%dma_wait3A_394, %dma_wait3A_395] : memref<128x128xf32, #tpu.memory_space<vmem>> -> memref<128x128xf32, #tpu.memory_space<vmem>>
      %dma_wait3A_397 = arith.constant 0 : i32
      %dma_wait3A_398 = tpu.memref_slice %arg11[%add3A_9, %dma_wait3A_397] : memref<10112x128xf32, #tpu.memory_space<vmem_shared>> -> memref<128x128xf32, #tpu.memory_space<vmem_shared>>
      %dma_wait3A_399 = arith.constant 0 : i32
      %dma_wait3A_400 = tpu.memref_slice %arg11[%add3A_9, %dma_wait3A_399] : memref<10112x128xf32, #tpu.memory_space<vmem_shared>> -> memref<128x128xf32, #tpu.memory_space<vmem_shared>>
      %dma_wait3A_401 = arith.constant 0 : i32
      %dma_wait3A_402 = arith.constant 0 : i32
      %dma_wait3A_403 = tpu.memref_slice %arg8[%dma_wait3A_401, %dma_wait3A_402] : memref<128x128xf32, #tpu.memory_space<vmem>> -> memref<128x128xf32, #tpu.memory_space<vmem>>
      tpu.wait_dma2 semaphore(%run_scoped3A : memref<!tpu.dma_semaphore, #tpu.memory_space<semaphore_mem>>) src(%dma_wait3A_403 : memref<128x128xf32, #tpu.memory_space<vmem>>) dst(%dma_wait3A_400 : memref<128x128xf32, #tpu.memory_space<vmem_shared>>)
      tpu.yield
    }) : () -> ()
    %mul3A_10 = arith.constant 632 : i32
    %mul3A_11 = arith.muli %arg1, %mul3A_10 : i32
    %add3A_12 = arith.constant 128 : i32
    %add3A_13 = arith.addi %mul3A_11, %add3A_12 : i32
    "tpu.region"() ({
      %run_scoped3A = tpu.sem_alloc : memref<!tpu.dma_semaphore, #tpu.memory_space<semaphore_mem>>
      %dma_start3A_384 = arith.constant 0 : i32
      %dma_start3A_385 = arith.constant 0 : i32
      %dma_start3A_386 = tpu.memref_slice %arg8[%dma_start3A_384, %dma_start3A_385] : memref<128x128xf32, #tpu.memory_space<vmem>> -> memref<128x128xf32, #tpu.memory_space<vmem>>
      %dma_start3A_387 = arith.constant 0 : i32
      %dma_start3A_388 = tpu.memref_slice %arg11[%add3A_13, %dma_start3A_387] : memref<10112x128xf32, #tpu.memory_space<vmem_shared>> -> memref<128x128xf32, #tpu.memory_space<vmem_shared>>
      %dma_start3A_389 = arith.constant 0 : i32
      %dma_start3A_390 = tpu.memref_slice %arg11[%add3A_13, %dma_start3A_389] : memref<10112x128xf32, #tpu.memory_space<vmem_shared>> -> memref<128x128xf32, #tpu.memory_space<vmem_shared>>
      %dma_start3A_391 = arith.constant 0 : i32
      %dma_start3A_392 = arith.constant 0 : i32
      %dma_start3A_393 = tpu.memref_slice %arg8[%dma_start3A_391, %dma_start3A_392] : memref<128x128xf32, #tpu.memory_space<vmem>> -> memref<128x128xf32, #tpu.memory_space<vmem>>
      tpu.enqueue_dma source(%dma_start3A_393 : memref<128x128xf32, #tpu.memory_space<vmem>>) target(%dma_start3A_390 : memref<128x128xf32, #tpu.memory_space<vmem_shared>>) target_semaphore(%run_scoped3A : memref<!tpu.dma_semaphore, #tpu.memory_space<semaphore_mem>>)
      %dma_wait3A_394 = arith.constant 0 : i32
      %dma_wait3A_395 = arith.constant 0 : i32
      %dma_wait3A_396 = tpu.memref_slice %arg8[%dma_wait3A_394, %dma_wait3A_395] : memref<128x128xf32, #tpu.memory_space<vmem>> -> memref<128x128xf32, #tpu.memory_space<vmem>>
      %dma_wait3A_397 = arith.constant 0 : i32
      %dma_wait3A_398 = tpu.memref_slice %arg11[%add3A_13, %dma_wait3A_397] : memref<10112x128xf32, #tpu.memory_space<vmem_shared>> -> memref<128x128xf32, #tpu.memory_space<vmem_shared>>
      %dma_wait3A_399 = arith.constant 0 : i32
      %dma_wait3A_400 = tpu.memref_slice %arg11[%add3A_13, %dma_wait3A_399] : memref<10112x128xf32, #tpu.memory_space<vmem_shared>> -> memref<128x128xf32, #tpu.memory_space<vmem_shared>>
      %dma_wait3A_401 = arith.constant 0 : i32
      %dma_wait3A_402 = arith.constant 0 : i32
      %dma_wait3A_403 = tpu.memref_slice %arg8[%dma_wait3A_401, %dma_wait3A_402] : memref<128x128xf32, #tpu.memory_space<vmem>> -> memref<128x128xf32, #tpu.memory_space<vmem>>
      tpu.wait_dma2 semaphore(%run_scoped3A : memref<!tpu.dma_semaphore, #tpu.memory_space<semaphore_mem>>) src(%dma_wait3A_403 : memref<128x128xf32, #tpu.memory_space<vmem>>) dst(%dma_wait3A_400 : memref<128x128xf32, #tpu.memory_space<vmem_shared>>)
      tpu.yield
    }) : () -> ()
    %mul3A_14 = arith.constant 632 : i32
    %mul3A_15 = arith.muli %arg1, %mul3A_14 : i32
    %add3A_16 = arith.constant 256 : i32
    %add3A_17 = arith.addi %mul3A_15, %add3A_16 : i32
    "tpu.region"() ({
      %run_scoped3A = tpu.sem_alloc : memref<!tpu.dma_semaphore, #tpu.memory_space<semaphore_mem>>
      %dma_start3A_384 = arith.constant 0 : i32
      %dma_start3A_385 = arith.constant 0 : i32
      %dma_start3A_386 = tpu.memref_slice %arg8[%dma_start3A_384, %dma_start3A_385] : memref<128x128xf32, #tpu.memory_space<vmem>> -> memref<128x128xf32, #tpu.memory_space<vmem>>
      %dma_start3A_387 = arith.constant 0 : i32
      %dma_start3A_388 = tpu.memref_slice %arg11[%add3A_17, %dma_start3A_387] : memref<10112x128xf32, #tpu.memory_space<vmem_shared>> -> memref<128x128xf32, #tpu.memory_space<vmem_shared>>
      %dma_start3A_389 = arith.constant 0 : i32
      %dma_start3A_390 = tpu.memref_slice %arg11[%add3A_17, %dma_start3A_389] : memref<10112x128xf32, #tpu.memory_space<vmem_shared>> -> memref<128x128xf32, #tpu.memory_space<vmem_shared>>
      %dma_start3A_391 = arith.constant 0 : i32
      %dma_start3A_392 = arith.constant 0 : i32
      %dma_start3A_393 = tpu.memref_slice %arg8[%dma_start3A_391, %dma_start3A_392] : memref<128x128xf32, #tpu.memory_space<vmem>> -> memref<128x128xf32, #tpu.memory_space<vmem>>
      tpu.enqueue_dma source(%dma_start3A_393 : memref<128x128xf32, #tpu.memory_space<vmem>>) target(%dma_start3A_390 : memref<128x128xf32, #tpu.memory_space<vmem_shared>>) target_semaphore(%run_scoped3A : memref<!tpu.dma_semaphore, #tpu.memory_space<semaphore_mem>>)
      %dma_wait3A_394 = arith.constant 0 : i32
      %dma_wait3A_395 = arith.constant 0 : i32
      %dma_wait3A_396 = tpu.memref_slice %arg8[%dma_wait3A_394, %dma_wait3A_395] : memref<128x128xf32, #tpu.memory_space<vmem>> -> memref<128x128xf32, #tpu.memory_space<vmem>>
      %dma_wait3A_397 = arith.constant 0 : i32
      %dma_wait3A_398 = tpu.memref_slice %arg11[%add3A_17, %dma_wait3A_397] : memref<10112x128xf32, #tpu.memory_space<vmem_shared>> -> memref<128x128xf32, #tpu.memory_space<vmem_shared>>
      %dma_wait3A_399 = arith.constant 0 : i32
      %dma_wait3A_400 = tpu.memref_slice %arg11[%add3A_17, %dma_wait3A_399] : memref<10112x128xf32, #tpu.memory_space<vmem_shared>> -> memref<128x128xf32, #tpu.memory_space<vmem_shared>>
      %dma_wait3A_401 = arith.constant 0 : i32
      %dma_wait3A_402 = arith.constant 0 : i32
      %dma_wait3A_403 = tpu.memref_slice %arg8[%dma_wait3A_401, %dma_wait3A_402] : memref<128x128xf32, #tpu.memory_space<vmem>> -> memref<128x128xf32, #tpu.memory_space<vmem>>
      tpu.wait_dma2 semaphore(%run_scoped3A : memref<!tpu.dma_semaphore, #tpu.memory_space<semaphore_mem>>) src(%dma_wait3A_403 : memref<128x128xf32, #tpu.memory_space<vmem>>) dst(%dma_wait3A_400 : memref<128x128xf32, #tpu.memory_space<vmem_shared>>)
      tpu.yield
    }) : () -> ()
    %mul3A_18 = arith.constant 632 : i32
    %mul3A_19 = arith.muli %arg1, %mul3A_18 : i32
    %add3A_20 = arith.constant 384 : i32
    %add3A_21 = arith.addi %mul3A_19, %add3A_20 : i32
    "tpu.region"() ({
      %run_scoped3A = tpu.sem_alloc : memref<!tpu.dma_semaphore, #tpu.memory_space<semaphore_mem>>
      %dma_start3A_384 = arith.constant 0 : i32
      %dma_start3A_385 = arith.constant 0 : i32
      %dma_start3A_386 = tpu.memref_slice %arg8[%dma_start3A_384, %dma_start3A_385] : memref<128x128xf32, #tpu.memory_space<vmem>> -> memref<128x128xf32, #tpu.memory_space<vmem>>
      %dma_start3A_387 = arith.constant 0 : i32
      %dma_start3A_388 = tpu.memref_slice %arg11[%add3A_21, %dma_start3A_387] : memref<10112x128xf32, #tpu.memory_space<vmem_shared>> -> memref<128x128xf32, #tpu.memory_space<vmem_shared>>
      %dma_start3A_389 = arith.constant 0 : i32
      %dma_start3A_390 = tpu.memref_slice %arg11[%add3A_21, %dma_start3A_389] : memref<10112x128xf32, #tpu.memory_space<vmem_shared>> -> memref<128x128xf32, #tpu.memory_space<vmem_shared>>
      %dma_start3A_391 = arith.constant 0 : i32
      %dma_start3A_392 = arith.constant 0 : i32
      %dma_start3A_393 = tpu.memref_slice %arg8[%dma_start3A_391, %dma_start3A_392] : memref<128x128xf32, #tpu.memory_space<vmem>> -> memref<128x128xf32, #tpu.memory_space<vmem>>
      tpu.enqueue_dma source(%dma_start3A_393 : memref<128x128xf32, #tpu.memory_space<vmem>>) target(%dma_start3A_390 : memref<128x128xf32, #tpu.memory_space<vmem_shared>>) target_semaphore(%run_scoped3A : memref<!tpu.dma_semaphore, #tpu.memory_space<semaphore_mem>>)
      %dma_wait3A_394 = arith.constant 0 : i32
      %dma_wait3A_395 = arith.constant 0 : i32
      %dma_wait3A_396 = tpu.memref_slice %arg8[%dma_wait3A_394, %dma_wait3A_395] : memref<128x128xf32, #tpu.memory_space<vmem>> -> memref<128x128xf32, #tpu.memory_space<vmem>>
      %dma_wait3A_397 = arith.constant 0 : i32
      %dma_wait3A_398 = tpu.memref_slice %arg11[%add3A_21, %dma_wait3A_397] : memref<10112x128xf32, #tpu.memory_space<vmem_shared>> -> memref<128x128xf32, #tpu.memory_space<vmem_shared>>
      %dma_wait3A_399 = arith.constant 0 : i32
      %dma_wait3A_400 = tpu.memref_slice %arg11[%add3A_21, %dma_wait3A_399] : memref<10112x128xf32, #tpu.memory_space<vmem_shared>> -> memref<128x128xf32, #tpu.memory_space<vmem_shared>>
      %dma_wait3A_401 = arith.constant 0 : i32
      %dma_wait3A_402 = arith.constant 0 : i32
      %dma_wait3A_403 = tpu.memref_slice %arg8[%dma_wait3A_401, %dma_wait3A_402] : memref<128x128xf32, #tpu.memory_space<vmem>> -> memref<128x128xf32, #tpu.memory_space<vmem>>
      tpu.wait_dma2 semaphore(%run_scoped3A : memref<!tpu.dma_semaphore, #tpu.memory_space<semaphore_mem>>) src(%dma_wait3A_403 : memref<128x128xf32, #tpu.memory_space<vmem>>) dst(%dma_wait3A_400 : memref<128x128xf32, #tpu.memory_space<vmem_shared>>)
      tpu.yield
    }) : () -> ()
    %mul3A_22 = arith.constant 632 : i32
    %mul3A_23 = arith.muli %arg1, %mul3A_22 : i32
    %add3A_24 = arith.constant 512 : i32
    %add3A_25 = arith.addi %mul3A_23, %add3A_24 : i32
    "tpu.region"() ({
      %run_scoped3A = tpu.sem_alloc : memref<!tpu.dma_semaphore, #tpu.memory_space<semaphore_mem>>
      %dma_start3A_384 = arith.constant 0 : i32
      %dma_start3A_385 = arith.constant 0 : i32
      %dma_start3A_386 = tpu.memref_slice %arg8[%dma_start3A_384, %dma_start3A_385] : memref<128x128xf32, #tpu.memory_space<vmem>> -> memref<120x128xf32, #tpu.memory_space<vmem>>
      %dma_start3A_387 = arith.constant 0 : i32
      %dma_start3A_388 = tpu.memref_slice %arg11[%add3A_25, %dma_start3A_387] : memref<10112x128xf32, #tpu.memory_space<vmem_shared>> -> memref<120x128xf32, #tpu.memory_space<vmem_shared>>
      %dma_start3A_389 = arith.constant 0 : i32
      %dma_start3A_390 = tpu.memref_slice %arg11[%add3A_25, %dma_start3A_389] : memref<10112x128xf32, #tpu.memory_space<vmem_shared>> -> memref<120x128xf32, #tpu.memory_space<vmem_shared>>
      %dma_start3A_391 = arith.constant 0 : i32
      %dma_start3A_392 = arith.constant 0 : i32
      %dma_start3A_393 = tpu.memref_slice %arg8[%dma_start3A_391, %dma_start3A_392] : memref<128x128xf32, #tpu.memory_space<vmem>> -> memref<120x128xf32, #tpu.memory_space<vmem>>
      tpu.enqueue_dma source(%dma_start3A_393 : memref<120x128xf32, #tpu.memory_space<vmem>>) target(%dma_start3A_390 : memref<120x128xf32, #tpu.memory_space<vmem_shared>>) target_semaphore(%run_scoped3A : memref<!tpu.dma_semaphore, #tpu.memory_space<semaphore_mem>>)
      %dma_wait3A_394 = arith.constant 0 : i32
      %dma_wait3A_395 = arith.constant 0 : i32
      %dma_wait3A_396 = tpu.memref_slice %arg8[%dma_wait3A_394, %dma_wait3A_395] : memref<128x128xf32, #tpu.memory_space<vmem>> -> memref<120x128xf32, #tpu.memory_space<vmem>>
      %dma_wait3A_397 = arith.constant 0 : i32
      %dma_wait3A_398 = tpu.memref_slice %arg11[%add3A_25, %dma_wait3A_397] : memref<10112x128xf32, #tpu.memory_space<vmem_shared>> -> memref<120x128xf32, #tpu.memory_space<vmem_shared>>
      %dma_wait3A_399 = arith.constant 0 : i32
      %dma_wait3A_400 = tpu.memref_slice %arg11[%add3A_25, %dma_wait3A_399] : memref<10112x128xf32, #tpu.memory_space<vmem_shared>> -> memref<120x128xf32, #tpu.memory_space<vmem_shared>>
      %dma_wait3A_401 = arith.constant 0 : i32
      %dma_wait3A_402 = arith.constant 0 : i32
      %dma_wait3A_403 = tpu.memref_slice %arg8[%dma_wait3A_401, %dma_wait3A_402] : memref<128x128xf32, #tpu.memory_space<vmem>> -> memref<120x128xf32, #tpu.memory_space<vmem>>
      tpu.wait_dma2 semaphore(%run_scoped3A : memref<!tpu.dma_semaphore, #tpu.memory_space<semaphore_mem>>) src(%dma_wait3A_403 : memref<120x128xf32, #tpu.memory_space<vmem>>) dst(%dma_wait3A_400 : memref<120x128xf32, #tpu.memory_space<vmem_shared>>)
      tpu.yield
    }) : () -> ()
    %barrier3A = arith.constant 0 : index
    tpu.barrier barrier_id(%barrier3A)
    %mul3A_26 = arith.constant 78 : i32
    %mul3A_27 = arith.muli %add3A, %mul3A_26 : i32
    %add3A_28 = arith.constant 0 : i32
    %add3A_29 = arith.addi %mul3A_27, %add3A_28 : i32
    %add3A_30 = arith.constant 0 : i32
    %add3A_31 = arith.addi %add3A_29, %add3A_30 : i32
    %mul3A_32 = arith.constant 128 : i32
    %mul3A_33 = arith.muli %add3A_31, %mul3A_32 : i32
    %dma_start3A = arith.constant 0 : i32
    %dma_start3A_34 = arith.constant 0 : i32
    %dma_start3A_35 = tpu.memref_slice %arg3[%dma_start3A_34, %mul3A_33] : memref<2x320000xi32, #tpu.memory_space<hbm>> -> memref<2x128xi32, #tpu.memory_space<hbm>>
    %dma_start3A_36 = tpu.memref_slice %arg12[%dma_start3A] : memref<3x!tpu.dma_semaphore, #tpu.memory_space<semaphore_mem>> -> memref<1x!tpu.dma_semaphore, #tpu.memory_space<semaphore_mem>>
    %dma_start3A_37 = tpu.memref_squeeze %dma_start3A_36 : memref<1x!tpu.dma_semaphore, #tpu.memory_space<semaphore_mem>> -> memref<!tpu.dma_semaphore, #tpu.memory_space<semaphore_mem>>
    %dma_start3A_38 = arith.constant 0 : i32
    %dma_start3A_39 = tpu.memref_slice %arg3[%dma_start3A_38, %mul3A_33] : memref<2x320000xi32, #tpu.memory_space<hbm>> -> memref<2x128xi32, #tpu.memory_space<hbm>>
    tpu.enqueue_dma source(%dma_start3A_39 : memref<2x128xi32, #tpu.memory_space<hbm>>) target(%arg5 : memref<2x128xi32, #tpu.memory_space<vmem>>) target_semaphore(%dma_start3A_37 : memref<!tpu.dma_semaphore, #tpu.memory_space<semaphore_mem>>)
    %mul3A_40 = arith.constant 78 : i32
    %mul3A_41 = arith.muli %add3A, %mul3A_40 : i32
    %add3A_42 = arith.constant 0 : i32
    %add3A_43 = arith.addi %mul3A_41, %add3A_42 : i32
    %add3A_44 = arith.constant 1 : i32
    %add3A_45 = arith.addi %add3A_43, %add3A_44 : i32
    %mul3A_46 = arith.constant 128 : i32
    %mul3A_47 = arith.muli %add3A_45, %mul3A_46 : i32
    %dma_start3A_48 = arith.constant 1 : i32
    %dma_start3A_49 = arith.constant 0 : i32
    %dma_start3A_50 = tpu.memref_slice %arg3[%dma_start3A_49, %mul3A_47] : memref<2x320000xi32, #tpu.memory_space<hbm>> -> memref<2x128xi32, #tpu.memory_space<hbm>>
    %dma_start3A_51 = tpu.memref_slice %arg12[%dma_start3A_48] : memref<3x!tpu.dma_semaphore, #tpu.memory_space<semaphore_mem>> -> memref<1x!tpu.dma_semaphore, #tpu.memory_space<semaphore_mem>>
    %dma_start3A_52 = tpu.memref_squeeze %dma_start3A_51 : memref<1x!tpu.dma_semaphore, #tpu.memory_space<semaphore_mem>> -> memref<!tpu.dma_semaphore, #tpu.memory_space<semaphore_mem>>
    %dma_start3A_53 = arith.constant 0 : i32
    %dma_start3A_54 = tpu.memref_slice %arg3[%dma_start3A_53, %mul3A_47] : memref<2x320000xi32, #tpu.memory_space<hbm>> -> memref<2x128xi32, #tpu.memory_space<hbm>>
    tpu.enqueue_dma source(%dma_start3A_54 : memref<2x128xi32, #tpu.memory_space<hbm>>) target(%arg6 : memref<2x128xi32, #tpu.memory_space<vmem>>) target_semaphore(%dma_start3A_52 : memref<!tpu.dma_semaphore, #tpu.memory_space<semaphore_mem>>)
    %mul3A_55 = arith.constant 78 : i32
    %mul3A_56 = arith.muli %add3A, %mul3A_55 : i32
    %add3A_57 = arith.constant 0 : i32
    %add3A_58 = arith.addi %mul3A_56, %add3A_57 : i32
    %add3A_59 = arith.constant 2 : i32
    %add3A_60 = arith.addi %add3A_58, %add3A_59 : i32
    %mul3A_61 = arith.constant 128 : i32
    %mul3A_62 = arith.muli %add3A_60, %mul3A_61 : i32
    %dma_start3A_63 = arith.constant 2 : i32
    %dma_start3A_64 = arith.constant 0 : i32
    %dma_start3A_65 = tpu.memref_slice %arg3[%dma_start3A_64, %mul3A_62] : memref<2x320000xi32, #tpu.memory_space<hbm>> -> memref<2x128xi32, #tpu.memory_space<hbm>>
    %dma_start3A_66 = tpu.memref_slice %arg12[%dma_start3A_63] : memref<3x!tpu.dma_semaphore, #tpu.memory_space<semaphore_mem>> -> memref<1x!tpu.dma_semaphore, #tpu.memory_space<semaphore_mem>>
    %dma_start3A_67 = tpu.memref_squeeze %dma_start3A_66 : memref<1x!tpu.dma_semaphore, #tpu.memory_space<semaphore_mem>> -> memref<!tpu.dma_semaphore, #tpu.memory_space<semaphore_mem>>
    %dma_start3A_68 = arith.constant 0 : i32
    %dma_start3A_69 = tpu.memref_slice %arg3[%dma_start3A_68, %mul3A_62] : memref<2x320000xi32, #tpu.memory_space<hbm>> -> memref<2x128xi32, #tpu.memory_space<hbm>>
    tpu.enqueue_dma source(%dma_start3A_69 : memref<2x128xi32, #tpu.memory_space<hbm>>) target(%arg7 : memref<2x128xi32, #tpu.memory_space<vmem>>) target_semaphore(%dma_start3A_67 : memref<!tpu.dma_semaphore, #tpu.memory_space<semaphore_mem>>)
    %dma_wait3A = arith.constant 0 : i32
    %dma_wait3A_70 = arith.constant 0 : i32
    %dma_wait3A_71 = tpu.memref_slice %arg3[%dma_wait3A_70, %mul3A_33] : memref<2x320000xi32, #tpu.memory_space<hbm>> -> memref<2x128xi32, #tpu.memory_space<hbm>>
    %dma_wait3A_72 = tpu.memref_slice %arg12[%dma_wait3A] : memref<3x!tpu.dma_semaphore, #tpu.memory_space<semaphore_mem>> -> memref<1x!tpu.dma_semaphore, #tpu.memory_space<semaphore_mem>>
    %dma_wait3A_73 = tpu.memref_squeeze %dma_wait3A_72 : memref<1x!tpu.dma_semaphore, #tpu.memory_space<semaphore_mem>> -> memref<!tpu.dma_semaphore, #tpu.memory_space<semaphore_mem>>
    %dma_wait3A_74 = arith.constant 0 : i32
    %dma_wait3A_75 = tpu.memref_slice %arg3[%dma_wait3A_74, %mul3A_33] : memref<2x320000xi32, #tpu.memory_space<hbm>> -> memref<2x128xi32, #tpu.memory_space<hbm>>
    tpu.wait_dma2 semaphore(%dma_wait3A_73 : memref<!tpu.dma_semaphore, #tpu.memory_space<semaphore_mem>>) src(%dma_wait3A_75 : memref<2x128xi32, #tpu.memory_space<hbm>>) dst(%arg5 : memref<2x128xi32, #tpu.memory_space<vmem>>)
    %dma_start3A_76 = arith.constant 0 : i32
    %dma_start3A_77 = arith.constant 0 : i32
    %dma_start3A_78 = arith.constant 0 : i32
    %dma_start3A_79 = tpu.memref_slice %arg5[%dma_start3A_76, %dma_start3A_78] : memref<2x128xi32, #tpu.memory_space<vmem>> -> memref<1x128xi32, #tpu.memory_space<vmem>>
    %dma_start3A_80 = tpu.memref_squeeze %dma_start3A_79 : memref<1x128xi32, #tpu.memory_space<vmem>> -> memref<128xi32, #tpu.memory_space<vmem>>
    %dma_start3A_81 = arith.constant 0 : i32
    %dma_start3A_82 = arith.constant 0 : i32
    %dma_start3A_83 = tpu.memref_slice %arg2[%dma_start3A_81, %dma_start3A_82] : memref<10112x128xf32, #tpu.memory_space<hbm>> -> memref<10112x128xf32, #tpu.memory_space<hbm>>
    %dma_start3A_84 = tpu.memref_slice %arg13[%dma_start3A_77] : memref<3x!tpu.dma_semaphore, #tpu.memory_space<semaphore_mem>> -> memref<1x!tpu.dma_semaphore, #tpu.memory_space<semaphore_mem>>
    %dma_start3A_85 = tpu.memref_squeeze %dma_start3A_84 : memref<1x!tpu.dma_semaphore, #tpu.memory_space<semaphore_mem>> -> memref<!tpu.dma_semaphore, #tpu.memory_space<semaphore_mem>>
    tpu.enqueue_indirect_dma source(%dma_start3A_83 : memref<10112x128xf32, #tpu.memory_space<hbm>>) target(%arg8 : memref<128x128xf32, #tpu.memory_space<vmem>>) offsets(%dma_start3A_80 : memref<128xi32, #tpu.memory_space<vmem>>) semaphore(%dma_start3A_85 : memref<!tpu.dma_semaphore, #tpu.memory_space<semaphore_mem>>)
    %dma_wait3A_86 = arith.constant 1 : i32
    %dma_wait3A_87 = arith.constant 0 : i32
    %dma_wait3A_88 = tpu.memref_slice %arg3[%dma_wait3A_87, %mul3A_47] : memref<2x320000xi32, #tpu.memory_space<hbm>> -> memref<2x128xi32, #tpu.memory_space<hbm>>
    %dma_wait3A_89 = tpu.memref_slice %arg12[%dma_wait3A_86] : memref<3x!tpu.dma_semaphore, #tpu.memory_space<semaphore_mem>> -> memref<1x!tpu.dma_semaphore, #tpu.memory_space<semaphore_mem>>
    %dma_wait3A_90 = tpu.memref_squeeze %dma_wait3A_89 : memref<1x!tpu.dma_semaphore, #tpu.memory_space<semaphore_mem>> -> memref<!tpu.dma_semaphore, #tpu.memory_space<semaphore_mem>>
    %dma_wait3A_91 = arith.constant 0 : i32
    %dma_wait3A_92 = tpu.memref_slice %arg3[%dma_wait3A_91, %mul3A_47] : memref<2x320000xi32, #tpu.memory_space<hbm>> -> memref<2x128xi32, #tpu.memory_space<hbm>>
    tpu.wait_dma2 semaphore(%dma_wait3A_90 : memref<!tpu.dma_semaphore, #tpu.memory_space<semaphore_mem>>) src(%dma_wait3A_92 : memref<2x128xi32, #tpu.memory_space<hbm>>) dst(%arg6 : memref<2x128xi32, #tpu.memory_space<vmem>>)
    %dma_start3A_93 = arith.constant 0 : i32
    %dma_start3A_94 = arith.constant 1 : i32
    %dma_start3A_95 = arith.constant 0 : i32
    %dma_start3A_96 = tpu.memref_slice %arg6[%dma_start3A_93, %dma_start3A_95] : memref<2x128xi32, #tpu.memory_space<vmem>> -> memref<1x128xi32, #tpu.memory_space<vmem>>
    %dma_start3A_97 = tpu.memref_squeeze %dma_start3A_96 : memref<1x128xi32, #tpu.memory_space<vmem>> -> memref<128xi32, #tpu.memory_space<vmem>>
    %dma_start3A_98 = arith.constant 0 : i32
    %dma_start3A_99 = arith.constant 0 : i32
    %dma_start3A_100 = tpu.memref_slice %arg2[%dma_start3A_98, %dma_start3A_99] : memref<10112x128xf32, #tpu.memory_space<hbm>> -> memref<10112x128xf32, #tpu.memory_space<hbm>>
    %dma_start3A_101 = tpu.memref_slice %arg13[%dma_start3A_94] : memref<3x!tpu.dma_semaphore, #tpu.memory_space<semaphore_mem>> -> memref<1x!tpu.dma_semaphore, #tpu.memory_space<semaphore_mem>>
    %dma_start3A_102 = tpu.memref_squeeze %dma_start3A_101 : memref<1x!tpu.dma_semaphore, #tpu.memory_space<semaphore_mem>> -> memref<!tpu.dma_semaphore, #tpu.memory_space<semaphore_mem>>
    tpu.enqueue_indirect_dma source(%dma_start3A_100 : memref<10112x128xf32, #tpu.memory_space<hbm>>) target(%arg9 : memref<128x128xf32, #tpu.memory_space<vmem>>) offsets(%dma_start3A_97 : memref<128xi32, #tpu.memory_space<vmem>>) semaphore(%dma_start3A_102 : memref<!tpu.dma_semaphore, #tpu.memory_space<semaphore_mem>>)
    %dma_wait3A_103 = arith.constant 2 : i32
    %dma_wait3A_104 = arith.constant 0 : i32
    %dma_wait3A_105 = tpu.memref_slice %arg3[%dma_wait3A_104, %mul3A_62] : memref<2x320000xi32, #tpu.memory_space<hbm>> -> memref<2x128xi32, #tpu.memory_space<hbm>>
    %dma_wait3A_106 = tpu.memref_slice %arg12[%dma_wait3A_103] : memref<3x!tpu.dma_semaphore, #tpu.memory_space<semaphore_mem>> -> memref<1x!tpu.dma_semaphore, #tpu.memory_space<semaphore_mem>>
    %dma_wait3A_107 = tpu.memref_squeeze %dma_wait3A_106 : memref<1x!tpu.dma_semaphore, #tpu.memory_space<semaphore_mem>> -> memref<!tpu.dma_semaphore, #tpu.memory_space<semaphore_mem>>
    %dma_wait3A_108 = arith.constant 0 : i32
    %dma_wait3A_109 = tpu.memref_slice %arg3[%dma_wait3A_108, %mul3A_62] : memref<2x320000xi32, #tpu.memory_space<hbm>> -> memref<2x128xi32, #tpu.memory_space<hbm>>
    tpu.wait_dma2 semaphore(%dma_wait3A_107 : memref<!tpu.dma_semaphore, #tpu.memory_space<semaphore_mem>>) src(%dma_wait3A_109 : memref<2x128xi32, #tpu.memory_space<hbm>>) dst(%arg7 : memref<2x128xi32, #tpu.memory_space<vmem>>)
    %dma_start3A_110 = arith.constant 0 : i32
    %dma_start3A_111 = arith.constant 2 : i32
    %dma_start3A_112 = arith.constant 0 : i32
    %dma_start3A_113 = tpu.memref_slice %arg7[%dma_start3A_110, %dma_start3A_112] : memref<2x128xi32, #tpu.memory_space<vmem>> -> memref<1x128xi32, #tpu.memory_space<vmem>>
    %dma_start3A_114 = tpu.memref_squeeze %dma_start3A_113 : memref<1x128xi32, #tpu.memory_space<vmem>> -> memref<128xi32, #tpu.memory_space<vmem>>
    %dma_start3A_115 = arith.constant 0 : i32
    %dma_start3A_116 = arith.constant 0 : i32
    %dma_start3A_117 = tpu.memref_slice %arg2[%dma_start3A_115, %dma_start3A_116] : memref<10112x128xf32, #tpu.memory_space<hbm>> -> memref<10112x128xf32, #tpu.memory_space<hbm>>
    %dma_start3A_118 = tpu.memref_slice %arg13[%dma_start3A_111] : memref<3x!tpu.dma_semaphore, #tpu.memory_space<semaphore_mem>> -> memref<1x!tpu.dma_semaphore, #tpu.memory_space<semaphore_mem>>
    %dma_start3A_119 = tpu.memref_squeeze %dma_start3A_118 : memref<1x!tpu.dma_semaphore, #tpu.memory_space<semaphore_mem>> -> memref<!tpu.dma_semaphore, #tpu.memory_space<semaphore_mem>>
    tpu.enqueue_indirect_dma source(%dma_start3A_117 : memref<10112x128xf32, #tpu.memory_space<hbm>>) target(%arg10 : memref<128x128xf32, #tpu.memory_space<vmem>>) offsets(%dma_start3A_114 : memref<128xi32, #tpu.memory_space<vmem>>) semaphore(%dma_start3A_119 : memref<!tpu.dma_semaphore, #tpu.memory_space<semaphore_mem>>)
    %dma_wait3A_120 = arith.constant 0 : i32
    %dma_wait3A_121 = arith.constant 0 : i32
    %dma_wait3A_122 = arith.constant 0 : i32
    %dma_wait3A_123 = tpu.memref_slice %arg5[%dma_wait3A_120, %dma_wait3A_122] : memref<2x128xi32, #tpu.memory_space<vmem>> -> memref<1x128xi32, #tpu.memory_space<vmem>>
    %dma_wait3A_124 = tpu.memref_squeeze %dma_wait3A_123 : memref<1x128xi32, #tpu.memory_space<vmem>> -> memref<128xi32, #tpu.memory_space<vmem>>
    %dma_wait3A_125 = arith.constant 0 : i32
    %dma_wait3A_126 = arith.constant 0 : i32
    %dma_wait3A_127 = tpu.memref_slice %arg2[%dma_wait3A_125, %dma_wait3A_126] : memref<10112x128xf32, #tpu.memory_space<hbm>> -> memref<10112x128xf32, #tpu.memory_space<hbm>>
    %dma_wait3A_128 = tpu.memref_slice %arg13[%dma_wait3A_121] : memref<3x!tpu.dma_semaphore, #tpu.memory_space<semaphore_mem>> -> memref<1x!tpu.dma_semaphore, #tpu.memory_space<semaphore_mem>>
    %dma_wait3A_129 = tpu.memref_squeeze %dma_wait3A_128 : memref<1x!tpu.dma_semaphore, #tpu.memory_space<semaphore_mem>> -> memref<!tpu.dma_semaphore, #tpu.memory_space<semaphore_mem>>
    tpu.wait_indirect_dma semaphore(%dma_wait3A_129 : memref<!tpu.dma_semaphore, #tpu.memory_space<semaphore_mem>>) src(%dma_wait3A_127 : memref<10112x128xf32, #tpu.memory_space<hbm>>) dst(%arg8 : memref<128x128xf32, #tpu.memory_space<vmem>>)
    %dma_start3A_130 = arith.constant 1 : i32
    %dma_start3A_131 = arith.constant 0 : i32
    %dma_start3A_132 = arith.constant 0 : i32
    %dma_start3A_133 = tpu.memref_slice %arg5[%dma_start3A_130, %dma_start3A_132] : memref<2x128xi32, #tpu.memory_space<vmem>> -> memref<1x128xi32, #tpu.memory_space<vmem>>
    %dma_start3A_134 = tpu.memref_squeeze %dma_start3A_133 : memref<1x128xi32, #tpu.memory_space<vmem>> -> memref<128xi32, #tpu.memory_space<vmem>>
    %dma_start3A_135 = arith.constant 0 : i32
    %dma_start3A_136 = arith.constant 0 : i32
    %dma_start3A_137 = tpu.memref_slice %arg11[%dma_start3A_135, %dma_start3A_136] : memref<10112x128xf32, #tpu.memory_space<vmem_shared>> -> memref<10112x128xf32, #tpu.memory_space<vmem_shared>>
    %dma_start3A_138 = tpu.memref_slice %arg14[%dma_start3A_131] : memref<3x!tpu.dma_semaphore, #tpu.memory_space<semaphore_mem>> -> memref<1x!tpu.dma_semaphore, #tpu.memory_space<semaphore_mem>>
    %dma_start3A_139 = tpu.memref_squeeze %dma_start3A_138 : memref<1x!tpu.dma_semaphore, #tpu.memory_space<semaphore_mem>> -> memref<!tpu.dma_semaphore, #tpu.memory_space<semaphore_mem>>
    tpu.enqueue_indirect_dma source(%arg8 : memref<128x128xf32, #tpu.memory_space<vmem>>) target(%dma_start3A_137 : memref<10112x128xf32, #tpu.memory_space<vmem_shared>>) offsets(%dma_start3A_134 : memref<128xi32, #tpu.memory_space<vmem>>) semaphore(%dma_start3A_139 : memref<!tpu.dma_semaphore, #tpu.memory_space<semaphore_mem>>) {add = true}
    %dma_wait3A_140 = arith.constant 0 : i32
    %dma_wait3A_141 = arith.constant 1 : i32
    %dma_wait3A_142 = arith.constant 0 : i32
    %dma_wait3A_143 = tpu.memref_slice %arg6[%dma_wait3A_140, %dma_wait3A_142] : memref<2x128xi32, #tpu.memory_space<vmem>> -> memref<1x128xi32, #tpu.memory_space<vmem>>
    %dma_wait3A_144 = tpu.memref_squeeze %dma_wait3A_143 : memref<1x128xi32, #tpu.memory_space<vmem>> -> memref<128xi32, #tpu.memory_space<vmem>>
    %dma_wait3A_145 = arith.constant 0 : i32
    %dma_wait3A_146 = arith.constant 0 : i32
    %dma_wait3A_147 = tpu.memref_slice %arg2[%dma_wait3A_145, %dma_wait3A_146] : memref<10112x128xf32, #tpu.memory_space<hbm>> -> memref<10112x128xf32, #tpu.memory_space<hbm>>
    %dma_wait3A_148 = tpu.memref_slice %arg13[%dma_wait3A_141] : memref<3x!tpu.dma_semaphore, #tpu.memory_space<semaphore_mem>> -> memref<1x!tpu.dma_semaphore, #tpu.memory_space<semaphore_mem>>
    %dma_wait3A_149 = tpu.memref_squeeze %dma_wait3A_148 : memref<1x!tpu.dma_semaphore, #tpu.memory_space<semaphore_mem>> -> memref<!tpu.dma_semaphore, #tpu.memory_space<semaphore_mem>>
    tpu.wait_indirect_dma semaphore(%dma_wait3A_149 : memref<!tpu.dma_semaphore, #tpu.memory_space<semaphore_mem>>) src(%dma_wait3A_147 : memref<10112x128xf32, #tpu.memory_space<hbm>>) dst(%arg9 : memref<128x128xf32, #tpu.memory_space<vmem>>)
    %dma_start3A_150 = arith.constant 1 : i32
    %dma_start3A_151 = arith.constant 1 : i32
    %dma_start3A_152 = arith.constant 0 : i32
    %dma_start3A_153 = tpu.memref_slice %arg6[%dma_start3A_150, %dma_start3A_152] : memref<2x128xi32, #tpu.memory_space<vmem>> -> memref<1x128xi32, #tpu.memory_space<vmem>>
    %dma_start3A_154 = tpu.memref_squeeze %dma_start3A_153 : memref<1x128xi32, #tpu.memory_space<vmem>> -> memref<128xi32, #tpu.memory_space<vmem>>
    %dma_start3A_155 = arith.constant 0 : i32
    %dma_start3A_156 = arith.constant 0 : i32
    %dma_start3A_157 = tpu.memref_slice %arg11[%dma_start3A_155, %dma_start3A_156] : memref<10112x128xf32, #tpu.memory_space<vmem_shared>> -> memref<10112x128xf32, #tpu.memory_space<vmem_shared>>
    %dma_start3A_158 = tpu.memref_slice %arg14[%dma_start3A_151] : memref<3x!tpu.dma_semaphore, #tpu.memory_space<semaphore_mem>> -> memref<1x!tpu.dma_semaphore, #tpu.memory_space<semaphore_mem>>
    %dma_start3A_159 = tpu.memref_squeeze %dma_start3A_158 : memref<1x!tpu.dma_semaphore, #tpu.memory_space<semaphore_mem>> -> memref<!tpu.dma_semaphore, #tpu.memory_space<semaphore_mem>>
    tpu.enqueue_indirect_dma source(%arg9 : memref<128x128xf32, #tpu.memory_space<vmem>>) target(%dma_start3A_157 : memref<10112x128xf32, #tpu.memory_space<vmem_shared>>) offsets(%dma_start3A_154 : memref<128xi32, #tpu.memory_space<vmem>>) semaphore(%dma_start3A_159 : memref<!tpu.dma_semaphore, #tpu.memory_space<semaphore_mem>>) {add = true}
    %dma_wait3A_160 = arith.constant 0 : i32
    %dma_wait3A_161 = arith.constant 2 : i32
    %dma_wait3A_162 = arith.constant 0 : i32
    %dma_wait3A_163 = tpu.memref_slice %arg7[%dma_wait3A_160, %dma_wait3A_162] : memref<2x128xi32, #tpu.memory_space<vmem>> -> memref<1x128xi32, #tpu.memory_space<vmem>>
    %dma_wait3A_164 = tpu.memref_squeeze %dma_wait3A_163 : memref<1x128xi32, #tpu.memory_space<vmem>> -> memref<128xi32, #tpu.memory_space<vmem>>
    %dma_wait3A_165 = arith.constant 0 : i32
    %dma_wait3A_166 = arith.constant 0 : i32
    %dma_wait3A_167 = tpu.memref_slice %arg2[%dma_wait3A_165, %dma_wait3A_166] : memref<10112x128xf32, #tpu.memory_space<hbm>> -> memref<10112x128xf32, #tpu.memory_space<hbm>>
    %dma_wait3A_168 = tpu.memref_slice %arg13[%dma_wait3A_161] : memref<3x!tpu.dma_semaphore, #tpu.memory_space<semaphore_mem>> -> memref<1x!tpu.dma_semaphore, #tpu.memory_space<semaphore_mem>>
    %dma_wait3A_169 = tpu.memref_squeeze %dma_wait3A_168 : memref<1x!tpu.dma_semaphore, #tpu.memory_space<semaphore_mem>> -> memref<!tpu.dma_semaphore, #tpu.memory_space<semaphore_mem>>
    tpu.wait_indirect_dma semaphore(%dma_wait3A_169 : memref<!tpu.dma_semaphore, #tpu.memory_space<semaphore_mem>>) src(%dma_wait3A_167 : memref<10112x128xf32, #tpu.memory_space<hbm>>) dst(%arg10 : memref<128x128xf32, #tpu.memory_space<vmem>>)
    %dma_start3A_170 = arith.constant 1 : i32
    %dma_start3A_171 = arith.constant 2 : i32
    %dma_start3A_172 = arith.constant 0 : i32
    %dma_start3A_173 = tpu.memref_slice %arg7[%dma_start3A_170, %dma_start3A_172] : memref<2x128xi32, #tpu.memory_space<vmem>> -> memref<1x128xi32, #tpu.memory_space<vmem>>
    %dma_start3A_174 = tpu.memref_squeeze %dma_start3A_173 : memref<1x128xi32, #tpu.memory_space<vmem>> -> memref<128xi32, #tpu.memory_space<vmem>>
    %dma_start3A_175 = arith.constant 0 : i32
    %dma_start3A_176 = arith.constant 0 : i32
    %dma_start3A_177 = tpu.memref_slice %arg11[%dma_start3A_175, %dma_start3A_176] : memref<10112x128xf32, #tpu.memory_space<vmem_shared>> -> memref<10112x128xf32, #tpu.memory_space<vmem_shared>>
    %dma_start3A_178 = tpu.memref_slice %arg14[%dma_start3A_171] : memref<3x!tpu.dma_semaphore, #tpu.memory_space<semaphore_mem>> -> memref<1x!tpu.dma_semaphore, #tpu.memory_space<semaphore_mem>>
    %dma_start3A_179 = tpu.memref_squeeze %dma_start3A_178 : memref<1x!tpu.dma_semaphore, #tpu.memory_space<semaphore_mem>> -> memref<!tpu.dma_semaphore, #tpu.memory_space<semaphore_mem>>
    tpu.enqueue_indirect_dma source(%arg10 : memref<128x128xf32, #tpu.memory_space<vmem>>) target(%dma_start3A_177 : memref<10112x128xf32, #tpu.memory_space<vmem_shared>>) offsets(%dma_start3A_174 : memref<128xi32, #tpu.memory_space<vmem>>) semaphore(%dma_start3A_179 : memref<!tpu.dma_semaphore, #tpu.memory_space<semaphore_mem>>) {add = true}
    %scan3A_180 = arith.constant 0 : i32
    %scan3A_181 = arith.constant 1 : i32
    %scan3A_182 = arith.constant 25 : i32
    %scan3A_183 = arith.addi %scan3A_181, %scan3A_182 : i32
    %scan3A_184 = arith.constant 1 : i32
    scf.for %scan3A_384 = %scan3A_181 to %scan3A_183 step %scan3A_184  : i32 {
      %gt3A = arith.constant 0 : i32
      %gt3A_385 = arith.cmpi sgt, %scan3A_384, %gt3A : i32
      %convert_element_type3A_386 = arith.extui %gt3A_385 : i1 to i32
      %cond3A_387 = arith.constant 0 : i32
      %cond3A_388 = arith.cmpi ne, %convert_element_type3A_386, %cond3A_387 : i32
      scf.if %cond3A_388 {
        %dma_wait3A_558 = arith.constant 1 : i32
        %dma_wait3A_559 = arith.constant 0 : i32
        %dma_wait3A_560 = arith.constant 0 : i32
        %dma_wait3A_561 = tpu.memref_slice %arg5[%dma_wait3A_558, %dma_wait3A_560] : memref<2x128xi32, #tpu.memory_space<vmem>> -> memref<1x128xi32, #tpu.memory_space<vmem>>
        %dma_wait3A_562 = tpu.memref_squeeze %dma_wait3A_561 : memref<1x128xi32, #tpu.memory_space<vmem>> -> memref<128xi32, #tpu.memory_space<vmem>>
        %dma_wait3A_563 = arith.constant 0 : i32
        %dma_wait3A_564 = arith.constant 0 : i32
        %dma_wait3A_565 = tpu.memref_slice %arg11[%dma_wait3A_563, %dma_wait3A_564] : memref<10112x128xf32, #tpu.memory_space<vmem_shared>> -> memref<10112x128xf32, #tpu.memory_space<vmem_shared>>
        %dma_wait3A_566 = tpu.memref_slice %arg14[%dma_wait3A_559] : memref<3x!tpu.dma_semaphore, #tpu.memory_space<semaphore_mem>> -> memref<1x!tpu.dma_semaphore, #tpu.memory_space<semaphore_mem>>
        %dma_wait3A_567 = tpu.memref_squeeze %dma_wait3A_566 : memref<1x!tpu.dma_semaphore, #tpu.memory_space<semaphore_mem>> -> memref<!tpu.dma_semaphore, #tpu.memory_space<semaphore_mem>>
        tpu.wait_indirect_dma semaphore(%dma_wait3A_567 : memref<!tpu.dma_semaphore, #tpu.memory_space<semaphore_mem>>) src(%arg8 : memref<128x128xf32, #tpu.memory_space<vmem>>) dst(%dma_wait3A_565 : memref<10112x128xf32, #tpu.memory_space<vmem_shared>>)
      } else {
      }
      %mul3A_389 = arith.constant 78 : i32
      %mul3A_390 = arith.muli %add3A, %mul3A_389 : i32
      %mul3A_391 = arith.constant 3 : i32
      %mul3A_392 = arith.muli %scan3A_384, %mul3A_391 : i32
      %add3A_393 = arith.addi %mul3A_390, %mul3A_392 : i32
      %add3A_394 = arith.constant 0 : i32
      %add3A_395 = arith.addi %add3A_393, %add3A_394 : i32
      %mul3A_396 = arith.constant 128 : i32
      %mul3A_397 = arith.muli %add3A_395, %mul3A_396 : i32
      %dma_start3A_398 = arith.constant 0 : i32
      %dma_start3A_399 = arith.constant 0 : i32
      %dma_start3A_400 = tpu.memref_slice %arg3[%dma_start3A_399, %mul3A_397] : memref<2x320000xi32, #tpu.memory_space<hbm>> -> memref<2x128xi32, #tpu.memory_space<hbm>>
      %dma_start3A_401 = tpu.memref_slice %arg12[%dma_start3A_398] : memref<3x!tpu.dma_semaphore, #tpu.memory_space<semaphore_mem>> -> memref<1x!tpu.dma_semaphore, #tpu.memory_space<semaphore_mem>>
      %dma_start3A_402 = tpu.memref_squeeze %dma_start3A_401 : memref<1x!tpu.dma_semaphore, #tpu.memory_space<semaphore_mem>> -> memref<!tpu.dma_semaphore, #tpu.memory_space<semaphore_mem>>
      %dma_start3A_403 = arith.constant 0 : i32
      %dma_start3A_404 = tpu.memref_slice %arg3[%dma_start3A_403, %mul3A_397] : memref<2x320000xi32, #tpu.memory_space<hbm>> -> memref<2x128xi32, #tpu.memory_space<hbm>>
      tpu.enqueue_dma source(%dma_start3A_404 : memref<2x128xi32, #tpu.memory_space<hbm>>) target(%arg5 : memref<2x128xi32, #tpu.memory_space<vmem>>) target_semaphore(%dma_start3A_402 : memref<!tpu.dma_semaphore, #tpu.memory_space<semaphore_mem>>)
      %gt3A_405 = arith.constant 0 : i32
      %gt3A_406 = arith.cmpi sgt, %scan3A_384, %gt3A_405 : i32
      %convert_element_type3A_407 = arith.extui %gt3A_406 : i1 to i32
      %cond3A_408 = arith.constant 0 : i32
      %cond3A_409 = arith.cmpi ne, %convert_element_type3A_407, %cond3A_408 : i32
      scf.if %cond3A_409 {
        %dma_wait3A_558 = arith.constant 1 : i32
        %dma_wait3A_559 = arith.constant 1 : i32
        %dma_wait3A_560 = arith.constant 0 : i32
        %dma_wait3A_561 = tpu.memref_slice %arg6[%dma_wait3A_558, %dma_wait3A_560] : memref<2x128xi32, #tpu.memory_space<vmem>> -> memref<1x128xi32, #tpu.memory_space<vmem>>
        %dma_wait3A_562 = tpu.memref_squeeze %dma_wait3A_561 : memref<1x128xi32, #tpu.memory_space<vmem>> -> memref<128xi32, #tpu.memory_space<vmem>>
        %dma_wait3A_563 = arith.constant 0 : i32
        %dma_wait3A_564 = arith.constant 0 : i32
        %dma_wait3A_565 = tpu.memref_slice %arg11[%dma_wait3A_563, %dma_wait3A_564] : memref<10112x128xf32, #tpu.memory_space<vmem_shared>> -> memref<10112x128xf32, #tpu.memory_space<vmem_shared>>
        %dma_wait3A_566 = tpu.memref_slice %arg14[%dma_wait3A_559] : memref<3x!tpu.dma_semaphore, #tpu.memory_space<semaphore_mem>> -> memref<1x!tpu.dma_semaphore, #tpu.memory_space<semaphore_mem>>
        %dma_wait3A_567 = tpu.memref_squeeze %dma_wait3A_566 : memref<1x!tpu.dma_semaphore, #tpu.memory_space<semaphore_mem>> -> memref<!tpu.dma_semaphore, #tpu.memory_space<semaphore_mem>>
        tpu.wait_indirect_dma semaphore(%dma_wait3A_567 : memref<!tpu.dma_semaphore, #tpu.memory_space<semaphore_mem>>) src(%arg9 : memref<128x128xf32, #tpu.memory_space<vmem>>) dst(%dma_wait3A_565 : memref<10112x128xf32, #tpu.memory_space<vmem_shared>>)
      } else {
      }
      %mul3A_410 = arith.constant 78 : i32
      %mul3A_411 = arith.muli %add3A, %mul3A_410 : i32
      %mul3A_412 = arith.constant 3 : i32
      %mul3A_413 = arith.muli %scan3A_384, %mul3A_412 : i32
      %add3A_414 = arith.addi %mul3A_411, %mul3A_413 : i32
      %add3A_415 = arith.constant 1 : i32
      %add3A_416 = arith.addi %add3A_414, %add3A_415 : i32
      %mul3A_417 = arith.constant 128 : i32
      %mul3A_418 = arith.muli %add3A_416, %mul3A_417 : i32
      %dma_start3A_419 = arith.constant 1 : i32
      %dma_start3A_420 = arith.constant 0 : i32
      %dma_start3A_421 = tpu.memref_slice %arg3[%dma_start3A_420, %mul3A_418] : memref<2x320000xi32, #tpu.memory_space<hbm>> -> memref<2x128xi32, #tpu.memory_space<hbm>>
      %dma_start3A_422 = tpu.memref_slice %arg12[%dma_start3A_419] : memref<3x!tpu.dma_semaphore, #tpu.memory_space<semaphore_mem>> -> memref<1x!tpu.dma_semaphore, #tpu.memory_space<semaphore_mem>>
      %dma_start3A_423 = tpu.memref_squeeze %dma_start3A_422 : memref<1x!tpu.dma_semaphore, #tpu.memory_space<semaphore_mem>> -> memref<!tpu.dma_semaphore, #tpu.memory_space<semaphore_mem>>
      %dma_start3A_424 = arith.constant 0 : i32
      %dma_start3A_425 = tpu.memref_slice %arg3[%dma_start3A_424, %mul3A_418] : memref<2x320000xi32, #tpu.memory_space<hbm>> -> memref<2x128xi32, #tpu.memory_space<hbm>>
      tpu.enqueue_dma source(%dma_start3A_425 : memref<2x128xi32, #tpu.memory_space<hbm>>) target(%arg6 : memref<2x128xi32, #tpu.memory_space<vmem>>) target_semaphore(%dma_start3A_423 : memref<!tpu.dma_semaphore, #tpu.memory_space<semaphore_mem>>)
      %gt3A_426 = arith.constant 0 : i32
      %gt3A_427 = arith.cmpi sgt, %scan3A_384, %gt3A_426 : i32
      %convert_element_type3A_428 = arith.extui %gt3A_427 : i1 to i32
      %cond3A_429 = arith.constant 0 : i32
      %cond3A_430 = arith.cmpi ne, %convert_element_type3A_428, %cond3A_429 : i32
      scf.if %cond3A_430 {
        %dma_wait3A_558 = arith.constant 1 : i32
        %dma_wait3A_559 = arith.constant 2 : i32
        %dma_wait3A_560 = arith.constant 0 : i32
        %dma_wait3A_561 = tpu.memref_slice %arg7[%dma_wait3A_558, %dma_wait3A_560] : memref<2x128xi32, #tpu.memory_space<vmem>> -> memref<1x128xi32, #tpu.memory_space<vmem>>
        %dma_wait3A_562 = tpu.memref_squeeze %dma_wait3A_561 : memref<1x128xi32, #tpu.memory_space<vmem>> -> memref<128xi32, #tpu.memory_space<vmem>>
        %dma_wait3A_563 = arith.constant 0 : i32
        %dma_wait3A_564 = arith.constant 0 : i32
        %dma_wait3A_565 = tpu.memref_slice %arg11[%dma_wait3A_563, %dma_wait3A_564] : memref<10112x128xf32, #tpu.memory_space<vmem_shared>> -> memref<10112x128xf32, #tpu.memory_space<vmem_shared>>
        %dma_wait3A_566 = tpu.memref_slice %arg14[%dma_wait3A_559] : memref<3x!tpu.dma_semaphore, #tpu.memory_space<semaphore_mem>> -> memref<1x!tpu.dma_semaphore, #tpu.memory_space<semaphore_mem>>
        %dma_wait3A_567 = tpu.memref_squeeze %dma_wait3A_566 : memref<1x!tpu.dma_semaphore, #tpu.memory_space<semaphore_mem>> -> memref<!tpu.dma_semaphore, #tpu.memory_space<semaphore_mem>>
        tpu.wait_indirect_dma semaphore(%dma_wait3A_567 : memref<!tpu.dma_semaphore, #tpu.memory_space<semaphore_mem>>) src(%arg10 : memref<128x128xf32, #tpu.memory_space<vmem>>) dst(%dma_wait3A_565 : memref<10112x128xf32, #tpu.memory_space<vmem_shared>>)
      } else {
      }
      %mul3A_431 = arith.constant 78 : i32
      %mul3A_432 = arith.muli %add3A, %mul3A_431 : i32
      %mul3A_433 = arith.constant 3 : i32
      %mul3A_434 = arith.muli %scan3A_384, %mul3A_433 : i32
      %add3A_435 = arith.addi %mul3A_432, %mul3A_434 : i32
      %add3A_436 = arith.constant 2 : i32
      %add3A_437 = arith.addi %add3A_435, %add3A_436 : i32
      %mul3A_438 = arith.constant 128 : i32
      %mul3A_439 = arith.muli %add3A_437, %mul3A_438 : i32
      %dma_start3A_440 = arith.constant 2 : i32
      %dma_start3A_441 = arith.constant 0 : i32
      %dma_start3A_442 = tpu.memref_slice %arg3[%dma_start3A_441, %mul3A_439] : memref<2x320000xi32, #tpu.memory_space<hbm>> -> memref<2x128xi32, #tpu.memory_space<hbm>>
      %dma_start3A_443 = tpu.memref_slice %arg12[%dma_start3A_440] : memref<3x!tpu.dma_semaphore, #tpu.memory_space<semaphore_mem>> -> memref<1x!tpu.dma_semaphore, #tpu.memory_space<semaphore_mem>>
      %dma_start3A_444 = tpu.memref_squeeze %dma_start3A_443 : memref<1x!tpu.dma_semaphore, #tpu.memory_space<semaphore_mem>> -> memref<!tpu.dma_semaphore, #tpu.memory_space<semaphore_mem>>
      %dma_start3A_445 = arith.constant 0 : i32
      %dma_start3A_446 = tpu.memref_slice %arg3[%dma_start3A_445, %mul3A_439] : memref<2x320000xi32, #tpu.memory_space<hbm>> -> memref<2x128xi32, #tpu.memory_space<hbm>>
      tpu.enqueue_dma source(%dma_start3A_446 : memref<2x128xi32, #tpu.memory_space<hbm>>) target(%arg7 : memref<2x128xi32, #tpu.memory_space<vmem>>) target_semaphore(%dma_start3A_444 : memref<!tpu.dma_semaphore, #tpu.memory_space<semaphore_mem>>)
      %dma_wait3A_447 = arith.constant 0 : i32
      %dma_wait3A_448 = arith.constant 0 : i32
      %dma_wait3A_449 = tpu.memref_slice %arg3[%dma_wait3A_448, %mul3A_397] : memref<2x320000xi32, #tpu.memory_space<hbm>> -> memref<2x128xi32, #tpu.memory_space<hbm>>
      %dma_wait3A_450 = tpu.memref_slice %arg12[%dma_wait3A_447] : memref<3x!tpu.dma_semaphore, #tpu.memory_space<semaphore_mem>> -> memref<1x!tpu.dma_semaphore, #tpu.memory_space<semaphore_mem>>
      %dma_wait3A_451 = tpu.memref_squeeze %dma_wait3A_450 : memref<1x!tpu.dma_semaphore, #tpu.memory_space<semaphore_mem>> -> memref<!tpu.dma_semaphore, #tpu.memory_space<semaphore_mem>>
      %dma_wait3A_452 = arith.constant 0 : i32
      %dma_wait3A_453 = tpu.memref_slice %arg3[%dma_wait3A_452, %mul3A_397] : memref<2x320000xi32, #tpu.memory_space<hbm>> -> memref<2x128xi32, #tpu.memory_space<hbm>>
      tpu.wait_dma2 semaphore(%dma_wait3A_451 : memref<!tpu.dma_semaphore, #tpu.memory_space<semaphore_mem>>) src(%dma_wait3A_453 : memref<2x128xi32, #tpu.memory_space<hbm>>) dst(%arg5 : memref<2x128xi32, #tpu.memory_space<vmem>>)
      %dma_start3A_454 = arith.constant 0 : i32
      %dma_start3A_455 = arith.constant 0 : i32
      %dma_start3A_456 = arith.constant 0 : i32
      %dma_start3A_457 = tpu.memref_slice %arg5[%dma_start3A_454, %dma_start3A_456] : memref<2x128xi32, #tpu.memory_space<vmem>> -> memref<1x128xi32, #tpu.memory_space<vmem>>
      %dma_start3A_458 = tpu.memref_squeeze %dma_start3A_457 : memref<1x128xi32, #tpu.memory_space<vmem>> -> memref<128xi32, #tpu.memory_space<vmem>>
      %dma_start3A_459 = arith.constant 0 : i32
      %dma_start3A_460 = arith.constant 0 : i32
      %dma_start3A_461 = tpu.memref_slice %arg2[%dma_start3A_459, %dma_start3A_460] : memref<10112x128xf32, #tpu.memory_space<hbm>> -> memref<10112x128xf32, #tpu.memory_space<hbm>>
      %dma_start3A_462 = tpu.memref_slice %arg13[%dma_start3A_455] : memref<3x!tpu.dma_semaphore, #tpu.memory_space<semaphore_mem>> -> memref<1x!tpu.dma_semaphore, #tpu.memory_space<semaphore_mem>>
      %dma_start3A_463 = tpu.memref_squeeze %dma_start3A_462 : memref<1x!tpu.dma_semaphore, #tpu.memory_space<semaphore_mem>> -> memref<!tpu.dma_semaphore, #tpu.memory_space<semaphore_mem>>
      tpu.enqueue_indirect_dma source(%dma_start3A_461 : memref<10112x128xf32, #tpu.memory_space<hbm>>) target(%arg8 : memref<128x128xf32, #tpu.memory_space<vmem>>) offsets(%dma_start3A_458 : memref<128xi32, #tpu.memory_space<vmem>>) semaphore(%dma_start3A_463 : memref<!tpu.dma_semaphore, #tpu.memory_space<semaphore_mem>>)
      %dma_wait3A_464 = arith.constant 1 : i32
      %dma_wait3A_465 = arith.constant 0 : i32
      %dma_wait3A_466 = tpu.memref_slice %arg3[%dma_wait3A_465, %mul3A_418] : memref<2x320000xi32, #tpu.memory_space<hbm>> -> memref<2x128xi32, #tpu.memory_space<hbm>>
      %dma_wait3A_467 = tpu.memref_slice %arg12[%dma_wait3A_464] : memref<3x!tpu.dma_semaphore, #tpu.memory_space<semaphore_mem>> -> memref<1x!tpu.dma_semaphore, #tpu.memory_space<semaphore_mem>>
      %dma_wait3A_468 = tpu.memref_squeeze %dma_wait3A_467 : memref<1x!tpu.dma_semaphore, #tpu.memory_space<semaphore_mem>> -> memref<!tpu.dma_semaphore, #tpu.memory_space<semaphore_mem>>
      %dma_wait3A_469 = arith.constant 0 : i32
      %dma_wait3A_470 = tpu.memref_slice %arg3[%dma_wait3A_469, %mul3A_418] : memref<2x320000xi32, #tpu.memory_space<hbm>> -> memref<2x128xi32, #tpu.memory_space<hbm>>
      tpu.wait_dma2 semaphore(%dma_wait3A_468 : memref<!tpu.dma_semaphore, #tpu.memory_space<semaphore_mem>>) src(%dma_wait3A_470 : memref<2x128xi32, #tpu.memory_space<hbm>>) dst(%arg6 : memref<2x128xi32, #tpu.memory_space<vmem>>)
      %dma_start3A_471 = arith.constant 0 : i32
      %dma_start3A_472 = arith.constant 1 : i32
      %dma_start3A_473 = arith.constant 0 : i32
      %dma_start3A_474 = tpu.memref_slice %arg6[%dma_start3A_471, %dma_start3A_473] : memref<2x128xi32, #tpu.memory_space<vmem>> -> memref<1x128xi32, #tpu.memory_space<vmem>>
      %dma_start3A_475 = tpu.memref_squeeze %dma_start3A_474 : memref<1x128xi32, #tpu.memory_space<vmem>> -> memref<128xi32, #tpu.memory_space<vmem>>
      %dma_start3A_476 = arith.constant 0 : i32
      %dma_start3A_477 = arith.constant 0 : i32
      %dma_start3A_478 = tpu.memref_slice %arg2[%dma_start3A_476, %dma_start3A_477] : memref<10112x128xf32, #tpu.memory_space<hbm>> -> memref<10112x128xf32, #tpu.memory_space<hbm>>
      %dma_start3A_479 = tpu.memref_slice %arg13[%dma_start3A_472] : memref<3x!tpu.dma_semaphore, #tpu.memory_space<semaphore_mem>> -> memref<1x!tpu.dma_semaphore, #tpu.memory_space<semaphore_mem>>
      %dma_start3A_480 = tpu.memref_squeeze %dma_start3A_479 : memref<1x!tpu.dma_semaphore, #tpu.memory_space<semaphore_mem>> -> memref<!tpu.dma_semaphore, #tpu.memory_space<semaphore_mem>>
      tpu.enqueue_indirect_dma source(%dma_start3A_478 : memref<10112x128xf32, #tpu.memory_space<hbm>>) target(%arg9 : memref<128x128xf32, #tpu.memory_space<vmem>>) offsets(%dma_start3A_475 : memref<128xi32, #tpu.memory_space<vmem>>) semaphore(%dma_start3A_480 : memref<!tpu.dma_semaphore, #tpu.memory_space<semaphore_mem>>)
      %dma_wait3A_481 = arith.constant 2 : i32
      %dma_wait3A_482 = arith.constant 0 : i32
      %dma_wait3A_483 = tpu.memref_slice %arg3[%dma_wait3A_482, %mul3A_439] : memref<2x320000xi32, #tpu.memory_space<hbm>> -> memref<2x128xi32, #tpu.memory_space<hbm>>
      %dma_wait3A_484 = tpu.memref_slice %arg12[%dma_wait3A_481] : memref<3x!tpu.dma_semaphore, #tpu.memory_space<semaphore_mem>> -> memref<1x!tpu.dma_semaphore, #tpu.memory_space<semaphore_mem>>
      %dma_wait3A_485 = tpu.memref_squeeze %dma_wait3A_484 : memref<1x!tpu.dma_semaphore, #tpu.memory_space<semaphore_mem>> -> memref<!tpu.dma_semaphore, #tpu.memory_space<semaphore_mem>>
      %dma_wait3A_486 = arith.constant 0 : i32
      %dma_wait3A_487 = tpu.memref_slice %arg3[%dma_wait3A_486, %mul3A_439] : memref<2x320000xi32, #tpu.memory_space<hbm>> -> memref<2x128xi32, #tpu.memory_space<hbm>>
      tpu.wait_dma2 semaphore(%dma_wait3A_485 : memref<!tpu.dma_semaphore, #tpu.memory_space<semaphore_mem>>) src(%dma_wait3A_487 : memref<2x128xi32, #tpu.memory_space<hbm>>) dst(%arg7 : memref<2x128xi32, #tpu.memory_space<vmem>>)
      %dma_start3A_488 = arith.constant 0 : i32
      %dma_start3A_489 = arith.constant 2 : i32
      %dma_start3A_490 = arith.constant 0 : i32
      %dma_start3A_491 = tpu.memref_slice %arg7[%dma_start3A_488, %dma_start3A_490] : memref<2x128xi32, #tpu.memory_space<vmem>> -> memref<1x128xi32, #tpu.memory_space<vmem>>
      %dma_start3A_492 = tpu.memref_squeeze %dma_start3A_491 : memref<1x128xi32, #tpu.memory_space<vmem>> -> memref<128xi32, #tpu.memory_space<vmem>>
      %dma_start3A_493 = arith.constant 0 : i32
      %dma_start3A_494 = arith.constant 0 : i32
      %dma_start3A_495 = tpu.memref_slice %arg2[%dma_start3A_493, %dma_start3A_494] : memref<10112x128xf32, #tpu.memory_space<hbm>> -> memref<10112x128xf32, #tpu.memory_space<hbm>>
      %dma_start3A_496 = tpu.memref_slice %arg13[%dma_start3A_489] : memref<3x!tpu.dma_semaphore, #tpu.memory_space<semaphore_mem>> -> memref<1x!tpu.dma_semaphore, #tpu.memory_space<semaphore_mem>>
      %dma_start3A_497 = tpu.memref_squeeze %dma_start3A_496 : memref<1x!tpu.dma_semaphore, #tpu.memory_space<semaphore_mem>> -> memref<!tpu.dma_semaphore, #tpu.memory_space<semaphore_mem>>
      tpu.enqueue_indirect_dma source(%dma_start3A_495 : memref<10112x128xf32, #tpu.memory_space<hbm>>) target(%arg10 : memref<128x128xf32, #tpu.memory_space<vmem>>) offsets(%dma_start3A_492 : memref<128xi32, #tpu.memory_space<vmem>>) semaphore(%dma_start3A_497 : memref<!tpu.dma_semaphore, #tpu.memory_space<semaphore_mem>>)
      %dma_wait3A_498 = arith.constant 0 : i32
      %dma_wait3A_499 = arith.constant 0 : i32
      %dma_wait3A_500 = arith.constant 0 : i32
      %dma_wait3A_501 = tpu.memref_slice %arg5[%dma_wait3A_498, %dma_wait3A_500] : memref<2x128xi32, #tpu.memory_space<vmem>> -> memref<1x128xi32, #tpu.memory_space<vmem>>
      %dma_wait3A_502 = tpu.memref_squeeze %dma_wait3A_501 : memref<1x128xi32, #tpu.memory_space<vmem>> -> memref<128xi32, #tpu.memory_space<vmem>>
      %dma_wait3A_503 = arith.constant 0 : i32
      %dma_wait3A_504 = arith.constant 0 : i32
      %dma_wait3A_505 = tpu.memref_slice %arg2[%dma_wait3A_503, %dma_wait3A_504] : memref<10112x128xf32, #tpu.memory_space<hbm>> -> memref<10112x128xf32, #tpu.memory_space<hbm>>
      %dma_wait3A_506 = tpu.memref_slice %arg13[%dma_wait3A_499] : memref<3x!tpu.dma_semaphore, #tpu.memory_space<semaphore_mem>> -> memref<1x!tpu.dma_semaphore, #tpu.memory_space<semaphore_mem>>
      %dma_wait3A_507 = tpu.memref_squeeze %dma_wait3A_506 : memref<1x!tpu.dma_semaphore, #tpu.memory_space<semaphore_mem>> -> memref<!tpu.dma_semaphore, #tpu.memory_space<semaphore_mem>>
      tpu.wait_indirect_dma semaphore(%dma_wait3A_507 : memref<!tpu.dma_semaphore, #tpu.memory_space<semaphore_mem>>) src(%dma_wait3A_505 : memref<10112x128xf32, #tpu.memory_space<hbm>>) dst(%arg8 : memref<128x128xf32, #tpu.memory_space<vmem>>)
      %dma_start3A_508 = arith.constant 1 : i32
      %dma_start3A_509 = arith.constant 0 : i32
      %dma_start3A_510 = arith.constant 0 : i32
      %dma_start3A_511 = tpu.memref_slice %arg5[%dma_start3A_508, %dma_start3A_510] : memref<2x128xi32, #tpu.memory_space<vmem>> -> memref<1x128xi32, #tpu.memory_space<vmem>>
      %dma_start3A_512 = tpu.memref_squeeze %dma_start3A_511 : memref<1x128xi32, #tpu.memory_space<vmem>> -> memref<128xi32, #tpu.memory_space<vmem>>
      %dma_start3A_513 = arith.constant 0 : i32
      %dma_start3A_514 = arith.constant 0 : i32
      %dma_start3A_515 = tpu.memref_slice %arg11[%dma_start3A_513, %dma_start3A_514] : memref<10112x128xf32, #tpu.memory_space<vmem_shared>> -> memref<10112x128xf32, #tpu.memory_space<vmem_shared>>
      %dma_start3A_516 = tpu.memref_slice %arg14[%dma_start3A_509] : memref<3x!tpu.dma_semaphore, #tpu.memory_space<semaphore_mem>> -> memref<1x!tpu.dma_semaphore, #tpu.memory_space<semaphore_mem>>
      %dma_start3A_517 = tpu.memref_squeeze %dma_start3A_516 : memref<1x!tpu.dma_semaphore, #tpu.memory_space<semaphore_mem>> -> memref<!tpu.dma_semaphore, #tpu.memory_space<semaphore_mem>>
      tpu.enqueue_indirect_dma source(%arg8 : memref<128x128xf32, #tpu.memory_space<vmem>>) target(%dma_start3A_515 : memref<10112x128xf32, #tpu.memory_space<vmem_shared>>) offsets(%dma_start3A_512 : memref<128xi32, #tpu.memory_space<vmem>>) semaphore(%dma_start3A_517 : memref<!tpu.dma_semaphore, #tpu.memory_space<semaphore_mem>>) {add = true}
      %dma_wait3A_518 = arith.constant 0 : i32
      %dma_wait3A_519 = arith.constant 1 : i32
      %dma_wait3A_520 = arith.constant 0 : i32
      %dma_wait3A_521 = tpu.memref_slice %arg6[%dma_wait3A_518, %dma_wait3A_520] : memref<2x128xi32, #tpu.memory_space<vmem>> -> memref<1x128xi32, #tpu.memory_space<vmem>>
      %dma_wait3A_522 = tpu.memref_squeeze %dma_wait3A_521 : memref<1x128xi32, #tpu.memory_space<vmem>> -> memref<128xi32, #tpu.memory_space<vmem>>
      %dma_wait3A_523 = arith.constant 0 : i32
      %dma_wait3A_524 = arith.constant 0 : i32
      %dma_wait3A_525 = tpu.memref_slice %arg2[%dma_wait3A_523, %dma_wait3A_524] : memref<10112x128xf32, #tpu.memory_space<hbm>> -> memref<10112x128xf32, #tpu.memory_space<hbm>>
      %dma_wait3A_526 = tpu.memref_slice %arg13[%dma_wait3A_519] : memref<3x!tpu.dma_semaphore, #tpu.memory_space<semaphore_mem>> -> memref<1x!tpu.dma_semaphore, #tpu.memory_space<semaphore_mem>>
      %dma_wait3A_527 = tpu.memref_squeeze %dma_wait3A_526 : memref<1x!tpu.dma_semaphore, #tpu.memory_space<semaphore_mem>> -> memref<!tpu.dma_semaphore, #tpu.memory_space<semaphore_mem>>
      tpu.wait_indirect_dma semaphore(%dma_wait3A_527 : memref<!tpu.dma_semaphore, #tpu.memory_space<semaphore_mem>>) src(%dma_wait3A_525 : memref<10112x128xf32, #tpu.memory_space<hbm>>) dst(%arg9 : memref<128x128xf32, #tpu.memory_space<vmem>>)
      %dma_start3A_528 = arith.constant 1 : i32
      %dma_start3A_529 = arith.constant 1 : i32
      %dma_start3A_530 = arith.constant 0 : i32
      %dma_start3A_531 = tpu.memref_slice %arg6[%dma_start3A_528, %dma_start3A_530] : memref<2x128xi32, #tpu.memory_space<vmem>> -> memref<1x128xi32, #tpu.memory_space<vmem>>
      %dma_start3A_532 = tpu.memref_squeeze %dma_start3A_531 : memref<1x128xi32, #tpu.memory_space<vmem>> -> memref<128xi32, #tpu.memory_space<vmem>>
      %dma_start3A_533 = arith.constant 0 : i32
      %dma_start3A_534 = arith.constant 0 : i32
      %dma_start3A_535 = tpu.memref_slice %arg11[%dma_start3A_533, %dma_start3A_534] : memref<10112x128xf32, #tpu.memory_space<vmem_shared>> -> memref<10112x128xf32, #tpu.memory_space<vmem_shared>>
      %dma_start3A_536 = tpu.memref_slice %arg14[%dma_start3A_529] : memref<3x!tpu.dma_semaphore, #tpu.memory_space<semaphore_mem>> -> memref<1x!tpu.dma_semaphore, #tpu.memory_space<semaphore_mem>>
      %dma_start3A_537 = tpu.memref_squeeze %dma_start3A_536 : memref<1x!tpu.dma_semaphore, #tpu.memory_space<semaphore_mem>> -> memref<!tpu.dma_semaphore, #tpu.memory_space<semaphore_mem>>
      tpu.enqueue_indirect_dma source(%arg9 : memref<128x128xf32, #tpu.memory_space<vmem>>) target(%dma_start3A_535 : memref<10112x128xf32, #tpu.memory_space<vmem_shared>>) offsets(%dma_start3A_532 : memref<128xi32, #tpu.memory_space<vmem>>) semaphore(%dma_start3A_537 : memref<!tpu.dma_semaphore, #tpu.memory_space<semaphore_mem>>) {add = true}
      %dma_wait3A_538 = arith.constant 0 : i32
      %dma_wait3A_539 = arith.constant 2 : i32
      %dma_wait3A_540 = arith.constant 0 : i32
      %dma_wait3A_541 = tpu.memref_slice %arg7[%dma_wait3A_538, %dma_wait3A_540] : memref<2x128xi32, #tpu.memory_space<vmem>> -> memref<1x128xi32, #tpu.memory_space<vmem>>
      %dma_wait3A_542 = tpu.memref_squeeze %dma_wait3A_541 : memref<1x128xi32, #tpu.memory_space<vmem>> -> memref<128xi32, #tpu.memory_space<vmem>>
      %dma_wait3A_543 = arith.constant 0 : i32
      %dma_wait3A_544 = arith.constant 0 : i32
      %dma_wait3A_545 = tpu.memref_slice %arg2[%dma_wait3A_543, %dma_wait3A_544] : memref<10112x128xf32, #tpu.memory_space<hbm>> -> memref<10112x128xf32, #tpu.memory_space<hbm>>
      %dma_wait3A_546 = tpu.memref_slice %arg13[%dma_wait3A_539] : memref<3x!tpu.dma_semaphore, #tpu.memory_space<semaphore_mem>> -> memref<1x!tpu.dma_semaphore, #tpu.memory_space<semaphore_mem>>
      %dma_wait3A_547 = tpu.memref_squeeze %dma_wait3A_546 : memref<1x!tpu.dma_semaphore, #tpu.memory_space<semaphore_mem>> -> memref<!tpu.dma_semaphore, #tpu.memory_space<semaphore_mem>>
      tpu.wait_indirect_dma semaphore(%dma_wait3A_547 : memref<!tpu.dma_semaphore, #tpu.memory_space<semaphore_mem>>) src(%dma_wait3A_545 : memref<10112x128xf32, #tpu.memory_space<hbm>>) dst(%arg10 : memref<128x128xf32, #tpu.memory_space<vmem>>)
      %dma_start3A_548 = arith.constant 1 : i32
      %dma_start3A_549 = arith.constant 2 : i32
      %dma_start3A_550 = arith.constant 0 : i32
      %dma_start3A_551 = tpu.memref_slice %arg7[%dma_start3A_548, %dma_start3A_550] : memref<2x128xi32, #tpu.memory_space<vmem>> -> memref<1x128xi32, #tpu.memory_space<vmem>>
      %dma_start3A_552 = tpu.memref_squeeze %dma_start3A_551 : memref<1x128xi32, #tpu.memory_space<vmem>> -> memref<128xi32, #tpu.memory_space<vmem>>
      %dma_start3A_553 = arith.constant 0 : i32
      %dma_start3A_554 = arith.constant 0 : i32
      %dma_start3A_555 = tpu.memref_slice %arg11[%dma_start3A_553, %dma_start3A_554] : memref<10112x128xf32, #tpu.memory_space<vmem_shared>> -> memref<10112x128xf32, #tpu.memory_space<vmem_shared>>
      %dma_start3A_556 = tpu.memref_slice %arg14[%dma_start3A_549] : memref<3x!tpu.dma_semaphore, #tpu.memory_space<semaphore_mem>> -> memref<1x!tpu.dma_semaphore, #tpu.memory_space<semaphore_mem>>
      %dma_start3A_557 = tpu.memref_squeeze %dma_start3A_556 : memref<1x!tpu.dma_semaphore, #tpu.memory_space<semaphore_mem>> -> memref<!tpu.dma_semaphore, #tpu.memory_space<semaphore_mem>>
      tpu.enqueue_indirect_dma source(%arg10 : memref<128x128xf32, #tpu.memory_space<vmem>>) target(%dma_start3A_555 : memref<10112x128xf32, #tpu.memory_space<vmem_shared>>) offsets(%dma_start3A_552 : memref<128xi32, #tpu.memory_space<vmem>>) semaphore(%dma_start3A_557 : memref<!tpu.dma_semaphore, #tpu.memory_space<semaphore_mem>>) {add = true}
    }
    %scan3A_185 = arith.constant 25 : i32
    %dma_wait3A_186 = arith.constant 1 : i32
    %dma_wait3A_187 = arith.constant 0 : i32
    %dma_wait3A_188 = arith.constant 0 : i32
    %dma_wait3A_189 = tpu.memref_slice %arg5[%dma_wait3A_186, %dma_wait3A_188] : memref<2x128xi32, #tpu.memory_space<vmem>> -> memref<1x128xi32, #tpu.memory_space<vmem>>
    %dma_wait3A_190 = tpu.memref_squeeze %dma_wait3A_189 : memref<1x128xi32, #tpu.memory_space<vmem>> -> memref<128xi32, #tpu.memory_space<vmem>>
    %dma_wait3A_191 = arith.constant 0 : i32
    %dma_wait3A_192 = arith.constant 0 : i32
    %dma_wait3A_193 = tpu.memref_slice %arg11[%dma_wait3A_191, %dma_wait3A_192] : memref<10112x128xf32, #tpu.memory_space<vmem_shared>> -> memref<10112x128xf32, #tpu.memory_space<vmem_shared>>
    %dma_wait3A_194 = tpu.memref_slice %arg14[%dma_wait3A_187] : memref<3x!tpu.dma_semaphore, #tpu.memory_space<semaphore_mem>> -> memref<1x!tpu.dma_semaphore, #tpu.memory_space<semaphore_mem>>
    %dma_wait3A_195 = tpu.memref_squeeze %dma_wait3A_194 : memref<1x!tpu.dma_semaphore, #tpu.memory_space<semaphore_mem>> -> memref<!tpu.dma_semaphore, #tpu.memory_space<semaphore_mem>>
    tpu.wait_indirect_dma semaphore(%dma_wait3A_195 : memref<!tpu.dma_semaphore, #tpu.memory_space<semaphore_mem>>) src(%arg8 : memref<128x128xf32, #tpu.memory_space<vmem>>) dst(%dma_wait3A_193 : memref<10112x128xf32, #tpu.memory_space<vmem_shared>>)
    %dma_wait3A_196 = arith.constant 1 : i32
    %dma_wait3A_197 = arith.constant 1 : i32
    %dma_wait3A_198 = arith.constant 0 : i32
    %dma_wait3A_199 = tpu.memref_slice %arg6[%dma_wait3A_196, %dma_wait3A_198] : memref<2x128xi32, #tpu.memory_space<vmem>> -> memref<1x128xi32, #tpu.memory_space<vmem>>
    %dma_wait3A_200 = tpu.memref_squeeze %dma_wait3A_199 : memref<1x128xi32, #tpu.memory_space<vmem>> -> memref<128xi32, #tpu.memory_space<vmem>>
    %dma_wait3A_201 = arith.constant 0 : i32
    %dma_wait3A_202 = arith.constant 0 : i32
    %dma_wait3A_203 = tpu.memref_slice %arg11[%dma_wait3A_201, %dma_wait3A_202] : memref<10112x128xf32, #tpu.memory_space<vmem_shared>> -> memref<10112x128xf32, #tpu.memory_space<vmem_shared>>
    %dma_wait3A_204 = tpu.memref_slice %arg14[%dma_wait3A_197] : memref<3x!tpu.dma_semaphore, #tpu.memory_space<semaphore_mem>> -> memref<1x!tpu.dma_semaphore, #tpu.memory_space<semaphore_mem>>
    %dma_wait3A_205 = tpu.memref_squeeze %dma_wait3A_204 : memref<1x!tpu.dma_semaphore, #tpu.memory_space<semaphore_mem>> -> memref<!tpu.dma_semaphore, #tpu.memory_space<semaphore_mem>>
    tpu.wait_indirect_dma semaphore(%dma_wait3A_205 : memref<!tpu.dma_semaphore, #tpu.memory_space<semaphore_mem>>) src(%arg9 : memref<128x128xf32, #tpu.memory_space<vmem>>) dst(%dma_wait3A_203 : memref<10112x128xf32, #tpu.memory_space<vmem_shared>>)
    %dma_wait3A_206 = arith.constant 1 : i32
    %dma_wait3A_207 = arith.constant 2 : i32
    %dma_wait3A_208 = arith.constant 0 : i32
    %dma_wait3A_209 = tpu.memref_slice %arg7[%dma_wait3A_206, %dma_wait3A_208] : memref<2x128xi32, #tpu.memory_space<vmem>> -> memref<1x128xi32, #tpu.memory_space<vmem>>
    %dma_wait3A_210 = tpu.memref_squeeze %dma_wait3A_209 : memref<1x128xi32, #tpu.memory_space<vmem>> -> memref<128xi32, #tpu.memory_space<vmem>>
    %dma_wait3A_211 = arith.constant 0 : i32
    %dma_wait3A_212 = arith.constant 0 : i32
    %dma_wait3A_213 = tpu.memref_slice %arg11[%dma_wait3A_211, %dma_wait3A_212] : memref<10112x128xf32, #tpu.memory_space<vmem_shared>> -> memref<10112x128xf32, #tpu.memory_space<vmem_shared>>
    %dma_wait3A_214 = tpu.memref_slice %arg14[%dma_wait3A_207] : memref<3x!tpu.dma_semaphore, #tpu.memory_space<semaphore_mem>> -> memref<1x!tpu.dma_semaphore, #tpu.memory_space<semaphore_mem>>
    %dma_wait3A_215 = tpu.memref_squeeze %dma_wait3A_214 : memref<1x!tpu.dma_semaphore, #tpu.memory_space<semaphore_mem>> -> memref<!tpu.dma_semaphore, #tpu.memory_space<semaphore_mem>>
    tpu.wait_indirect_dma semaphore(%dma_wait3A_215 : memref<!tpu.dma_semaphore, #tpu.memory_space<semaphore_mem>>) src(%arg10 : memref<128x128xf32, #tpu.memory_space<vmem>>) dst(%dma_wait3A_213 : memref<10112x128xf32, #tpu.memory_space<vmem_shared>>)
    %lt3A = arith.constant 4 : i32
    %lt3A_216 = arith.cmpi slt, %add3A, %lt3A : i32
    %convert_element_type3A = arith.extui %lt3A_216 : i1 to i32
    %cond3A = arith.constant 0 : i32
    %cond3A_217 = arith.cmpi ne, %convert_element_type3A, %cond3A : i32
    scf.if %cond3A_217 {
      %add3A_384 = arith.constant 2496 : i32
      %add3A_385 = arith.addi %add3A_384, %add3A : i32
      %mul3A_386 = arith.constant 128 : i32
      %mul3A_387 = arith.muli %add3A_385, %mul3A_386 : i32
      "tpu.region"() ({
        %run_scoped3A_389 = tpu.sem_alloc : memref<!tpu.dma_semaphore, #tpu.memory_space<semaphore_mem>>
        %dma_start3A_390 = arith.constant 0 : i32
        %dma_start3A_391 = tpu.memref_slice %arg3[%dma_start3A_390, %mul3A_387] : memref<2x320000xi32, #tpu.memory_space<hbm>> -> memref<2x128xi32, #tpu.memory_space<hbm>>
        %dma_start3A_392 = arith.constant 0 : i32
        %dma_start3A_393 = tpu.memref_slice %arg3[%dma_start3A_392, %mul3A_387] : memref<2x320000xi32, #tpu.memory_space<hbm>> -> memref<2x128xi32, #tpu.memory_space<hbm>>
        tpu.enqueue_dma source(%dma_start3A_393 : memref<2x128xi32, #tpu.memory_space<hbm>>) target(%arg5 : memref<2x128xi32, #tpu.memory_space<vmem>>) target_semaphore(%run_scoped3A_389 : memref<!tpu.dma_semaphore, #tpu.memory_space<semaphore_mem>>)
        %dma_wait3A_394 = arith.constant 0 : i32
        %dma_wait3A_395 = tpu.memref_slice %arg3[%dma_wait3A_394, %mul3A_387] : memref<2x320000xi32, #tpu.memory_space<hbm>> -> memref<2x128xi32, #tpu.memory_space<hbm>>
        %dma_wait3A_396 = arith.constant 0 : i32
        %dma_wait3A_397 = tpu.memref_slice %arg3[%dma_wait3A_396, %mul3A_387] : memref<2x320000xi32, #tpu.memory_space<hbm>> -> memref<2x128xi32, #tpu.memory_space<hbm>>
        tpu.wait_dma2 semaphore(%run_scoped3A_389 : memref<!tpu.dma_semaphore, #tpu.memory_space<semaphore_mem>>) src(%dma_wait3A_397 : memref<2x128xi32, #tpu.memory_space<hbm>>) dst(%arg5 : memref<2x128xi32, #tpu.memory_space<vmem>>)
        tpu.yield
      }) : () -> ()
      %run_scoped3A = arith.constant 0 : i32
      "tpu.region"() ({
        %run_scoped3A_389 = tpu.sem_alloc : memref<!tpu.dma_semaphore, #tpu.memory_space<semaphore_mem>>
        %dma_start3A_390 = arith.constant 0 : i32
        %dma_start3A_391 = tpu.memref_slice %arg5[%run_scoped3A, %dma_start3A_390] : memref<2x128xi32, #tpu.memory_space<vmem>> -> memref<1x128xi32, #tpu.memory_space<vmem>>
        %dma_start3A_392 = tpu.memref_squeeze %dma_start3A_391 : memref<1x128xi32, #tpu.memory_space<vmem>> -> memref<128xi32, #tpu.memory_space<vmem>>
        %dma_start3A_393 = arith.constant 0 : i32
        %dma_start3A_394 = arith.constant 0 : i32
        %dma_start3A_395 = tpu.memref_slice %arg2[%dma_start3A_393, %dma_start3A_394] : memref<10112x128xf32, #tpu.memory_space<hbm>> -> memref<10112x128xf32, #tpu.memory_space<hbm>>
        tpu.enqueue_indirect_dma source(%dma_start3A_395 : memref<10112x128xf32, #tpu.memory_space<hbm>>) target(%arg8 : memref<128x128xf32, #tpu.memory_space<vmem>>) offsets(%dma_start3A_392 : memref<128xi32, #tpu.memory_space<vmem>>) semaphore(%run_scoped3A_389 : memref<!tpu.dma_semaphore, #tpu.memory_space<semaphore_mem>>)
        %dma_wait3A_396 = arith.constant 0 : i32
        %dma_wait3A_397 = tpu.memref_slice %arg5[%run_scoped3A, %dma_wait3A_396] : memref<2x128xi32, #tpu.memory_space<vmem>> -> memref<1x128xi32, #tpu.memory_space<vmem>>
        %dma_wait3A_398 = tpu.memref_squeeze %dma_wait3A_397 : memref<1x128xi32, #tpu.memory_space<vmem>> -> memref<128xi32, #tpu.memory_space<vmem>>
        %dma_wait3A_399 = arith.constant 0 : i32
        %dma_wait3A_400 = arith.constant 0 : i32
        %dma_wait3A_401 = tpu.memref_slice %arg2[%dma_wait3A_399, %dma_wait3A_400] : memref<10112x128xf32, #tpu.memory_space<hbm>> -> memref<10112x128xf32, #tpu.memory_space<hbm>>
        tpu.wait_indirect_dma semaphore(%run_scoped3A_389 : memref<!tpu.dma_semaphore, #tpu.memory_space<semaphore_mem>>) src(%dma_wait3A_401 : memref<10112x128xf32, #tpu.memory_space<hbm>>) dst(%arg8 : memref<128x128xf32, #tpu.memory_space<vmem>>)
        tpu.yield
      }) : () -> ()
      %run_scoped3A_388 = arith.constant 1 : i32
      "tpu.region"() ({
        %run_scoped3A_389 = tpu.sem_alloc : memref<!tpu.dma_semaphore, #tpu.memory_space<semaphore_mem>>
        %dma_start3A_390 = arith.constant 0 : i32
        %dma_start3A_391 = tpu.memref_slice %arg5[%run_scoped3A_388, %dma_start3A_390] : memref<2x128xi32, #tpu.memory_space<vmem>> -> memref<1x128xi32, #tpu.memory_space<vmem>>
        %dma_start3A_392 = tpu.memref_squeeze %dma_start3A_391 : memref<1x128xi32, #tpu.memory_space<vmem>> -> memref<128xi32, #tpu.memory_space<vmem>>
        %dma_start3A_393 = arith.constant 0 : i32
        %dma_start3A_394 = arith.constant 0 : i32
        %dma_start3A_395 = tpu.memref_slice %arg11[%dma_start3A_393, %dma_start3A_394] : memref<10112x128xf32, #tpu.memory_space<vmem_shared>> -> memref<10112x128xf32, #tpu.memory_space<vmem_shared>>
        tpu.enqueue_indirect_dma source(%arg8 : memref<128x128xf32, #tpu.memory_space<vmem>>) target(%dma_start3A_395 : memref<10112x128xf32, #tpu.memory_space<vmem_shared>>) offsets(%dma_start3A_392 : memref<128xi32, #tpu.memory_space<vmem>>) semaphore(%run_scoped3A_389 : memref<!tpu.dma_semaphore, #tpu.memory_space<semaphore_mem>>) {add = true}
        %dma_wait3A_396 = arith.constant 0 : i32
        %dma_wait3A_397 = tpu.memref_slice %arg5[%run_scoped3A_388, %dma_wait3A_396] : memref<2x128xi32, #tpu.memory_space<vmem>> -> memref<1x128xi32, #tpu.memory_space<vmem>>
        %dma_wait3A_398 = tpu.memref_squeeze %dma_wait3A_397 : memref<1x128xi32, #tpu.memory_space<vmem>> -> memref<128xi32, #tpu.memory_space<vmem>>
        %dma_wait3A_399 = arith.constant 0 : i32
        %dma_wait3A_400 = arith.constant 0 : i32
        %dma_wait3A_401 = tpu.memref_slice %arg11[%dma_wait3A_399, %dma_wait3A_400] : memref<10112x128xf32, #tpu.memory_space<vmem_shared>> -> memref<10112x128xf32, #tpu.memory_space<vmem_shared>>
        tpu.wait_indirect_dma semaphore(%run_scoped3A_389 : memref<!tpu.dma_semaphore, #tpu.memory_space<semaphore_mem>>) src(%arg8 : memref<128x128xf32, #tpu.memory_space<vmem>>) dst(%dma_wait3A_401 : memref<10112x128xf32, #tpu.memory_space<vmem_shared>>)
        tpu.yield
      }) : () -> ()
    } else {
    }
    %barrier3A_218 = arith.constant 0 : index
    tpu.barrier barrier_id(%barrier3A_218)
    %mul3A_219 = arith.constant 632 : i32
    %mul3A_220 = arith.muli %arg1, %mul3A_219 : i32
    %add3A_221 = arith.constant 0 : i32
    %add3A_222 = arith.addi %mul3A_220, %add3A_221 : i32
    "tpu.region"() ({
      %run_scoped3A = tpu.sem_alloc : memref<!tpu.dma_semaphore, #tpu.memory_space<semaphore_mem>>
      %dma_start3A_384 = arith.constant 0 : i32
      %dma_start3A_385 = arith.constant 0 : i32
      %dma_start3A_386 = tpu.memref_slice %arg8[%dma_start3A_384, %dma_start3A_385] : memref<128x128xf32, #tpu.memory_space<vmem>> -> memref<128x128xf32, #tpu.memory_space<vmem>>
      %dma_start3A_387 = arith.constant 0 : i32
      %dma_start3A_388 = tpu.memref_slice %arg11[%add3A_222, %dma_start3A_387] : memref<10112x128xf32, #tpu.memory_space<vmem_shared>> -> memref<128x128xf32, #tpu.memory_space<vmem_shared>>
      %dma_start3A_389 = arith.constant 0 : i32
      %dma_start3A_390 = arith.constant 0 : i32
      %dma_start3A_391 = tpu.memref_slice %arg8[%dma_start3A_389, %dma_start3A_390] : memref<128x128xf32, #tpu.memory_space<vmem>> -> memref<128x128xf32, #tpu.memory_space<vmem>>
      %dma_start3A_392 = arith.constant 0 : i32
      %dma_start3A_393 = tpu.memref_slice %arg11[%add3A_222, %dma_start3A_392] : memref<10112x128xf32, #tpu.memory_space<vmem_shared>> -> memref<128x128xf32, #tpu.memory_space<vmem_shared>>
      tpu.enqueue_dma source(%dma_start3A_393 : memref<128x128xf32, #tpu.memory_space<vmem_shared>>) target(%dma_start3A_391 : memref<128x128xf32, #tpu.memory_space<vmem>>) target_semaphore(%run_scoped3A : memref<!tpu.dma_semaphore, #tpu.memory_space<semaphore_mem>>)
      %dma_wait3A_394 = arith.constant 0 : i32
      %dma_wait3A_395 = arith.constant 0 : i32
      %dma_wait3A_396 = tpu.memref_slice %arg8[%dma_wait3A_394, %dma_wait3A_395] : memref<128x128xf32, #tpu.memory_space<vmem>> -> memref<128x128xf32, #tpu.memory_space<vmem>>
      %dma_wait3A_397 = arith.constant 0 : i32
      %dma_wait3A_398 = tpu.memref_slice %arg11[%add3A_222, %dma_wait3A_397] : memref<10112x128xf32, #tpu.memory_space<vmem_shared>> -> memref<128x128xf32, #tpu.memory_space<vmem_shared>>
      %dma_wait3A_399 = arith.constant 0 : i32
      %dma_wait3A_400 = arith.constant 0 : i32
      %dma_wait3A_401 = tpu.memref_slice %arg8[%dma_wait3A_399, %dma_wait3A_400] : memref<128x128xf32, #tpu.memory_space<vmem>> -> memref<128x128xf32, #tpu.memory_space<vmem>>
      %dma_wait3A_402 = arith.constant 0 : i32
      %dma_wait3A_403 = tpu.memref_slice %arg11[%add3A_222, %dma_wait3A_402] : memref<10112x128xf32, #tpu.memory_space<vmem_shared>> -> memref<128x128xf32, #tpu.memory_space<vmem_shared>>
      tpu.wait_dma2 semaphore(%run_scoped3A : memref<!tpu.dma_semaphore, #tpu.memory_space<semaphore_mem>>) src(%dma_wait3A_403 : memref<128x128xf32, #tpu.memory_space<vmem_shared>>) dst(%dma_wait3A_401 : memref<128x128xf32, #tpu.memory_space<vmem>>)
      tpu.yield
    }) : () -> ()
    %mul3A_223 = arith.constant 10112 : i32
    %mul3A_224 = arith.muli %arg0, %mul3A_223 : i32
    %add3A_225 = arith.addi %mul3A_224, %add3A_222 : i32
    %dma_start3A_226 = arith.constant 0 : i32
    %dma_start3A_227 = arith.constant 0 : i32
    %dma_start3A_228 = arith.constant 0 : i32
    %dma_start3A_229 = tpu.memref_slice %arg8[%dma_start3A_227, %dma_start3A_228] : memref<128x128xf32, #tpu.memory_space<vmem>> -> memref<128x128xf32, #tpu.memory_space<vmem>>
    %dma_start3A_230 = arith.constant 0 : i32
    %dma_start3A_231 = tpu.memref_slice %arg4[%add3A_225, %dma_start3A_230] : memref<20224x128xf32, #tpu.memory_space<hbm>> -> memref<128x128xf32, #tpu.memory_space<hbm>>
    %dma_start3A_232 = tpu.memref_slice %arg13[%dma_start3A_226] : memref<3x!tpu.dma_semaphore, #tpu.memory_space<semaphore_mem>> -> memref<1x!tpu.dma_semaphore, #tpu.memory_space<semaphore_mem>>
    %dma_start3A_233 = tpu.memref_squeeze %dma_start3A_232 : memref<1x!tpu.dma_semaphore, #tpu.memory_space<semaphore_mem>> -> memref<!tpu.dma_semaphore, #tpu.memory_space<semaphore_mem>>
    %dma_start3A_234 = arith.constant 0 : i32
    %dma_start3A_235 = tpu.memref_slice %arg4[%add3A_225, %dma_start3A_234] : memref<20224x128xf32, #tpu.memory_space<hbm>> -> memref<128x128xf32, #tpu.memory_space<hbm>>
    %dma_start3A_236 = arith.constant 0 : i32
    %dma_start3A_237 = arith.constant 0 : i32
    %dma_start3A_238 = tpu.memref_slice %arg8[%dma_start3A_236, %dma_start3A_237] : memref<128x128xf32, #tpu.memory_space<vmem>> -> memref<128x128xf32, #tpu.memory_space<vmem>>
    tpu.enqueue_dma source(%dma_start3A_238 : memref<128x128xf32, #tpu.memory_space<vmem>>) target(%dma_start3A_235 : memref<128x128xf32, #tpu.memory_space<hbm>>) target_semaphore(%dma_start3A_233 : memref<!tpu.dma_semaphore, #tpu.memory_space<semaphore_mem>>)
    %mul3A_239 = arith.constant 632 : i32
    %mul3A_240 = arith.muli %arg1, %mul3A_239 : i32
    %add3A_241 = arith.constant 128 : i32
    %add3A_242 = arith.addi %mul3A_240, %add3A_241 : i32
    "tpu.region"() ({
      %run_scoped3A = tpu.sem_alloc : memref<!tpu.dma_semaphore, #tpu.memory_space<semaphore_mem>>
      %dma_start3A_384 = arith.constant 0 : i32
      %dma_start3A_385 = arith.constant 0 : i32
      %dma_start3A_386 = tpu.memref_slice %arg9[%dma_start3A_384, %dma_start3A_385] : memref<128x128xf32, #tpu.memory_space<vmem>> -> memref<128x128xf32, #tpu.memory_space<vmem>>
      %dma_start3A_387 = arith.constant 0 : i32
      %dma_start3A_388 = tpu.memref_slice %arg11[%add3A_242, %dma_start3A_387] : memref<10112x128xf32, #tpu.memory_space<vmem_shared>> -> memref<128x128xf32, #tpu.memory_space<vmem_shared>>
      %dma_start3A_389 = arith.constant 0 : i32
      %dma_start3A_390 = arith.constant 0 : i32
      %dma_start3A_391 = tpu.memref_slice %arg9[%dma_start3A_389, %dma_start3A_390] : memref<128x128xf32, #tpu.memory_space<vmem>> -> memref<128x128xf32, #tpu.memory_space<vmem>>
      %dma_start3A_392 = arith.constant 0 : i32
      %dma_start3A_393 = tpu.memref_slice %arg11[%add3A_242, %dma_start3A_392] : memref<10112x128xf32, #tpu.memory_space<vmem_shared>> -> memref<128x128xf32, #tpu.memory_space<vmem_shared>>
      tpu.enqueue_dma source(%dma_start3A_393 : memref<128x128xf32, #tpu.memory_space<vmem_shared>>) target(%dma_start3A_391 : memref<128x128xf32, #tpu.memory_space<vmem>>) target_semaphore(%run_scoped3A : memref<!tpu.dma_semaphore, #tpu.memory_space<semaphore_mem>>)
      %dma_wait3A_394 = arith.constant 0 : i32
      %dma_wait3A_395 = arith.constant 0 : i32
      %dma_wait3A_396 = tpu.memref_slice %arg9[%dma_wait3A_394, %dma_wait3A_395] : memref<128x128xf32, #tpu.memory_space<vmem>> -> memref<128x128xf32, #tpu.memory_space<vmem>>
      %dma_wait3A_397 = arith.constant 0 : i32
      %dma_wait3A_398 = tpu.memref_slice %arg11[%add3A_242, %dma_wait3A_397] : memref<10112x128xf32, #tpu.memory_space<vmem_shared>> -> memref<128x128xf32, #tpu.memory_space<vmem_shared>>
      %dma_wait3A_399 = arith.constant 0 : i32
      %dma_wait3A_400 = arith.constant 0 : i32
      %dma_wait3A_401 = tpu.memref_slice %arg9[%dma_wait3A_399, %dma_wait3A_400] : memref<128x128xf32, #tpu.memory_space<vmem>> -> memref<128x128xf32, #tpu.memory_space<vmem>>
      %dma_wait3A_402 = arith.constant 0 : i32
      %dma_wait3A_403 = tpu.memref_slice %arg11[%add3A_242, %dma_wait3A_402] : memref<10112x128xf32, #tpu.memory_space<vmem_shared>> -> memref<128x128xf32, #tpu.memory_space<vmem_shared>>
      tpu.wait_dma2 semaphore(%run_scoped3A : memref<!tpu.dma_semaphore, #tpu.memory_space<semaphore_mem>>) src(%dma_wait3A_403 : memref<128x128xf32, #tpu.memory_space<vmem_shared>>) dst(%dma_wait3A_401 : memref<128x128xf32, #tpu.memory_space<vmem>>)
      tpu.yield
    }) : () -> ()
    %mul3A_243 = arith.constant 10112 : i32
    %mul3A_244 = arith.muli %arg0, %mul3A_243 : i32
    %add3A_245 = arith.addi %mul3A_244, %add3A_242 : i32
    %dma_start3A_246 = arith.constant 1 : i32
    %dma_start3A_247 = arith.constant 0 : i32
    %dma_start3A_248 = arith.constant 0 : i32
    %dma_start3A_249 = tpu.memref_slice %arg9[%dma_start3A_247, %dma_start3A_248] : memref<128x128xf32, #tpu.memory_space<vmem>> -> memref<128x128xf32, #tpu.memory_space<vmem>>
    %dma_start3A_250 = arith.constant 0 : i32
    %dma_start3A_251 = tpu.memref_slice %arg4[%add3A_245, %dma_start3A_250] : memref<20224x128xf32, #tpu.memory_space<hbm>> -> memref<128x128xf32, #tpu.memory_space<hbm>>
    %dma_start3A_252 = tpu.memref_slice %arg13[%dma_start3A_246] : memref<3x!tpu.dma_semaphore, #tpu.memory_space<semaphore_mem>> -> memref<1x!tpu.dma_semaphore, #tpu.memory_space<semaphore_mem>>
    %dma_start3A_253 = tpu.memref_squeeze %dma_start3A_252 : memref<1x!tpu.dma_semaphore, #tpu.memory_space<semaphore_mem>> -> memref<!tpu.dma_semaphore, #tpu.memory_space<semaphore_mem>>
    %dma_start3A_254 = arith.constant 0 : i32
    %dma_start3A_255 = tpu.memref_slice %arg4[%add3A_245, %dma_start3A_254] : memref<20224x128xf32, #tpu.memory_space<hbm>> -> memref<128x128xf32, #tpu.memory_space<hbm>>
    %dma_start3A_256 = arith.constant 0 : i32
    %dma_start3A_257 = arith.constant 0 : i32
    %dma_start3A_258 = tpu.memref_slice %arg9[%dma_start3A_256, %dma_start3A_257] : memref<128x128xf32, #tpu.memory_space<vmem>> -> memref<128x128xf32, #tpu.memory_space<vmem>>
    tpu.enqueue_dma source(%dma_start3A_258 : memref<128x128xf32, #tpu.memory_space<vmem>>) target(%dma_start3A_255 : memref<128x128xf32, #tpu.memory_space<hbm>>) target_semaphore(%dma_start3A_253 : memref<!tpu.dma_semaphore, #tpu.memory_space<semaphore_mem>>)
    %dma_wait3A_259 = arith.constant 0 : i32
    %dma_wait3A_260 = arith.constant 0 : i32
    %dma_wait3A_261 = arith.constant 0 : i32
    %dma_wait3A_262 = tpu.memref_slice %arg8[%dma_wait3A_260, %dma_wait3A_261] : memref<128x128xf32, #tpu.memory_space<vmem>> -> memref<128x128xf32, #tpu.memory_space<vmem>>
    %dma_wait3A_263 = arith.constant 0 : i32
    %dma_wait3A_264 = tpu.memref_slice %arg4[%add3A_225, %dma_wait3A_263] : memref<20224x128xf32, #tpu.memory_space<hbm>> -> memref<128x128xf32, #tpu.memory_space<hbm>>
    %dma_wait3A_265 = tpu.memref_slice %arg13[%dma_wait3A_259] : memref<3x!tpu.dma_semaphore, #tpu.memory_space<semaphore_mem>> -> memref<1x!tpu.dma_semaphore, #tpu.memory_space<semaphore_mem>>
    %dma_wait3A_266 = tpu.memref_squeeze %dma_wait3A_265 : memref<1x!tpu.dma_semaphore, #tpu.memory_space<semaphore_mem>> -> memref<!tpu.dma_semaphore, #tpu.memory_space<semaphore_mem>>
    %dma_wait3A_267 = arith.constant 0 : i32
    %dma_wait3A_268 = tpu.memref_slice %arg4[%add3A_225, %dma_wait3A_267] : memref<20224x128xf32, #tpu.memory_space<hbm>> -> memref<128x128xf32, #tpu.memory_space<hbm>>
    %dma_wait3A_269 = arith.constant 0 : i32
    %dma_wait3A_270 = arith.constant 0 : i32
    %dma_wait3A_271 = tpu.memref_slice %arg8[%dma_wait3A_269, %dma_wait3A_270] : memref<128x128xf32, #tpu.memory_space<vmem>> -> memref<128x128xf32, #tpu.memory_space<vmem>>
    tpu.wait_dma2 semaphore(%dma_wait3A_266 : memref<!tpu.dma_semaphore, #tpu.memory_space<semaphore_mem>>) src(%dma_wait3A_271 : memref<128x128xf32, #tpu.memory_space<vmem>>) dst(%dma_wait3A_268 : memref<128x128xf32, #tpu.memory_space<hbm>>)
    %mul3A_272 = arith.constant 632 : i32
    %mul3A_273 = arith.muli %arg1, %mul3A_272 : i32
    %add3A_274 = arith.constant 256 : i32
    %add3A_275 = arith.addi %mul3A_273, %add3A_274 : i32
    "tpu.region"() ({
      %run_scoped3A = tpu.sem_alloc : memref<!tpu.dma_semaphore, #tpu.memory_space<semaphore_mem>>
      %dma_start3A_384 = arith.constant 0 : i32
      %dma_start3A_385 = arith.constant 0 : i32
      %dma_start3A_386 = tpu.memref_slice %arg8[%dma_start3A_384, %dma_start3A_385] : memref<128x128xf32, #tpu.memory_space<vmem>> -> memref<128x128xf32, #tpu.memory_space<vmem>>
      %dma_start3A_387 = arith.constant 0 : i32
      %dma_start3A_388 = tpu.memref_slice %arg11[%add3A_275, %dma_start3A_387] : memref<10112x128xf32, #tpu.memory_space<vmem_shared>> -> memref<128x128xf32, #tpu.memory_space<vmem_shared>>
      %dma_start3A_389 = arith.constant 0 : i32
      %dma_start3A_390 = arith.constant 0 : i32
      %dma_start3A_391 = tpu.memref_slice %arg8[%dma_start3A_389, %dma_start3A_390] : memref<128x128xf32, #tpu.memory_space<vmem>> -> memref<128x128xf32, #tpu.memory_space<vmem>>
      %dma_start3A_392 = arith.constant 0 : i32
      %dma_start3A_393 = tpu.memref_slice %arg11[%add3A_275, %dma_start3A_392] : memref<10112x128xf32, #tpu.memory_space<vmem_shared>> -> memref<128x128xf32, #tpu.memory_space<vmem_shared>>
      tpu.enqueue_dma source(%dma_start3A_393 : memref<128x128xf32, #tpu.memory_space<vmem_shared>>) target(%dma_start3A_391 : memref<128x128xf32, #tpu.memory_space<vmem>>) target_semaphore(%run_scoped3A : memref<!tpu.dma_semaphore, #tpu.memory_space<semaphore_mem>>)
      %dma_wait3A_394 = arith.constant 0 : i32
      %dma_wait3A_395 = arith.constant 0 : i32
      %dma_wait3A_396 = tpu.memref_slice %arg8[%dma_wait3A_394, %dma_wait3A_395] : memref<128x128xf32, #tpu.memory_space<vmem>> -> memref<128x128xf32, #tpu.memory_space<vmem>>
      %dma_wait3A_397 = arith.constant 0 : i32
      %dma_wait3A_398 = tpu.memref_slice %arg11[%add3A_275, %dma_wait3A_397] : memref<10112x128xf32, #tpu.memory_space<vmem_shared>> -> memref<128x128xf32, #tpu.memory_space<vmem_shared>>
      %dma_wait3A_399 = arith.constant 0 : i32
      %dma_wait3A_400 = arith.constant 0 : i32
      %dma_wait3A_401 = tpu.memref_slice %arg8[%dma_wait3A_399, %dma_wait3A_400] : memref<128x128xf32, #tpu.memory_space<vmem>> -> memref<128x128xf32, #tpu.memory_space<vmem>>
      %dma_wait3A_402 = arith.constant 0 : i32
      %dma_wait3A_403 = tpu.memref_slice %arg11[%add3A_275, %dma_wait3A_402] : memref<10112x128xf32, #tpu.memory_space<vmem_shared>> -> memref<128x128xf32, #tpu.memory_space<vmem_shared>>
      tpu.wait_dma2 semaphore(%run_scoped3A : memref<!tpu.dma_semaphore, #tpu.memory_space<semaphore_mem>>) src(%dma_wait3A_403 : memref<128x128xf32, #tpu.memory_space<vmem_shared>>) dst(%dma_wait3A_401 : memref<128x128xf32, #tpu.memory_space<vmem>>)
      tpu.yield
    }) : () -> ()
    %mul3A_276 = arith.constant 10112 : i32
    %mul3A_277 = arith.muli %arg0, %mul3A_276 : i32
    %add3A_278 = arith.addi %mul3A_277, %add3A_275 : i32
    %dma_start3A_279 = arith.constant 0 : i32
    %dma_start3A_280 = arith.constant 0 : i32
    %dma_start3A_281 = arith.constant 0 : i32
    %dma_start3A_282 = tpu.memref_slice %arg8[%dma_start3A_280, %dma_start3A_281] : memref<128x128xf32, #tpu.memory_space<vmem>> -> memref<128x128xf32, #tpu.memory_space<vmem>>
    %dma_start3A_283 = arith.constant 0 : i32
    %dma_start3A_284 = tpu.memref_slice %arg4[%add3A_278, %dma_start3A_283] : memref<20224x128xf32, #tpu.memory_space<hbm>> -> memref<128x128xf32, #tpu.memory_space<hbm>>
    %dma_start3A_285 = tpu.memref_slice %arg13[%dma_start3A_279] : memref<3x!tpu.dma_semaphore, #tpu.memory_space<semaphore_mem>> -> memref<1x!tpu.dma_semaphore, #tpu.memory_space<semaphore_mem>>
    %dma_start3A_286 = tpu.memref_squeeze %dma_start3A_285 : memref<1x!tpu.dma_semaphore, #tpu.memory_space<semaphore_mem>> -> memref<!tpu.dma_semaphore, #tpu.memory_space<semaphore_mem>>
    %dma_start3A_287 = arith.constant 0 : i32
    %dma_start3A_288 = tpu.memref_slice %arg4[%add3A_278, %dma_start3A_287] : memref<20224x128xf32, #tpu.memory_space<hbm>> -> memref<128x128xf32, #tpu.memory_space<hbm>>
    %dma_start3A_289 = arith.constant 0 : i32
    %dma_start3A_290 = arith.constant 0 : i32
    %dma_start3A_291 = tpu.memref_slice %arg8[%dma_start3A_289, %dma_start3A_290] : memref<128x128xf32, #tpu.memory_space<vmem>> -> memref<128x128xf32, #tpu.memory_space<vmem>>
    tpu.enqueue_dma source(%dma_start3A_291 : memref<128x128xf32, #tpu.memory_space<vmem>>) target(%dma_start3A_288 : memref<128x128xf32, #tpu.memory_space<hbm>>) target_semaphore(%dma_start3A_286 : memref<!tpu.dma_semaphore, #tpu.memory_space<semaphore_mem>>)
    %dma_wait3A_292 = arith.constant 1 : i32
    %dma_wait3A_293 = arith.constant 0 : i32
    %dma_wait3A_294 = arith.constant 0 : i32
    %dma_wait3A_295 = tpu.memref_slice %arg9[%dma_wait3A_293, %dma_wait3A_294] : memref<128x128xf32, #tpu.memory_space<vmem>> -> memref<128x128xf32, #tpu.memory_space<vmem>>
    %dma_wait3A_296 = arith.constant 0 : i32
    %dma_wait3A_297 = tpu.memref_slice %arg4[%add3A_245, %dma_wait3A_296] : memref<20224x128xf32, #tpu.memory_space<hbm>> -> memref<128x128xf32, #tpu.memory_space<hbm>>
    %dma_wait3A_298 = tpu.memref_slice %arg13[%dma_wait3A_292] : memref<3x!tpu.dma_semaphore, #tpu.memory_space<semaphore_mem>> -> memref<1x!tpu.dma_semaphore, #tpu.memory_space<semaphore_mem>>
    %dma_wait3A_299 = tpu.memref_squeeze %dma_wait3A_298 : memref<1x!tpu.dma_semaphore, #tpu.memory_space<semaphore_mem>> -> memref<!tpu.dma_semaphore, #tpu.memory_space<semaphore_mem>>
    %dma_wait3A_300 = arith.constant 0 : i32
    %dma_wait3A_301 = tpu.memref_slice %arg4[%add3A_245, %dma_wait3A_300] : memref<20224x128xf32, #tpu.memory_space<hbm>> -> memref<128x128xf32, #tpu.memory_space<hbm>>
    %dma_wait3A_302 = arith.constant 0 : i32
    %dma_wait3A_303 = arith.constant 0 : i32
    %dma_wait3A_304 = tpu.memref_slice %arg9[%dma_wait3A_302, %dma_wait3A_303] : memref<128x128xf32, #tpu.memory_space<vmem>> -> memref<128x128xf32, #tpu.memory_space<vmem>>
    tpu.wait_dma2 semaphore(%dma_wait3A_299 : memref<!tpu.dma_semaphore, #tpu.memory_space<semaphore_mem>>) src(%dma_wait3A_304 : memref<128x128xf32, #tpu.memory_space<vmem>>) dst(%dma_wait3A_301 : memref<128x128xf32, #tpu.memory_space<hbm>>)
    %mul3A_305 = arith.constant 632 : i32
    %mul3A_306 = arith.muli %arg1, %mul3A_305 : i32
    %add3A_307 = arith.constant 384 : i32
    %add3A_308 = arith.addi %mul3A_306, %add3A_307 : i32
    "tpu.region"() ({
      %run_scoped3A = tpu.sem_alloc : memref<!tpu.dma_semaphore, #tpu.memory_space<semaphore_mem>>
      %dma_start3A_384 = arith.constant 0 : i32
      %dma_start3A_385 = arith.constant 0 : i32
      %dma_start3A_386 = tpu.memref_slice %arg9[%dma_start3A_384, %dma_start3A_385] : memref<128x128xf32, #tpu.memory_space<vmem>> -> memref<128x128xf32, #tpu.memory_space<vmem>>
      %dma_start3A_387 = arith.constant 0 : i32
      %dma_start3A_388 = tpu.memref_slice %arg11[%add3A_308, %dma_start3A_387] : memref<10112x128xf32, #tpu.memory_space<vmem_shared>> -> memref<128x128xf32, #tpu.memory_space<vmem_shared>>
      %dma_start3A_389 = arith.constant 0 : i32
      %dma_start3A_390 = arith.constant 0 : i32
      %dma_start3A_391 = tpu.memref_slice %arg9[%dma_start3A_389, %dma_start3A_390] : memref<128x128xf32, #tpu.memory_space<vmem>> -> memref<128x128xf32, #tpu.memory_space<vmem>>
      %dma_start3A_392 = arith.constant 0 : i32
      %dma_start3A_393 = tpu.memref_slice %arg11[%add3A_308, %dma_start3A_392] : memref<10112x128xf32, #tpu.memory_space<vmem_shared>> -> memref<128x128xf32, #tpu.memory_space<vmem_shared>>
      tpu.enqueue_dma source(%dma_start3A_393 : memref<128x128xf32, #tpu.memory_space<vmem_shared>>) target(%dma_start3A_391 : memref<128x128xf32, #tpu.memory_space<vmem>>) target_semaphore(%run_scoped3A : memref<!tpu.dma_semaphore, #tpu.memory_space<semaphore_mem>>)
      %dma_wait3A_394 = arith.constant 0 : i32
      %dma_wait3A_395 = arith.constant 0 : i32
      %dma_wait3A_396 = tpu.memref_slice %arg9[%dma_wait3A_394, %dma_wait3A_395] : memref<128x128xf32, #tpu.memory_space<vmem>> -> memref<128x128xf32, #tpu.memory_space<vmem>>
      %dma_wait3A_397 = arith.constant 0 : i32
      %dma_wait3A_398 = tpu.memref_slice %arg11[%add3A_308, %dma_wait3A_397] : memref<10112x128xf32, #tpu.memory_space<vmem_shared>> -> memref<128x128xf32, #tpu.memory_space<vmem_shared>>
      %dma_wait3A_399 = arith.constant 0 : i32
      %dma_wait3A_400 = arith.constant 0 : i32
      %dma_wait3A_401 = tpu.memref_slice %arg9[%dma_wait3A_399, %dma_wait3A_400] : memref<128x128xf32, #tpu.memory_space<vmem>> -> memref<128x128xf32, #tpu.memory_space<vmem>>
      %dma_wait3A_402 = arith.constant 0 : i32
      %dma_wait3A_403 = tpu.memref_slice %arg11[%add3A_308, %dma_wait3A_402] : memref<10112x128xf32, #tpu.memory_space<vmem_shared>> -> memref<128x128xf32, #tpu.memory_space<vmem_shared>>
      tpu.wait_dma2 semaphore(%run_scoped3A : memref<!tpu.dma_semaphore, #tpu.memory_space<semaphore_mem>>) src(%dma_wait3A_403 : memref<128x128xf32, #tpu.memory_space<vmem_shared>>) dst(%dma_wait3A_401 : memref<128x128xf32, #tpu.memory_space<vmem>>)
      tpu.yield
    }) : () -> ()
    %mul3A_309 = arith.constant 10112 : i32
    %mul3A_310 = arith.muli %arg0, %mul3A_309 : i32
    %add3A_311 = arith.addi %mul3A_310, %add3A_308 : i32
    %dma_start3A_312 = arith.constant 1 : i32
    %dma_start3A_313 = arith.constant 0 : i32
    %dma_start3A_314 = arith.constant 0 : i32
    %dma_start3A_315 = tpu.memref_slice %arg9[%dma_start3A_313, %dma_start3A_314] : memref<128x128xf32, #tpu.memory_space<vmem>> -> memref<128x128xf32, #tpu.memory_space<vmem>>
    %dma_start3A_316 = arith.constant 0 : i32
    %dma_start3A_317 = tpu.memref_slice %arg4[%add3A_311, %dma_start3A_316] : memref<20224x128xf32, #tpu.memory_space<hbm>> -> memref<128x128xf32, #tpu.memory_space<hbm>>
    %dma_start3A_318 = tpu.memref_slice %arg13[%dma_start3A_312] : memref<3x!tpu.dma_semaphore, #tpu.memory_space<semaphore_mem>> -> memref<1x!tpu.dma_semaphore, #tpu.memory_space<semaphore_mem>>
    %dma_start3A_319 = tpu.memref_squeeze %dma_start3A_318 : memref<1x!tpu.dma_semaphore, #tpu.memory_space<semaphore_mem>> -> memref<!tpu.dma_semaphore, #tpu.memory_space<semaphore_mem>>
    %dma_start3A_320 = arith.constant 0 : i32
    %dma_start3A_321 = tpu.memref_slice %arg4[%add3A_311, %dma_start3A_320] : memref<20224x128xf32, #tpu.memory_space<hbm>> -> memref<128x128xf32, #tpu.memory_space<hbm>>
    %dma_start3A_322 = arith.constant 0 : i32
    %dma_start3A_323 = arith.constant 0 : i32
    %dma_start3A_324 = tpu.memref_slice %arg9[%dma_start3A_322, %dma_start3A_323] : memref<128x128xf32, #tpu.memory_space<vmem>> -> memref<128x128xf32, #tpu.memory_space<vmem>>
    tpu.enqueue_dma source(%dma_start3A_324 : memref<128x128xf32, #tpu.memory_space<vmem>>) target(%dma_start3A_321 : memref<128x128xf32, #tpu.memory_space<hbm>>) target_semaphore(%dma_start3A_319 : memref<!tpu.dma_semaphore, #tpu.memory_space<semaphore_mem>>)
    %dma_wait3A_325 = arith.constant 0 : i32
    %dma_wait3A_326 = arith.constant 0 : i32
    %dma_wait3A_327 = arith.constant 0 : i32
    %dma_wait3A_328 = tpu.memref_slice %arg8[%dma_wait3A_326, %dma_wait3A_327] : memref<128x128xf32, #tpu.memory_space<vmem>> -> memref<128x128xf32, #tpu.memory_space<vmem>>
    %dma_wait3A_329 = arith.constant 0 : i32
    %dma_wait3A_330 = tpu.memref_slice %arg4[%add3A_278, %dma_wait3A_329] : memref<20224x128xf32, #tpu.memory_space<hbm>> -> memref<128x128xf32, #tpu.memory_space<hbm>>
    %dma_wait3A_331 = tpu.memref_slice %arg13[%dma_wait3A_325] : memref<3x!tpu.dma_semaphore, #tpu.memory_space<semaphore_mem>> -> memref<1x!tpu.dma_semaphore, #tpu.memory_space<semaphore_mem>>
    %dma_wait3A_332 = tpu.memref_squeeze %dma_wait3A_331 : memref<1x!tpu.dma_semaphore, #tpu.memory_space<semaphore_mem>> -> memref<!tpu.dma_semaphore, #tpu.memory_space<semaphore_mem>>
    %dma_wait3A_333 = arith.constant 0 : i32
    %dma_wait3A_334 = tpu.memref_slice %arg4[%add3A_278, %dma_wait3A_333] : memref<20224x128xf32, #tpu.memory_space<hbm>> -> memref<128x128xf32, #tpu.memory_space<hbm>>
    %dma_wait3A_335 = arith.constant 0 : i32
    %dma_wait3A_336 = arith.constant 0 : i32
    %dma_wait3A_337 = tpu.memref_slice %arg8[%dma_wait3A_335, %dma_wait3A_336] : memref<128x128xf32, #tpu.memory_space<vmem>> -> memref<128x128xf32, #tpu.memory_space<vmem>>
    tpu.wait_dma2 semaphore(%dma_wait3A_332 : memref<!tpu.dma_semaphore, #tpu.memory_space<semaphore_mem>>) src(%dma_wait3A_337 : memref<128x128xf32, #tpu.memory_space<vmem>>) dst(%dma_wait3A_334 : memref<128x128xf32, #tpu.memory_space<hbm>>)
    %mul3A_338 = arith.constant 632 : i32
    %mul3A_339 = arith.muli %arg1, %mul3A_338 : i32
    %add3A_340 = arith.constant 512 : i32
    %add3A_341 = arith.addi %mul3A_339, %add3A_340 : i32
    "tpu.region"() ({
      %run_scoped3A = tpu.sem_alloc : memref<!tpu.dma_semaphore, #tpu.memory_space<semaphore_mem>>
      %dma_start3A_384 = arith.constant 0 : i32
      %dma_start3A_385 = arith.constant 0 : i32
      %dma_start3A_386 = tpu.memref_slice %arg8[%dma_start3A_384, %dma_start3A_385] : memref<128x128xf32, #tpu.memory_space<vmem>> -> memref<120x128xf32, #tpu.memory_space<vmem>>
      %dma_start3A_387 = arith.constant 0 : i32
      %dma_start3A_388 = tpu.memref_slice %arg11[%add3A_341, %dma_start3A_387] : memref<10112x128xf32, #tpu.memory_space<vmem_shared>> -> memref<120x128xf32, #tpu.memory_space<vmem_shared>>
      %dma_start3A_389 = arith.constant 0 : i32
      %dma_start3A_390 = arith.constant 0 : i32
      %dma_start3A_391 = tpu.memref_slice %arg8[%dma_start3A_389, %dma_start3A_390] : memref<128x128xf32, #tpu.memory_space<vmem>> -> memref<120x128xf32, #tpu.memory_space<vmem>>
      %dma_start3A_392 = arith.constant 0 : i32
      %dma_start3A_393 = tpu.memref_slice %arg11[%add3A_341, %dma_start3A_392] : memref<10112x128xf32, #tpu.memory_space<vmem_shared>> -> memref<120x128xf32, #tpu.memory_space<vmem_shared>>
      tpu.enqueue_dma source(%dma_start3A_393 : memref<120x128xf32, #tpu.memory_space<vmem_shared>>) target(%dma_start3A_391 : memref<120x128xf32, #tpu.memory_space<vmem>>) target_semaphore(%run_scoped3A : memref<!tpu.dma_semaphore, #tpu.memory_space<semaphore_mem>>)
      %dma_wait3A_394 = arith.constant 0 : i32
      %dma_wait3A_395 = arith.constant 0 : i32
      %dma_wait3A_396 = tpu.memref_slice %arg8[%dma_wait3A_394, %dma_wait3A_395] : memref<128x128xf32, #tpu.memory_space<vmem>> -> memref<120x128xf32, #tpu.memory_space<vmem>>
      %dma_wait3A_397 = arith.constant 0 : i32
      %dma_wait3A_398 = tpu.memref_slice %arg11[%add3A_341, %dma_wait3A_397] : memref<10112x128xf32, #tpu.memory_space<vmem_shared>> -> memref<120x128xf32, #tpu.memory_space<vmem_shared>>
      %dma_wait3A_399 = arith.constant 0 : i32
      %dma_wait3A_400 = arith.constant 0 : i32
      %dma_wait3A_401 = tpu.memref_slice %arg8[%dma_wait3A_399, %dma_wait3A_400] : memref<128x128xf32, #tpu.memory_space<vmem>> -> memref<120x128xf32, #tpu.memory_space<vmem>>
      %dma_wait3A_402 = arith.constant 0 : i32
      %dma_wait3A_403 = tpu.memref_slice %arg11[%add3A_341, %dma_wait3A_402] : memref<10112x128xf32, #tpu.memory_space<vmem_shared>> -> memref<120x128xf32, #tpu.memory_space<vmem_shared>>
      tpu.wait_dma2 semaphore(%run_scoped3A : memref<!tpu.dma_semaphore, #tpu.memory_space<semaphore_mem>>) src(%dma_wait3A_403 : memref<120x128xf32, #tpu.memory_space<vmem_shared>>) dst(%dma_wait3A_401 : memref<120x128xf32, #tpu.memory_space<vmem>>)
      tpu.yield
    }) : () -> ()
    %mul3A_342 = arith.constant 10112 : i32
    %mul3A_343 = arith.muli %arg0, %mul3A_342 : i32
    %add3A_344 = arith.addi %mul3A_343, %add3A_341 : i32
    %dma_start3A_345 = arith.constant 0 : i32
    %dma_start3A_346 = arith.constant 0 : i32
    %dma_start3A_347 = arith.constant 0 : i32
    %dma_start3A_348 = tpu.memref_slice %arg8[%dma_start3A_346, %dma_start3A_347] : memref<128x128xf32, #tpu.memory_space<vmem>> -> memref<120x128xf32, #tpu.memory_space<vmem>>
    %dma_start3A_349 = arith.constant 0 : i32
    %dma_start3A_350 = tpu.memref_slice %arg4[%add3A_344, %dma_start3A_349] : memref<20224x128xf32, #tpu.memory_space<hbm>> -> memref<120x128xf32, #tpu.memory_space<hbm>>
    %dma_start3A_351 = tpu.memref_slice %arg13[%dma_start3A_345] : memref<3x!tpu.dma_semaphore, #tpu.memory_space<semaphore_mem>> -> memref<1x!tpu.dma_semaphore, #tpu.memory_space<semaphore_mem>>
    %dma_start3A_352 = tpu.memref_squeeze %dma_start3A_351 : memref<1x!tpu.dma_semaphore, #tpu.memory_space<semaphore_mem>> -> memref<!tpu.dma_semaphore, #tpu.memory_space<semaphore_mem>>
    %dma_start3A_353 = arith.constant 0 : i32
    %dma_start3A_354 = tpu.memref_slice %arg4[%add3A_344, %dma_start3A_353] : memref<20224x128xf32, #tpu.memory_space<hbm>> -> memref<120x128xf32, #tpu.memory_space<hbm>>
    %dma_start3A_355 = arith.constant 0 : i32
    %dma_start3A_356 = arith.constant 0 : i32
    %dma_start3A_357 = tpu.memref_slice %arg8[%dma_start3A_355, %dma_start3A_356] : memref<128x128xf32, #tpu.memory_space<vmem>> -> memref<120x128xf32, #tpu.memory_space<vmem>>
    tpu.enqueue_dma source(%dma_start3A_357 : memref<120x128xf32, #tpu.memory_space<vmem>>) target(%dma_start3A_354 : memref<120x128xf32, #tpu.memory_space<hbm>>) target_semaphore(%dma_start3A_352 : memref<!tpu.dma_semaphore, #tpu.memory_space<semaphore_mem>>)
    %dma_wait3A_358 = arith.constant 0 : i32
    %dma_wait3A_359 = arith.constant 0 : i32
    %dma_wait3A_360 = arith.constant 0 : i32
    %dma_wait3A_361 = tpu.memref_slice %arg8[%dma_wait3A_359, %dma_wait3A_360] : memref<128x128xf32, #tpu.memory_space<vmem>> -> memref<120x128xf32, #tpu.memory_space<vmem>>
    %dma_wait3A_362 = arith.constant 0 : i32
    %dma_wait3A_363 = tpu.memref_slice %arg4[%add3A_344, %dma_wait3A_362] : memref<20224x128xf32, #tpu.memory_space<hbm>> -> memref<120x128xf32, #tpu.memory_space<hbm>>
    %dma_wait3A_364 = tpu.memref_slice %arg13[%dma_wait3A_358] : memref<3x!tpu.dma_semaphore, #tpu.memory_space<semaphore_mem>> -> memref<1x!tpu.dma_semaphore, #tpu.memory_space<semaphore_mem>>
    %dma_wait3A_365 = tpu.memref_squeeze %dma_wait3A_364 : memref<1x!tpu.dma_semaphore, #tpu.memory_space<semaphore_mem>> -> memref<!tpu.dma_semaphore, #tpu.memory_space<semaphore_mem>>
    %dma_wait3A_366 = arith.constant 0 : i32
    %dma_wait3A_367 = tpu.memref_slice %arg4[%add3A_344, %dma_wait3A_366] : memref<20224x128xf32, #tpu.memory_space<hbm>> -> memref<120x128xf32, #tpu.memory_space<hbm>>
    %dma_wait3A_368 = arith.constant 0 : i32
    %dma_wait3A_369 = arith.constant 0 : i32
    %dma_wait3A_370 = tpu.memref_slice %arg8[%dma_wait3A_368, %dma_wait3A_369] : memref<128x128xf32, #tpu.memory_space<vmem>> -> memref<120x128xf32, #tpu.memory_space<vmem>>
    tpu.wait_dma2 semaphore(%dma_wait3A_365 : memref<!tpu.dma_semaphore, #tpu.memory_space<semaphore_mem>>) src(%dma_wait3A_370 : memref<120x128xf32, #tpu.memory_space<vmem>>) dst(%dma_wait3A_367 : memref<120x128xf32, #tpu.memory_space<hbm>>)
    %dma_wait3A_371 = arith.constant 1 : i32
    %dma_wait3A_372 = arith.constant 0 : i32
    %dma_wait3A_373 = arith.constant 0 : i32
    %dma_wait3A_374 = tpu.memref_slice %arg9[%dma_wait3A_372, %dma_wait3A_373] : memref<128x128xf32, #tpu.memory_space<vmem>> -> memref<128x128xf32, #tpu.memory_space<vmem>>
    %dma_wait3A_375 = arith.constant 0 : i32
    %dma_wait3A_376 = tpu.memref_slice %arg4[%add3A_311, %dma_wait3A_375] : memref<20224x128xf32, #tpu.memory_space<hbm>> -> memref<128x128xf32, #tpu.memory_space<hbm>>
    %dma_wait3A_377 = tpu.memref_slice %arg13[%dma_wait3A_371] : memref<3x!tpu.dma_semaphore, #tpu.memory_space<semaphore_mem>> -> memref<1x!tpu.dma_semaphore, #tpu.memory_space<semaphore_mem>>
    %dma_wait3A_378 = tpu.memref_squeeze %dma_wait3A_377 : memref<1x!tpu.dma_semaphore, #tpu.memory_space<semaphore_mem>> -> memref<!tpu.dma_semaphore, #tpu.memory_space<semaphore_mem>>
    %dma_wait3A_379 = arith.constant 0 : i32
    %dma_wait3A_380 = tpu.memref_slice %arg4[%add3A_311, %dma_wait3A_379] : memref<20224x128xf32, #tpu.memory_space<hbm>> -> memref<128x128xf32, #tpu.memory_space<hbm>>
    %dma_wait3A_381 = arith.constant 0 : i32
    %dma_wait3A_382 = arith.constant 0 : i32
    %dma_wait3A_383 = tpu.memref_slice %arg9[%dma_wait3A_381, %dma_wait3A_382] : memref<128x128xf32, #tpu.memory_space<vmem>> -> memref<128x128xf32, #tpu.memory_space<vmem>>
    tpu.wait_dma2 semaphore(%dma_wait3A_378 : memref<!tpu.dma_semaphore, #tpu.memory_space<semaphore_mem>>) src(%dma_wait3A_383 : memref<128x128xf32, #tpu.memory_space<vmem>>) dst(%dma_wait3A_380 : memref<128x128xf32, #tpu.memory_space<hbm>>)
    return
  }
}

#map = affine_map<(d0, d1) -> (0, 0)>
module attributes {stable_mosaic.version = 14 : i64} {
  func.func @_agg_kernel(%arg0: i32, %arg1: i32, %arg2: memref<10112x128xf32, #tpu.memory_space<hbm>>, %arg3: memref<2x320000xi32, #tpu.memory_space<hbm>>, %arg4: memref<20224x128xf32, #tpu.memory_space<hbm>>, %arg5: memref<2x128xi32, #tpu.memory_space<vmem>>, %arg6: memref<2x128xi32, #tpu.memory_space<vmem>>, %arg7: memref<2x128xi32, #tpu.memory_space<vmem>>, %arg8: memref<128x128xf32, #tpu.memory_space<vmem>>, %arg9: memref<128x128xf32, #tpu.memory_space<vmem>>, %arg10: memref<128x128xf32, #tpu.memory_space<vmem>>, %arg11: memref<10112x128xf32, #tpu.memory_space<vmem_shared>>, %arg12: memref<3x!tpu.dma_semaphore, #tpu.memory_space<semaphore_mem>>, %arg13: memref<3x!tpu.dma_semaphore, #tpu.memory_space<semaphore_mem>>, %arg14: memref<3x!tpu.dma_semaphore, #tpu.memory_space<semaphore_mem>>) attributes {dimension_semantics = [#tpu.dimension_semantics<core_parallel>, #tpu.dimension_semantics<subcore_parallel>], iteration_bounds = array<i64: 2, 16>, scalar_prefetch = 0 : i64, scratch_operands = 10 : i64, tpu.core_type = #tpu.core_type<sc_vector_subcore>, window_params = [{transform_indices = #map}, {transform_indices = #map}, {transform_indices = #map}]} {
    %mul3A = arith.constant 16 : i32
    %mul3A_0 = arith.muli %arg0, %mul3A : i32
    %add3A = arith.addi %mul3A_0, %arg1 : i32
    %scan3A = arith.constant 0 : i32
    %scan3A_1 = arith.constant 0 : i32
    %scan3A_2 = arith.constant 128 : i32
    %scan3A_3 = arith.addi %scan3A_1, %scan3A_2 : i32
    %scan3A_4 = arith.constant 1 : i32
    scf.for %scan3A_384 = %scan3A_1 to %scan3A_3 step %scan3A_4  : i32 {
      %scan3A_385 = arith.constant 0 : i32
      %scan3A_386 = arith.constant 8 : i32
      %scan3A_387 = arith.addi %scan3A_385, %scan3A_386 : i32
      %scan3A_388 = arith.constant 1 : i32
      scf.for %scan3A_390 = %scan3A_385 to %scan3A_387 step %scan3A_388  : i32 {
        %broadcast_in_dim3A = arith.constant 0.000000e+00 : f32
        %broadcast_in_dim3A_391 = vector.broadcast %broadcast_in_dim3A : f32 to vector<16xf32>
        %mul3A_392 = arith.constant 16 : i32
        %mul3A_393 = arith.muli %scan3A_390, %mul3A_392 : i32
        %swap3A = arith.index_cast %scan3A_384 : i32 to index
        %swap3A_394 = arith.index_cast %mul3A_393 : i32 to index
        %swap3A_395 = tpu.vector_load %arg8[%swap3A, %swap3A_394] {strides = array<i32>} : memref<128x128xf32, #tpu.memory_space<vmem>>, vector<1x16xf32>,
        %swap3A_396 = vector.shape_cast %swap3A_395 : vector<1x16xf32> to vector<16xf32>
        %swap3A_397 = vector.shape_cast %broadcast_in_dim3A_391 : vector<16xf32> to vector<1x16xf32>
        tpu.vector_store %arg8[%swap3A, %swap3A_394], %swap3A_397 {strides = array<i32>} : memref<128x128xf32, #tpu.memory_space<vmem>>, vector<1x16xf32>,
      }
      %scan3A_389 = arith.constant 8 : i32
    }
    %scan3A_5 = arith.constant 128 : i32
    %mul3A_6 = arith.constant 632 : i32
    %mul3A_7 = arith.muli %arg1, %mul3A_6 : i32
    %add3A_8 = arith.constant 0 : i32
    %add3A_9 = arith.addi %mul3A_7, %add3A_8 : i32
    "tpu.region"() ({
      %run_scoped3A = tpu.sem_alloc : memref<!tpu.dma_semaphore, #tpu.memory_space<semaphore_mem>>
      %dma_start3A_384 = arith.constant 0 : i32
      %dma_start3A_385 = arith.constant 0 : i32
      %dma_start3A_386 = tpu.memref_slice %arg8[%dma_start3A_384, %dma_start3A_385] : memref<128x128xf32, #tpu.memory_space<vmem>> -> memref<128x128xf32, #tpu.memory_space<vmem>>
      %dma_start3A_387 = arith.constant 0 : i32
      %dma_start3A_388 = tpu.memref_slice %arg11[%add3A_9, %dma_start3A_387] : memref<10112x128xf32, #tpu.memory_space<vmem_shared>> -> memref<128x128xf32, #tpu.memory_space<vmem_shared>>
      %dma_start3A_389 = arith.constant 0 : i32
      %dma_start3A_390 = tpu.memref_slice %arg11[%add3A_9, %dma_start3A_389] : memref<10112x128xf32, #tpu.memory_space<vmem_shared>> -> memref<128x128xf32, #tpu.memory_space<vmem_shared>>
      %dma_start3A_391 = arith.constant 0 : i32
      %dma_start3A_392 = arith.constant 0 : i32
      %dma_start3A_393 = tpu.memref_slice %arg8[%dma_start3A_391, %dma_start3A_392] : memref<128x128xf32, #tpu.memory_space<vmem>> -> memref<128x128xf32, #tpu.memory_space<vmem>>
      tpu.enqueue_dma source(%dma_start3A_393 : memref<128x128xf32, #tpu.memory_space<vmem>>) target(%dma_start3A_390 : memref<128x128xf32, #tpu.memory_space<vmem_shared>>) target_semaphore(%run_scoped3A : memref<!tpu.dma_semaphore, #tpu.memory_space<semaphore_mem>>)
      %dma_wait3A_394 = arith.constant 0 : i32
      %dma_wait3A_395 = arith.constant 0 : i32
      %dma_wait3A_396 = tpu.memref_slice %arg8[%dma_wait3A_394, %dma_wait3A_395] : memref<128x128xf32, #tpu.memory_space<vmem>> -> memref<128x128xf32, #tpu.memory_space<vmem>>
      %dma_wait3A_397 = arith.constant 0 : i32
      %dma_wait3A_398 = tpu.memref_slice %arg11[%add3A_9, %dma_wait3A_397] : memref<10112x128xf32, #tpu.memory_space<vmem_shared>> -> memref<128x128xf32, #tpu.memory_space<vmem_shared>>
      %dma_wait3A_399 = arith.constant 0 : i32
      %dma_wait3A_400 = tpu.memref_slice %arg11[%add3A_9, %dma_wait3A_399] : memref<10112x128xf32, #tpu.memory_space<vmem_shared>> -> memref<128x128xf32, #tpu.memory_space<vmem_shared>>
      %dma_wait3A_401 = arith.constant 0 : i32
      %dma_wait3A_402 = arith.constant 0 : i32
      %dma_wait3A_403 = tpu.memref_slice %arg8[%dma_wait3A_401, %dma_wait3A_402] : memref<128x128xf32, #tpu.memory_space<vmem>> -> memref<128x128xf32, #tpu.memory_space<vmem>>
      tpu.wait_dma2 semaphore(%run_scoped3A : memref<!tpu.dma_semaphore, #tpu.memory_space<semaphore_mem>>) src(%dma_wait3A_403 : memref<128x128xf32, #tpu.memory_space<vmem>>) dst(%dma_wait3A_400 : memref<128x128xf32, #tpu.memory_space<vmem_shared>>)
      tpu.yield
    }) : () -> ()
    %mul3A_10 = arith.constant 632 : i32
    %mul3A_11 = arith.muli %arg1, %mul3A_10 : i32
    %add3A_12 = arith.constant 128 : i32
    %add3A_13 = arith.addi %mul3A_11, %add3A_12 : i32
    "tpu.region"() ({
      %run_scoped3A = tpu.sem_alloc : memref<!tpu.dma_semaphore, #tpu.memory_space<semaphore_mem>>
      %dma_start3A_384 = arith.constant 0 : i32
      %dma_start3A_385 = arith.constant 0 : i32
      %dma_start3A_386 = tpu.memref_slice %arg8[%dma_start3A_384, %dma_start3A_385] : memref<128x128xf32, #tpu.memory_space<vmem>> -> memref<128x128xf32, #tpu.memory_space<vmem>>
      %dma_start3A_387 = arith.constant 0 : i32
      %dma_start3A_388 = tpu.memref_slice %arg11[%add3A_13, %dma_start3A_387] : memref<10112x128xf32, #tpu.memory_space<vmem_shared>> -> memref<128x128xf32, #tpu.memory_space<vmem_shared>>
      %dma_start3A_389 = arith.constant 0 : i32
      %dma_start3A_390 = tpu.memref_slice %arg11[%add3A_13, %dma_start3A_389] : memref<10112x128xf32, #tpu.memory_space<vmem_shared>> -> memref<128x128xf32, #tpu.memory_space<vmem_shared>>
      %dma_start3A_391 = arith.constant 0 : i32
      %dma_start3A_392 = arith.constant 0 : i32
      %dma_start3A_393 = tpu.memref_slice %arg8[%dma_start3A_391, %dma_start3A_392] : memref<128x128xf32, #tpu.memory_space<vmem>> -> memref<128x128xf32, #tpu.memory_space<vmem>>
      tpu.enqueue_dma source(%dma_start3A_393 : memref<128x128xf32, #tpu.memory_space<vmem>>) target(%dma_start3A_390 : memref<128x128xf32, #tpu.memory_space<vmem_shared>>) target_semaphore(%run_scoped3A : memref<!tpu.dma_semaphore, #tpu.memory_space<semaphore_mem>>)
      %dma_wait3A_394 = arith.constant 0 : i32
      %dma_wait3A_395 = arith.constant 0 : i32
      %dma_wait3A_396 = tpu.memref_slice %arg8[%dma_wait3A_394, %dma_wait3A_395] : memref<128x128xf32, #tpu.memory_space<vmem>> -> memref<128x128xf32, #tpu.memory_space<vmem>>
      %dma_wait3A_397 = arith.constant 0 : i32
      %dma_wait3A_398 = tpu.memref_slice %arg11[%add3A_13, %dma_wait3A_397] : memref<10112x128xf32, #tpu.memory_space<vmem_shared>> -> memref<128x128xf32, #tpu.memory_space<vmem_shared>>
      %dma_wait3A_399 = arith.constant 0 : i32
      %dma_wait3A_400 = tpu.memref_slice %arg11[%add3A_13, %dma_wait3A_399] : memref<10112x128xf32, #tpu.memory_space<vmem_shared>> -> memref<128x128xf32, #tpu.memory_space<vmem_shared>>
      %dma_wait3A_401 = arith.constant 0 : i32
      %dma_wait3A_402 = arith.constant 0 : i32
      %dma_wait3A_403 = tpu.memref_slice %arg8[%dma_wait3A_401, %dma_wait3A_402] : memref<128x128xf32, #tpu.memory_space<vmem>> -> memref<128x128xf32, #tpu.memory_space<vmem>>
      tpu.wait_dma2 semaphore(%run_scoped3A : memref<!tpu.dma_semaphore, #tpu.memory_space<semaphore_mem>>) src(%dma_wait3A_403 : memref<128x128xf32, #tpu.memory_space<vmem>>) dst(%dma_wait3A_400 : memref<128x128xf32, #tpu.memory_space<vmem_shared>>)
      tpu.yield
    }) : () -> ()
    %mul3A_14 = arith.constant 632 : i32
    %mul3A_15 = arith.muli %arg1, %mul3A_14 : i32
    %add3A_16 = arith.constant 256 : i32
    %add3A_17 = arith.addi %mul3A_15, %add3A_16 : i32
    "tpu.region"() ({
      %run_scoped3A = tpu.sem_alloc : memref<!tpu.dma_semaphore, #tpu.memory_space<semaphore_mem>>
      %dma_start3A_384 = arith.constant 0 : i32
      %dma_start3A_385 = arith.constant 0 : i32
      %dma_start3A_386 = tpu.memref_slice %arg8[%dma_start3A_384, %dma_start3A_385] : memref<128x128xf32, #tpu.memory_space<vmem>> -> memref<128x128xf32, #tpu.memory_space<vmem>>
      %dma_start3A_387 = arith.constant 0 : i32
      %dma_start3A_388 = tpu.memref_slice %arg11[%add3A_17, %dma_start3A_387] : memref<10112x128xf32, #tpu.memory_space<vmem_shared>> -> memref<128x128xf32, #tpu.memory_space<vmem_shared>>
      %dma_start3A_389 = arith.constant 0 : i32
      %dma_start3A_390 = tpu.memref_slice %arg11[%add3A_17, %dma_start3A_389] : memref<10112x128xf32, #tpu.memory_space<vmem_shared>> -> memref<128x128xf32, #tpu.memory_space<vmem_shared>>
      %dma_start3A_391 = arith.constant 0 : i32
      %dma_start3A_392 = arith.constant 0 : i32
      %dma_start3A_393 = tpu.memref_slice %arg8[%dma_start3A_391, %dma_start3A_392] : memref<128x128xf32, #tpu.memory_space<vmem>> -> memref<128x128xf32, #tpu.memory_space<vmem>>
      tpu.enqueue_dma source(%dma_start3A_393 : memref<128x128xf32, #tpu.memory_space<vmem>>) target(%dma_start3A_390 : memref<128x128xf32, #tpu.memory_space<vmem_shared>>) target_semaphore(%run_scoped3A : memref<!tpu.dma_semaphore, #tpu.memory_space<semaphore_mem>>)
      %dma_wait3A_394 = arith.constant 0 : i32
      %dma_wait3A_395 = arith.constant 0 : i32
      %dma_wait3A_396 = tpu.memref_slice %arg8[%dma_wait3A_394, %dma_wait3A_395] : memref<128x128xf32, #tpu.memory_space<vmem>> -> memref<128x128xf32, #tpu.memory_space<vmem>>
      %dma_wait3A_397 = arith.constant 0 : i32
      %dma_wait3A_398 = tpu.memref_slice %arg11[%add3A_17, %dma_wait3A_397] : memref<10112x128xf32, #tpu.memory_space<vmem_shared>> -> memref<128x128xf32, #tpu.memory_space<vmem_shared>>
      %dma_wait3A_399 = arith.constant 0 : i32
      %dma_wait3A_400 = tpu.memref_slice %arg11[%add3A_17, %dma_wait3A_399] : memref<10112x128xf32, #tpu.memory_space<vmem_shared>> -> memref<128x128xf32, #tpu.memory_space<vmem_shared>>
      %dma_wait3A_401 = arith.constant 0 : i32
      %dma_wait3A_402 = arith.constant 0 : i32
      %dma_wait3A_403 = tpu.memref_slice %arg8[%dma_wait3A_401, %dma_wait3A_402] : memref<128x128xf32, #tpu.memory_space<vmem>> -> memref<128x128xf32, #tpu.memory_space<vmem>>
      tpu.wait_dma2 semaphore(%run_scoped3A : memref<!tpu.dma_semaphore, #tpu.memory_space<semaphore_mem>>) src(%dma_wait3A_403 : memref<128x128xf32, #tpu.memory_space<vmem>>) dst(%dma_wait3A_400 : memref<128x128xf32, #tpu.memory_space<vmem_shared>>)
      tpu.yield
    }) : () -> ()
    %mul3A_18 = arith.constant 632 : i32
    %mul3A_19 = arith.muli %arg1, %mul3A_18 : i32
    %add3A_20 = arith.constant 384 : i32
    %add3A_21 = arith.addi %mul3A_19, %add3A_20 : i32
    "tpu.region"() ({
      %run_scoped3A = tpu.sem_alloc : memref<!tpu.dma_semaphore, #tpu.memory_space<semaphore_mem>>
      %dma_start3A_384 = arith.constant 0 : i32
      %dma_start3A_385 = arith.constant 0 : i32
      %dma_start3A_386 = tpu.memref_slice %arg8[%dma_start3A_384, %dma_start3A_385] : memref<128x128xf32, #tpu.memory_space<vmem>> -> memref<128x128xf32, #tpu.memory_space<vmem>>
      %dma_start3A_387 = arith.constant 0 : i32
      %dma_start3A_388 = tpu.memref_slice %arg11[%add3A_21, %dma_start3A_387] : memref<10112x128xf32, #tpu.memory_space<vmem_shared>> -> memref<128x128xf32, #tpu.memory_space<vmem_shared>>
      %dma_start3A_389 = arith.constant 0 : i32
      %dma_start3A_390 = tpu.memref_slice %arg11[%add3A_21, %dma_start3A_389] : memref<10112x128xf32, #tpu.memory_space<vmem_shared>> -> memref<128x128xf32, #tpu.memory_space<vmem_shared>>
      %dma_start3A_391 = arith.constant 0 : i32
      %dma_start3A_392 = arith.constant 0 : i32
      %dma_start3A_393 = tpu.memref_slice %arg8[%dma_start3A_391, %dma_start3A_392] : memref<128x128xf32, #tpu.memory_space<vmem>> -> memref<128x128xf32, #tpu.memory_space<vmem>>
      tpu.enqueue_dma source(%dma_start3A_393 : memref<128x128xf32, #tpu.memory_space<vmem>>) target(%dma_start3A_390 : memref<128x128xf32, #tpu.memory_space<vmem_shared>>) target_semaphore(%run_scoped3A : memref<!tpu.dma_semaphore, #tpu.memory_space<semaphore_mem>>)
      %dma_wait3A_394 = arith.constant 0 : i32
      %dma_wait3A_395 = arith.constant 0 : i32
      %dma_wait3A_396 = tpu.memref_slice %arg8[%dma_wait3A_394, %dma_wait3A_395] : memref<128x128xf32, #tpu.memory_space<vmem>> -> memref<128x128xf32, #tpu.memory_space<vmem>>
      %dma_wait3A_397 = arith.constant 0 : i32
      %dma_wait3A_398 = tpu.memref_slice %arg11[%add3A_21, %dma_wait3A_397] : memref<10112x128xf32, #tpu.memory_space<vmem_shared>> -> memref<128x128xf32, #tpu.memory_space<vmem_shared>>
      %dma_wait3A_399 = arith.constant 0 : i32
      %dma_wait3A_400 = tpu.memref_slice %arg11[%add3A_21, %dma_wait3A_399] : memref<10112x128xf32, #tpu.memory_space<vmem_shared>> -> memref<128x128xf32, #tpu.memory_space<vmem_shared>>
      %dma_wait3A_401 = arith.constant 0 : i32
      %dma_wait3A_402 = arith.constant 0 : i32
      %dma_wait3A_403 = tpu.memref_slice %arg8[%dma_wait3A_401, %dma_wait3A_402] : memref<128x128xf32, #tpu.memory_space<vmem>> -> memref<128x128xf32, #tpu.memory_space<vmem>>
      tpu.wait_dma2 semaphore(%run_scoped3A : memref<!tpu.dma_semaphore, #tpu.memory_space<semaphore_mem>>) src(%dma_wait3A_403 : memref<128x128xf32, #tpu.memory_space<vmem>>) dst(%dma_wait3A_400 : memref<128x128xf32, #tpu.memory_space<vmem_shared>>)
      tpu.yield
    }) : () -> ()
    %mul3A_22 = arith.constant 632 : i32
    %mul3A_23 = arith.muli %arg1, %mul3A_22 : i32
    %add3A_24 = arith.constant 512 : i32
    %add3A_25 = arith.addi %mul3A_23, %add3A_24 : i32
    "tpu.region"() ({
      %run_scoped3A = tpu.sem_alloc : memref<!tpu.dma_semaphore, #tpu.memory_space<semaphore_mem>>
      %dma_start3A_384 = arith.constant 0 : i32
      %dma_start3A_385 = arith.constant 0 : i32
      %dma_start3A_386 = tpu.memref_slice %arg8[%dma_start3A_384, %dma_start3A_385] : memref<128x128xf32, #tpu.memory_space<vmem>> -> memref<120x128xf32, #tpu.memory_space<vmem>>
      %dma_start3A_387 = arith.constant 0 : i32
      %dma_start3A_388 = tpu.memref_slice %arg11[%add3A_25, %dma_start3A_387] : memref<10112x128xf32, #tpu.memory_space<vmem_shared>> -> memref<120x128xf32, #tpu.memory_space<vmem_shared>>
      %dma_start3A_389 = arith.constant 0 : i32
      %dma_start3A_390 = tpu.memref_slice %arg11[%add3A_25, %dma_start3A_389] : memref<10112x128xf32, #tpu.memory_space<vmem_shared>> -> memref<120x128xf32, #tpu.memory_space<vmem_shared>>
      %dma_start3A_391 = arith.constant 0 : i32
      %dma_start3A_392 = arith.constant 0 : i32
      %dma_start3A_393 = tpu.memref_slice %arg8[%dma_start3A_391, %dma_start3A_392] : memref<128x128xf32, #tpu.memory_space<vmem>> -> memref<120x128xf32, #tpu.memory_space<vmem>>
      tpu.enqueue_dma source(%dma_start3A_393 : memref<120x128xf32, #tpu.memory_space<vmem>>) target(%dma_start3A_390 : memref<120x128xf32, #tpu.memory_space<vmem_shared>>) target_semaphore(%run_scoped3A : memref<!tpu.dma_semaphore, #tpu.memory_space<semaphore_mem>>)
      %dma_wait3A_394 = arith.constant 0 : i32
      %dma_wait3A_395 = arith.constant 0 : i32
      %dma_wait3A_396 = tpu.memref_slice %arg8[%dma_wait3A_394, %dma_wait3A_395] : memref<128x128xf32, #tpu.memory_space<vmem>> -> memref<120x128xf32, #tpu.memory_space<vmem>>
      %dma_wait3A_397 = arith.constant 0 : i32
      %dma_wait3A_398 = tpu.memref_slice %arg11[%add3A_25, %dma_wait3A_397] : memref<10112x128xf32, #tpu.memory_space<vmem_shared>> -> memref<120x128xf32, #tpu.memory_space<vmem_shared>>
      %dma_wait3A_399 = arith.constant 0 : i32
      %dma_wait3A_400 = tpu.memref_slice %arg11[%add3A_25, %dma_wait3A_399] : memref<10112x128xf32, #tpu.memory_space<vmem_shared>> -> memref<120x128xf32, #tpu.memory_space<vmem_shared>>
      %dma_wait3A_401 = arith.constant 0 : i32
      %dma_wait3A_402 = arith.constant 0 : i32
      %dma_wait3A_403 = tpu.memref_slice %arg8[%dma_wait3A_401, %dma_wait3A_402] : memref<128x128xf32, #tpu.memory_space<vmem>> -> memref<120x128xf32, #tpu.memory_space<vmem>>
      tpu.wait_dma2 semaphore(%run_scoped3A : memref<!tpu.dma_semaphore, #tpu.memory_space<semaphore_mem>>) src(%dma_wait3A_403 : memref<120x128xf32, #tpu.memory_space<vmem>>) dst(%dma_wait3A_400 : memref<120x128xf32, #tpu.memory_space<vmem_shared>>)
      tpu.yield
    }) : () -> ()
    %barrier3A = arith.constant 0 : index
    tpu.barrier barrier_id(%barrier3A)
    %mul3A_26 = arith.constant 78 : i32
    %mul3A_27 = arith.muli %add3A, %mul3A_26 : i32
    %add3A_28 = arith.constant 0 : i32
    %add3A_29 = arith.addi %mul3A_27, %add3A_28 : i32
    %add3A_30 = arith.constant 0 : i32
    %add3A_31 = arith.addi %add3A_29, %add3A_30 : i32
    %mul3A_32 = arith.constant 128 : i32
    %mul3A_33 = arith.muli %add3A_31, %mul3A_32 : i32
    %dma_start3A = arith.constant 0 : i32
    %dma_start3A_34 = arith.constant 0 : i32
    %dma_start3A_35 = tpu.memref_slice %arg3[%dma_start3A_34, %mul3A_33] : memref<2x320000xi32, #tpu.memory_space<hbm>> -> memref<2x128xi32, #tpu.memory_space<hbm>>
    %dma_start3A_36 = tpu.memref_slice %arg12[%dma_start3A] : memref<3x!tpu.dma_semaphore, #tpu.memory_space<semaphore_mem>> -> memref<1x!tpu.dma_semaphore, #tpu.memory_space<semaphore_mem>>
    %dma_start3A_37 = tpu.memref_squeeze %dma_start3A_36 : memref<1x!tpu.dma_semaphore, #tpu.memory_space<semaphore_mem>> -> memref<!tpu.dma_semaphore, #tpu.memory_space<semaphore_mem>>
    %dma_start3A_38 = arith.constant 0 : i32
    %dma_start3A_39 = tpu.memref_slice %arg3[%dma_start3A_38, %mul3A_33] : memref<2x320000xi32, #tpu.memory_space<hbm>> -> memref<2x128xi32, #tpu.memory_space<hbm>>
    tpu.enqueue_dma source(%dma_start3A_39 : memref<2x128xi32, #tpu.memory_space<hbm>>) target(%arg5 : memref<2x128xi32, #tpu.memory_space<vmem>>) target_semaphore(%dma_start3A_37 : memref<!tpu.dma_semaphore, #tpu.memory_space<semaphore_mem>>)
    %mul3A_40 = arith.constant 78 : i32
    %mul3A_41 = arith.muli %add3A, %mul3A_40 : i32
    %add3A_42 = arith.constant 0 : i32
    %add3A_43 = arith.addi %mul3A_41, %add3A_42 : i32
    %add3A_44 = arith.constant 1 : i32
    %add3A_45 = arith.addi %add3A_43, %add3A_44 : i32
    %mul3A_46 = arith.constant 128 : i32
    %mul3A_47 = arith.muli %add3A_45, %mul3A_46 : i32
    %dma_start3A_48 = arith.constant 1 : i32
    %dma_start3A_49 = arith.constant 0 : i32
    %dma_start3A_50 = tpu.memref_slice %arg3[%dma_start3A_49, %mul3A_47] : memref<2x320000xi32, #tpu.memory_space<hbm>> -> memref<2x128xi32, #tpu.memory_space<hbm>>
    %dma_start3A_51 = tpu.memref_slice %arg12[%dma_start3A_48] : memref<3x!tpu.dma_semaphore, #tpu.memory_space<semaphore_mem>> -> memref<1x!tpu.dma_semaphore, #tpu.memory_space<semaphore_mem>>
    %dma_start3A_52 = tpu.memref_squeeze %dma_start3A_51 : memref<1x!tpu.dma_semaphore, #tpu.memory_space<semaphore_mem>> -> memref<!tpu.dma_semaphore, #tpu.memory_space<semaphore_mem>>
    %dma_start3A_53 = arith.constant 0 : i32
    %dma_start3A_54 = tpu.memref_slice %arg3[%dma_start3A_53, %mul3A_47] : memref<2x320000xi32, #tpu.memory_space<hbm>> -> memref<2x128xi32, #tpu.memory_space<hbm>>
    tpu.enqueue_dma source(%dma_start3A_54 : memref<2x128xi32, #tpu.memory_space<hbm>>) target(%arg6 : memref<2x128xi32, #tpu.memory_space<vmem>>) target_semaphore(%dma_start3A_52 : memref<!tpu.dma_semaphore, #tpu.memory_space<semaphore_mem>>)
    %mul3A_55 = arith.constant 78 : i32
    %mul3A_56 = arith.muli %add3A, %mul3A_55 : i32
    %add3A_57 = arith.constant 0 : i32
    %add3A_58 = arith.addi %mul3A_56, %add3A_57 : i32
    %add3A_59 = arith.constant 2 : i32
    %add3A_60 = arith.addi %add3A_58, %add3A_59 : i32
    %mul3A_61 = arith.constant 128 : i32
    %mul3A_62 = arith.muli %add3A_60, %mul3A_61 : i32
    %dma_start3A_63 = arith.constant 2 : i32
    %dma_start3A_64 = arith.constant 0 : i32
    %dma_start3A_65 = tpu.memref_slice %arg3[%dma_start3A_64, %mul3A_62] : memref<2x320000xi32, #tpu.memory_space<hbm>> -> memref<2x128xi32, #tpu.memory_space<hbm>>
    %dma_start3A_66 = tpu.memref_slice %arg12[%dma_start3A_63] : memref<3x!tpu.dma_semaphore, #tpu.memory_space<semaphore_mem>> -> memref<1x!tpu.dma_semaphore, #tpu.memory_space<semaphore_mem>>
    %dma_start3A_67 = tpu.memref_squeeze %dma_start3A_66 : memref<1x!tpu.dma_semaphore, #tpu.memory_space<semaphore_mem>> -> memref<!tpu.dma_semaphore, #tpu.memory_space<semaphore_mem>>
    %dma_start3A_68 = arith.constant 0 : i32
    %dma_start3A_69 = tpu.memref_slice %arg3[%dma_start3A_68, %mul3A_62] : memref<2x320000xi32, #tpu.memory_space<hbm>> -> memref<2x128xi32, #tpu.memory_space<hbm>>
    tpu.enqueue_dma source(%dma_start3A_69 : memref<2x128xi32, #tpu.memory_space<hbm>>) target(%arg7 : memref<2x128xi32, #tpu.memory_space<vmem>>) target_semaphore(%dma_start3A_67 : memref<!tpu.dma_semaphore, #tpu.memory_space<semaphore_mem>>)
    %dma_wait3A = arith.constant 0 : i32
    %dma_wait3A_70 = arith.constant 0 : i32
    %dma_wait3A_71 = tpu.memref_slice %arg3[%dma_wait3A_70, %mul3A_33] : memref<2x320000xi32, #tpu.memory_space<hbm>> -> memref<2x128xi32, #tpu.memory_space<hbm>>
    %dma_wait3A_72 = tpu.memref_slice %arg12[%dma_wait3A] : memref<3x!tpu.dma_semaphore, #tpu.memory_space<semaphore_mem>> -> memref<1x!tpu.dma_semaphore, #tpu.memory_space<semaphore_mem>>
    %dma_wait3A_73 = tpu.memref_squeeze %dma_wait3A_72 : memref<1x!tpu.dma_semaphore, #tpu.memory_space<semaphore_mem>> -> memref<!tpu.dma_semaphore, #tpu.memory_space<semaphore_mem>>
    %dma_wait3A_74 = arith.constant 0 : i32
    %dma_wait3A_75 = tpu.memref_slice %arg3[%dma_wait3A_74, %mul3A_33] : memref<2x320000xi32, #tpu.memory_space<hbm>> -> memref<2x128xi32, #tpu.memory_space<hbm>>
    tpu.wait_dma2 semaphore(%dma_wait3A_73 : memref<!tpu.dma_semaphore, #tpu.memory_space<semaphore_mem>>) src(%dma_wait3A_75 : memref<2x128xi32, #tpu.memory_space<hbm>>) dst(%arg5 : memref<2x128xi32, #tpu.memory_space<vmem>>)
    %dma_start3A_76 = arith.constant 0 : i32
    %dma_start3A_77 = arith.constant 0 : i32
    %dma_start3A_78 = arith.constant 0 : i32
    %dma_start3A_79 = tpu.memref_slice %arg5[%dma_start3A_76, %dma_start3A_78] : memref<2x128xi32, #tpu.memory_space<vmem>> -> memref<1x128xi32, #tpu.memory_space<vmem>>
    %dma_start3A_80 = tpu.memref_squeeze %dma_start3A_79 : memref<1x128xi32, #tpu.memory_space<vmem>> -> memref<128xi32, #tpu.memory_space<vmem>>
    %dma_start3A_81 = arith.constant 0 : i32
    %dma_start3A_82 = arith.constant 0 : i32
    %dma_start3A_83 = tpu.memref_slice %arg2[%dma_start3A_81, %dma_start3A_82] : memref<10112x128xf32, #tpu.memory_space<hbm>> -> memref<10112x128xf32, #tpu.memory_space<hbm>>
    %dma_start3A_84 = tpu.memref_slice %arg13[%dma_start3A_77] : memref<3x!tpu.dma_semaphore, #tpu.memory_space<semaphore_mem>> -> memref<1x!tpu.dma_semaphore, #tpu.memory_space<semaphore_mem>>
    %dma_start3A_85 = tpu.memref_squeeze %dma_start3A_84 : memref<1x!tpu.dma_semaphore, #tpu.memory_space<semaphore_mem>> -> memref<!tpu.dma_semaphore, #tpu.memory_space<semaphore_mem>>
    tpu.enqueue_indirect_dma source(%dma_start3A_83 : memref<10112x128xf32, #tpu.memory_space<hbm>>) target(%arg8 : memref<128x128xf32, #tpu.memory_space<vmem>>) offsets(%dma_start3A_80 : memref<128xi32, #tpu.memory_space<vmem>>) semaphore(%dma_start3A_85 : memref<!tpu.dma_semaphore, #tpu.memory_space<semaphore_mem>>)
    %dma_wait3A_86 = arith.constant 1 : i32
    %dma_wait3A_87 = arith.constant 0 : i32
    %dma_wait3A_88 = tpu.memref_slice %arg3[%dma_wait3A_87, %mul3A_47] : memref<2x320000xi32, #tpu.memory_space<hbm>> -> memref<2x128xi32, #tpu.memory_space<hbm>>
    %dma_wait3A_89 = tpu.memref_slice %arg12[%dma_wait3A_86] : memref<3x!tpu.dma_semaphore, #tpu.memory_space<semaphore_mem>> -> memref<1x!tpu.dma_semaphore, #tpu.memory_space<semaphore_mem>>
    %dma_wait3A_90 = tpu.memref_squeeze %dma_wait3A_89 : memref<1x!tpu.dma_semaphore, #tpu.memory_space<semaphore_mem>> -> memref<!tpu.dma_semaphore, #tpu.memory_space<semaphore_mem>>
    %dma_wait3A_91 = arith.constant 0 : i32
    %dma_wait3A_92 = tpu.memref_slice %arg3[%dma_wait3A_91, %mul3A_47] : memref<2x320000xi32, #tpu.memory_space<hbm>> -> memref<2x128xi32, #tpu.memory_space<hbm>>
    tpu.wait_dma2 semaphore(%dma_wait3A_90 : memref<!tpu.dma_semaphore, #tpu.memory_space<semaphore_mem>>) src(%dma_wait3A_92 : memref<2x128xi32, #tpu.memory_space<hbm>>) dst(%arg6 : memref<2x128xi32, #tpu.memory_space<vmem>>)
    %dma_start3A_93 = arith.constant 0 : i32
    %dma_start3A_94 = arith.constant 1 : i32
    %dma_start3A_95 = arith.constant 0 : i32
    %dma_start3A_96 = tpu.memref_slice %arg6[%dma_start3A_93, %dma_start3A_95] : memref<2x128xi32, #tpu.memory_space<vmem>> -> memref<1x128xi32, #tpu.memory_space<vmem>>
    %dma_start3A_97 = tpu.memref_squeeze %dma_start3A_96 : memref<1x128xi32, #tpu.memory_space<vmem>> -> memref<128xi32, #tpu.memory_space<vmem>>
    %dma_start3A_98 = arith.constant 0 : i32
    %dma_start3A_99 = arith.constant 0 : i32
    %dma_start3A_100 = tpu.memref_slice %arg2[%dma_start3A_98, %dma_start3A_99] : memref<10112x128xf32, #tpu.memory_space<hbm>> -> memref<10112x128xf32, #tpu.memory_space<hbm>>
    %dma_start3A_101 = tpu.memref_slice %arg13[%dma_start3A_94] : memref<3x!tpu.dma_semaphore, #tpu.memory_space<semaphore_mem>> -> memref<1x!tpu.dma_semaphore, #tpu.memory_space<semaphore_mem>>
    %dma_start3A_102 = tpu.memref_squeeze %dma_start3A_101 : memref<1x!tpu.dma_semaphore, #tpu.memory_space<semaphore_mem>> -> memref<!tpu.dma_semaphore, #tpu.memory_space<semaphore_mem>>
    tpu.enqueue_indirect_dma source(%dma_start3A_100 : memref<10112x128xf32, #tpu.memory_space<hbm>>) target(%arg9 : memref<128x128xf32, #tpu.memory_space<vmem>>) offsets(%dma_start3A_97 : memref<128xi32, #tpu.memory_space<vmem>>) semaphore(%dma_start3A_102 : memref<!tpu.dma_semaphore, #tpu.memory_space<semaphore_mem>>)
    %dma_wait3A_103 = arith.constant 2 : i32
    %dma_wait3A_104 = arith.constant 0 : i32
    %dma_wait3A_105 = tpu.memref_slice %arg3[%dma_wait3A_104, %mul3A_62] : memref<2x320000xi32, #tpu.memory_space<hbm>> -> memref<2x128xi32, #tpu.memory_space<hbm>>
    %dma_wait3A_106 = tpu.memref_slice %arg12[%dma_wait3A_103] : memref<3x!tpu.dma_semaphore, #tpu.memory_space<semaphore_mem>> -> memref<1x!tpu.dma_semaphore, #tpu.memory_space<semaphore_mem>>
    %dma_wait3A_107 = tpu.memref_squeeze %dma_wait3A_106 : memref<1x!tpu.dma_semaphore, #tpu.memory_space<semaphore_mem>> -> memref<!tpu.dma_semaphore, #tpu.memory_space<semaphore_mem>>
    %dma_wait3A_108 = arith.constant 0 : i32
    %dma_wait3A_109 = tpu.memref_slice %arg3[%dma_wait3A_108, %mul3A_62] : memref<2x320000xi32, #tpu.memory_space<hbm>> -> memref<2x128xi32, #tpu.memory_space<hbm>>
    tpu.wait_dma2 semaphore(%dma_wait3A_107 : memref<!tpu.dma_semaphore, #tpu.memory_space<semaphore_mem>>) src(%dma_wait3A_109 : memref<2x128xi32, #tpu.memory_space<hbm>>) dst(%arg7 : memref<2x128xi32, #tpu.memory_space<vmem>>)
    %dma_start3A_110 = arith.constant 0 : i32
    %dma_start3A_111 = arith.constant 2 : i32
    %dma_start3A_112 = arith.constant 0 : i32
    %dma_start3A_113 = tpu.memref_slice %arg7[%dma_start3A_110, %dma_start3A_112] : memref<2x128xi32, #tpu.memory_space<vmem>> -> memref<1x128xi32, #tpu.memory_space<vmem>>
    %dma_start3A_114 = tpu.memref_squeeze %dma_start3A_113 : memref<1x128xi32, #tpu.memory_space<vmem>> -> memref<128xi32, #tpu.memory_space<vmem>>
    %dma_start3A_115 = arith.constant 0 : i32
    %dma_start3A_116 = arith.constant 0 : i32
    %dma_start3A_117 = tpu.memref_slice %arg2[%dma_start3A_115, %dma_start3A_116] : memref<10112x128xf32, #tpu.memory_space<hbm>> -> memref<10112x128xf32, #tpu.memory_space<hbm>>
    %dma_start3A_118 = tpu.memref_slice %arg13[%dma_start3A_111] : memref<3x!tpu.dma_semaphore, #tpu.memory_space<semaphore_mem>> -> memref<1x!tpu.dma_semaphore, #tpu.memory_space<semaphore_mem>>
    %dma_start3A_119 = tpu.memref_squeeze %dma_start3A_118 : memref<1x!tpu.dma_semaphore, #tpu.memory_space<semaphore_mem>> -> memref<!tpu.dma_semaphore, #tpu.memory_space<semaphore_mem>>
    tpu.enqueue_indirect_dma source(%dma_start3A_117 : memref<10112x128xf32, #tpu.memory_space<hbm>>) target(%arg10 : memref<128x128xf32, #tpu.memory_space<vmem>>) offsets(%dma_start3A_114 : memref<128xi32, #tpu.memory_space<vmem>>) semaphore(%dma_start3A_119 : memref<!tpu.dma_semaphore, #tpu.memory_space<semaphore_mem>>)
    %dma_wait3A_120 = arith.constant 0 : i32
    %dma_wait3A_121 = arith.constant 0 : i32
    %dma_wait3A_122 = arith.constant 0 : i32
    %dma_wait3A_123 = tpu.memref_slice %arg5[%dma_wait3A_120, %dma_wait3A_122] : memref<2x128xi32, #tpu.memory_space<vmem>> -> memref<1x128xi32, #tpu.memory_space<vmem>>
    %dma_wait3A_124 = tpu.memref_squeeze %dma_wait3A_123 : memref<1x128xi32, #tpu.memory_space<vmem>> -> memref<128xi32, #tpu.memory_space<vmem>>
    %dma_wait3A_125 = arith.constant 0 : i32
    %dma_wait3A_126 = arith.constant 0 : i32
    %dma_wait3A_127 = tpu.memref_slice %arg2[%dma_wait3A_125, %dma_wait3A_126] : memref<10112x128xf32, #tpu.memory_space<hbm>> -> memref<10112x128xf32, #tpu.memory_space<hbm>>
    %dma_wait3A_128 = tpu.memref_slice %arg13[%dma_wait3A_121] : memref<3x!tpu.dma_semaphore, #tpu.memory_space<semaphore_mem>> -> memref<1x!tpu.dma_semaphore, #tpu.memory_space<semaphore_mem>>
    %dma_wait3A_129 = tpu.memref_squeeze %dma_wait3A_128 : memref<1x!tpu.dma_semaphore, #tpu.memory_space<semaphore_mem>> -> memref<!tpu.dma_semaphore, #tpu.memory_space<semaphore_mem>>
    tpu.wait_indirect_dma semaphore(%dma_wait3A_129 : memref<!tpu.dma_semaphore, #tpu.memory_space<semaphore_mem>>) src(%dma_wait3A_127 : memref<10112x128xf32, #tpu.memory_space<hbm>>) dst(%arg8 : memref<128x128xf32, #tpu.memory_space<vmem>>)
    %dma_start3A_130 = arith.constant 1 : i32
    %dma_start3A_131 = arith.constant 0 : i32
    %dma_start3A_132 = arith.constant 0 : i32
    %dma_start3A_133 = tpu.memref_slice %arg5[%dma_start3A_130, %dma_start3A_132] : memref<2x128xi32, #tpu.memory_space<vmem>> -> memref<1x128xi32, #tpu.memory_space<vmem>>
    %dma_start3A_134 = tpu.memref_squeeze %dma_start3A_133 : memref<1x128xi32, #tpu.memory_space<vmem>> -> memref<128xi32, #tpu.memory_space<vmem>>
    %dma_start3A_135 = arith.constant 0 : i32
    %dma_start3A_136 = arith.constant 0 : i32
    %dma_start3A_137 = tpu.memref_slice %arg11[%dma_start3A_135, %dma_start3A_136] : memref<10112x128xf32, #tpu.memory_space<vmem_shared>> -> memref<10112x128xf32, #tpu.memory_space<vmem_shared>>
    %dma_start3A_138 = tpu.memref_slice %arg14[%dma_start3A_131] : memref<3x!tpu.dma_semaphore, #tpu.memory_space<semaphore_mem>> -> memref<1x!tpu.dma_semaphore, #tpu.memory_space<semaphore_mem>>
    %dma_start3A_139 = tpu.memref_squeeze %dma_start3A_138 : memref<1x!tpu.dma_semaphore, #tpu.memory_space<semaphore_mem>> -> memref<!tpu.dma_semaphore, #tpu.memory_space<semaphore_mem>>
    tpu.enqueue_indirect_dma source(%arg8 : memref<128x128xf32, #tpu.memory_space<vmem>>) target(%dma_start3A_137 : memref<10112x128xf32, #tpu.memory_space<vmem_shared>>) offsets(%dma_start3A_134 : memref<128xi32, #tpu.memory_space<vmem>>) semaphore(%dma_start3A_139 : memref<!tpu.dma_semaphore, #tpu.memory_space<semaphore_mem>>) {add = true}
    %dma_wait3A_140 = arith.constant 0 : i32
    %dma_wait3A_141 = arith.constant 1 : i32
    %dma_wait3A_142 = arith.constant 0 : i32
    %dma_wait3A_143 = tpu.memref_slice %arg6[%dma_wait3A_140, %dma_wait3A_142] : memref<2x128xi32, #tpu.memory_space<vmem>> -> memref<1x128xi32, #tpu.memory_space<vmem>>
    %dma_wait3A_144 = tpu.memref_squeeze %dma_wait3A_143 : memref<1x128xi32, #tpu.memory_space<vmem>> -> memref<128xi32, #tpu.memory_space<vmem>>
    %dma_wait3A_145 = arith.constant 0 : i32
    %dma_wait3A_146 = arith.constant 0 : i32
    %dma_wait3A_147 = tpu.memref_slice %arg2[%dma_wait3A_145, %dma_wait3A_146] : memref<10112x128xf32, #tpu.memory_space<hbm>> -> memref<10112x128xf32, #tpu.memory_space<hbm>>
    %dma_wait3A_148 = tpu.memref_slice %arg13[%dma_wait3A_141] : memref<3x!tpu.dma_semaphore, #tpu.memory_space<semaphore_mem>> -> memref<1x!tpu.dma_semaphore, #tpu.memory_space<semaphore_mem>>
    %dma_wait3A_149 = tpu.memref_squeeze %dma_wait3A_148 : memref<1x!tpu.dma_semaphore, #tpu.memory_space<semaphore_mem>> -> memref<!tpu.dma_semaphore, #tpu.memory_space<semaphore_mem>>
    tpu.wait_indirect_dma semaphore(%dma_wait3A_149 : memref<!tpu.dma_semaphore, #tpu.memory_space<semaphore_mem>>) src(%dma_wait3A_147 : memref<10112x128xf32, #tpu.memory_space<hbm>>) dst(%arg9 : memref<128x128xf32, #tpu.memory_space<vmem>>)
    %dma_start3A_150 = arith.constant 1 : i32
    %dma_start3A_151 = arith.constant 1 : i32
    %dma_start3A_152 = arith.constant 0 : i32
    %dma_start3A_153 = tpu.memref_slice %arg6[%dma_start3A_150, %dma_start3A_152] : memref<2x128xi32, #tpu.memory_space<vmem>> -> memref<1x128xi32, #tpu.memory_space<vmem>>
    %dma_start3A_154 = tpu.memref_squeeze %dma_start3A_153 : memref<1x128xi32, #tpu.memory_space<vmem>> -> memref<128xi32, #tpu.memory_space<vmem>>
    %dma_start3A_155 = arith.constant 0 : i32
    %dma_start3A_156 = arith.constant 0 : i32
    %dma_start3A_157 = tpu.memref_slice %arg11[%dma_start3A_155, %dma_start3A_156] : memref<10112x128xf32, #tpu.memory_space<vmem_shared>> -> memref<10112x128xf32, #tpu.memory_space<vmem_shared>>
    %dma_start3A_158 = tpu.memref_slice %arg14[%dma_start3A_151] : memref<3x!tpu.dma_semaphore, #tpu.memory_space<semaphore_mem>> -> memref<1x!tpu.dma_semaphore, #tpu.memory_space<semaphore_mem>>
    %dma_start3A_159 = tpu.memref_squeeze %dma_start3A_158 : memref<1x!tpu.dma_semaphore, #tpu.memory_space<semaphore_mem>> -> memref<!tpu.dma_semaphore, #tpu.memory_space<semaphore_mem>>
    tpu.enqueue_indirect_dma source(%arg9 : memref<128x128xf32, #tpu.memory_space<vmem>>) target(%dma_start3A_157 : memref<10112x128xf32, #tpu.memory_space<vmem_shared>>) offsets(%dma_start3A_154 : memref<128xi32, #tpu.memory_space<vmem>>) semaphore(%dma_start3A_159 : memref<!tpu.dma_semaphore, #tpu.memory_space<semaphore_mem>>) {add = true}
    %dma_wait3A_160 = arith.constant 0 : i32
    %dma_wait3A_161 = arith.constant 2 : i32
    %dma_wait3A_162 = arith.constant 0 : i32
    %dma_wait3A_163 = tpu.memref_slice %arg7[%dma_wait3A_160, %dma_wait3A_162] : memref<2x128xi32, #tpu.memory_space<vmem>> -> memref<1x128xi32, #tpu.memory_space<vmem>>
    %dma_wait3A_164 = tpu.memref_squeeze %dma_wait3A_163 : memref<1x128xi32, #tpu.memory_space<vmem>> -> memref<128xi32, #tpu.memory_space<vmem>>
    %dma_wait3A_165 = arith.constant 0 : i32
    %dma_wait3A_166 = arith.constant 0 : i32
    %dma_wait3A_167 = tpu.memref_slice %arg2[%dma_wait3A_165, %dma_wait3A_166] : memref<10112x128xf32, #tpu.memory_space<hbm>> -> memref<10112x128xf32, #tpu.memory_space<hbm>>
    %dma_wait3A_168 = tpu.memref_slice %arg13[%dma_wait3A_161] : memref<3x!tpu.dma_semaphore, #tpu.memory_space<semaphore_mem>> -> memref<1x!tpu.dma_semaphore, #tpu.memory_space<semaphore_mem>>
    %dma_wait3A_169 = tpu.memref_squeeze %dma_wait3A_168 : memref<1x!tpu.dma_semaphore, #tpu.memory_space<semaphore_mem>> -> memref<!tpu.dma_semaphore, #tpu.memory_space<semaphore_mem>>
    tpu.wait_indirect_dma semaphore(%dma_wait3A_169 : memref<!tpu.dma_semaphore, #tpu.memory_space<semaphore_mem>>) src(%dma_wait3A_167 : memref<10112x128xf32, #tpu.memory_space<hbm>>) dst(%arg10 : memref<128x128xf32, #tpu.memory_space<vmem>>)
    %dma_start3A_170 = arith.constant 1 : i32
    %dma_start3A_171 = arith.constant 2 : i32
    %dma_start3A_172 = arith.constant 0 : i32
    %dma_start3A_173 = tpu.memref_slice %arg7[%dma_start3A_170, %dma_start3A_172] : memref<2x128xi32, #tpu.memory_space<vmem>> -> memref<1x128xi32, #tpu.memory_space<vmem>>
    %dma_start3A_174 = tpu.memref_squeeze %dma_start3A_173 : memref<1x128xi32, #tpu.memory_space<vmem>> -> memref<128xi32, #tpu.memory_space<vmem>>
    %dma_start3A_175 = arith.constant 0 : i32
    %dma_start3A_176 = arith.constant 0 : i32
    %dma_start3A_177 = tpu.memref_slice %arg11[%dma_start3A_175, %dma_start3A_176] : memref<10112x128xf32, #tpu.memory_space<vmem_shared>> -> memref<10112x128xf32, #tpu.memory_space<vmem_shared>>
    %dma_start3A_178 = tpu.memref_slice %arg14[%dma_start3A_171] : memref<3x!tpu.dma_semaphore, #tpu.memory_space<semaphore_mem>> -> memref<1x!tpu.dma_semaphore, #tpu.memory_space<semaphore_mem>>
    %dma_start3A_179 = tpu.memref_squeeze %dma_start3A_178 : memref<1x!tpu.dma_semaphore, #tpu.memory_space<semaphore_mem>> -> memref<!tpu.dma_semaphore, #tpu.memory_space<semaphore_mem>>
    tpu.enqueue_indirect_dma source(%arg10 : memref<128x128xf32, #tpu.memory_space<vmem>>) target(%dma_start3A_177 : memref<10112x128xf32, #tpu.memory_space<vmem_shared>>) offsets(%dma_start3A_174 : memref<128xi32, #tpu.memory_space<vmem>>) semaphore(%dma_start3A_179 : memref<!tpu.dma_semaphore, #tpu.memory_space<semaphore_mem>>) {add = true}
    %scan3A_180 = arith.constant 0 : i32
    %scan3A_181 = arith.constant 1 : i32
    %scan3A_182 = arith.constant 25 : i32
    %scan3A_183 = arith.addi %scan3A_181, %scan3A_182 : i32
    %scan3A_184 = arith.constant 1 : i32
    scf.for %scan3A_384 = %scan3A_181 to %scan3A_183 step %scan3A_184  : i32 {
      %gt3A = arith.constant 0 : i32
      %gt3A_385 = arith.cmpi sgt, %scan3A_384, %gt3A : i32
      %convert_element_type3A_386 = arith.extui %gt3A_385 : i1 to i32
      %cond3A_387 = arith.constant 0 : i32
      %cond3A_388 = arith.cmpi ne, %convert_element_type3A_386, %cond3A_387 : i32
      scf.if %cond3A_388 {
        %dma_wait3A_558 = arith.constant 1 : i32
        %dma_wait3A_559 = arith.constant 0 : i32
        %dma_wait3A_560 = arith.constant 0 : i32
        %dma_wait3A_561 = tpu.memref_slice %arg5[%dma_wait3A_558, %dma_wait3A_560] : memref<2x128xi32, #tpu.memory_space<vmem>> -> memref<1x128xi32, #tpu.memory_space<vmem>>
        %dma_wait3A_562 = tpu.memref_squeeze %dma_wait3A_561 : memref<1x128xi32, #tpu.memory_space<vmem>> -> memref<128xi32, #tpu.memory_space<vmem>>
        %dma_wait3A_563 = arith.constant 0 : i32
        %dma_wait3A_564 = arith.constant 0 : i32
        %dma_wait3A_565 = tpu.memref_slice %arg11[%dma_wait3A_563, %dma_wait3A_564] : memref<10112x128xf32, #tpu.memory_space<vmem_shared>> -> memref<10112x128xf32, #tpu.memory_space<vmem_shared>>
        %dma_wait3A_566 = tpu.memref_slice %arg14[%dma_wait3A_559] : memref<3x!tpu.dma_semaphore, #tpu.memory_space<semaphore_mem>> -> memref<1x!tpu.dma_semaphore, #tpu.memory_space<semaphore_mem>>
        %dma_wait3A_567 = tpu.memref_squeeze %dma_wait3A_566 : memref<1x!tpu.dma_semaphore, #tpu.memory_space<semaphore_mem>> -> memref<!tpu.dma_semaphore, #tpu.memory_space<semaphore_mem>>
        tpu.wait_indirect_dma semaphore(%dma_wait3A_567 : memref<!tpu.dma_semaphore, #tpu.memory_space<semaphore_mem>>) src(%arg8 : memref<128x128xf32, #tpu.memory_space<vmem>>) dst(%dma_wait3A_565 : memref<10112x128xf32, #tpu.memory_space<vmem_shared>>)
      } else {
      }
      %mul3A_389 = arith.constant 78 : i32
      %mul3A_390 = arith.muli %add3A, %mul3A_389 : i32
      %mul3A_391 = arith.constant 3 : i32
      %mul3A_392 = arith.muli %scan3A_384, %mul3A_391 : i32
      %add3A_393 = arith.addi %mul3A_390, %mul3A_392 : i32
      %add3A_394 = arith.constant 0 : i32
      %add3A_395 = arith.addi %add3A_393, %add3A_394 : i32
      %mul3A_396 = arith.constant 128 : i32
      %mul3A_397 = arith.muli %add3A_395, %mul3A_396 : i32
      %dma_start3A_398 = arith.constant 0 : i32
      %dma_start3A_399 = arith.constant 0 : i32
      %dma_start3A_400 = tpu.memref_slice %arg3[%dma_start3A_399, %mul3A_397] : memref<2x320000xi32, #tpu.memory_space<hbm>> -> memref<2x128xi32, #tpu.memory_space<hbm>>
      %dma_start3A_401 = tpu.memref_slice %arg12[%dma_start3A_398] : memref<3x!tpu.dma_semaphore, #tpu.memory_space<semaphore_mem>> -> memref<1x!tpu.dma_semaphore, #tpu.memory_space<semaphore_mem>>
      %dma_start3A_402 = tpu.memref_squeeze %dma_start3A_401 : memref<1x!tpu.dma_semaphore, #tpu.memory_space<semaphore_mem>> -> memref<!tpu.dma_semaphore, #tpu.memory_space<semaphore_mem>>
      %dma_start3A_403 = arith.constant 0 : i32
      %dma_start3A_404 = tpu.memref_slice %arg3[%dma_start3A_403, %mul3A_397] : memref<2x320000xi32, #tpu.memory_space<hbm>> -> memref<2x128xi32, #tpu.memory_space<hbm>>
      tpu.enqueue_dma source(%dma_start3A_404 : memref<2x128xi32, #tpu.memory_space<hbm>>) target(%arg5 : memref<2x128xi32, #tpu.memory_space<vmem>>) target_semaphore(%dma_start3A_402 : memref<!tpu.dma_semaphore, #tpu.memory_space<semaphore_mem>>)
      %gt3A_405 = arith.constant 0 : i32
      %gt3A_406 = arith.cmpi sgt, %scan3A_384, %gt3A_405 : i32
      %convert_element_type3A_407 = arith.extui %gt3A_406 : i1 to i32
      %cond3A_408 = arith.constant 0 : i32
      %cond3A_409 = arith.cmpi ne, %convert_element_type3A_407, %cond3A_408 : i32
      scf.if %cond3A_409 {
        %dma_wait3A_558 = arith.constant 1 : i32
        %dma_wait3A_559 = arith.constant 1 : i32
        %dma_wait3A_560 = arith.constant 0 : i32
        %dma_wait3A_561 = tpu.memref_slice %arg6[%dma_wait3A_558, %dma_wait3A_560] : memref<2x128xi32, #tpu.memory_space<vmem>> -> memref<1x128xi32, #tpu.memory_space<vmem>>
        %dma_wait3A_562 = tpu.memref_squeeze %dma_wait3A_561 : memref<1x128xi32, #tpu.memory_space<vmem>> -> memref<128xi32, #tpu.memory_space<vmem>>
        %dma_wait3A_563 = arith.constant 0 : i32
        %dma_wait3A_564 = arith.constant 0 : i32
        %dma_wait3A_565 = tpu.memref_slice %arg11[%dma_wait3A_563, %dma_wait3A_564] : memref<10112x128xf32, #tpu.memory_space<vmem_shared>> -> memref<10112x128xf32, #tpu.memory_space<vmem_shared>>
        %dma_wait3A_566 = tpu.memref_slice %arg14[%dma_wait3A_559] : memref<3x!tpu.dma_semaphore, #tpu.memory_space<semaphore_mem>> -> memref<1x!tpu.dma_semaphore, #tpu.memory_space<semaphore_mem>>
        %dma_wait3A_567 = tpu.memref_squeeze %dma_wait3A_566 : memref<1x!tpu.dma_semaphore, #tpu.memory_space<semaphore_mem>> -> memref<!tpu.dma_semaphore, #tpu.memory_space<semaphore_mem>>
        tpu.wait_indirect_dma semaphore(%dma_wait3A_567 : memref<!tpu.dma_semaphore, #tpu.memory_space<semaphore_mem>>) src(%arg9 : memref<128x128xf32, #tpu.memory_space<vmem>>) dst(%dma_wait3A_565 : memref<10112x128xf32, #tpu.memory_space<vmem_shared>>)
      } else {
      }
      %mul3A_410 = arith.constant 78 : i32
      %mul3A_411 = arith.muli %add3A, %mul3A_410 : i32
      %mul3A_412 = arith.constant 3 : i32
      %mul3A_413 = arith.muli %scan3A_384, %mul3A_412 : i32
      %add3A_414 = arith.addi %mul3A_411, %mul3A_413 : i32
      %add3A_415 = arith.constant 1 : i32
      %add3A_416 = arith.addi %add3A_414, %add3A_415 : i32
      %mul3A_417 = arith.constant 128 : i32
      %mul3A_418 = arith.muli %add3A_416, %mul3A_417 : i32
      %dma_start3A_419 = arith.constant 1 : i32
      %dma_start3A_420 = arith.constant 0 : i32
      %dma_start3A_421 = tpu.memref_slice %arg3[%dma_start3A_420, %mul3A_418] : memref<2x320000xi32, #tpu.memory_space<hbm>> -> memref<2x128xi32, #tpu.memory_space<hbm>>
      %dma_start3A_422 = tpu.memref_slice %arg12[%dma_start3A_419] : memref<3x!tpu.dma_semaphore, #tpu.memory_space<semaphore_mem>> -> memref<1x!tpu.dma_semaphore, #tpu.memory_space<semaphore_mem>>
      %dma_start3A_423 = tpu.memref_squeeze %dma_start3A_422 : memref<1x!tpu.dma_semaphore, #tpu.memory_space<semaphore_mem>> -> memref<!tpu.dma_semaphore, #tpu.memory_space<semaphore_mem>>
      %dma_start3A_424 = arith.constant 0 : i32
      %dma_start3A_425 = tpu.memref_slice %arg3[%dma_start3A_424, %mul3A_418] : memref<2x320000xi32, #tpu.memory_space<hbm>> -> memref<2x128xi32, #tpu.memory_space<hbm>>
      tpu.enqueue_dma source(%dma_start3A_425 : memref<2x128xi32, #tpu.memory_space<hbm>>) target(%arg6 : memref<2x128xi32, #tpu.memory_space<vmem>>) target_semaphore(%dma_start3A_423 : memref<!tpu.dma_semaphore, #tpu.memory_space<semaphore_mem>>)
      %gt3A_426 = arith.constant 0 : i32
      %gt3A_427 = arith.cmpi sgt, %scan3A_384, %gt3A_426 : i32
      %convert_element_type3A_428 = arith.extui %gt3A_427 : i1 to i32
      %cond3A_429 = arith.constant 0 : i32
      %cond3A_430 = arith.cmpi ne, %convert_element_type3A_428, %cond3A_429 : i32
      scf.if %cond3A_430 {
        %dma_wait3A_558 = arith.constant 1 : i32
        %dma_wait3A_559 = arith.constant 2 : i32
        %dma_wait3A_560 = arith.constant 0 : i32
        %dma_wait3A_561 = tpu.memref_slice %arg7[%dma_wait3A_558, %dma_wait3A_560] : memref<2x128xi32, #tpu.memory_space<vmem>> -> memref<1x128xi32, #tpu.memory_space<vmem>>
        %dma_wait3A_562 = tpu.memref_squeeze %dma_wait3A_561 : memref<1x128xi32, #tpu.memory_space<vmem>> -> memref<128xi32, #tpu.memory_space<vmem>>
        %dma_wait3A_563 = arith.constant 0 : i32
        %dma_wait3A_564 = arith.constant 0 : i32
        %dma_wait3A_565 = tpu.memref_slice %arg11[%dma_wait3A_563, %dma_wait3A_564] : memref<10112x128xf32, #tpu.memory_space<vmem_shared>> -> memref<10112x128xf32, #tpu.memory_space<vmem_shared>>
        %dma_wait3A_566 = tpu.memref_slice %arg14[%dma_wait3A_559] : memref<3x!tpu.dma_semaphore, #tpu.memory_space<semaphore_mem>> -> memref<1x!tpu.dma_semaphore, #tpu.memory_space<semaphore_mem>>
        %dma_wait3A_567 = tpu.memref_squeeze %dma_wait3A_566 : memref<1x!tpu.dma_semaphore, #tpu.memory_space<semaphore_mem>> -> memref<!tpu.dma_semaphore, #tpu.memory_space<semaphore_mem>>
        tpu.wait_indirect_dma semaphore(%dma_wait3A_567 : memref<!tpu.dma_semaphore, #tpu.memory_space<semaphore_mem>>) src(%arg10 : memref<128x128xf32, #tpu.memory_space<vmem>>) dst(%dma_wait3A_565 : memref<10112x128xf32, #tpu.memory_space<vmem_shared>>)
      } else {
      }
      %mul3A_431 = arith.constant 78 : i32
      %mul3A_432 = arith.muli %add3A, %mul3A_431 : i32
      %mul3A_433 = arith.constant 3 : i32
      %mul3A_434 = arith.muli %scan3A_384, %mul3A_433 : i32
      %add3A_435 = arith.addi %mul3A_432, %mul3A_434 : i32
      %add3A_436 = arith.constant 2 : i32
      %add3A_437 = arith.addi %add3A_435, %add3A_436 : i32
      %mul3A_438 = arith.constant 128 : i32
      %mul3A_439 = arith.muli %add3A_437, %mul3A_438 : i32
      %dma_start3A_440 = arith.constant 2 : i32
      %dma_start3A_441 = arith.constant 0 : i32
      %dma_start3A_442 = tpu.memref_slice %arg3[%dma_start3A_441, %mul3A_439] : memref<2x320000xi32, #tpu.memory_space<hbm>> -> memref<2x128xi32, #tpu.memory_space<hbm>>
      %dma_start3A_443 = tpu.memref_slice %arg12[%dma_start3A_440] : memref<3x!tpu.dma_semaphore, #tpu.memory_space<semaphore_mem>> -> memref<1x!tpu.dma_semaphore, #tpu.memory_space<semaphore_mem>>
      %dma_start3A_444 = tpu.memref_squeeze %dma_start3A_443 : memref<1x!tpu.dma_semaphore, #tpu.memory_space<semaphore_mem>> -> memref<!tpu.dma_semaphore, #tpu.memory_space<semaphore_mem>>
      %dma_start3A_445 = arith.constant 0 : i32
      %dma_start3A_446 = tpu.memref_slice %arg3[%dma_start3A_445, %mul3A_439] : memref<2x320000xi32, #tpu.memory_space<hbm>> -> memref<2x128xi32, #tpu.memory_space<hbm>>
      tpu.enqueue_dma source(%dma_start3A_446 : memref<2x128xi32, #tpu.memory_space<hbm>>) target(%arg7 : memref<2x128xi32, #tpu.memory_space<vmem>>) target_semaphore(%dma_start3A_444 : memref<!tpu.dma_semaphore, #tpu.memory_space<semaphore_mem>>)
      %dma_wait3A_447 = arith.constant 0 : i32
      %dma_wait3A_448 = arith.constant 0 : i32
      %dma_wait3A_449 = tpu.memref_slice %arg3[%dma_wait3A_448, %mul3A_397] : memref<2x320000xi32, #tpu.memory_space<hbm>> -> memref<2x128xi32, #tpu.memory_space<hbm>>
      %dma_wait3A_450 = tpu.memref_slice %arg12[%dma_wait3A_447] : memref<3x!tpu.dma_semaphore, #tpu.memory_space<semaphore_mem>> -> memref<1x!tpu.dma_semaphore, #tpu.memory_space<semaphore_mem>>
      %dma_wait3A_451 = tpu.memref_squeeze %dma_wait3A_450 : memref<1x!tpu.dma_semaphore, #tpu.memory_space<semaphore_mem>> -> memref<!tpu.dma_semaphore, #tpu.memory_space<semaphore_mem>>
      %dma_wait3A_452 = arith.constant 0 : i32
      %dma_wait3A_453 = tpu.memref_slice %arg3[%dma_wait3A_452, %mul3A_397] : memref<2x320000xi32, #tpu.memory_space<hbm>> -> memref<2x128xi32, #tpu.memory_space<hbm>>
      tpu.wait_dma2 semaphore(%dma_wait3A_451 : memref<!tpu.dma_semaphore, #tpu.memory_space<semaphore_mem>>) src(%dma_wait3A_453 : memref<2x128xi32, #tpu.memory_space<hbm>>) dst(%arg5 : memref<2x128xi32, #tpu.memory_space<vmem>>)
      %dma_start3A_454 = arith.constant 0 : i32
      %dma_start3A_455 = arith.constant 0 : i32
      %dma_start3A_456 = arith.constant 0 : i32
      %dma_start3A_457 = tpu.memref_slice %arg5[%dma_start3A_454, %dma_start3A_456] : memref<2x128xi32, #tpu.memory_space<vmem>> -> memref<1x128xi32, #tpu.memory_space<vmem>>
      %dma_start3A_458 = tpu.memref_squeeze %dma_start3A_457 : memref<1x128xi32, #tpu.memory_space<vmem>> -> memref<128xi32, #tpu.memory_space<vmem>>
      %dma_start3A_459 = arith.constant 0 : i32
      %dma_start3A_460 = arith.constant 0 : i32
      %dma_start3A_461 = tpu.memref_slice %arg2[%dma_start3A_459, %dma_start3A_460] : memref<10112x128xf32, #tpu.memory_space<hbm>> -> memref<10112x128xf32, #tpu.memory_space<hbm>>
      %dma_start3A_462 = tpu.memref_slice %arg13[%dma_start3A_455] : memref<3x!tpu.dma_semaphore, #tpu.memory_space<semaphore_mem>> -> memref<1x!tpu.dma_semaphore, #tpu.memory_space<semaphore_mem>>
      %dma_start3A_463 = tpu.memref_squeeze %dma_start3A_462 : memref<1x!tpu.dma_semaphore, #tpu.memory_space<semaphore_mem>> -> memref<!tpu.dma_semaphore, #tpu.memory_space<semaphore_mem>>
      tpu.enqueue_indirect_dma source(%dma_start3A_461 : memref<10112x128xf32, #tpu.memory_space<hbm>>) target(%arg8 : memref<128x128xf32, #tpu.memory_space<vmem>>) offsets(%dma_start3A_458 : memref<128xi32, #tpu.memory_space<vmem>>) semaphore(%dma_start3A_463 : memref<!tpu.dma_semaphore, #tpu.memory_space<semaphore_mem>>)
      %dma_wait3A_464 = arith.constant 1 : i32
      %dma_wait3A_465 = arith.constant 0 : i32
      %dma_wait3A_466 = tpu.memref_slice %arg3[%dma_wait3A_465, %mul3A_418] : memref<2x320000xi32, #tpu.memory_space<hbm>> -> memref<2x128xi32, #tpu.memory_space<hbm>>
      %dma_wait3A_467 = tpu.memref_slice %arg12[%dma_wait3A_464] : memref<3x!tpu.dma_semaphore, #tpu.memory_space<semaphore_mem>> -> memref<1x!tpu.dma_semaphore, #tpu.memory_space<semaphore_mem>>
      %dma_wait3A_468 = tpu.memref_squeeze %dma_wait3A_467 : memref<1x!tpu.dma_semaphore, #tpu.memory_space<semaphore_mem>> -> memref<!tpu.dma_semaphore, #tpu.memory_space<semaphore_mem>>
      %dma_wait3A_469 = arith.constant 0 : i32
      %dma_wait3A_470 = tpu.memref_slice %arg3[%dma_wait3A_469, %mul3A_418] : memref<2x320000xi32, #tpu.memory_space<hbm>> -> memref<2x128xi32, #tpu.memory_space<hbm>>
      tpu.wait_dma2 semaphore(%dma_wait3A_468 : memref<!tpu.dma_semaphore, #tpu.memory_space<semaphore_mem>>) src(%dma_wait3A_470 : memref<2x128xi32, #tpu.memory_space<hbm>>) dst(%arg6 : memref<2x128xi32, #tpu.memory_space<vmem>>)
      %dma_start3A_471 = arith.constant 0 : i32
      %dma_start3A_472 = arith.constant 1 : i32
      %dma_start3A_473 = arith.constant 0 : i32
      %dma_start3A_474 = tpu.memref_slice %arg6[%dma_start3A_471, %dma_start3A_473] : memref<2x128xi32, #tpu.memory_space<vmem>> -> memref<1x128xi32, #tpu.memory_space<vmem>>
      %dma_start3A_475 = tpu.memref_squeeze %dma_start3A_474 : memref<1x128xi32, #tpu.memory_space<vmem>> -> memref<128xi32, #tpu.memory_space<vmem>>
      %dma_start3A_476 = arith.constant 0 : i32
      %dma_start3A_477 = arith.constant 0 : i32
      %dma_start3A_478 = tpu.memref_slice %arg2[%dma_start3A_476, %dma_start3A_477] : memref<10112x128xf32, #tpu.memory_space<hbm>> -> memref<10112x128xf32, #tpu.memory_space<hbm>>
      %dma_start3A_479 = tpu.memref_slice %arg13[%dma_start3A_472] : memref<3x!tpu.dma_semaphore, #tpu.memory_space<semaphore_mem>> -> memref<1x!tpu.dma_semaphore, #tpu.memory_space<semaphore_mem>>
      %dma_start3A_480 = tpu.memref_squeeze %dma_start3A_479 : memref<1x!tpu.dma_semaphore, #tpu.memory_space<semaphore_mem>> -> memref<!tpu.dma_semaphore, #tpu.memory_space<semaphore_mem>>
      tpu.enqueue_indirect_dma source(%dma_start3A_478 : memref<10112x128xf32, #tpu.memory_space<hbm>>) target(%arg9 : memref<128x128xf32, #tpu.memory_space<vmem>>) offsets(%dma_start3A_475 : memref<128xi32, #tpu.memory_space<vmem>>) semaphore(%dma_start3A_480 : memref<!tpu.dma_semaphore, #tpu.memory_space<semaphore_mem>>)
      %dma_wait3A_481 = arith.constant 2 : i32
      %dma_wait3A_482 = arith.constant 0 : i32
      %dma_wait3A_483 = tpu.memref_slice %arg3[%dma_wait3A_482, %mul3A_439] : memref<2x320000xi32, #tpu.memory_space<hbm>> -> memref<2x128xi32, #tpu.memory_space<hbm>>
      %dma_wait3A_484 = tpu.memref_slice %arg12[%dma_wait3A_481] : memref<3x!tpu.dma_semaphore, #tpu.memory_space<semaphore_mem>> -> memref<1x!tpu.dma_semaphore, #tpu.memory_space<semaphore_mem>>
      %dma_wait3A_485 = tpu.memref_squeeze %dma_wait3A_484 : memref<1x!tpu.dma_semaphore, #tpu.memory_space<semaphore_mem>> -> memref<!tpu.dma_semaphore, #tpu.memory_space<semaphore_mem>>
      %dma_wait3A_486 = arith.constant 0 : i32
      %dma_wait3A_487 = tpu.memref_slice %arg3[%dma_wait3A_486, %mul3A_439] : memref<2x320000xi32, #tpu.memory_space<hbm>> -> memref<2x128xi32, #tpu.memory_space<hbm>>
      tpu.wait_dma2 semaphore(%dma_wait3A_485 : memref<!tpu.dma_semaphore, #tpu.memory_space<semaphore_mem>>) src(%dma_wait3A_487 : memref<2x128xi32, #tpu.memory_space<hbm>>) dst(%arg7 : memref<2x128xi32, #tpu.memory_space<vmem>>)
      %dma_start3A_488 = arith.constant 0 : i32
      %dma_start3A_489 = arith.constant 2 : i32
      %dma_start3A_490 = arith.constant 0 : i32
      %dma_start3A_491 = tpu.memref_slice %arg7[%dma_start3A_488, %dma_start3A_490] : memref<2x128xi32, #tpu.memory_space<vmem>> -> memref<1x128xi32, #tpu.memory_space<vmem>>
      %dma_start3A_492 = tpu.memref_squeeze %dma_start3A_491 : memref<1x128xi32, #tpu.memory_space<vmem>> -> memref<128xi32, #tpu.memory_space<vmem>>
      %dma_start3A_493 = arith.constant 0 : i32
      %dma_start3A_494 = arith.constant 0 : i32
      %dma_start3A_495 = tpu.memref_slice %arg2[%dma_start3A_493, %dma_start3A_494] : memref<10112x128xf32, #tpu.memory_space<hbm>> -> memref<10112x128xf32, #tpu.memory_space<hbm>>
      %dma_start3A_496 = tpu.memref_slice %arg13[%dma_start3A_489] : memref<3x!tpu.dma_semaphore, #tpu.memory_space<semaphore_mem>> -> memref<1x!tpu.dma_semaphore, #tpu.memory_space<semaphore_mem>>
      %dma_start3A_497 = tpu.memref_squeeze %dma_start3A_496 : memref<1x!tpu.dma_semaphore, #tpu.memory_space<semaphore_mem>> -> memref<!tpu.dma_semaphore, #tpu.memory_space<semaphore_mem>>
      tpu.enqueue_indirect_dma source(%dma_start3A_495 : memref<10112x128xf32, #tpu.memory_space<hbm>>) target(%arg10 : memref<128x128xf32, #tpu.memory_space<vmem>>) offsets(%dma_start3A_492 : memref<128xi32, #tpu.memory_space<vmem>>) semaphore(%dma_start3A_497 : memref<!tpu.dma_semaphore, #tpu.memory_space<semaphore_mem>>)
      %dma_wait3A_498 = arith.constant 0 : i32
      %dma_wait3A_499 = arith.constant 0 : i32
      %dma_wait3A_500 = arith.constant 0 : i32
      %dma_wait3A_501 = tpu.memref_slice %arg5[%dma_wait3A_498, %dma_wait3A_500] : memref<2x128xi32, #tpu.memory_space<vmem>> -> memref<1x128xi32, #tpu.memory_space<vmem>>
      %dma_wait3A_502 = tpu.memref_squeeze %dma_wait3A_501 : memref<1x128xi32, #tpu.memory_space<vmem>> -> memref<128xi32, #tpu.memory_space<vmem>>
      %dma_wait3A_503 = arith.constant 0 : i32
      %dma_wait3A_504 = arith.constant 0 : i32
      %dma_wait3A_505 = tpu.memref_slice %arg2[%dma_wait3A_503, %dma_wait3A_504] : memref<10112x128xf32, #tpu.memory_space<hbm>> -> memref<10112x128xf32, #tpu.memory_space<hbm>>
      %dma_wait3A_506 = tpu.memref_slice %arg13[%dma_wait3A_499] : memref<3x!tpu.dma_semaphore, #tpu.memory_space<semaphore_mem>> -> memref<1x!tpu.dma_semaphore, #tpu.memory_space<semaphore_mem>>
      %dma_wait3A_507 = tpu.memref_squeeze %dma_wait3A_506 : memref<1x!tpu.dma_semaphore, #tpu.memory_space<semaphore_mem>> -> memref<!tpu.dma_semaphore, #tpu.memory_space<semaphore_mem>>
      tpu.wait_indirect_dma semaphore(%dma_wait3A_507 : memref<!tpu.dma_semaphore, #tpu.memory_space<semaphore_mem>>) src(%dma_wait3A_505 : memref<10112x128xf32, #tpu.memory_space<hbm>>) dst(%arg8 : memref<128x128xf32, #tpu.memory_space<vmem>>)
      %dma_start3A_508 = arith.constant 1 : i32
      %dma_start3A_509 = arith.constant 0 : i32
      %dma_start3A_510 = arith.constant 0 : i32
      %dma_start3A_511 = tpu.memref_slice %arg5[%dma_start3A_508, %dma_start3A_510] : memref<2x128xi32, #tpu.memory_space<vmem>> -> memref<1x128xi32, #tpu.memory_space<vmem>>
      %dma_start3A_512 = tpu.memref_squeeze %dma_start3A_511 : memref<1x128xi32, #tpu.memory_space<vmem>> -> memref<128xi32, #tpu.memory_space<vmem>>
      %dma_start3A_513 = arith.constant 0 : i32
      %dma_start3A_514 = arith.constant 0 : i32
      %dma_start3A_515 = tpu.memref_slice %arg11[%dma_start3A_513, %dma_start3A_514] : memref<10112x128xf32, #tpu.memory_space<vmem_shared>> -> memref<10112x128xf32, #tpu.memory_space<vmem_shared>>
      %dma_start3A_516 = tpu.memref_slice %arg14[%dma_start3A_509] : memref<3x!tpu.dma_semaphore, #tpu.memory_space<semaphore_mem>> -> memref<1x!tpu.dma_semaphore, #tpu.memory_space<semaphore_mem>>
      %dma_start3A_517 = tpu.memref_squeeze %dma_start3A_516 : memref<1x!tpu.dma_semaphore, #tpu.memory_space<semaphore_mem>> -> memref<!tpu.dma_semaphore, #tpu.memory_space<semaphore_mem>>
      tpu.enqueue_indirect_dma source(%arg8 : memref<128x128xf32, #tpu.memory_space<vmem>>) target(%dma_start3A_515 : memref<10112x128xf32, #tpu.memory_space<vmem_shared>>) offsets(%dma_start3A_512 : memref<128xi32, #tpu.memory_space<vmem>>) semaphore(%dma_start3A_517 : memref<!tpu.dma_semaphore, #tpu.memory_space<semaphore_mem>>) {add = true}
      %dma_wait3A_518 = arith.constant 0 : i32
      %dma_wait3A_519 = arith.constant 1 : i32
      %dma_wait3A_520 = arith.constant 0 : i32
      %dma_wait3A_521 = tpu.memref_slice %arg6[%dma_wait3A_518, %dma_wait3A_520] : memref<2x128xi32, #tpu.memory_space<vmem>> -> memref<1x128xi32, #tpu.memory_space<vmem>>
      %dma_wait3A_522 = tpu.memref_squeeze %dma_wait3A_521 : memref<1x128xi32, #tpu.memory_space<vmem>> -> memref<128xi32, #tpu.memory_space<vmem>>
      %dma_wait3A_523 = arith.constant 0 : i32
      %dma_wait3A_524 = arith.constant 0 : i32
      %dma_wait3A_525 = tpu.memref_slice %arg2[%dma_wait3A_523, %dma_wait3A_524] : memref<10112x128xf32, #tpu.memory_space<hbm>> -> memref<10112x128xf32, #tpu.memory_space<hbm>>
      %dma_wait3A_526 = tpu.memref_slice %arg13[%dma_wait3A_519] : memref<3x!tpu.dma_semaphore, #tpu.memory_space<semaphore_mem>> -> memref<1x!tpu.dma_semaphore, #tpu.memory_space<semaphore_mem>>
      %dma_wait3A_527 = tpu.memref_squeeze %dma_wait3A_526 : memref<1x!tpu.dma_semaphore, #tpu.memory_space<semaphore_mem>> -> memref<!tpu.dma_semaphore, #tpu.memory_space<semaphore_mem>>
      tpu.wait_indirect_dma semaphore(%dma_wait3A_527 : memref<!tpu.dma_semaphore, #tpu.memory_space<semaphore_mem>>) src(%dma_wait3A_525 : memref<10112x128xf32, #tpu.memory_space<hbm>>) dst(%arg9 : memref<128x128xf32, #tpu.memory_space<vmem>>)
      %dma_start3A_528 = arith.constant 1 : i32
      %dma_start3A_529 = arith.constant 1 : i32
      %dma_start3A_530 = arith.constant 0 : i32
      %dma_start3A_531 = tpu.memref_slice %arg6[%dma_start3A_528, %dma_start3A_530] : memref<2x128xi32, #tpu.memory_space<vmem>> -> memref<1x128xi32, #tpu.memory_space<vmem>>
      %dma_start3A_532 = tpu.memref_squeeze %dma_start3A_531 : memref<1x128xi32, #tpu.memory_space<vmem>> -> memref<128xi32, #tpu.memory_space<vmem>>
      %dma_start3A_533 = arith.constant 0 : i32
      %dma_start3A_534 = arith.constant 0 : i32
      %dma_start3A_535 = tpu.memref_slice %arg11[%dma_start3A_533, %dma_start3A_534] : memref<10112x128xf32, #tpu.memory_space<vmem_shared>> -> memref<10112x128xf32, #tpu.memory_space<vmem_shared>>
      %dma_start3A_536 = tpu.memref_slice %arg14[%dma_start3A_529] : memref<3x!tpu.dma_semaphore, #tpu.memory_space<semaphore_mem>> -> memref<1x!tpu.dma_semaphore, #tpu.memory_space<semaphore_mem>>
      %dma_start3A_537 = tpu.memref_squeeze %dma_start3A_536 : memref<1x!tpu.dma_semaphore, #tpu.memory_space<semaphore_mem>> -> memref<!tpu.dma_semaphore, #tpu.memory_space<semaphore_mem>>
      tpu.enqueue_indirect_dma source(%arg9 : memref<128x128xf32, #tpu.memory_space<vmem>>) target(%dma_start3A_535 : memref<10112x128xf32, #tpu.memory_space<vmem_shared>>) offsets(%dma_start3A_532 : memref<128xi32, #tpu.memory_space<vmem>>) semaphore(%dma_start3A_537 : memref<!tpu.dma_semaphore, #tpu.memory_space<semaphore_mem>>) {add = true}
      %dma_wait3A_538 = arith.constant 0 : i32
      %dma_wait3A_539 = arith.constant 2 : i32
      %dma_wait3A_540 = arith.constant 0 : i32
      %dma_wait3A_541 = tpu.memref_slice %arg7[%dma_wait3A_538, %dma_wait3A_540] : memref<2x128xi32, #tpu.memory_space<vmem>> -> memref<1x128xi32, #tpu.memory_space<vmem>>
      %dma_wait3A_542 = tpu.memref_squeeze %dma_wait3A_541 : memref<1x128xi32, #tpu.memory_space<vmem>> -> memref<128xi32, #tpu.memory_space<vmem>>
      %dma_wait3A_543 = arith.constant 0 : i32
      %dma_wait3A_544 = arith.constant 0 : i32
      %dma_wait3A_545 = tpu.memref_slice %arg2[%dma_wait3A_543, %dma_wait3A_544] : memref<10112x128xf32, #tpu.memory_space<hbm>> -> memref<10112x128xf32, #tpu.memory_space<hbm>>
      %dma_wait3A_546 = tpu.memref_slice %arg13[%dma_wait3A_539] : memref<3x!tpu.dma_semaphore, #tpu.memory_space<semaphore_mem>> -> memref<1x!tpu.dma_semaphore, #tpu.memory_space<semaphore_mem>>
      %dma_wait3A_547 = tpu.memref_squeeze %dma_wait3A_546 : memref<1x!tpu.dma_semaphore, #tpu.memory_space<semaphore_mem>> -> memref<!tpu.dma_semaphore, #tpu.memory_space<semaphore_mem>>
      tpu.wait_indirect_dma semaphore(%dma_wait3A_547 : memref<!tpu.dma_semaphore, #tpu.memory_space<semaphore_mem>>) src(%dma_wait3A_545 : memref<10112x128xf32, #tpu.memory_space<hbm>>) dst(%arg10 : memref<128x128xf32, #tpu.memory_space<vmem>>)
      %dma_start3A_548 = arith.constant 1 : i32
      %dma_start3A_549 = arith.constant 2 : i32
      %dma_start3A_550 = arith.constant 0 : i32
      %dma_start3A_551 = tpu.memref_slice %arg7[%dma_start3A_548, %dma_start3A_550] : memref<2x128xi32, #tpu.memory_space<vmem>> -> memref<1x128xi32, #tpu.memory_space<vmem>>
      %dma_start3A_552 = tpu.memref_squeeze %dma_start3A_551 : memref<1x128xi32, #tpu.memory_space<vmem>> -> memref<128xi32, #tpu.memory_space<vmem>>
      %dma_start3A_553 = arith.constant 0 : i32
      %dma_start3A_554 = arith.constant 0 : i32
      %dma_start3A_555 = tpu.memref_slice %arg11[%dma_start3A_553, %dma_start3A_554] : memref<10112x128xf32, #tpu.memory_space<vmem_shared>> -> memref<10112x128xf32, #tpu.memory_space<vmem_shared>>
      %dma_start3A_556 = tpu.memref_slice %arg14[%dma_start3A_549] : memref<3x!tpu.dma_semaphore, #tpu.memory_space<semaphore_mem>> -> memref<1x!tpu.dma_semaphore, #tpu.memory_space<semaphore_mem>>
      %dma_start3A_557 = tpu.memref_squeeze %dma_start3A_556 : memref<1x!tpu.dma_semaphore, #tpu.memory_space<semaphore_mem>> -> memref<!tpu.dma_semaphore, #tpu.memory_space<semaphore_mem>>
      tpu.enqueue_indirect_dma source(%arg10 : memref<128x128xf32, #tpu.memory_space<vmem>>) target(%dma_start3A_555 : memref<10112x128xf32, #tpu.memory_space<vmem_shared>>) offsets(%dma_start3A_552 : memref<128xi32, #tpu.memory_space<vmem>>) semaphore(%dma_start3A_557 : memref<!tpu.dma_semaphore, #tpu.memory_space<semaphore_mem>>) {add = true}
    }
    %scan3A_185 = arith.constant 25 : i32
    %dma_wait3A_186 = arith.constant 1 : i32
    %dma_wait3A_187 = arith.constant 0 : i32
    %dma_wait3A_188 = arith.constant 0 : i32
    %dma_wait3A_189 = tpu.memref_slice %arg5[%dma_wait3A_186, %dma_wait3A_188] : memref<2x128xi32, #tpu.memory_space<vmem>> -> memref<1x128xi32, #tpu.memory_space<vmem>>
    %dma_wait3A_190 = tpu.memref_squeeze %dma_wait3A_189 : memref<1x128xi32, #tpu.memory_space<vmem>> -> memref<128xi32, #tpu.memory_space<vmem>>
    %dma_wait3A_191 = arith.constant 0 : i32
    %dma_wait3A_192 = arith.constant 0 : i32
    %dma_wait3A_193 = tpu.memref_slice %arg11[%dma_wait3A_191, %dma_wait3A_192] : memref<10112x128xf32, #tpu.memory_space<vmem_shared>> -> memref<10112x128xf32, #tpu.memory_space<vmem_shared>>
    %dma_wait3A_194 = tpu.memref_slice %arg14[%dma_wait3A_187] : memref<3x!tpu.dma_semaphore, #tpu.memory_space<semaphore_mem>> -> memref<1x!tpu.dma_semaphore, #tpu.memory_space<semaphore_mem>>
    %dma_wait3A_195 = tpu.memref_squeeze %dma_wait3A_194 : memref<1x!tpu.dma_semaphore, #tpu.memory_space<semaphore_mem>> -> memref<!tpu.dma_semaphore, #tpu.memory_space<semaphore_mem>>
    tpu.wait_indirect_dma semaphore(%dma_wait3A_195 : memref<!tpu.dma_semaphore, #tpu.memory_space<semaphore_mem>>) src(%arg8 : memref<128x128xf32, #tpu.memory_space<vmem>>) dst(%dma_wait3A_193 : memref<10112x128xf32, #tpu.memory_space<vmem_shared>>)
    %dma_wait3A_196 = arith.constant 1 : i32
    %dma_wait3A_197 = arith.constant 1 : i32
    %dma_wait3A_198 = arith.constant 0 : i32
    %dma_wait3A_199 = tpu.memref_slice %arg6[%dma_wait3A_196, %dma_wait3A_198] : memref<2x128xi32, #tpu.memory_space<vmem>> -> memref<1x128xi32, #tpu.memory_space<vmem>>
    %dma_wait3A_200 = tpu.memref_squeeze %dma_wait3A_199 : memref<1x128xi32, #tpu.memory_space<vmem>> -> memref<128xi32, #tpu.memory_space<vmem>>
    %dma_wait3A_201 = arith.constant 0 : i32
    %dma_wait3A_202 = arith.constant 0 : i32
    %dma_wait3A_203 = tpu.memref_slice %arg11[%dma_wait3A_201, %dma_wait3A_202] : memref<10112x128xf32, #tpu.memory_space<vmem_shared>> -> memref<10112x128xf32, #tpu.memory_space<vmem_shared>>
    %dma_wait3A_204 = tpu.memref_slice %arg14[%dma_wait3A_197] : memref<3x!tpu.dma_semaphore, #tpu.memory_space<semaphore_mem>> -> memref<1x!tpu.dma_semaphore, #tpu.memory_space<semaphore_mem>>
    %dma_wait3A_205 = tpu.memref_squeeze %dma_wait3A_204 : memref<1x!tpu.dma_semaphore, #tpu.memory_space<semaphore_mem>> -> memref<!tpu.dma_semaphore, #tpu.memory_space<semaphore_mem>>
    tpu.wait_indirect_dma semaphore(%dma_wait3A_205 : memref<!tpu.dma_semaphore, #tpu.memory_space<semaphore_mem>>) src(%arg9 : memref<128x128xf32, #tpu.memory_space<vmem>>) dst(%dma_wait3A_203 : memref<10112x128xf32, #tpu.memory_space<vmem_shared>>)
    %dma_wait3A_206 = arith.constant 1 : i32
    %dma_wait3A_207 = arith.constant 2 : i32
    %dma_wait3A_208 = arith.constant 0 : i32
    %dma_wait3A_209 = tpu.memref_slice %arg7[%dma_wait3A_206, %dma_wait3A_208] : memref<2x128xi32, #tpu.memory_space<vmem>> -> memref<1x128xi32, #tpu.memory_space<vmem>>
    %dma_wait3A_210 = tpu.memref_squeeze %dma_wait3A_209 : memref<1x128xi32, #tpu.memory_space<vmem>> -> memref<128xi32, #tpu.memory_space<vmem>>
    %dma_wait3A_211 = arith.constant 0 : i32
    %dma_wait3A_212 = arith.constant 0 : i32
    %dma_wait3A_213 = tpu.memref_slice %arg11[%dma_wait3A_211, %dma_wait3A_212] : memref<10112x128xf32, #tpu.memory_space<vmem_shared>> -> memref<10112x128xf32, #tpu.memory_space<vmem_shared>>
    %dma_wait3A_214 = tpu.memref_slice %arg14[%dma_wait3A_207] : memref<3x!tpu.dma_semaphore, #tpu.memory_space<semaphore_mem>> -> memref<1x!tpu.dma_semaphore, #tpu.memory_space<semaphore_mem>>
    %dma_wait3A_215 = tpu.memref_squeeze %dma_wait3A_214 : memref<1x!tpu.dma_semaphore, #tpu.memory_space<semaphore_mem>> -> memref<!tpu.dma_semaphore, #tpu.memory_space<semaphore_mem>>
    tpu.wait_indirect_dma semaphore(%dma_wait3A_215 : memref<!tpu.dma_semaphore, #tpu.memory_space<semaphore_mem>>) src(%arg10 : memref<128x128xf32, #tpu.memory_space<vmem>>) dst(%dma_wait3A_213 : memref<10112x128xf32, #tpu.memory_space<vmem_shared>>)
    %lt3A = arith.constant 4 : i32
    %lt3A_216 = arith.cmpi slt, %add3A, %lt3A : i32
    %convert_element_type3A = arith.extui %lt3A_216 : i1 to i32
    %cond3A = arith.constant 0 : i32
    %cond3A_217 = arith.cmpi ne, %convert_element_type3A, %cond3A : i32
    scf.if %cond3A_217 {
      %add3A_384 = arith.constant 2496 : i32
      %add3A_385 = arith.addi %add3A_384, %add3A : i32
      %mul3A_386 = arith.constant 128 : i32
      %mul3A_387 = arith.muli %add3A_385, %mul3A_386 : i32
      "tpu.region"() ({
        %run_scoped3A_389 = tpu.sem_alloc : memref<!tpu.dma_semaphore, #tpu.memory_space<semaphore_mem>>
        %dma_start3A_390 = arith.constant 0 : i32
        %dma_start3A_391 = tpu.memref_slice %arg3[%dma_start3A_390, %mul3A_387] : memref<2x320000xi32, #tpu.memory_space<hbm>> -> memref<2x128xi32, #tpu.memory_space<hbm>>
        %dma_start3A_392 = arith.constant 0 : i32
        %dma_start3A_393 = tpu.memref_slice %arg3[%dma_start3A_392, %mul3A_387] : memref<2x320000xi32, #tpu.memory_space<hbm>> -> memref<2x128xi32, #tpu.memory_space<hbm>>
        tpu.enqueue_dma source(%dma_start3A_393 : memref<2x128xi32, #tpu.memory_space<hbm>>) target(%arg5 : memref<2x128xi32, #tpu.memory_space<vmem>>) target_semaphore(%run_scoped3A_389 : memref<!tpu.dma_semaphore, #tpu.memory_space<semaphore_mem>>)
        %dma_wait3A_394 = arith.constant 0 : i32
        %dma_wait3A_395 = tpu.memref_slice %arg3[%dma_wait3A_394, %mul3A_387] : memref<2x320000xi32, #tpu.memory_space<hbm>> -> memref<2x128xi32, #tpu.memory_space<hbm>>
        %dma_wait3A_396 = arith.constant 0 : i32
        %dma_wait3A_397 = tpu.memref_slice %arg3[%dma_wait3A_396, %mul3A_387] : memref<2x320000xi32, #tpu.memory_space<hbm>> -> memref<2x128xi32, #tpu.memory_space<hbm>>
        tpu.wait_dma2 semaphore(%run_scoped3A_389 : memref<!tpu.dma_semaphore, #tpu.memory_space<semaphore_mem>>) src(%dma_wait3A_397 : memref<2x128xi32, #tpu.memory_space<hbm>>) dst(%arg5 : memref<2x128xi32, #tpu.memory_space<vmem>>)
        tpu.yield
      }) : () -> ()
      %run_scoped3A = arith.constant 0 : i32
      "tpu.region"() ({
        %run_scoped3A_389 = tpu.sem_alloc : memref<!tpu.dma_semaphore, #tpu.memory_space<semaphore_mem>>
        %dma_start3A_390 = arith.constant 0 : i32
        %dma_start3A_391 = tpu.memref_slice %arg5[%run_scoped3A, %dma_start3A_390] : memref<2x128xi32, #tpu.memory_space<vmem>> -> memref<1x128xi32, #tpu.memory_space<vmem>>
        %dma_start3A_392 = tpu.memref_squeeze %dma_start3A_391 : memref<1x128xi32, #tpu.memory_space<vmem>> -> memref<128xi32, #tpu.memory_space<vmem>>
        %dma_start3A_393 = arith.constant 0 : i32
        %dma_start3A_394 = arith.constant 0 : i32
        %dma_start3A_395 = tpu.memref_slice %arg2[%dma_start3A_393, %dma_start3A_394] : memref<10112x128xf32, #tpu.memory_space<hbm>> -> memref<10112x128xf32, #tpu.memory_space<hbm>>
        tpu.enqueue_indirect_dma source(%dma_start3A_395 : memref<10112x128xf32, #tpu.memory_space<hbm>>) target(%arg8 : memref<128x128xf32, #tpu.memory_space<vmem>>) offsets(%dma_start3A_392 : memref<128xi32, #tpu.memory_space<vmem>>) semaphore(%run_scoped3A_389 : memref<!tpu.dma_semaphore, #tpu.memory_space<semaphore_mem>>)
        %dma_wait3A_396 = arith.constant 0 : i32
        %dma_wait3A_397 = tpu.memref_slice %arg5[%run_scoped3A, %dma_wait3A_396] : memref<2x128xi32, #tpu.memory_space<vmem>> -> memref<1x128xi32, #tpu.memory_space<vmem>>
        %dma_wait3A_398 = tpu.memref_squeeze %dma_wait3A_397 : memref<1x128xi32, #tpu.memory_space<vmem>> -> memref<128xi32, #tpu.memory_space<vmem>>
        %dma_wait3A_399 = arith.constant 0 : i32
        %dma_wait3A_400 = arith.constant 0 : i32
        %dma_wait3A_401 = tpu.memref_slice %arg2[%dma_wait3A_399, %dma_wait3A_400] : memref<10112x128xf32, #tpu.memory_space<hbm>> -> memref<10112x128xf32, #tpu.memory_space<hbm>>
        tpu.wait_indirect_dma semaphore(%run_scoped3A_389 : memref<!tpu.dma_semaphore, #tpu.memory_space<semaphore_mem>>) src(%dma_wait3A_401 : memref<10112x128xf32, #tpu.memory_space<hbm>>) dst(%arg8 : memref<128x128xf32, #tpu.memory_space<vmem>>)
        tpu.yield
      }) : () -> ()
      %run_scoped3A_388 = arith.constant 1 : i32
      "tpu.region"() ({
        %run_scoped3A_389 = tpu.sem_alloc : memref<!tpu.dma_semaphore, #tpu.memory_space<semaphore_mem>>
        %dma_start3A_390 = arith.constant 0 : i32
        %dma_start3A_391 = tpu.memref_slice %arg5[%run_scoped3A_388, %dma_start3A_390] : memref<2x128xi32, #tpu.memory_space<vmem>> -> memref<1x128xi32, #tpu.memory_space<vmem>>
        %dma_start3A_392 = tpu.memref_squeeze %dma_start3A_391 : memref<1x128xi32, #tpu.memory_space<vmem>> -> memref<128xi32, #tpu.memory_space<vmem>>
        %dma_start3A_393 = arith.constant 0 : i32
        %dma_start3A_394 = arith.constant 0 : i32
        %dma_start3A_395 = tpu.memref_slice %arg11[%dma_start3A_393, %dma_start3A_394] : memref<10112x128xf32, #tpu.memory_space<vmem_shared>> -> memref<10112x128xf32, #tpu.memory_space<vmem_shared>>
        tpu.enqueue_indirect_dma source(%arg8 : memref<128x128xf32, #tpu.memory_space<vmem>>) target(%dma_start3A_395 : memref<10112x128xf32, #tpu.memory_space<vmem_shared>>) offsets(%dma_start3A_392 : memref<128xi32, #tpu.memory_space<vmem>>) semaphore(%run_scoped3A_389 : memref<!tpu.dma_semaphore, #tpu.memory_space<semaphore_mem>>) {add = true}
        %dma_wait3A_396 = arith.constant 0 : i32
        %dma_wait3A_397 = tpu.memref_slice %arg5[%run_scoped3A_388, %dma_wait3A_396] : memref<2x128xi32, #tpu.memory_space<vmem>> -> memref<1x128xi32, #tpu.memory_space<vmem>>
        %dma_wait3A_398 = tpu.memref_squeeze %dma_wait3A_397 : memref<1x128xi32, #tpu.memory_space<vmem>> -> memref<128xi32, #tpu.memory_space<vmem>>
        %dma_wait3A_399 = arith.constant 0 : i32
        %dma_wait3A_400 = arith.constant 0 : i32
        %dma_wait3A_401 = tpu.memref_slice %arg11[%dma_wait3A_399, %dma_wait3A_400] : memref<10112x128xf32, #tpu.memory_space<vmem_shared>> -> memref<10112x128xf32, #tpu.memory_space<vmem_shared>>
        tpu.wait_indirect_dma semaphore(%run_scoped3A_389 : memref<!tpu.dma_semaphore, #tpu.memory_space<semaphore_mem>>) src(%arg8 : memref<128x128xf32, #tpu.memory_space<vmem>>) dst(%dma_wait3A_401 : memref<10112x128xf32, #tpu.memory_space<vmem_shared>>)
        tpu.yield
      }) : () -> ()
    } else {
    }
    %barrier3A_218 = arith.constant 0 : index
    tpu.barrier barrier_id(%barrier3A_218)
    %mul3A_219 = arith.constant 632 : i32
    %mul3A_220 = arith.muli %arg1, %mul3A_219 : i32
    %add3A_221 = arith.constant 0 : i32
    %add3A_222 = arith.addi %mul3A_220, %add3A_221 : i32
    "tpu.region"() ({
      %run_scoped3A = tpu.sem_alloc : memref<!tpu.dma_semaphore, #tpu.memory_space<semaphore_mem>>
      %dma_start3A_384 = arith.constant 0 : i32
      %dma_start3A_385 = arith.constant 0 : i32
      %dma_start3A_386 = tpu.memref_slice %arg8[%dma_start3A_384, %dma_start3A_385] : memref<128x128xf32, #tpu.memory_space<vmem>> -> memref<128x128xf32, #tpu.memory_space<vmem>>
      %dma_start3A_387 = arith.constant 0 : i32
      %dma_start3A_388 = tpu.memref_slice %arg11[%add3A_222, %dma_start3A_387] : memref<10112x128xf32, #tpu.memory_space<vmem_shared>> -> memref<128x128xf32, #tpu.memory_space<vmem_shared>>
      %dma_start3A_389 = arith.constant 0 : i32
      %dma_start3A_390 = arith.constant 0 : i32
      %dma_start3A_391 = tpu.memref_slice %arg8[%dma_start3A_389, %dma_start3A_390] : memref<128x128xf32, #tpu.memory_space<vmem>> -> memref<128x128xf32, #tpu.memory_space<vmem>>
      %dma_start3A_392 = arith.constant 0 : i32
      %dma_start3A_393 = tpu.memref_slice %arg11[%add3A_222, %dma_start3A_392] : memref<10112x128xf32, #tpu.memory_space<vmem_shared>> -> memref<128x128xf32, #tpu.memory_space<vmem_shared>>
      tpu.enqueue_dma source(%dma_start3A_393 : memref<128x128xf32, #tpu.memory_space<vmem_shared>>) target(%dma_start3A_391 : memref<128x128xf32, #tpu.memory_space<vmem>>) target_semaphore(%run_scoped3A : memref<!tpu.dma_semaphore, #tpu.memory_space<semaphore_mem>>)
      %dma_wait3A_394 = arith.constant 0 : i32
      %dma_wait3A_395 = arith.constant 0 : i32
      %dma_wait3A_396 = tpu.memref_slice %arg8[%dma_wait3A_394, %dma_wait3A_395] : memref<128x128xf32, #tpu.memory_space<vmem>> -> memref<128x128xf32, #tpu.memory_space<vmem>>
      %dma_wait3A_397 = arith.constant 0 : i32
      %dma_wait3A_398 = tpu.memref_slice %arg11[%add3A_222, %dma_wait3A_397] : memref<10112x128xf32, #tpu.memory_space<vmem_shared>> -> memref<128x128xf32, #tpu.memory_space<vmem_shared>>
      %dma_wait3A_399 = arith.constant 0 : i32
      %dma_wait3A_400 = arith.constant 0 : i32
      %dma_wait3A_401 = tpu.memref_slice %arg8[%dma_wait3A_399, %dma_wait3A_400] : memref<128x128xf32, #tpu.memory_space<vmem>> -> memref<128x128xf32, #tpu.memory_space<vmem>>
      %dma_wait3A_402 = arith.constant 0 : i32
      %dma_wait3A_403 = tpu.memref_slice %arg11[%add3A_222, %dma_wait3A_402] : memref<10112x128xf32, #tpu.memory_space<vmem_shared>> -> memref<128x128xf32, #tpu.memory_space<vmem_shared>>
      tpu.wait_dma2 semaphore(%run_scoped3A : memref<!tpu.dma_semaphore, #tpu.memory_space<semaphore_mem>>) src(%dma_wait3A_403 : memref<128x128xf32, #tpu.memory_space<vmem_shared>>) dst(%dma_wait3A_401 : memref<128x128xf32, #tpu.memory_space<vmem>>)
      tpu.yield
    }) : () -> ()
    %mul3A_223 = arith.constant 10112 : i32
    %mul3A_224 = arith.muli %arg0, %mul3A_223 : i32
    %add3A_225 = arith.addi %mul3A_224, %add3A_222 : i32
    %dma_start3A_226 = arith.constant 0 : i32
    %dma_start3A_227 = arith.constant 0 : i32
    %dma_start3A_228 = arith.constant 0 : i32
    %dma_start3A_229 = tpu.memref_slice %arg8[%dma_start3A_227, %dma_start3A_228] : memref<128x128xf32, #tpu.memory_space<vmem>> -> memref<128x128xf32, #tpu.memory_space<vmem>>
    %dma_start3A_230 = arith.constant 0 : i32
    %dma_start3A_231 = tpu.memref_slice %arg4[%add3A_225, %dma_start3A_230] : memref<20224x128xf32, #tpu.memory_space<hbm>> -> memref<128x128xf32, #tpu.memory_space<hbm>>
    %dma_start3A_232 = tpu.memref_slice %arg13[%dma_start3A_226] : memref<3x!tpu.dma_semaphore, #tpu.memory_space<semaphore_mem>> -> memref<1x!tpu.dma_semaphore, #tpu.memory_space<semaphore_mem>>
    %dma_start3A_233 = tpu.memref_squeeze %dma_start3A_232 : memref<1x!tpu.dma_semaphore, #tpu.memory_space<semaphore_mem>> -> memref<!tpu.dma_semaphore, #tpu.memory_space<semaphore_mem>>
    %dma_start3A_234 = arith.constant 0 : i32
    %dma_start3A_235 = tpu.memref_slice %arg4[%add3A_225, %dma_start3A_234] : memref<20224x128xf32, #tpu.memory_space<hbm>> -> memref<128x128xf32, #tpu.memory_space<hbm>>
    %dma_start3A_236 = arith.constant 0 : i32
    %dma_start3A_237 = arith.constant 0 : i32
    %dma_start3A_238 = tpu.memref_slice %arg8[%dma_start3A_236, %dma_start3A_237] : memref<128x128xf32, #tpu.memory_space<vmem>> -> memref<128x128xf32, #tpu.memory_space<vmem>>
    tpu.enqueue_dma source(%dma_start3A_238 : memref<128x128xf32, #tpu.memory_space<vmem>>) target(%dma_start3A_235 : memref<128x128xf32, #tpu.memory_space<hbm>>) target_semaphore(%dma_start3A_233 : memref<!tpu.dma_semaphore, #tpu.memory_space<semaphore_mem>>)
    %mul3A_239 = arith.constant 632 : i32
    %mul3A_240 = arith.muli %arg1, %mul3A_239 : i32
    %add3A_241 = arith.constant 128 : i32
    %add3A_242 = arith.addi %mul3A_240, %add3A_241 : i32
    "tpu.region"() ({
      %run_scoped3A = tpu.sem_alloc : memref<!tpu.dma_semaphore, #tpu.memory_space<semaphore_mem>>
      %dma_start3A_384 = arith.constant 0 : i32
      %dma_start3A_385 = arith.constant 0 : i32
      %dma_start3A_386 = tpu.memref_slice %arg9[%dma_start3A_384, %dma_start3A_385] : memref<128x128xf32, #tpu.memory_space<vmem>> -> memref<128x128xf32, #tpu.memory_space<vmem>>
      %dma_start3A_387 = arith.constant 0 : i32
      %dma_start3A_388 = tpu.memref_slice %arg11[%add3A_242, %dma_start3A_387] : memref<10112x128xf32, #tpu.memory_space<vmem_shared>> -> memref<128x128xf32, #tpu.memory_space<vmem_shared>>
      %dma_start3A_389 = arith.constant 0 : i32
      %dma_start3A_390 = arith.constant 0 : i32
      %dma_start3A_391 = tpu.memref_slice %arg9[%dma_start3A_389, %dma_start3A_390] : memref<128x128xf32, #tpu.memory_space<vmem>> -> memref<128x128xf32, #tpu.memory_space<vmem>>
      %dma_start3A_392 = arith.constant 0 : i32
      %dma_start3A_393 = tpu.memref_slice %arg11[%add3A_242, %dma_start3A_392] : memref<10112x128xf32, #tpu.memory_space<vmem_shared>> -> memref<128x128xf32, #tpu.memory_space<vmem_shared>>
      tpu.enqueue_dma source(%dma_start3A_393 : memref<128x128xf32, #tpu.memory_space<vmem_shared>>) target(%dma_start3A_391 : memref<128x128xf32, #tpu.memory_space<vmem>>) target_semaphore(%run_scoped3A : memref<!tpu.dma_semaphore, #tpu.memory_space<semaphore_mem>>)
      %dma_wait3A_394 = arith.constant 0 : i32
      %dma_wait3A_395 = arith.constant 0 : i32
      %dma_wait3A_396 = tpu.memref_slice %arg9[%dma_wait3A_394, %dma_wait3A_395] : memref<128x128xf32, #tpu.memory_space<vmem>> -> memref<128x128xf32, #tpu.memory_space<vmem>>
      %dma_wait3A_397 = arith.constant 0 : i32
      %dma_wait3A_398 = tpu.memref_slice %arg11[%add3A_242, %dma_wait3A_397] : memref<10112x128xf32, #tpu.memory_space<vmem_shared>> -> memref<128x128xf32, #tpu.memory_space<vmem_shared>>
      %dma_wait3A_399 = arith.constant 0 : i32
      %dma_wait3A_400 = arith.constant 0 : i32
      %dma_wait3A_401 = tpu.memref_slice %arg9[%dma_wait3A_399, %dma_wait3A_400] : memref<128x128xf32, #tpu.memory_space<vmem>> -> memref<128x128xf32, #tpu.memory_space<vmem>>
      %dma_wait3A_402 = arith.constant 0 : i32
      %dma_wait3A_403 = tpu.memref_slice %arg11[%add3A_242, %dma_wait3A_402] : memref<10112x128xf32, #tpu.memory_space<vmem_shared>> -> memref<128x128xf32, #tpu.memory_space<vmem_shared>>
      tpu.wait_dma2 semaphore(%run_scoped3A : memref<!tpu.dma_semaphore, #tpu.memory_space<semaphore_mem>>) src(%dma_wait3A_403 : memref<128x128xf32, #tpu.memory_space<vmem_shared>>) dst(%dma_wait3A_401 : memref<128x128xf32, #tpu.memory_space<vmem>>)
      tpu.yield
    }) : () -> ()
    %mul3A_243 = arith.constant 10112 : i32
    %mul3A_244 = arith.muli %arg0, %mul3A_243 : i32
    %add3A_245 = arith.addi %mul3A_244, %add3A_242 : i32
    %dma_start3A_246 = arith.constant 1 : i32
    %dma_start3A_247 = arith.constant 0 : i32
    %dma_start3A_248 = arith.constant 0 : i32
    %dma_start3A_249 = tpu.memref_slice %arg9[%dma_start3A_247, %dma_start3A_248] : memref<128x128xf32, #tpu.memory_space<vmem>> -> memref<128x128xf32, #tpu.memory_space<vmem>>
    %dma_start3A_250 = arith.constant 0 : i32
    %dma_start3A_251 = tpu.memref_slice %arg4[%add3A_245, %dma_start3A_250] : memref<20224x128xf32, #tpu.memory_space<hbm>> -> memref<128x128xf32, #tpu.memory_space<hbm>>
    %dma_start3A_252 = tpu.memref_slice %arg13[%dma_start3A_246] : memref<3x!tpu.dma_semaphore, #tpu.memory_space<semaphore_mem>> -> memref<1x!tpu.dma_semaphore, #tpu.memory_space<semaphore_mem>>
    %dma_start3A_253 = tpu.memref_squeeze %dma_start3A_252 : memref<1x!tpu.dma_semaphore, #tpu.memory_space<semaphore_mem>> -> memref<!tpu.dma_semaphore, #tpu.memory_space<semaphore_mem>>
    %dma_start3A_254 = arith.constant 0 : i32
    %dma_start3A_255 = tpu.memref_slice %arg4[%add3A_245, %dma_start3A_254] : memref<20224x128xf32, #tpu.memory_space<hbm>> -> memref<128x128xf32, #tpu.memory_space<hbm>>
    %dma_start3A_256 = arith.constant 0 : i32
    %dma_start3A_257 = arith.constant 0 : i32
    %dma_start3A_258 = tpu.memref_slice %arg9[%dma_start3A_256, %dma_start3A_257] : memref<128x128xf32, #tpu.memory_space<vmem>> -> memref<128x128xf32, #tpu.memory_space<vmem>>
    tpu.enqueue_dma source(%dma_start3A_258 : memref<128x128xf32, #tpu.memory_space<vmem>>) target(%dma_start3A_255 : memref<128x128xf32, #tpu.memory_space<hbm>>) target_semaphore(%dma_start3A_253 : memref<!tpu.dma_semaphore, #tpu.memory_space<semaphore_mem>>)
    %dma_wait3A_259 = arith.constant 0 : i32
    %dma_wait3A_260 = arith.constant 0 : i32
    %dma_wait3A_261 = arith.constant 0 : i32
    %dma_wait3A_262 = tpu.memref_slice %arg8[%dma_wait3A_260, %dma_wait3A_261] : memref<128x128xf32, #tpu.memory_space<vmem>> -> memref<128x128xf32, #tpu.memory_space<vmem>>
    %dma_wait3A_263 = arith.constant 0 : i32
    %dma_wait3A_264 = tpu.memref_slice %arg4[%add3A_225, %dma_wait3A_263] : memref<20224x128xf32, #tpu.memory_space<hbm>> -> memref<128x128xf32, #tpu.memory_space<hbm>>
    %dma_wait3A_265 = tpu.memref_slice %arg13[%dma_wait3A_259] : memref<3x!tpu.dma_semaphore, #tpu.memory_space<semaphore_mem>> -> memref<1x!tpu.dma_semaphore, #tpu.memory_space<semaphore_mem>>
    %dma_wait3A_266 = tpu.memref_squeeze %dma_wait3A_265 : memref<1x!tpu.dma_semaphore, #tpu.memory_space<semaphore_mem>> -> memref<!tpu.dma_semaphore, #tpu.memory_space<semaphore_mem>>
    %dma_wait3A_267 = arith.constant 0 : i32
    %dma_wait3A_268 = tpu.memref_slice %arg4[%add3A_225, %dma_wait3A_267] : memref<20224x128xf32, #tpu.memory_space<hbm>> -> memref<128x128xf32, #tpu.memory_space<hbm>>
    %dma_wait3A_269 = arith.constant 0 : i32
    %dma_wait3A_270 = arith.constant 0 : i32
    %dma_wait3A_271 = tpu.memref_slice %arg8[%dma_wait3A_269, %dma_wait3A_270] : memref<128x128xf32, #tpu.memory_space<vmem>> -> memref<128x128xf32, #tpu.memory_space<vmem>>
    tpu.wait_dma2 semaphore(%dma_wait3A_266 : memref<!tpu.dma_semaphore, #tpu.memory_space<semaphore_mem>>) src(%dma_wait3A_271 : memref<128x128xf32, #tpu.memory_space<vmem>>) dst(%dma_wait3A_268 : memref<128x128xf32, #tpu.memory_space<hbm>>)
    %mul3A_272 = arith.constant 632 : i32
    %mul3A_273 = arith.muli %arg1, %mul3A_272 : i32
    %add3A_274 = arith.constant 256 : i32
    %add3A_275 = arith.addi %mul3A_273, %add3A_274 : i32
    "tpu.region"() ({
      %run_scoped3A = tpu.sem_alloc : memref<!tpu.dma_semaphore, #tpu.memory_space<semaphore_mem>>
      %dma_start3A_384 = arith.constant 0 : i32
      %dma_start3A_385 = arith.constant 0 : i32
      %dma_start3A_386 = tpu.memref_slice %arg8[%dma_start3A_384, %dma_start3A_385] : memref<128x128xf32, #tpu.memory_space<vmem>> -> memref<128x128xf32, #tpu.memory_space<vmem>>
      %dma_start3A_387 = arith.constant 0 : i32
      %dma_start3A_388 = tpu.memref_slice %arg11[%add3A_275, %dma_start3A_387] : memref<10112x128xf32, #tpu.memory_space<vmem_shared>> -> memref<128x128xf32, #tpu.memory_space<vmem_shared>>
      %dma_start3A_389 = arith.constant 0 : i32
      %dma_start3A_390 = arith.constant 0 : i32
      %dma_start3A_391 = tpu.memref_slice %arg8[%dma_start3A_389, %dma_start3A_390] : memref<128x128xf32, #tpu.memory_space<vmem>> -> memref<128x128xf32, #tpu.memory_space<vmem>>
      %dma_start3A_392 = arith.constant 0 : i32
      %dma_start3A_393 = tpu.memref_slice %arg11[%add3A_275, %dma_start3A_392] : memref<10112x128xf32, #tpu.memory_space<vmem_shared>> -> memref<128x128xf32, #tpu.memory_space<vmem_shared>>
      tpu.enqueue_dma source(%dma_start3A_393 : memref<128x128xf32, #tpu.memory_space<vmem_shared>>) target(%dma_start3A_391 : memref<128x128xf32, #tpu.memory_space<vmem>>) target_semaphore(%run_scoped3A : memref<!tpu.dma_semaphore, #tpu.memory_space<semaphore_mem>>)
      %dma_wait3A_394 = arith.constant 0 : i32
      %dma_wait3A_395 = arith.constant 0 : i32
      %dma_wait3A_396 = tpu.memref_slice %arg8[%dma_wait3A_394, %dma_wait3A_395] : memref<128x128xf32, #tpu.memory_space<vmem>> -> memref<128x128xf32, #tpu.memory_space<vmem>>
      %dma_wait3A_397 = arith.constant 0 : i32
      %dma_wait3A_398 = tpu.memref_slice %arg11[%add3A_275, %dma_wait3A_397] : memref<10112x128xf32, #tpu.memory_space<vmem_shared>> -> memref<128x128xf32, #tpu.memory_space<vmem_shared>>
      %dma_wait3A_399 = arith.constant 0 : i32
      %dma_wait3A_400 = arith.constant 0 : i32
      %dma_wait3A_401 = tpu.memref_slice %arg8[%dma_wait3A_399, %dma_wait3A_400] : memref<128x128xf32, #tpu.memory_space<vmem>> -> memref<128x128xf32, #tpu.memory_space<vmem>>
      %dma_wait3A_402 = arith.constant 0 : i32
      %dma_wait3A_403 = tpu.memref_slice %arg11[%add3A_275, %dma_wait3A_402] : memref<10112x128xf32, #tpu.memory_space<vmem_shared>> -> memref<128x128xf32, #tpu.memory_space<vmem_shared>>
      tpu.wait_dma2 semaphore(%run_scoped3A : memref<!tpu.dma_semaphore, #tpu.memory_space<semaphore_mem>>) src(%dma_wait3A_403 : memref<128x128xf32, #tpu.memory_space<vmem_shared>>) dst(%dma_wait3A_401 : memref<128x128xf32, #tpu.memory_space<vmem>>)
      tpu.yield
    }) : () -> ()
    %mul3A_276 = arith.constant 10112 : i32
    %mul3A_277 = arith.muli %arg0, %mul3A_276 : i32
    %add3A_278 = arith.addi %mul3A_277, %add3A_275 : i32
    %dma_start3A_279 = arith.constant 0 : i32
    %dma_start3A_280 = arith.constant 0 : i32
    %dma_start3A_281 = arith.constant 0 : i32
    %dma_start3A_282 = tpu.memref_slice %arg8[%dma_start3A_280, %dma_start3A_281] : memref<128x128xf32, #tpu.memory_space<vmem>> -> memref<128x128xf32, #tpu.memory_space<vmem>>
    %dma_start3A_283 = arith.constant 0 : i32
    %dma_start3A_284 = tpu.memref_slice %arg4[%add3A_278, %dma_start3A_283] : memref<20224x128xf32, #tpu.memory_space<hbm>> -> memref<128x128xf32, #tpu.memory_space<hbm>>
    %dma_start3A_285 = tpu.memref_slice %arg13[%dma_start3A_279] : memref<3x!tpu.dma_semaphore, #tpu.memory_space<semaphore_mem>> -> memref<1x!tpu.dma_semaphore, #tpu.memory_space<semaphore_mem>>
    %dma_start3A_286 = tpu.memref_squeeze %dma_start3A_285 : memref<1x!tpu.dma_semaphore, #tpu.memory_space<semaphore_mem>> -> memref<!tpu.dma_semaphore, #tpu.memory_space<semaphore_mem>>
    %dma_start3A_287 = arith.constant 0 : i32
    %dma_start3A_288 = tpu.memref_slice %arg4[%add3A_278, %dma_start3A_287] : memref<20224x128xf32, #tpu.memory_space<hbm>> -> memref<128x128xf32, #tpu.memory_space<hbm>>
    %dma_start3A_289 = arith.constant 0 : i32
    %dma_start3A_290 = arith.constant 0 : i32
    %dma_start3A_291 = tpu.memref_slice %arg8[%dma_start3A_289, %dma_start3A_290] : memref<128x128xf32, #tpu.memory_space<vmem>> -> memref<128x128xf32, #tpu.memory_space<vmem>>
    tpu.enqueue_dma source(%dma_start3A_291 : memref<128x128xf32, #tpu.memory_space<vmem>>) target(%dma_start3A_288 : memref<128x128xf32, #tpu.memory_space<hbm>>) target_semaphore(%dma_start3A_286 : memref<!tpu.dma_semaphore, #tpu.memory_space<semaphore_mem>>)
    %dma_wait3A_292 = arith.constant 1 : i32
    %dma_wait3A_293 = arith.constant 0 : i32
    %dma_wait3A_294 = arith.constant 0 : i32
    %dma_wait3A_295 = tpu.memref_slice %arg9[%dma_wait3A_293, %dma_wait3A_294] : memref<128x128xf32, #tpu.memory_space<vmem>> -> memref<128x128xf32, #tpu.memory_space<vmem>>
    %dma_wait3A_296 = arith.constant 0 : i32
    %dma_wait3A_297 = tpu.memref_slice %arg4[%add3A_245, %dma_wait3A_296] : memref<20224x128xf32, #tpu.memory_space<hbm>> -> memref<128x128xf32, #tpu.memory_space<hbm>>
    %dma_wait3A_298 = tpu.memref_slice %arg13[%dma_wait3A_292] : memref<3x!tpu.dma_semaphore, #tpu.memory_space<semaphore_mem>> -> memref<1x!tpu.dma_semaphore, #tpu.memory_space<semaphore_mem>>
    %dma_wait3A_299 = tpu.memref_squeeze %dma_wait3A_298 : memref<1x!tpu.dma_semaphore, #tpu.memory_space<semaphore_mem>> -> memref<!tpu.dma_semaphore, #tpu.memory_space<semaphore_mem>>
    %dma_wait3A_300 = arith.constant 0 : i32
    %dma_wait3A_301 = tpu.memref_slice %arg4[%add3A_245, %dma_wait3A_300] : memref<20224x128xf32, #tpu.memory_space<hbm>> -> memref<128x128xf32, #tpu.memory_space<hbm>>
    %dma_wait3A_302 = arith.constant 0 : i32
    %dma_wait3A_303 = arith.constant 0 : i32
    %dma_wait3A_304 = tpu.memref_slice %arg9[%dma_wait3A_302, %dma_wait3A_303] : memref<128x128xf32, #tpu.memory_space<vmem>> -> memref<128x128xf32, #tpu.memory_space<vmem>>
    tpu.wait_dma2 semaphore(%dma_wait3A_299 : memref<!tpu.dma_semaphore, #tpu.memory_space<semaphore_mem>>) src(%dma_wait3A_304 : memref<128x128xf32, #tpu.memory_space<vmem>>) dst(%dma_wait3A_301 : memref<128x128xf32, #tpu.memory_space<hbm>>)
    %mul3A_305 = arith.constant 632 : i32
    %mul3A_306 = arith.muli %arg1, %mul3A_305 : i32
    %add3A_307 = arith.constant 384 : i32
    %add3A_308 = arith.addi %mul3A_306, %add3A_307 : i32
    "tpu.region"() ({
      %run_scoped3A = tpu.sem_alloc : memref<!tpu.dma_semaphore, #tpu.memory_space<semaphore_mem>>
      %dma_start3A_384 = arith.constant 0 : i32
      %dma_start3A_385 = arith.constant 0 : i32
      %dma_start3A_386 = tpu.memref_slice %arg9[%dma_start3A_384, %dma_start3A_385] : memref<128x128xf32, #tpu.memory_space<vmem>> -> memref<128x128xf32, #tpu.memory_space<vmem>>
      %dma_start3A_387 = arith.constant 0 : i32
      %dma_start3A_388 = tpu.memref_slice %arg11[%add3A_308, %dma_start3A_387] : memref<10112x128xf32, #tpu.memory_space<vmem_shared>> -> memref<128x128xf32, #tpu.memory_space<vmem_shared>>
      %dma_start3A_389 = arith.constant 0 : i32
      %dma_start3A_390 = arith.constant 0 : i32
      %dma_start3A_391 = tpu.memref_slice %arg9[%dma_start3A_389, %dma_start3A_390] : memref<128x128xf32, #tpu.memory_space<vmem>> -> memref<128x128xf32, #tpu.memory_space<vmem>>
      %dma_start3A_392 = arith.constant 0 : i32
      %dma_start3A_393 = tpu.memref_slice %arg11[%add3A_308, %dma_start3A_392] : memref<10112x128xf32, #tpu.memory_space<vmem_shared>> -> memref<128x128xf32, #tpu.memory_space<vmem_shared>>
      tpu.enqueue_dma source(%dma_start3A_393 : memref<128x128xf32, #tpu.memory_space<vmem_shared>>) target(%dma_start3A_391 : memref<128x128xf32, #tpu.memory_space<vmem>>) target_semaphore(%run_scoped3A : memref<!tpu.dma_semaphore, #tpu.memory_space<semaphore_mem>>)
      %dma_wait3A_394 = arith.constant 0 : i32
      %dma_wait3A_395 = arith.constant 0 : i32
      %dma_wait3A_396 = tpu.memref_slice %arg9[%dma_wait3A_394, %dma_wait3A_395] : memref<128x128xf32, #tpu.memory_space<vmem>> -> memref<128x128xf32, #tpu.memory_space<vmem>>
      %dma_wait3A_397 = arith.constant 0 : i32
      %dma_wait3A_398 = tpu.memref_slice %arg11[%add3A_308, %dma_wait3A_397] : memref<10112x128xf32, #tpu.memory_space<vmem_shared>> -> memref<128x128xf32, #tpu.memory_space<vmem_shared>>
      %dma_wait3A_399 = arith.constant 0 : i32
      %dma_wait3A_400 = arith.constant 0 : i32
      %dma_wait3A_401 = tpu.memref_slice %arg9[%dma_wait3A_399, %dma_wait3A_400] : memref<128x128xf32, #tpu.memory_space<vmem>> -> memref<128x128xf32, #tpu.memory_space<vmem>>
      %dma_wait3A_402 = arith.constant 0 : i32
      %dma_wait3A_403 = tpu.memref_slice %arg11[%add3A_308, %dma_wait3A_402] : memref<10112x128xf32, #tpu.memory_space<vmem_shared>> -> memref<128x128xf32, #tpu.memory_space<vmem_shared>>
      tpu.wait_dma2 semaphore(%run_scoped3A : memref<!tpu.dma_semaphore, #tpu.memory_space<semaphore_mem>>) src(%dma_wait3A_403 : memref<128x128xf32, #tpu.memory_space<vmem_shared>>) dst(%dma_wait3A_401 : memref<128x128xf32, #tpu.memory_space<vmem>>)
      tpu.yield
    }) : () -> ()
    %mul3A_309 = arith.constant 10112 : i32
    %mul3A_310 = arith.muli %arg0, %mul3A_309 : i32
    %add3A_311 = arith.addi %mul3A_310, %add3A_308 : i32
    %dma_start3A_312 = arith.constant 1 : i32
    %dma_start3A_313 = arith.constant 0 : i32
    %dma_start3A_314 = arith.constant 0 : i32
    %dma_start3A_315 = tpu.memref_slice %arg9[%dma_start3A_313, %dma_start3A_314] : memref<128x128xf32, #tpu.memory_space<vmem>> -> memref<128x128xf32, #tpu.memory_space<vmem>>
    %dma_start3A_316 = arith.constant 0 : i32
    %dma_start3A_317 = tpu.memref_slice %arg4[%add3A_311, %dma_start3A_316] : memref<20224x128xf32, #tpu.memory_space<hbm>> -> memref<128x128xf32, #tpu.memory_space<hbm>>
    %dma_start3A_318 = tpu.memref_slice %arg13[%dma_start3A_312] : memref<3x!tpu.dma_semaphore, #tpu.memory_space<semaphore_mem>> -> memref<1x!tpu.dma_semaphore, #tpu.memory_space<semaphore_mem>>
    %dma_start3A_319 = tpu.memref_squeeze %dma_start3A_318 : memref<1x!tpu.dma_semaphore, #tpu.memory_space<semaphore_mem>> -> memref<!tpu.dma_semaphore, #tpu.memory_space<semaphore_mem>>
    %dma_start3A_320 = arith.constant 0 : i32
    %dma_start3A_321 = tpu.memref_slice %arg4[%add3A_311, %dma_start3A_320] : memref<20224x128xf32, #tpu.memory_space<hbm>> -> memref<128x128xf32, #tpu.memory_space<hbm>>
    %dma_start3A_322 = arith.constant 0 : i32
    %dma_start3A_323 = arith.constant 0 : i32
    %dma_start3A_324 = tpu.memref_slice %arg9[%dma_start3A_322, %dma_start3A_323] : memref<128x128xf32, #tpu.memory_space<vmem>> -> memref<128x128xf32, #tpu.memory_space<vmem>>
    tpu.enqueue_dma source(%dma_start3A_324 : memref<128x128xf32, #tpu.memory_space<vmem>>) target(%dma_start3A_321 : memref<128x128xf32, #tpu.memory_space<hbm>>) target_semaphore(%dma_start3A_319 : memref<!tpu.dma_semaphore, #tpu.memory_space<semaphore_mem>>)
    %dma_wait3A_325 = arith.constant 0 : i32
    %dma_wait3A_326 = arith.constant 0 : i32
    %dma_wait3A_327 = arith.constant 0 : i32
    %dma_wait3A_328 = tpu.memref_slice %arg8[%dma_wait3A_326, %dma_wait3A_327] : memref<128x128xf32, #tpu.memory_space<vmem>> -> memref<128x128xf32, #tpu.memory_space<vmem>>
    %dma_wait3A_329 = arith.constant 0 : i32
    %dma_wait3A_330 = tpu.memref_slice %arg4[%add3A_278, %dma_wait3A_329] : memref<20224x128xf32, #tpu.memory_space<hbm>> -> memref<128x128xf32, #tpu.memory_space<hbm>>
    %dma_wait3A_331 = tpu.memref_slice %arg13[%dma_wait3A_325] : memref<3x!tpu.dma_semaphore, #tpu.memory_space<semaphore_mem>> -> memref<1x!tpu.dma_semaphore, #tpu.memory_space<semaphore_mem>>
    %dma_wait3A_332 = tpu.memref_squeeze %dma_wait3A_331 : memref<1x!tpu.dma_semaphore, #tpu.memory_space<semaphore_mem>> -> memref<!tpu.dma_semaphore, #tpu.memory_space<semaphore_mem>>
    %dma_wait3A_333 = arith.constant 0 : i32
    %dma_wait3A_334 = tpu.memref_slice %arg4[%add3A_278, %dma_wait3A_333] : memref<20224x128xf32, #tpu.memory_space<hbm>> -> memref<128x128xf32, #tpu.memory_space<hbm>>
    %dma_wait3A_335 = arith.constant 0 : i32
    %dma_wait3A_336 = arith.constant 0 : i32
    %dma_wait3A_337 = tpu.memref_slice %arg8[%dma_wait3A_335, %dma_wait3A_336] : memref<128x128xf32, #tpu.memory_space<vmem>> -> memref<128x128xf32, #tpu.memory_space<vmem>>
    tpu.wait_dma2 semaphore(%dma_wait3A_332 : memref<!tpu.dma_semaphore, #tpu.memory_space<semaphore_mem>>) src(%dma_wait3A_337 : memref<128x128xf32, #tpu.memory_space<vmem>>) dst(%dma_wait3A_334 : memref<128x128xf32, #tpu.memory_space<hbm>>)
    %mul3A_338 = arith.constant 632 : i32
    %mul3A_339 = arith.muli %arg1, %mul3A_338 : i32
    %add3A_340 = arith.constant 512 : i32
    %add3A_341 = arith.addi %mul3A_339, %add3A_340 : i32
    "tpu.region"() ({
      %run_scoped3A = tpu.sem_alloc : memref<!tpu.dma_semaphore, #tpu.memory_space<semaphore_mem>>
      %dma_start3A_384 = arith.constant 0 : i32
      %dma_start3A_385 = arith.constant 0 : i32
      %dma_start3A_386 = tpu.memref_slice %arg8[%dma_start3A_384, %dma_start3A_385] : memref<128x128xf32, #tpu.memory_space<vmem>> -> memref<120x128xf32, #tpu.memory_space<vmem>>
      %dma_start3A_387 = arith.constant 0 : i32
      %dma_start3A_388 = tpu.memref_slice %arg11[%add3A_341, %dma_start3A_387] : memref<10112x128xf32, #tpu.memory_space<vmem_shared>> -> memref<120x128xf32, #tpu.memory_space<vmem_shared>>
      %dma_start3A_389 = arith.constant 0 : i32
      %dma_start3A_390 = arith.constant 0 : i32
      %dma_start3A_391 = tpu.memref_slice %arg8[%dma_start3A_389, %dma_start3A_390] : memref<128x128xf32, #tpu.memory_space<vmem>> -> memref<120x128xf32, #tpu.memory_space<vmem>>
      %dma_start3A_392 = arith.constant 0 : i32
      %dma_start3A_393 = tpu.memref_slice %arg11[%add3A_341, %dma_start3A_392] : memref<10112x128xf32, #tpu.memory_space<vmem_shared>> -> memref<120x128xf32, #tpu.memory_space<vmem_shared>>
      tpu.enqueue_dma source(%dma_start3A_393 : memref<120x128xf32, #tpu.memory_space<vmem_shared>>) target(%dma_start3A_391 : memref<120x128xf32, #tpu.memory_space<vmem>>) target_semaphore(%run_scoped3A : memref<!tpu.dma_semaphore, #tpu.memory_space<semaphore_mem>>)
      %dma_wait3A_394 = arith.constant 0 : i32
      %dma_wait3A_395 = arith.constant 0 : i32
      %dma_wait3A_396 = tpu.memref_slice %arg8[%dma_wait3A_394, %dma_wait3A_395] : memref<128x128xf32, #tpu.memory_space<vmem>> -> memref<120x128xf32, #tpu.memory_space<vmem>>
      %dma_wait3A_397 = arith.constant 0 : i32
      %dma_wait3A_398 = tpu.memref_slice %arg11[%add3A_341, %dma_wait3A_397] : memref<10112x128xf32, #tpu.memory_space<vmem_shared>> -> memref<120x128xf32, #tpu.memory_space<vmem_shared>>
      %dma_wait3A_399 = arith.constant 0 : i32
      %dma_wait3A_400 = arith.constant 0 : i32
      %dma_wait3A_401 = tpu.memref_slice %arg8[%dma_wait3A_399, %dma_wait3A_400] : memref<128x128xf32, #tpu.memory_space<vmem>> -> memref<120x128xf32, #tpu.memory_space<vmem>>
      %dma_wait3A_402 = arith.constant 0 : i32
      %dma_wait3A_403 = tpu.memref_slice %arg11[%add3A_341, %dma_wait3A_402] : memref<10112x128xf32, #tpu.memory_space<vmem_shared>> -> memref<120x128xf32, #tpu.memory_space<vmem_shared>>
      tpu.wait_dma2 semaphore(%run_scoped3A : memref<!tpu.dma_semaphore, #tpu.memory_space<semaphore_mem>>) src(%dma_wait3A_403 : memref<120x128xf32, #tpu.memory_space<vmem_shared>>) dst(%dma_wait3A_401 : memref<120x128xf32, #tpu.memory_space<vmem>>)
      tpu.yield
    }) : () -> ()
    %mul3A_342 = arith.constant 10112 : i32
    %mul3A_343 = arith.muli %arg0, %mul3A_342 : i32
    %add3A_344 = arith.addi %mul3A_343, %add3A_341 : i32
    %dma_start3A_345 = arith.constant 0 : i32
    %dma_start3A_346 = arith.constant 0 : i32
    %dma_start3A_347 = arith.constant 0 : i32
    %dma_start3A_348 = tpu.memref_slice %arg8[%dma_start3A_346, %dma_start3A_347] : memref<128x128xf32, #tpu.memory_space<vmem>> -> memref<120x128xf32, #tpu.memory_space<vmem>>
    %dma_start3A_349 = arith.constant 0 : i32
    %dma_start3A_350 = tpu.memref_slice %arg4[%add3A_344, %dma_start3A_349] : memref<20224x128xf32, #tpu.memory_space<hbm>> -> memref<120x128xf32, #tpu.memory_space<hbm>>
    %dma_start3A_351 = tpu.memref_slice %arg13[%dma_start3A_345] : memref<3x!tpu.dma_semaphore, #tpu.memory_space<semaphore_mem>> -> memref<1x!tpu.dma_semaphore, #tpu.memory_space<semaphore_mem>>
    %dma_start3A_352 = tpu.memref_squeeze %dma_start3A_351 : memref<1x!tpu.dma_semaphore, #tpu.memory_space<semaphore_mem>> -> memref<!tpu.dma_semaphore, #tpu.memory_space<semaphore_mem>>
    %dma_start3A_353 = arith.constant 0 : i32
    %dma_start3A_354 = tpu.memref_slice %arg4[%add3A_344, %dma_start3A_353] : memref<20224x128xf32, #tpu.memory_space<hbm>> -> memref<120x128xf32, #tpu.memory_space<hbm>>
    %dma_start3A_355 = arith.constant 0 : i32
    %dma_start3A_356 = arith.constant 0 : i32
    %dma_start3A_357 = tpu.memref_slice %arg8[%dma_start3A_355, %dma_start3A_356] : memref<128x128xf32, #tpu.memory_space<vmem>> -> memref<120x128xf32, #tpu.memory_space<vmem>>
    tpu.enqueue_dma source(%dma_start3A_357 : memref<120x128xf32, #tpu.memory_space<vmem>>) target(%dma_start3A_354 : memref<120x128xf32, #tpu.memory_space<hbm>>) target_semaphore(%dma_start3A_352 : memref<!tpu.dma_semaphore, #tpu.memory_space<semaphore_mem>>)
    %dma_wait3A_358 = arith.constant 0 : i32
    %dma_wait3A_359 = arith.constant 0 : i32
    %dma_wait3A_360 = arith.constant 0 : i32
    %dma_wait3A_361 = tpu.memref_slice %arg8[%dma_wait3A_359, %dma_wait3A_360] : memref<128x128xf32, #tpu.memory_space<vmem>> -> memref<120x128xf32, #tpu.memory_space<vmem>>
    %dma_wait3A_362 = arith.constant 0 : i32
    %dma_wait3A_363 = tpu.memref_slice %arg4[%add3A_344, %dma_wait3A_362] : memref<20224x128xf32, #tpu.memory_space<hbm>> -> memref<120x128xf32, #tpu.memory_space<hbm>>
    %dma_wait3A_364 = tpu.memref_slice %arg13[%dma_wait3A_358] : memref<3x!tpu.dma_semaphore, #tpu.memory_space<semaphore_mem>> -> memref<1x!tpu.dma_semaphore, #tpu.memory_space<semaphore_mem>>
    %dma_wait3A_365 = tpu.memref_squeeze %dma_wait3A_364 : memref<1x!tpu.dma_semaphore, #tpu.memory_space<semaphore_mem>> -> memref<!tpu.dma_semaphore, #tpu.memory_space<semaphore_mem>>
    %dma_wait3A_366 = arith.constant 0 : i32
    %dma_wait3A_367 = tpu.memref_slice %arg4[%add3A_344, %dma_wait3A_366] : memref<20224x128xf32, #tpu.memory_space<hbm>> -> memref<120x128xf32, #tpu.memory_space<hbm>>
    %dma_wait3A_368 = arith.constant 0 : i32
    %dma_wait3A_369 = arith.constant 0 : i32
    %dma_wait3A_370 = tpu.memref_slice %arg8[%dma_wait3A_368, %dma_wait3A_369] : memref<128x128xf32, #tpu.memory_space<vmem>> -> memref<120x128xf32, #tpu.memory_space<vmem>>
    tpu.wait_dma2 semaphore(%dma_wait3A_365 : memref<!tpu.dma_semaphore, #tpu.memory_space<semaphore_mem>>) src(%dma_wait3A_370 : memref<120x128xf32, #tpu.memory_space<vmem>>) dst(%dma_wait3A_367 : memref<120x128xf32, #tpu.memory_space<hbm>>)
    %dma_wait3A_371 = arith.constant 1 : i32
    %dma_wait3A_372 = arith.constant 0 : i32
    %dma_wait3A_373 = arith.constant 0 : i32
    %dma_wait3A_374 = tpu.memref_slice %arg9[%dma_wait3A_372, %dma_wait3A_373] : memref<128x128xf32, #tpu.memory_space<vmem>> -> memref<128x128xf32, #tpu.memory_space<vmem>>
    %dma_wait3A_375 = arith.constant 0 : i32
    %dma_wait3A_376 = tpu.memref_slice %arg4[%add3A_311, %dma_wait3A_375] : memref<20224x128xf32, #tpu.memory_space<hbm>> -> memref<128x128xf32, #tpu.memory_space<hbm>>
    %dma_wait3A_377 = tpu.memref_slice %arg13[%dma_wait3A_371] : memref<3x!tpu.dma_semaphore, #tpu.memory_space<semaphore_mem>> -> memref<1x!tpu.dma_semaphore, #tpu.memory_space<semaphore_mem>>
    %dma_wait3A_378 = tpu.memref_squeeze %dma_wait3A_377 : memref<1x!tpu.dma_semaphore, #tpu.memory_space<semaphore_mem>> -> memref<!tpu.dma_semaphore, #tpu.memory_space<semaphore_mem>>
    %dma_wait3A_379 = arith.constant 0 : i32
    %dma_wait3A_380 = tpu.memref_slice %arg4[%add3A_311, %dma_wait3A_379] : memref<20224x128xf32, #tpu.memory_space<hbm>> -> memref<128x128xf32, #tpu.memory_space<hbm>>
    %dma_wait3A_381 = arith.constant 0 : i32
    %dma_wait3A_382 = arith.constant 0 : i32
    %dma_wait3A_383 = tpu.memref_slice %arg9[%dma_wait3A_381, %dma_wait3A_382] : memref<128x128xf32, #tpu.memory_space<vmem>> -> memref<128x128xf32, #tpu.memory_space<vmem>>
    tpu.wait_dma2 semaphore(%dma_wait3A_378 : memref<!tpu.dma_semaphore, #tpu.memory_space<semaphore_mem>>) src(%dma_wait3A_383 : memref<128x128xf32, #tpu.memory_space<vmem>>) dst(%dma_wait3A_380 : memref<128x128xf32, #tpu.memory_space<hbm>>)
    return
  }
}

module attributes {stable_mosaic.version = 14 : i64} {
  func.func @_tcmm_body(%arg0: memref<10000x128xf32, #tpu.memory_space<vmem>>, %arg1: memref<128x128xf32, #tpu.memory_space<vmem>>, %arg2: memref<10112x128xf32, #tpu.memory_space<vmem>>) attributes {dimension_semantics = [], scalar_prefetch = 0 : i64, scratch_operands = 0 : i64, tpu.core_type = #tpu.core_type<tc>} {
    %get3A = arith.constant 0 : index
    %get3A_0 = arith.constant 0 : index
    %get3A_1 = vector.load %arg0[%get3A, %get3A_0] : memref<10000x128xf32, #tpu.memory_space<vmem>>, vector<10000x128xf32>
    %get3A_2 = arith.constant 0 : index
    %get3A_3 = arith.constant 0 : index
    %get3A_4 = vector.load %arg1[%get3A_2, %get3A_3] : memref<128x128xf32, #tpu.memory_space<vmem>>, vector<128x128xf32>
    %dot_general3A = arith.constant dense<0.000000e+00> : vector<10000x128xf32>
    %dot_general3A_5 = tpu.matmul %get3A_1, %get3A_4, %dot_general3A {dimension_numbers = #tpu.dot_dimension_numbers<[1], [0], [0], [1], [0, 0, 1, 1], [], []>, transpose_lhs_hint = false} : vector<10000x128xf32>, vector<128x128xf32>, vector<10000x128xf32> -> vector<10000x128xf32>
    %broadcast_in_dim3A = arith.constant 0.000000e+00 : f32
    %broadcast_in_dim3A_6 = vector.broadcast %broadcast_in_dim3A : f32 to vector<112x128xf32>
    %concatenate3A = tpu.concatenate %dot_general3A_5, %broadcast_in_dim3A_6 in 0 : vector<10000x128xf32>, vector<112x128xf32> -> vector<10112x128xf32>
    %swap3A = arith.constant 0 : index
    %swap3A_7 = arith.constant 0 : index
    %swap3A_8 = vector.load %arg2[%swap3A, %swap3A_7] : memref<10112x128xf32, #tpu.memory_space<vmem>>, vector<10112x128xf32>
    tpu.vector_store %arg2[%swap3A, %swap3A_7], %concatenate3A {strides = array<i32>} : memref<10112x128xf32, #tpu.memory_space<vmem>>, vector<10112x128xf32>,
    return
  }
}

module attributes {stable_mosaic.version = 14 : i64} {
  func.func @_tc3_body(%arg0: memref<20224x128xf32, #tpu.memory_space<vmem>>, %arg1: memref<10112x128xf32, #tpu.memory_space<vmem>>, %arg2: memref<10112x1xf32, #tpu.memory_space<vmem>>, %arg3: memref<1x128xf32, #tpu.memory_space<vmem>>, %arg4: memref<128x128xf32, #tpu.memory_space<vmem>>, %arg5: memref<1x128xf32, #tpu.memory_space<vmem>>, %arg6: memref<1x128xf32, #tpu.memory_space<vmem>>) attributes {dimension_semantics = [], scalar_prefetch = 0 : i64, scratch_operands = 0 : i64, tpu.core_type = #tpu.core_type<tc>} {
    %get3A = arith.constant 0 : index
    %get3A_0 = arith.constant 0 : index
    %get3A_1 = vector.load %arg0[%get3A, %get3A_0] : memref<20224x128xf32, #tpu.memory_space<vmem>>, vector<20224x128xf32>
    %slice3A = vector.extract_strided_slice %get3A_1 {offsets = [0, 0], sizes = [10112, 128], strides = [1, 1]} : vector<20224x128xf32> to vector<10112x128xf32>
    %slice3A_2 = vector.extract_strided_slice %get3A_1 {offsets = [10112, 0], sizes = [10112, 128], strides = [1, 1]} : vector<20224x128xf32> to vector<10112x128xf32>
    %add3A = arith.addf %slice3A, %slice3A_2 : vector<10112x128xf32>
    %get3A_3 = arith.constant 0 : index
    %get3A_4 = arith.constant 0 : index
    %get3A_5 = vector.load %arg1[%get3A_3, %get3A_4] : memref<10112x128xf32, #tpu.memory_space<vmem>>, vector<10112x128xf32>
    %add3A_6 = arith.addf %add3A, %get3A_5 : vector<10112x128xf32>
    %get3A_7 = arith.constant 0 : index
    %get3A_8 = arith.constant 0 : index
    %get3A_9 = vector.load %arg2[%get3A_7, %get3A_8] : memref<10112x1xf32, #tpu.memory_space<vmem>>, vector<10112x1xf32>
    %mul3A = vector.broadcast %get3A_9 : vector<10112x1xf32> to vector<10112x128xf32>
    %mul3A_10 = arith.mulf %add3A_6, %mul3A : vector<10112x128xf32>
    %reduce_sum3A = arith.constant dense<0.000000e+00> : vector<128xf32>
    %reduce_sum3A_11 = vector.multi_reduction <add>, %mul3A_10, %reduce_sum3A [0] : vector<10112x128xf32> to vector<128xf32>
    %broadcast_in_dim3A = vector.shape_cast %reduce_sum3A_11 : vector<128xf32> to vector<1x128xf32>
    %mul3A_12 = arith.constant 9.99999974E-5 : f32
    %mul3A_13 = vector.broadcast %mul3A_12 : f32 to vector<1x128xf32>
    %mul3A_14 = arith.mulf %broadcast_in_dim3A, %mul3A_13 : vector<1x128xf32>
    %get3A_15 = arith.constant 0 : index
    %get3A_16 = arith.constant 0 : index
    %get3A_17 = vector.load %arg3[%get3A_15, %get3A_16] : memref<1x128xf32, #tpu.memory_space<vmem>>, vector<1x128xf32>
    %add3A_18 = arith.addf %mul3A_14, %get3A_17 : vector<1x128xf32>
    %get3A_19 = arith.constant 0 : index
    %get3A_20 = arith.constant 0 : index
    %get3A_21 = vector.load %arg4[%get3A_19, %get3A_20] : memref<128x128xf32, #tpu.memory_space<vmem>>, vector<128x128xf32>
    %dot_general3A = arith.constant dense<0.000000e+00> : vector<1x128xf32>
    %dot_general3A_22 = tpu.matmul %add3A_18, %get3A_21, %dot_general3A {dimension_numbers = #tpu.dot_dimension_numbers<[1], [0], [0], [1], [0, 0, 1, 1], [], []>, transpose_lhs_hint = false} : vector<1x128xf32>, vector<128x128xf32>, vector<1x128xf32> -> vector<1x128xf32>
    %get3A_23 = arith.constant 0 : index
    %get3A_24 = arith.constant 0 : index
    %get3A_25 = vector.load %arg5[%get3A_23, %get3A_24] : memref<1x128xf32, #tpu.memory_space<vmem>>, vector<1x128xf32>
    %add3A_26 = arith.addf %dot_general3A_22, %get3A_25 : vector<1x128xf32>
    %mul3A_27 = arith.mulf %add3A_26, %add3A_26 : vector<1x128xf32>
    %reduce_sum3A_28 = vector.shape_cast %mul3A_27 : vector<1x128xf32> to vector<1x1x128xf32>
    %reduce_sum3A_29 = arith.constant dense<0.000000e+00> : vector<1xf32>
    %reduce_sum3A_30 = vector.multi_reduction <add>, %reduce_sum3A_28, %reduce_sum3A_29 [1, 2] : vector<1x1x128xf32> to vector<1xf32>
    %reduce_sum3A_31 = vector.shape_cast %reduce_sum3A_30 : vector<1xf32> to vector<1x1x1xf32>
    %reduce_sum3A_32 = vector.extract %reduce_sum3A_31[0, 0, 0] : f32 from vector<1x1x1xf32>
    %broadcast_in_dim3A_33 = vector.broadcast %reduce_sum3A_32 : f32 to vector<1x1xf32>
    %sqrt3A = math.sqrt %broadcast_in_dim3A_33 : vector<1x1xf32>
    %max3A = arith.constant 9.99999996E-13 : f32
    %max3A_34 = vector.broadcast %max3A : f32 to vector<1x1xf32>
    %max3A_35 = arith.maximumf %sqrt3A, %max3A_34 : vector<1x1xf32>
    %div3A = vector.broadcast %max3A_35 : vector<1x1xf32> to vector<1x128xf32>
    %div3A_36 = arith.divf %add3A_26, %div3A : vector<1x128xf32>
    %swap3A = arith.constant 0 : index
    %swap3A_37 = arith.constant 0 : index
    %swap3A_38 = vector.load %arg6[%swap3A, %swap3A_37] : memref<1x128xf32, #tpu.memory_space<vmem>>, vector<1x128xf32>
    tpu.vector_store %arg6[%swap3A, %swap3A_37], %div3A_36 {strides = array<i32>} : memref<1x128xf32, #tpu.memory_space<vmem>>, vector<1x128xf32>,
    return
  }
}

module attributes {stable_mosaic.version = 14 : i64} {
  func.func @_tc2_body(%arg0: memref<20224x128xf32, #tpu.memory_space<vmem>>, %arg1: memref<10112x128xf32, #tpu.memory_space<vmem>>, %arg2: memref<10112x1xf32, #tpu.memory_space<vmem>>, %arg3: memref<1x128xf32, #tpu.memory_space<vmem>>, %arg4: memref<128x128xf32, #tpu.memory_space<vmem>>, %arg5: memref<10112x128xf32, #tpu.memory_space<vmem>>) attributes {dimension_semantics = [], scalar_prefetch = 0 : i64, scratch_operands = 0 : i64, tpu.core_type = #tpu.core_type<tc>} {
    %get3A = arith.constant 0 : index
    %get3A_0 = arith.constant 0 : index
    %get3A_1 = vector.load %arg0[%get3A, %get3A_0] : memref<20224x128xf32, #tpu.memory_space<vmem>>, vector<20224x128xf32>
    %get3A_2 = arith.constant 0 : index
    %get3A_3 = arith.constant 0 : index
    %get3A_4 = vector.load %arg2[%get3A_2, %get3A_3] : memref<10112x1xf32, #tpu.memory_space<vmem>>, vector<10112x1xf32>
    %slice3A = vector.extract_strided_slice %get3A_1 {offsets = [0, 0], sizes = [10112, 128], strides = [1, 1]} : vector<20224x128xf32> to vector<10112x128xf32>
    %slice3A_5 = vector.extract_strided_slice %get3A_1 {offsets = [10112, 0], sizes = [10112, 128], strides = [1, 1]} : vector<20224x128xf32> to vector<10112x128xf32>
    %add3A = arith.addf %slice3A, %slice3A_5 : vector<10112x128xf32>
    %get3A_6 = arith.constant 0 : index
    %get3A_7 = arith.constant 0 : index
    %get3A_8 = vector.load %arg1[%get3A_6, %get3A_7] : memref<10112x128xf32, #tpu.memory_space<vmem>>, vector<10112x128xf32>
    %add3A_9 = arith.addf %add3A, %get3A_8 : vector<10112x128xf32>
    %mul3A = vector.broadcast %get3A_4 : vector<10112x1xf32> to vector<10112x128xf32>
    %mul3A_10 = arith.mulf %add3A_9, %mul3A : vector<10112x128xf32>
    %get3A_11 = arith.constant 0 : index
    %get3A_12 = arith.constant 0 : index
    %get3A_13 = vector.load %arg3[%get3A_11, %get3A_12] : memref<1x128xf32, #tpu.memory_space<vmem>>, vector<1x128xf32>
    %add3A_14 = vector.broadcast %get3A_13 : vector<1x128xf32> to vector<10112x128xf32>
    %add3A_15 = arith.addf %mul3A_10, %add3A_14 : vector<10112x128xf32>
    %max3A = arith.constant 0.000000e+00 : f32
    %max3A_16 = vector.broadcast %max3A : f32 to vector<10112x128xf32>
    %max3A_17 = arith.maximumf %add3A_15, %max3A_16 : vector<10112x128xf32>
    %iota3A = tpu.iota {dimensions = array<i32: 0>} : vector<10112x1xi32>
    %lt3A = arith.constant 10000 : i32
    %lt3A_18 = vector.broadcast %lt3A : i32 to vector<10112x1xi32>
    %lt3A_19 = arith.cmpi slt, %iota3A, %lt3A_18 : vector<10112x1xi32>
    %jit3A = arith.constant 0.000000e+00 : f32
    %broadcast_in_dim3A = vector.shape_cast %lt3A_19 : vector<10112x1xi1> to vector<10112x1xi1>
    %broadcast_in_dim3A_20 = vector.broadcast %broadcast_in_dim3A : vector<10112x1xi1> to vector<10112x128xi1>
    %broadcast_in_dim3A_21 = vector.broadcast %jit3A : f32 to vector<10112x128xf32>
    %select_n3A = arith.select %broadcast_in_dim3A_20, %max3A_17, %broadcast_in_dim3A_21 : vector<10112x128xi1>, vector<10112x128xf32>
    %mul3A_22 = vector.broadcast %get3A_4 : vector<10112x1xf32> to vector<10112x128xf32>
    %mul3A_23 = arith.mulf %select_n3A, %mul3A_22 : vector<10112x128xf32>
    %get3A_24 = arith.constant 0 : index
    %get3A_25 = arith.constant 0 : index
    %get3A_26 = vector.load %arg4[%get3A_24, %get3A_25] : memref<128x128xf32, #tpu.memory_space<vmem>>, vector<128x128xf32>
    %dot_general3A = arith.constant dense<0.000000e+00> : vector<10112x128xf32>
    %dot_general3A_27 = tpu.matmul %mul3A_23, %get3A_26, %dot_general3A {dimension_numbers = #tpu.dot_dimension_numbers<[1], [0], [0], [1], [0, 0, 1, 1], [], []>, transpose_lhs_hint = false} : vector<10112x128xf32>, vector<128x128xf32>, vector<10112x128xf32> -> vector<10112x128xf32>
    %swap3A = arith.constant 0 : index
    %swap3A_28 = arith.constant 0 : index
    %swap3A_29 = vector.load %arg5[%swap3A, %swap3A_28] : memref<10112x128xf32, #tpu.memory_space<vmem>>, vector<10112x128xf32>
    tpu.vector_store %arg5[%swap3A, %swap3A_28], %dot_general3A_27 {strides = array<i32>} : memref<10112x128xf32, #tpu.memory_space<vmem>>, vector<10112x128xf32>,
    return
  }
}

module attributes {stable_mosaic.version = 14 : i64} {
  func.func @_tc1b_body(%arg0: memref<158x128xf32, #tpu.memory_space<vmem>>, %arg1: memref<10112x128xf32, #tpu.memory_space<vmem>>, %arg2: memref<10112x128xf32, #tpu.memory_space<vmem>>, %arg3: memref<10112x1xf32, #tpu.memory_space<vmem>>, %arg4: memref<79x128xf32, #tpu.memory_space<vmem>>) attributes {dimension_semantics = [], scalar_prefetch = 0 : i64, scratch_operands = 1 : i64, tpu.core_type = #tpu.core_type<tc>} {
    %get3A = arith.constant 0 : index
    %get3A_0 = arith.constant 0 : index
    %get3A_1 = vector.load %arg0[%get3A, %get3A_0] : memref<158x128xf32, #tpu.memory_space<vmem>>, vector<158x128xf32>
    %slice3A = vector.extract_strided_slice %get3A_1 {offsets = [0, 0], sizes = [79, 128], strides = [1, 1]} : vector<158x128xf32> to vector<79x128xf32>
    %slice3A_2 = vector.extract_strided_slice %get3A_1 {offsets = [79, 0], sizes = [79, 128], strides = [1, 1]} : vector<158x128xf32> to vector<79x128xf32>
    %add3A = arith.addf %slice3A, %slice3A_2 : vector<79x128xf32>
    %add3A_3 = arith.constant 1.000000e+00 : f32
    %add3A_4 = vector.broadcast %add3A_3 : f32 to vector<79x128xf32>
    %add3A_5 = arith.addf %add3A, %add3A_4 : vector<79x128xf32>
    %rsqrt3A = math.rsqrt %add3A_5 : vector<79x128xf32>
    %iota3A = tpu.iota {dimensions = array<i32: 0>} : vector<10112x1xi32>
    %iota3A_6 = tpu.iota {dimensions = array<i32: 1>} : vector<10112x79xi32>
    %jit3A = arith.constant 128 : i32
    %div3A = vector.broadcast %jit3A : i32 to vector<10112x1xi32>
    %div3A_7 = arith.divsi %iota3A, %div3A : vector<10112x1xi32>
    %sign3A = arith.constant 0 : i32
    %sign3A_8 = vector.broadcast %sign3A : i32 to vector<10112x1xi32>
    %sign3A_9 = arith.cmpi sgt, %iota3A, %sign3A_8 : vector<10112x1xi32>
    %sign3A_10 = arith.extui %sign3A_9 : vector<10112x1xi1> to vector<10112x1xi32>
    %sign3A_11 = arith.constant 0 : i32
    %sign3A_12 = vector.broadcast %sign3A_11 : i32 to vector<10112x1xi32>
    %sign3A_13 = arith.cmpi slt, %iota3A, %sign3A_12 : vector<10112x1xi32>
    %sign3A_14 = arith.extui %sign3A_13 : vector<10112x1xi1> to vector<10112x1xi32>
    %sign3A_15 = arith.subi %sign3A_10, %sign3A_14 : vector<10112x1xi32>
    %sign3A_16 = arith.constant 0 : i32
    %sign3A_17 = arith.cmpi sgt, %jit3A, %sign3A_16 : i32
    %sign3A_18 = arith.extui %sign3A_17 : i1 to i32
    %sign3A_19 = arith.constant 0 : i32
    %sign3A_20 = arith.cmpi slt, %jit3A, %sign3A_19 : i32
    %sign3A_21 = arith.extui %sign3A_20 : i1 to i32
    %sign3A_22 = arith.subi %sign3A_18, %sign3A_21 : i32
    %ne3A = vector.broadcast %sign3A_22 : i32 to vector<10112x1xi32>
    %ne3A_23 = arith.cmpi ne, %sign3A_15, %ne3A : vector<10112x1xi32>
    %rem3A = vector.broadcast %jit3A : i32 to vector<10112x1xi32>
    %rem3A_24 = arith.remsi %iota3A, %rem3A : vector<10112x1xi32>
    %ne3A_25 = arith.constant 0 : i32
    %ne3A_26 = vector.broadcast %ne3A_25 : i32 to vector<10112x1xi32>
    %ne3A_27 = arith.cmpi ne, %rem3A_24, %ne3A_26 : vector<10112x1xi32>
    %and3A = arith.andi %ne3A_23, %ne3A_27 : vector<10112x1xi1>
    %sub3A = arith.constant 1 : i32
    %sub3A_28 = vector.broadcast %sub3A : i32 to vector<10112x1xi32>
    %sub3A_29 = arith.subi %div3A_7, %sub3A_28 : vector<10112x1xi32>
    %select_n3A = arith.select %and3A, %sub3A_29, %div3A_7 : vector<10112x1xi1>, vector<10112x1xi32>
    %eq3A = vector.broadcast %select_n3A : vector<10112x1xi32> to vector<10112x79xi32>
    %eq3A_30 = arith.cmpi eq, %iota3A_6, %eq3A : vector<10112x79xi32>
    %jit3A_31 = arith.constant 1.000000e+00 : f32
    %jit3A_32 = arith.constant 0.000000e+00 : f32
    %broadcast_in_dim3A = vector.broadcast %jit3A_31 : f32 to vector<10112x79xf32>
    %broadcast_in_dim3A_33 = vector.broadcast %jit3A_32 : f32 to vector<10112x79xf32>
    %select_n3A_34 = arith.select %eq3A_30, %broadcast_in_dim3A, %broadcast_in_dim3A_33 : vector<10112x79xi1>, vector<10112x79xf32>
    %dot_general3A = arith.constant dense<0.000000e+00> : vector<10112x128xf32>
    %dot_general3A_35 = tpu.matmul %select_n3A_34, %rsqrt3A, %dot_general3A {dimension_numbers = #tpu.dot_dimension_numbers<[1], [0], [0], [1], [0, 0, 1, 1], [], []>, transpose_lhs_hint = false} : vector<10112x79xf32>, vector<79x128xf32>, vector<10112x128xf32> -> vector<10112x128xf32>
    %iota3A_36 = tpu.iota {dimensions = array<i32: 1>} : vector<10112x128xi32>
    %jit3A_37 = arith.constant 128 : i32
    %eq3A_38 = arith.constant 0 : i32
    %eq3A_39 = arith.cmpi eq, %jit3A_37, %eq3A_38 : i32
    %jit3A_40 = arith.constant 1 : i32
    %select_n3A_41 = arith.select %eq3A_39, %jit3A_40, %jit3A_37 : i32
    %rem3A_42 = vector.broadcast %select_n3A_41 : i32 to vector<10112x1xi32>
    %rem3A_43 = arith.remsi %iota3A, %rem3A_42 : vector<10112x1xi32>
    %ne3A_44 = arith.constant 0 : i32
    %ne3A_45 = vector.broadcast %ne3A_44 : i32 to vector<10112x1xi32>
    %ne3A_46 = arith.cmpi ne, %rem3A_43, %ne3A_45 : vector<10112x1xi32>
    %lt3A = arith.constant 0 : i32
    %lt3A_47 = vector.broadcast %lt3A : i32 to vector<10112x1xi32>
    %lt3A_48 = arith.cmpi slt, %rem3A_43, %lt3A_47 : vector<10112x1xi32>
    %lt3A_49 = arith.constant 0 : i32
    %lt3A_50 = arith.cmpi slt, %select_n3A_41, %lt3A_49 : i32
    %ne3A_51 = vector.broadcast %lt3A_50 : i1 to vector<10112x1xi1>
    %ne3A_52 = vector.broadcast %ne3A_51 : vector<10112x1xi1> to vector<10112x1xi1>
    %ne3A_53 = arith.xori %lt3A_48, %ne3A_52 : vector<10112x1xi1>
    %and3A_54 = arith.andi %ne3A_53, %ne3A_46 : vector<10112x1xi1>
    %add3A_55 = vector.broadcast %select_n3A_41 : i32 to vector<10112x1xi32>
    %add3A_56 = arith.addi %rem3A_43, %add3A_55 : vector<10112x1xi32>
    %select_n3A_57 = arith.select %and3A_54, %add3A_56, %rem3A_43 : vector<10112x1xi1>, vector<10112x1xi32>
    %eq3A_58 = vector.broadcast %select_n3A_57 : vector<10112x1xi32> to vector<10112x128xi32>
    %eq3A_59 = arith.cmpi eq, %iota3A_36, %eq3A_58 : vector<10112x128xi32>
    %jit3A_60 = arith.constant 0.000000e+00 : f32
    %broadcast_in_dim3A_61 = vector.broadcast %jit3A_60 : f32 to vector<10112x128xf32>
    %select_n3A_62 = arith.select %eq3A_59, %dot_general3A_35, %broadcast_in_dim3A_61 : vector<10112x128xi1>, vector<10112x128xf32>
    %reduce_sum3A = arith.constant dense<0.000000e+00> : vector<10112xf32>
    %reduce_sum3A_63 = vector.multi_reduction <add>, %select_n3A_62, %reduce_sum3A [1] : vector<10112x128xf32> to vector<10112xf32>
    %broadcast_in_dim3A_64 = vector.shape_cast %reduce_sum3A_63 : vector<10112xf32> to vector<10112x1xf32>
    %swap3A = arith.constant 0 : index
    %swap3A_65 = arith.constant 0 : index
    %swap3A_66 = vector.load %arg3[%swap3A, %swap3A_65] : memref<10112x1xf32, #tpu.memory_space<vmem>>, vector<10112x1xf32>
    tpu.vector_store %arg3[%swap3A, %swap3A_65], %broadcast_in_dim3A_64 {strides = array<i32>} : memref<10112x1xf32, #tpu.memory_space<vmem>>, vector<10112x1xf32>,
    %get3A_67 = arith.constant 0 : index
    %get3A_68 = arith.constant 0 : index
    %get3A_69 = vector.load %arg1[%get3A_67, %get3A_68] : memref<10112x128xf32, #tpu.memory_space<vmem>>, vector<10112x128xf32>
    %mul3A = vector.broadcast %broadcast_in_dim3A_64 : vector<10112x1xf32> to vector<10112x128xf32>
    %mul3A_70 = arith.mulf %get3A_69, %mul3A : vector<10112x128xf32>
    %swap3A_71 = arith.constant 0 : index
    %swap3A_72 = arith.constant 0 : index
    %swap3A_73 = vector.load %arg2[%swap3A_71, %swap3A_72] : memref<10112x128xf32, #tpu.memory_space<vmem>>, vector<10112x128xf32>
    tpu.vector_store %arg2[%swap3A_71, %swap3A_72], %mul3A_70 {strides = array<i32>} : memref<10112x128xf32, #tpu.memory_space<vmem>>, vector<10112x128xf32>,
    return
  }
}

</mosaic_0001>

<sc_bundles>
// kernel: kernel.12.cloned.1.call-start
scs
__scs_entry_jumppad:
0x0: {  	(pc) =	sbr.rel $0x88, $3  }
0x1: {  	(tag) =	ssettag $0x0;
	lr =	simm.s32 $0x1  }
0x2: {  	[smem:$0x3F99] =	sst lr;
	_ =	strace $0xD0000000  }
0x3: {  	_ = 	snop  }
0x4: {  	_ = 	snop  }
0x5: {  	_ = 	snop  }
0x6: {  	_ = 	snop  }
0x7: {  	_ = 	snop  }
__scs_overlays_trampoline_lowered:
0x8: {  	[smem:$0x3FA8] =	sst s0  }
0x9: {  	[smem:$0x3FA9] =	sst s1  }
0xa: {  	[smem:$0x3FAA] =	sst s2  }
0xb: {  	[smem:$0x3FAB] =	sst s3  }
0xc: {  	[smem:$0x3FAC] =	sst s4  }
0xd: {  	[smem:$0x3FAD] =	sst s5  }
0xe: {  	[smem:$0x3FAE] =	sst s6  }
0xf: {  	[smem:$0x3FAF] =	sst s7  }
0x10: {  	[smem:$0x3FB0] =	sst s8  }
0x11: {  	[smem:$0x3FB1] =	sst s9;
	s0 =	simm.s32 @!p0 $0x0  }
0x12: {  	s1 =	sld [smem:$0x3F97];
	s0 =	simm.s32 @p0 $0x1  }
0x13: {  	[smem:$0x3FB2] =	sst s0;
	s0 =	simm.s32 @!p1 $0x0  }
0x14: {  	s2 =	sld [smem:$0x3F96];
	s0 =	simm.s32 @p1 $0x1  }
0x15: {  	[smem:$0x3FB3] =	sst s0;
	s0 =	simm.s32 @!p2 $0x0  }
0x16: {  	s3 =	sld [smem:$0x3FDB];
	s0 =	simm.s32 @p2 $0x1  }
0x17: {  	s4 =	simm.s32 $0x1BF5;
	[smem:$0x3FB5] =	sst s0  }
0x18: {  	s0 =	sld [smem:$0x3F98];
	_ =	swait.ge [sflag:s4], $0x0  }
0x19: {  	s7 =	sld [smem:$0x3F99]  }
0x1a: {  	s8 =	sadd.s32 $0xFFFFE003, lr  }
0x1b: {  	s9 =	sadd.s32 $0xFFFFFEF7, lr;
	s5 =	simm.s32 $0xFFFFFFFF;
	p2 =	slt.u32 s8, $0xFFFFF086  }
0x1c: {  	p1 =	slt.u32 s9, $0xF7A;
	s5 =	simm.s32 @!p2 $0x0  }
0x1d: {  	s5 =	simm.s32 @p1 $0x1;
	p0 =	seq.s32 s7, s2  }
0x1e: {  	s7 =	smul.u32 @!p0 $0xF7A, s2;
	p2 =	seq.s32 @!p0 s5, $0x0  }
0x1f: {  	s9 =	smul.u32 $0xF7A, s1;
	s8 =	simm.s32 @!p0 $0x1BF5;
	p2 =	por !p2, p0  }
0x20: {  	[sflag:s8] =	ssyncset.s32 @!p0 $0xFFFFF086;
	s6 =	sadd.s32 @!p0 s3, s7;
	s7 =	simm.s32 @!p0 $0x108  }
0x21: {  	s3 =	sadd.s32 s3, s9;
	s6 =	sadd.s32 @!p0 $0x88, s6;
	s7 =	simm.s32 @p2 $0x1082  }
0x22: {  	[simem:s7], [sflag:s8] =	dma.local @!p0 [hbm:s6], $0xF7A  }
0x23: {  	s9 =	sor.u32 $0xD0000000, s2;
	s6 =	simm.s32 $0x108;
	_ =	swait.ge @!p0 [sflag:s8], $0x0  }
0x24: {  	s3 =	sadd.s32 $0x88, s3;
	s6 =	simm.s32 @!p1 $0x1082;
	[sflag:s4] =	ssyncset.s32 $0xFFFFF086  }
0x25: {  	[simem:s6], [sflag:s4] =	dma.local [hbm:s3], $0xF7A  }
0x26: {  	[smem:$0x3F99] =	sst s1;
	(tag) =	ssettag s2;
	_ =	strace s9  }
0x27: {  	s1 =	sld [smem:$0x3FA9]  }
0x28: {  	s2 =	sld [smem:$0x3FAA]  }
0x29: {  	s4 =	sld [smem:$0x3FAC]  }
0x2a: {  	p0 =	seq.s32 s5, $0x0;
	s5 =	sld [smem:$0x3FAD]  }
0x2b: {  	s6 =	sld [smem:$0x3FAE]  }
0x2c: {  	s7 =	sld [smem:$0x3FAF]  }
0x2d: {  	s3 =	simm.s32 $0x108;
	s8 =	sld [smem:$0x3FB0]  }
0x2e: {  	s3 =	simm.s32 @!p0 $0x1082;
	s9 =	sld [smem:$0x3FB1]  }
0x2f: {  	lr =	sadd.s32 s0, s3;
	s0 =	sld [smem:$0x3FA8]  }
0x30: {  	s3 =	sld [smem:$0x3FAB]  }
0x31: {  	[smem:$0x3FB4] =	sst s10  }
0x32: {  	s10 =	sld [smem:$0x3FB2];
	_ =	sdelay $0x3  }
0x33: {  	p0 =	seq.s32 s10, $0x1;
	s10 =	sld [smem:$0x3FB4];
	_ =	sdelay $0x3  }
0x34: {  	[smem:$0x3FB4] =	sst s10  }
0x35: {  	s10 =	sld [smem:$0x3FB3];
	_ =	sdelay $0x3  }
0x36: {  	p1 =	seq.s32 s10, $0x1;
	s10 =	sld [smem:$0x3FB4];
	_ =	sdelay $0x3  }
0x37: {  	[smem:$0x3FB4] =	sst s10  }
0x38: {  	s10 =	sld [smem:$0x3FB5]  }
0x39: {  	_ = 	snop;
	(pc) =	sbr.ind lr, $3  }
0x3a: {  	_ = 	snop  }
0x3b: {  	_ = 	snop  }
0x3c: {  	p2 =	seq.s32 s10, $0x1;
	s10 =	sld [smem:$0x3FB4]  }
0x3d: {  	_ =	shalt  }
0x3e: {  	_ =	shalt  }
0x3f: {  	_ =	shalt  }
0x40: {  	_ =	shalt  }
0x41: {  	_ =	shalt  }
0x42: {  	_ =	shalt  }
0x43: {  	_ =	shalt  }
0x44: {  	_ =	shalt  }
0x45: {  	_ =	shalt  }
0x46: {  	_ =	shalt  }
0x47: {  	_ =	shalt  }
0x48: {  	_ =	shalt  }
0x49: {  	_ =	shalt  }
0x4a: {  	_ =	shalt  }
0x4b: {  	_ =	shalt  }
0x4c: {  	_ =	shalt  }
0x4d: {  	_ =	shalt  }
0x4e: {  	_ =	shalt  }
0x4f: {  	_ =	shalt  }
0x50: {  	_ =	shalt  }
0x51: {  	_ =	shalt  }
0x52: {  	_ =	shalt  }
0x53: {  	_ =	shalt  }
0x54: {  	_ =	shalt  }
0x55: {  	_ =	shalt  }
0x56: {  	_ =	shalt  }
0x57: {  	_ =	shalt  }
0x58: {  	_ =	shalt  }
0x59: {  	_ =	shalt  }
0x5a: {  	_ =	shalt  }
0x5b: {  	_ =	shalt  }
0x5c: {  	_ =	shalt  }
0x5d: {  	_ =	shalt  }
0x5e: {  	_ =	shalt  }
0x5f: {  	_ =	shalt  }
0x60: {  	_ =	shalt  }
0x61: {  	_ =	shalt  }
0x62: {  	_ =	shalt  }
0x63: {  	_ =	shalt  }
0x64: {  	_ =	shalt  }
0x65: {  	_ =	shalt  }
0x66: {  	_ =	shalt  }
0x67: {  	_ =	shalt  }
0x68: {  	_ =	shalt  }
0x69: {  	_ =	shalt  }
0x6a: {  	_ =	shalt  }
0x6b: {  	_ =	shalt  }
0x6c: {  	_ =	shalt  }
0x6d: {  	_ =	shalt  }
0x6e: {  	_ =	shalt  }
0x6f: {  	_ =	shalt  }
0x70: {  	_ =	shalt  }
0x71: {  	_ =	shalt  }
0x72: {  	_ =	shalt  }
0x73: {  	_ =	shalt  }
0x74: {  	_ =	shalt  }
0x75: {  	_ =	shalt  }
0x76: {  	_ =	shalt  }
0x77: {  	_ =	shalt  }
0x78: {  	_ =	shalt  }
0x79: {  	_ =	shalt  }
0x7a: {  	_ =	shalt  }
0x7b: {  	_ =	shalt  }
0x7c: {  	_ =	shalt  }
0x7d: {  	_ =	shalt  }
0x7e: {  	_ =	shalt  }
0x7f: {  	_ =	shalt  }
0x80: {  	_ =	shalt  }
0x81: {  	_ =	shalt  }
0x82: {  	_ =	shalt  }
0x83: {  	_ =	shalt  }
0x84: {  	_ =	shalt  }
0x85: {  	_ =	shalt  }
0x86: {  	_ =	shalt  }
0x87: {  	_ =	shalt  }
.Lfunc_end0:
.L_simem_size_0:
called_computation.1_lowered:
.L_overlay_start_0:
0x88: {  	s2 =	sld [smem:$0x3FD9]  }
0x89: {  	s3 =	sld [smem:$0x3FFE];
	_ =	sdelay $0x1  }
0x8a: {  	s1 =	srdreg.scid  }
0x8b: {  	s0 =	sand.u32 $0x1, s1  }
0x8c: {  	s17 =	sshll.u32 s0, $0xA;
	s2 =	sadd.s32 s3, s2  }
0x8d: {  	s2 =	sadd.s32 s2, s17  }
0x8e: {  	[smem:$0x3FC0] =	sst s2  }
0x8f: {  	_ = 	snop  }
0x90: {  	s2 =	sld [smem:$0x3FC8];
	(tm) =	ssettm $0x1  }
0x91: {  	s18 =	sld [smem:$0x3FFB];
	_ =	sdelay $0x3  }
0x92: {  	_ =	strace s18  }
0x93: {  	s3 =	sld [smem:$0x3FFC];
	_ =	sdelay $0x3  }
0x94: {  	_ =	strace s3  }
0x95: {  	s3 =	sld [smem:$0x3FFD];
	_ =	sdelay $0x3  }
0x96: {  	_ =	strace s3  }
0x97: {  	_ =	strace $0x8FFFFFFF  }
0x98: {  	s19 =	sld [smem:$0x3FDB];
	_ =	sdelay $0x1  }
0x99: {  	s4 =	simm.s32 $_scs_section_size  }
0x9a: {  	s5 =	simm.s32 $_size__tile_overlayer_lowered;
	s6 =	simm.s32 $_tile_overlayer_lowered  }
0x9b: {  	s22 =	simm.s32 $0x1BFF;
	s21 =	sshll.u32 s6, $0x1;
	s3 =	sadd.s32 s4, s19  }
0x9c: {  	s7 =	simm.s32 $0x0;
	s20 =	sshll.u32 s5, $0x1;
	s5 =	sadd.s32 s21, s3  }
0x9d: {  	[timem:s7], [sflag:s22] =	dma.local [hbm:s5], s20  }
0x9e: {  	_ =	swait.ge [sflag:s22], s20  }
0x9f: {  	s4 =	ssub.s32 $0x0, s20;
	[sflag:s22] =	ssyncset.done $0x0  }
0xa0: {  	[sflag:s22] =	ssyncadd.s32 s4;
	_ =	sdelay $0x1  }
0xa1: {  	s23 =	simm.s32 $0x1B8B  }
0xa2: {  	_ =	swait.ge [sflag:s23], $0x1  }
0xa3: {  	[sflag:s23] =	ssyncset.done $0x0  }
0xa4: {  	s25 =	simm.s32 $0x1B8E;
	s24 =	sld [smem:$0x3FFE];
	[sflag:s23] =	ssyncadd.s32 $0xFFFFFFFF  }
0xa5: {  	s26 =	simm.s32 $execute0_lowered;
	[smem:$0x3FD2] =	sst s25  }
0xa6: {  	s5 =	sshll.u32 s26, $0x1;
	_ =	strace $0x80000049;
	[dreg:$0x1] =	wrdreg $0xFFFFFFFF  }
0xa7: {  	s28 =	simm.s32 $_size_execute0_lowered;
	s3 =	sadd.s32 s3, s5;
	[dreg:$0x0] =	wrdreg $0x0  }
0xa8: {  	s5 =	sshll.u32 s28, $0x1;
	[dreg:$0x2] =	wrdreg s3  }
0xa9: {  	[dreg:$0x3] =	wrdreg s5  }
0xaa: {  	[dreg:$0x4] =	wrdreg $0xC0  }
0xab: {  	_ =	task [dreg:s7], $0x5FFFF  }
0xac: {  	[dreg:$0x1] =	wrdreg $0xFFFFFFFF  }
0xad: {  	[dreg:$0x0] =	wrdreg $0x60  }
0xae: {  	[dreg:$0x2] =	wrdreg s24  }
0xaf: {  	[dreg:$0x3] =	wrdreg s2  }
0xb0: {  	[dreg:$0x4] =	wrdreg $0xC3000  }
0xb1: {  	[dreg:$0x5] =	wrdreg $0x9  }
0xb2: {  	_ =	task.clear_ibuf [dreg:s7], $0x6FFFF;
	_ =	strace $0x90000049  }
0xb3: {  	s29 =	simm.s32 $0x9;
	_ =	strace $0x8000004B  }
0xb4: {  	_ =	swait.ge [sflag:s29], $0x1  }
0xb5: {  	[sflag:s29] =	ssyncadd.s32 $0xFFFFFFFF  }
0xb6: {  	_ =	strace $0x9000004B  }
0xb7: {  	_ =	sfence  }
0xb8: {  	s30 =	sld [smem:$0x0];
	_ =	sdelay $0x2  }
0xb9: {  	s31 =	sshll.u32 s1, $0xD;
	s1 =	sshrl.u32 s1, $0x2  }
0xba: {  	s3 =	sand.u32 $0x4000, s31;
	s1 =	sadd.s32 s1, s30  }
0xbb: {  	s0 =	sor.u32 s3, s0;
	s1 =	sshll.u32 s1, $0x11  }
0xbc: {  	s0 =	sor.u32 s1, s0  }
0xbd: {  	s0 =	sadd.s32 $0x8F2B, s0  }
0xbe: {  	[sflag:s0] =	ssyncadd.remote.s32 $0x1  }
0xbf: {  	_ =	sfence.sel $0xFFFF  }
0xc0: {  	[dreg:$0x0] =	wrdreg $0xFFFFFFFF;
	(pc) =	sbr.abs _section_cstart, $3  }
0xc1: {  	[dreg:$0x1] =	wrdreg $0xFFFFFFFF  }
0xc2: {  	_ =	task.clear_ibuf [dreg:s7], $0x2FFFF;
	_ =	strace $0x9FFFFFFF  }
0xc3: {  	(tm) =	ssettm $0x7FFFFFFF  }
tec
execute0_lowered:
.L_overlay_start_1:
0x0: {  	(tag) =	ssettag $0x1  }
0x1: {  	s3 =	rddreg [dreg:$0x0]  }
0x2: {  	s0 =	rddreg [dreg:$0x1]  }
0x3: {  	s1 =	rddreg [dreg:$0x2];
	s2 =	simm.s32 $0x0;
	s4 =	srdreg.scid  }
0x4: {  	s20 =	stileid.u32;
	s28 =	simm.s32 $0x80;
	s29 =	simm.s32 $0x2  }
0x5: {  	s30 =	simm.s32 $0x4300;
	s31 =	simm.s32 $0x3;
	[smem:$0x7FF] =	sst s2  }
0x6: {  	s10 =	sand.u32 $0x1, s4;
	s4 =	sadd.s32 $0x2800, s3;
	s11 =	smul.u32 $0x278, s20  }
0x7: {  	s3 =	sadd.s32 $0x2A000, s3;
	s21 =	smul.u32 $0x4F000, s20;
	s5 =	ssub.s32 $0x2, s10  }
0x8: {  	_ =	strace $0x8000004A;
	s19 =	sshll.u32 s10, $0x4;
	s6 =	sshrl.u32 s5, $0x1  }
0x9: {  	s13 =	sor.u32 s20, s19;
	s14 =	sadd.s32 $0x80, s11;
	s15 =	sadd.s32 $0x100, s11  }
0xa: {  	s22 =	sshrl.u32 s21, $0x2;
	s16 =	sadd.s32 $0x180, s11;
	s17 =	sadd.s32 $0x200, s11  }
0xb: {  	s12 =	ssub.s32 s5, s6;
	s23 =	sshll.u32 s14, $0x7;
	s7 =	sshll.u32 s15, $0x7  }
0xc: {  	s5 =	sadd.s32 s22, s1;
	s18 =	smul.u32 $0x4E00, s13;
	s8 =	sshll.u32 s16, $0x7  }
0xd: {  	s9 =	sshll.u32 s17, $0x7;
	s19 =	smul.u32 $0x9C0, s13;
	p0 =	sgt.u32 s13, $0x3  }
0xe: {  	s13 =	simm.s32 $0x6;
	s6 =	sadd.s32 s23, s1;
	s7 =	sadd.s32 s7, s1  }
0xf: {  	s24 =	sadd.s32 s8, s1;
	s9 =	sadd.s32 s9, s1;
	[dreg:$0x4] =	wrdreg s7  }
0x10: {  	s8 =	sshll.u32 s20, $0x5;
	[dreg:$0x5] =	wrdreg s24;
	s18 =	sshrl.u32 s18, $0x3  }
0x11: {  	s25 =	sadd.s32 s0, s19;
	s19 =	smul.u32 $0x2780, s10;
	s18 =	sadd.s32 s0, s18  }
0x12: {  	[dreg:$0x6] =	wrdreg s25;
	s7 =	sadd.s32 $0x20, s25;
	s25 =	smul.u32 $0x4E0, s10  }
0x13: {  	s10 =	smul.u32 $0x9C00, s10;
	[dreg:$0x7] =	wrdreg s7;
	s26 =	sadd.s32 $0x40, s18  }
0x14: {  	s18 =	sadd.s32 s8, s0;
	s11 =	sadd.s32 s11, s19;
	s14 =	sadd.s32 s19, s14  }
0x15: {  	s23 =	sadd.s32 s19, s15;
	s24 =	sadd.s32 s19, s16;
	s8 =	smul.u32 $0x4E, s20  }
0x16: {  	s15 =	simm.s32 $0x8;
	s16 =	simm.s32 $0x9;
	[dreg:$0x8] =	wrdreg s26  }
0x17: {  	s18 =	sadd.s32 $0x13800, s18;
	s11 =	sshll.u32 s11, $0x4;
	s14 =	sshll.u32 s14, $0x4  }
0x18: {  	s26 =	sadd.s32 s19, s17;
	s17 =	simm.s32 $0x0;
	[dreg:$0x9] =	wrdreg s18  }
0x19: {  	s21 =	sadd.s32 s3, s11;
	s22 =	sadd.s32 s3, s14;
	s11 =	sshll.u32 s23, $0x4  }
0x1a: {  	s14 =	sshll.u32 s24, $0x4;
	s23 =	smul.u32 $0x9C0, s20;
	[dreg:$0xa] =	wrdreg s21  }
0x1b: {  	s24 =	sadd.s32 s10, s0;
	s10 =	simm.s32 $0x280;
	[dreg:$0xb] =	wrdreg s22  }
0x1c: {  	s18 =	sadd.s32 s3, s11;
	s19 =	sadd.s32 s3, s14;
	s21 =	sshll.u32 s26, $0x4  }
0x1d: {  	s22 =	sadd.s32 s8, s25;
	s26 =	smax.u32 s12, $0x1;
	s11 =	simm.s32 $0x5  }
0x1e: {  	s12 =	simm.s32 $0x180;
	s14 =	simm.s32 $0x7;
	[dreg:$0xc] =	wrdreg s18  }
0x1f: {  	[dreg:$0xd] =	wrdreg s19;
	s3 =	sadd.s32 s3, s21;
	s25 =	sshll.u32 s22, $0x5  }
0x20: {  	[dreg:$0xf] =	wrdreg s26;
	s20 =	sadd.s32 s23, s24;
	s22 =	simm.s32 $0x300  }
0x21: {  	s23 =	simm.s32 $0xA;
	s24 =	simm.s32 $0x100;
	s26 =	simm.s32 $0x1  }
0x22: {  	[dreg:$0xe] =	wrdreg s3;
	s0 =	sadd.s32 s25, s0;
	s25 =	simm.s32 $0x200  }
0x23: {  	v0 =	vimm.f32 $0.0e+00;
	s3 =	simm.s32 $0x4;
	s21 =	sadd.s32 $0x60, s0;
	s0 =	simm.s32 $0x8300  }
.LBB2_1:
0x24: {  	s18 =	simm.s32 $0x0;
	s19 =	simm.s32 $0x200  }
.LBB2_2:
0x25: {  	p1 =	sne.s32 s19, $0xFE00;
	[tilespmem:s18+$0x370] =	vst v0  }
0x26: {  	[tilespmem:s18+$0x300] =	vst v0  }
0x27: {  	[tilespmem:s18+$0x310] =	vst v0  }
.Ltmp0:
0x28: {  	[tilespmem:s18+$0x320] =	vst v0;
	(pc) =	sbr.rel @p1 .LBB2_2-.Ltmp0, $4  }
0x29: {  	[tilespmem:s18+$0x330] =	vst v0  }
0x2a: {  	[tilespmem:s18+$0x340] =	vst v0  }
0x2b: {  	[tilespmem:s18+$0x350] =	vst v0  }
0x2c: {  	[tilespmem:s18+$0x360] =	vst v0;
	s18 =	sshra.s32 s19, $0x2;
	s19 =	sadd.s32 $0x200, s19  }
0x2d: {  	[tilespmem:s18+$0x370] =	vst v0  }
0x2e: {  	[tilespmem:s18+$0x300] =	vst v0  }
0x2f: {  	[tilespmem:s18+$0x310] =	vst v0  }
0x30: {  	[tilespmem:s18+$0x320] =	vst v0  }
0x31: {  	[tilespmem:s18+$0x330] =	vst v0  }
0x32: {  	[tilespmem:s18+$0x340] =	vst v0  }
0x33: {  	[tilespmem:s18+$0x350] =	vst v0  }
0x34: {  	[tilespmem:s18+$0x360] =	vst v0  }
0x35: {  	[spmem:s5] =	stream.linear.scatter [tilespmem:s22], [sflag:$0xA], $0x4000, $0x38;
	[tilespmem:$0x1FF00] =	vst v63  }
0x36: {  	_ =	swait.ge [sflag:s23], $0x4000  }
0x37: {  	[sflag:s23] =	ssyncset.done $0x0  }
0x38: {  	[sflag:s23] =	ssyncadd.s32 $0xFFFFC000  }
0x39: {  	[spmem:s6] =	stream.linear.scatter [tilespmem:s22], [sflag:$0xA], $0x4000, $0x38;
	[tilespmem:$0x1FF00] =	vst v63  }
0x3a: {  	_ =	swait.ge [sflag:s23], $0x4000  }
0x3b: {  	[sflag:s23] =	ssyncset.done $0x0  }
0x3c: {  	s8 =	smov.u32 s6;
	s6 =	rddreg [dreg:$0x4];
	[sflag:s23] =	ssyncadd.s32 $0xFFFFC000  }
0x3d: {  	[spmem:s6] =	stream.linear.scatter [tilespmem:s22], [sflag:$0xA], $0x4000, $0x38;
	[tilespmem:$0x1FF00] =	vst v63  }
0x3e: {  	_ =	swait.ge [sflag:s23], $0x4000  }
0x3f: {  	[sflag:s23] =	ssyncset.done $0x0  }
0x40: {  	s18 =	rddreg [dreg:$0x5];
	[sflag:s23] =	ssyncadd.s32 $0xFFFFC000  }
0x41: {  	[spmem:s18] =	stream.linear.scatter [tilespmem:s22], [sflag:$0xA], $0x4000, $0x38;
	[tilespmem:$0x1FF00] =	vst v63  }
0x42: {  	_ =	swait.ge [sflag:s23], $0x4000  }
0x43: {  	[sflag:s23] =	ssyncset.done $0x0  }
0x44: {  	[sflag:s23] =	ssyncadd.s32 $0xFFFFC000  }
0x45: {  	[spmem:s9] =	stream.linear.scatter [tilespmem:s22], [sflag:$0xA], $0x3C00, $0x38;
	[tilespmem:$0x1FF00] =	vst v63  }
0x46: {  	_ =	swait.ge [sflag:s23], $0x3C00  }
0x47: {  	[sflag:s23] =	ssyncset.done $0x0  }
0x48: {  	[sflag:s23] =	ssyncadd.s32 $0xFFFFC400  }
0x49: {  	[bflag:$0x0] =	sbarrier.arrive $0xFFFF  }
0x4a: {  	s18 =	simm.s32 $0x0;
	s19 =	rddreg [dreg:$0x6]  }
0x4b: {  	[tilespmem:s18], [sflag:$0x1] =	stream.linear.gather [hbm4b:s19+s18], $0x100, $0x38;
	[tilespmem:$0x1FF00] =	vst v63  }
0x4c: {  	s6 =	rddreg [dreg:$0x7]  }
0x4d: {  	[tilespmem:s24], [sflag:$0x2] =	stream.linear.gather [hbm4b:s6+s18], $0x100, $0x38;
	[tilespmem:$0x1FF00] =	vst v63  }
0x4e: {  	s19 =	rddreg [dreg:$0x8]  }
0x4f: {  	[tilespmem:s25], [sflag:$0x3] =	stream.linear.gather [hbm4b:s19+s18], $0x100, $0x38;
	[tilespmem:$0x1FF00] =	vst v63  }
0x50: {  	_ =	swait.ge [sflag:s26], $0x100  }
0x51: {  	[sflag:s26] =	ssyncset.done $0x0  }
0x52: {  	[sflag:s26] =	ssyncadd.s32 $0xFFFFFF00  }
0x53: {  	[tilespmem:s22], [sflag:$0x4] =	stream.indirect.gather [hbm4b:s4+s28], $0x80, s18, s28, $0xb8;
	[tilespmem:$0x1FF00] =	vst v63  }
0x54: {  	_ =	swait.ge [sflag:s29], $0x100  }
0x55: {  	[sflag:s29] =	ssyncset.done $0x0  }
0x56: {  	[sflag:s29] =	ssyncadd.s32 $0xFFFFFF00  }
0x57: {  	[tilespmem:s30], [sflag:$0x5] =	stream.indirect.gather [hbm4b:s4+s28], $0x80, s24, s28, $0xb8;
	[tilespmem:$0x1FF00] =	vst v63  }
0x58: {  	_ =	swait.ge [sflag:s31], $0x100  }
0x59: {  	[sflag:s31] =	ssyncset.done $0x0  }
0x5a: {  	[sflag:s31] =	ssyncadd.s32 $0xFFFFFF00  }
0x5b: {  	[tilespmem:s0], [sflag:$0x6] =	stream.indirect.gather [hbm4b:s4+s28], $0x80, s25, s28, $0xb8;
	[tilespmem:$0x1FF00] =	vst v63  }
0x5c: {  	_ =	swait.ge [sflag:s3], $0x4000  }
0x5d: {  	[sflag:s3] =	ssyncset.done $0x0  }
0x5e: {  	[sflag:s3] =	ssyncadd.s32 $0xFFFFC000  }
0x5f: {  	[spmem:s1] =	stream.indirect.scatter.add.f32 [tilespmem:s22], [sflag:$0x7], $0x80, s28, s28, $0xb8;
	[tilespmem:$0x1FF00] =	vst v63  }
0x60: {  	_ =	swait.ge [sflag:s11], $0x4000  }
0x61: {  	[sflag:s11] =	ssyncset.done $0x0  }
0x62: {  	[sflag:s11] =	ssyncadd.s32 $0xFFFFC000  }
0x63: {  	[spmem:s1] =	stream.indirect.scatter.add.f32 [tilespmem:s30], [sflag:$0x8], $0x80, s12, s28, $0xb8;
	[tilespmem:$0x1FF00] =	vst v63  }
0x64: {  	_ =	swait.ge [sflag:s13], $0x4000  }
0x65: {  	[sflag:s13] =	ssyncset.done $0x0  }
0x66: {  	[sflag:s13] =	ssyncadd.s32 $0xFFFFC000  }
0x67: {  	[spmem:s1] =	stream.indirect.scatter.add.f32 [tilespmem:s0], [sflag:$0x9], $0x80, s10, s28, $0xb8;
	[tilespmem:$0x1FF00] =	vst v63  }
0x68: {  	_ =	swait.ge [sflag:s14], $0x4000  }
0x69: {  	[sflag:s14] =	ssyncset.done $0x0  }
0x6a: {  	s7 =	smov.u32 s5;
	s5 =	sadd.s32 $0x0, s21;
	[sflag:s14] =	ssyncadd.s32 $0xFFFFC000  }
0x6b: {  	[tilespmem:s2], [sflag:$0x1] =	stream.linear.gather [hbm4b:s5+s2], $0x100, $0x38;
	[tilespmem:$0x1FF00] =	vst v63  }
0x6c: {  	_ =	swait.ge [sflag:s15], $0x4000  }
0x6d: {  	s6 =	sadd.s32 $0x0, s20;
	[sflag:s15] =	ssyncset.done $0x0  }
0x6e: {  	s19 =	sadd.s32 $0x80, s6;
	[sflag:s15] =	ssyncadd.s32 $0xFFFFC000  }
0x6f: {  	[tilespmem:s24], [sflag:$0x2] =	stream.linear.gather [hbm4b:s19+s2], $0x100, $0x38;
	[tilespmem:$0x1FF00] =	vst v63  }
0x70: {  	_ =	swait.ge [sflag:s16], $0x4000  }
0x71: {  	[sflag:s16] =	ssyncset.done $0x0  }
0x72: {  	s18 =	sadd.s32 $0xA0, s6;
	[sflag:s16] =	ssyncadd.s32 $0xFFFFC000  }
0x73: {  	[tilespmem:s25], [sflag:$0x3] =	stream.linear.gather [hbm4b:s18+s2], $0x100, $0x38;
	[tilespmem:$0x1FF00] =	vst v63  }
0x74: {  	_ =	swait.ge [sflag:s26], $0x100  }
0x75: {  	[sflag:s26] =	ssyncset.done $0x0  }
0x76: {  	[sflag:s26] =	ssyncadd.s32 $0xFFFFFF00  }
0x77: {  	[tilespmem:s22], [sflag:$0x4] =	stream.indirect.gather [hbm4b:s4+s28], $0x80, s2, s28, $0xb8;
	[tilespmem:$0x1FF00] =	vst v63  }
0x78: {  	_ =	swait.ge [sflag:s29], $0x100  }
0x79: {  	[sflag:s29] =	ssyncset.done $0x0  }
0x7a: {  	[sflag:s29] =	ssyncadd.s32 $0xFFFFFF00  }
0x7b: {  	[tilespmem:s30], [sflag:$0x5] =	stream.indirect.gather [hbm4b:s4+s28], $0x80, s24, s28, $0xb8;
	[tilespmem:$0x1FF00] =	vst v63  }
0x7c: {  	_ =	swait.ge [sflag:s31], $0x100  }
0x7d: {  	[sflag:s31] =	ssyncset.done $0x0  }
0x7e: {  	[sflag:s31] =	ssyncadd.s32 $0xFFFFFF00  }
0x7f: {  	[tilespmem:s0], [sflag:$0x6] =	stream.indirect.gather [hbm4b:s4+s28], $0x80, s25, s28, $0xb8;
	[tilespmem:$0x1FF00] =	vst v63  }
0x80: {  	_ =	swait.ge [sflag:s3], $0x4000  }
0x81: {  	[sflag:s3] =	ssyncset.done $0x0  }
0x82: {  	[sflag:s3] =	ssyncadd.s32 $0xFFFFC000  }
0x83: {  	[spmem:s1] =	stream.indirect.scatter.add.f32 [tilespmem:s22], [sflag:$0x7], $0x80, s28, s28, $0xb8;
	[tilespmem:$0x1FF00] =	vst v63  }
0x84: {  	_ =	swait.ge [sflag:s11], $0x4000  }
0x85: {  	[sflag:s11] =	ssyncset.done $0x0  }
0x86: {  	[sflag:s11] =	ssyncadd.s32 $0xFFFFC000  }
0x87: {  	[spmem:s1] =	stream.indirect.scatter.add.f32 [tilespmem:s30], [sflag:$0x8], $0x80, s12, s28, $0xb8;
	[tilespmem:$0x1FF00] =	vst v63  }
0x88: {  	_ =	swait.ge [sflag:s13], $0x4000  }
0x89: {  	[sflag:s13] =	ssyncset.done $0x0  }
0x8a: {  	s18 =	simm.s32 $0x60;
	[sflag:s13] =	ssyncadd.s32 $0xFFFFC000  }
.LBB2_4:
0x8b: {  	[spmem:s1] =	stream.indirect.scatter.add.f32 [tilespmem:s0], [sflag:$0x9], $0x80, s10, s28, $0xb8;
	[tilespmem:$0x1FF00] =	vst v63  }
0x8c: {  	s19 =	smov.u32 s18  }
0x8d: {  	p1 =	sne.s32 s18, $0x900;
	s18 =	sadd.s32 $0x60, s18;
	_ =	swait.ge [sflag:s14], $0x4000  }
0x8e: {  	[sflag:s14] =	ssyncset.done $0x0  }
0x8f: {  	s5 =	sadd.s32 s19, s21;
	[sflag:s14] =	ssyncadd.s32 $0xFFFFC000  }
0x90: {  	[tilespmem:s2], [sflag:$0x1] =	stream.linear.gather [hbm4b:s5+s2], $0x100, $0x38;
	[tilespmem:$0x1FF00] =	vst v63  }
0x91: {  	_ =	swait.ge [sflag:s15], $0x4000  }
0x92: {  	s5 =	sadd.s32 s19, s20;
	[sflag:s15] =	ssyncset.done $0x0  }
0x93: {  	s19 =	sadd.s32 $0x80, s5;
	[sflag:s15] =	ssyncadd.s32 $0xFFFFC000  }
0x94: {  	[tilespmem:s24], [sflag:$0x2] =	stream.linear.gather [hbm4b:s19+s2], $0x100, $0x38;
	[tilespmem:$0x1FF00] =	vst v63  }
0x95: {  	_ =	swait.ge [sflag:s16], $0x4000  }
0x96: {  	[sflag:s16] =	ssyncset.done $0x0  }
0x97: {  	s5 =	sadd.s32 $0xA0, s5;
	[sflag:s16] =	ssyncadd.s32 $0xFFFFC000  }
0x98: {  	[tilespmem:s25], [sflag:$0x3] =	stream.linear.gather [hbm4b:s5+s2], $0x100, $0x38;
	[tilespmem:$0x1FF00] =	vst v63  }
0x99: {  	_ =	swait.ge [sflag:s26], $0x100  }
0x9a: {  	[sflag:s26] =	ssyncset.done $0x0  }
0x9b: {  	[sflag:s26] =	ssyncadd.s32 $0xFFFFFF00  }
0x9c: {  	[tilespmem:s22], [sflag:$0x4] =	stream.indirect.gather [hbm4b:s4+s28], $0x80, s2, s28, $0xb8;
	[tilespmem:$0x1FF00] =	vst v63  }
0x9d: {  	_ =	swait.ge [sflag:s29], $0x100  }
0x9e: {  	[sflag:s29] =	ssyncset.done $0x0  }
0x9f: {  	[sflag:s29] =	ssyncadd.s32 $0xFFFFFF00  }
0xa0: {  	[tilespmem:s30], [sflag:$0x5] =	stream.indirect.gather [hbm4b:s4+s28], $0x80, s24, s28, $0xb8;
	[tilespmem:$0x1FF00] =	vst v63  }
0xa1: {  	_ =	swait.ge [sflag:s31], $0x100  }
0xa2: {  	[sflag:s31] =	ssyncset.done $0x0  }
0xa3: {  	[sflag:s31] =	ssyncadd.s32 $0xFFFFFF00  }
0xa4: {  	[tilespmem:s0], [sflag:$0x6] =	stream.indirect.gather [hbm4b:s4+s28], $0x80, s25, s28, $0xb8;
	[tilespmem:$0x1FF00] =	vst v63  }
0xa5: {  	_ =	swait.ge [sflag:s3], $0x4000  }
0xa6: {  	[sflag:s3] =	ssyncset.done $0x0  }
0xa7: {  	[sflag:s3] =	ssyncadd.s32 $0xFFFFC000  }
0xa8: {  	[spmem:s1] =	stream.indirect.scatter.add.f32 [tilespmem:s22], [sflag:$0x7], $0x80, s28, s28, $0xb8;
	[tilespmem:$0x1FF00] =	vst v63  }
0xa9: {  	_ =	swait.ge [sflag:s11], $0x4000  }
0xaa: {  	[sflag:s11] =	ssyncset.done $0x0  }
.Ltmp1:
0xab: {  	[sflag:s11] =	ssyncadd.s32 $0xFFFFC000;
	(pc) =	sbr.rel @p1 .LBB2_4-.Ltmp1, $4  }
0xac: {  	[spmem:s1] =	stream.indirect.scatter.add.f32 [tilespmem:s30], [sflag:$0x8], $0x80, s12, s28, $0xb8;
	[tilespmem:$0x1FF00] =	vst v63  }
0xad: {  	_ =	swait.ge [sflag:s13], $0x4000  }
0xae: {  	[sflag:s13] =	ssyncset.done $0x0  }
0xaf: {  	[sflag:s13] =	ssyncadd.s32 $0xFFFFC000  }
0xb0: {  	[spmem:s1] =	stream.indirect.scatter.add.f32 [tilespmem:s0], [sflag:$0x9], $0x80, s10, s28, $0xb8;
	[tilespmem:$0x1FF00] =	vst v63  }
0xb1: {  	_ =	swait.ge [sflag:s14], $0x4000  }
0xb2: {  	[sflag:s14] =	ssyncset.done $0x0  }
0xb3: {  	[sflag:s14] =	ssyncadd.s32 $0xFFFFC000  }
0xb4: {  	_ =	swait.ge [sflag:s15], $0x4000  }
0xb5: {  	[sflag:s15] =	ssyncset.done $0x0  }
0xb6: {  	[sflag:s15] =	ssyncadd.s32 $0xFFFFC000  }
0xb7: {  	_ =	swait.ge [sflag:s16], $0x4000  }
0xb8: {  	s5 =	simm.s32 @!p0 $0x0;
	[sflag:s16] =	ssyncset.done $0x0  }
0xb9: {  	s18 =	simm.s32 @!p0 $0xA;
	s6 =	rddreg [dreg:$0x9];
	[sflag:s16] =	ssyncadd.s32 $0xFFFFC000  }
0xba: {  	[tilespmem:s5], [sflag:$0xA] =	stream.linear.gather @!p0 [hbm4b:s6+s5], $0x100, $0x38;
	[tilespmem:$0x1FF00] =	vst v63  }
0xbb: {  	_ =	swait.ge @!p0 [sflag:s18], $0x100  }
0xbc: {  	[sflag:s18] =	ssyncset.done @!p0 $0x0  }
0xbd: {  	s19 =	simm.s32 @!p0 $0x80;
	s6 =	simm.s32 @!p0 $0x300;
	[sflag:s18] =	ssyncadd.s32 @!p0 $0xFFFFFF00  }
0xbe: {  	[tilespmem:s6], [sflag:$0xA] =	stream.indirect.gather @!p0 [hbm4b:s4+s19], $0x80, s5, s19, $0xb8;
	[tilespmem:$0x1FF00] =	vst v63  }
0xbf: {  	_ =	swait.ge @!p0 [sflag:s18], $0x4000  }
0xc0: {  	[sflag:s18] =	ssyncset.done @!p0 $0x0  }
0xc1: {  	[sflag:s18] =	ssyncadd.s32 @!p0 $0xFFFFC000  }
0xc2: {  	[spmem:s1] =	stream.indirect.scatter.add.f32 @!p0 [tilespmem:s6], [sflag:$0xA], $0x80, s19, s19, $0xb8;
	[tilespmem:$0x1FF00] =	vst v63  }
0xc3: {  	_ =	swait.ge @!p0 [sflag:s18], $0x4000  }
0xc4: {  	[sflag:s18] =	ssyncset.done @!p0 $0x0  }
0xc5: {  	[sflag:s18] =	ssyncadd.s32 @!p0 $0xFFFFC000  }
0xc6: {  	[bflag:$0x0] =	sbarrier.arrive $0xFFFF  }
0xc7: {  	[tilespmem:s22], [sflag:$0xA] =	stream.linear.gather [spmem:s7], $0x4000, $0x38;
	[tilespmem:$0x1FF00] =	vst v63  }
0xc8: {  	_ =	swait.ge [sflag:s23], $0x4000  }
0xc9: {  	[sflag:s23] =	ssyncset.done $0x0  }
0xca: {  	s18 =	rddreg [dreg:$0xa];
	[sflag:s23] =	ssyncadd.s32 $0xFFFFC000  }
0xcb: {  	[hbm4b:s18+s2] =	stream.linear.scatter [tilespmem:s22], [sflag:$0x4], $0x4000, $0x38;
	[tilespmem:$0x1FF00] =	vst v63  }
0xcc: {  	_ = 	snop  }
0xcd: {  	[tilespmem:s30], [sflag:$0xA] =	stream.linear.gather [spmem:s8], $0x4000, $0x38;
	[tilespmem:$0x1FF00] =	vst v63  }
0xce: {  	_ =	swait.ge [sflag:s23], $0x4000  }
0xcf: {  	[sflag:s23] =	ssyncset.done $0x0  }
0xd0: {  	s19 =	rddreg [dreg:$0xb];
	[sflag:s23] =	ssyncadd.s32 $0xFFFFC000  }
0xd1: {  	[hbm4b:s19+s2] =	stream.linear.scatter [tilespmem:s30], [sflag:$0x5], $0x4000, $0x38;
	[tilespmem:$0x1FF00] =	vst v63  }
0xd2: {  	_ =	swait.ge [sflag:s3], $0x4000  }
0xd3: {  	[sflag:s3] =	ssyncset.done $0x0  }
0xd4: {  	s6 =	smov.u32 s8;
	s8 =	rddreg [dreg:$0x4];
	[sflag:s3] =	ssyncadd.s32 $0xFFFFC000  }
0xd5: {  	[tilespmem:s22], [sflag:$0xA] =	stream.linear.gather [spmem:s8], $0x4000, $0x38;
	[tilespmem:$0x1FF00] =	vst v63  }
0xd6: {  	_ =	swait.ge [sflag:s23], $0x4000  }
0xd7: {  	[sflag:s23] =	ssyncset.done $0x0  }
0xd8: {  	s18 =	rddreg [dreg:$0xc];
	[sflag:s23] =	ssyncadd.s32 $0xFFFFC000  }
0xd9: {  	[hbm4b:s18+s2] =	stream.linear.scatter [tilespmem:s22], [sflag:$0x4], $0x4000, $0x38;
	[tilespmem:$0x1FF00] =	vst v63  }
0xda: {  	_ =	swait.ge [sflag:s11], $0x4000  }
0xdb: {  	[sflag:s11] =	ssyncset.done $0x0  }
0xdc: {  	s19 =	rddreg [dreg:$0x5];
	[sflag:s11] =	ssyncadd.s32 $0xFFFFC000  }
0xdd: {  	[tilespmem:s30], [sflag:$0xA] =	stream.linear.gather [spmem:s19], $0x4000, $0x38;
	[tilespmem:$0x1FF00] =	vst v63  }
0xde: {  	_ =	swait.ge [sflag:s23], $0x4000  }
0xdf: {  	[sflag:s23] =	ssyncset.done $0x0  }
0xe0: {  	s8 =	rddreg [dreg:$0xd];
	[sflag:s23] =	ssyncadd.s32 $0xFFFFC000  }
0xe1: {  	[hbm4b:s8+s2] =	stream.linear.scatter [tilespmem:s30], [sflag:$0x5], $0x4000, $0x38;
	[tilespmem:$0x1FF00] =	vst v63  }
0xe2: {  	_ =	swait.ge [sflag:s3], $0x4000  }
0xe3: {  	[sflag:s3] =	ssyncset.done $0x0  }
0xe4: {  	[sflag:s3] =	ssyncadd.s32 $0xFFFFC000  }
0xe5: {  	[tilespmem:s22], [sflag:$0xA] =	stream.linear.gather [spmem:s9], $0x3C00, $0x38;
	[tilespmem:$0x1FF00] =	vst v63  }
0xe6: {  	_ =	swait.ge [sflag:s23], $0x3C00  }
0xe7: {  	[sflag:s23] =	ssyncset.done $0x0  }
0xe8: {  	s18 =	rddreg [dreg:$0xe];
	[sflag:s23] =	ssyncadd.s32 $0xFFFFC400  }
0xe9: {  	[hbm4b:s18+s2] =	stream.linear.scatter [tilespmem:s22], [sflag:$0x4], $0x3C00, $0x38;
	[tilespmem:$0x1FF00] =	vst v63  }
0xea: {  	_ =	swait.ge [sflag:s3], $0x3C00  }
0xeb: {  	[sflag:s3] =	ssyncset.done $0x0  }
0xec: {  	[sflag:s3] =	ssyncadd.s32 $0xFFFFC400  }
0xed: {  	_ =	swait.ge [sflag:s11], $0x4000  }
0xee: {  	s17 =	sadd.s32 $0x1, s17;
	s19 =	rddreg [dreg:$0xf]  }
0xef: {  	p1 =	sne.s32 s17, s19  }
.Ltmp2:
0xf0: {  	_ = 	snop;
	(pc) =	sbr.rel @p1 .LBB2_1-.Ltmp2, $3  }
0xf1: {  	_ =	sdelay $0x1  }
0xf2: {  	[sflag:s11] =	ssyncset.done $0x0  }
0xf3: {  	s5 =	smov.u32 s7;
	[sflag:s11] =	ssyncadd.s32 $0xFFFFC000  }
0xf4: {  	_ =	sfence.sel $0x180000  }
0xf5: {  	[bflag:$0x0] =	sbarrier.arrive $0xFFFF  }
0xf6: {  	_ =	strace $0x9000004A  }
0xf7: {  	s0 =	stileid.u32;
	[bflag:$0x2] =	sbarrier.arrive $0xFFFF  }
0xf8: {  	p0 =	sne.s32 s0, $0x0;
	s0 =	rddreg [dreg:$0x3]  }
0xf9: {  	s0 =	sadd.s32 @!p0 $0x100000, s0  }
0xfa: {  	[sflag:s0] =	ssyncadd.tile.s32 @!p0 $0x1;
	_ =	shalt  }
.Lfunc_end2:
_tile_overlayer_lowered:
.L_overlay_start_2:
0xfb: {  	(tag) =	ssettag $0x2  }
0xfc: {  	s0 =	rddreg [dreg:$0x0];
	s2 =	stileid.u32  }
0xfd: {  	s1 =	rddreg [dreg:$0x1];
	p0 =	sne.s32 s2, $0x0  }
0xfe: {  	s3 =	rddreg [dreg:$0x2];
	[bflag:$0x3] =	sbarrier.arrive $0xFFFF;
	s2 =	simm.s32 @!p0 $0x1C0A  }
0xff: {  	[timem:s3], [sflag:s2] =	dma.local @!p0 [hbm:s0], s1  }
0x100: {  	s0 =	simm.s32 @!p0 $0xA  }
0x101: {  	_ =	swait.ge @!p0 [sflag:s0], s1  }
0x102: {  	s1 =	ssub.s32 @!p0 $0x0, s1;
	[sflag:s0] =	ssyncset.done @!p0 $0x0  }
0x103: {  	[sflag:s0] =	ssyncadd.s32 @!p0 s1  }
0x104: {  	[bflag:$0x3] =	sbarrier.arrive $0xFFFF  }
0x105: {  	_ =	shalt  }

// kernel: kernel.15.cloned.1.call-start
scs
__scs_entry_jumppad:
0x0: {  	(pc) =	sbr.rel $0x88, $3  }
0x1: {  	(tag) =	ssettag $0x0;
	lr =	simm.s32 $0x1  }
0x2: {  	[smem:$0x3F99] =	sst lr;
	_ =	strace $0xD0000000  }
0x3: {  	_ = 	snop  }
0x4: {  	_ = 	snop  }
0x5: {  	_ = 	snop  }
0x6: {  	_ = 	snop  }
0x7: {  	_ = 	snop  }
__scs_overlays_trampoline_lowered:
0x8: {  	[smem:$0x3FA8] =	sst s0  }
0x9: {  	[smem:$0x3FA9] =	sst s1  }
0xa: {  	[smem:$0x3FAA] =	sst s2  }
0xb: {  	[smem:$0x3FAB] =	sst s3  }
0xc: {  	[smem:$0x3FAC] =	sst s4  }
0xd: {  	[smem:$0x3FAD] =	sst s5  }
0xe: {  	[smem:$0x3FAE] =	sst s6  }
0xf: {  	[smem:$0x3FAF] =	sst s7  }
0x10: {  	[smem:$0x3FB0] =	sst s8  }
0x11: {  	[smem:$0x3FB1] =	sst s9;
	s0 =	simm.s32 @!p0 $0x0  }
0x12: {  	s1 =	sld [smem:$0x3F97];
	s0 =	simm.s32 @p0 $0x1  }
0x13: {  	[smem:$0x3FB2] =	sst s0;
	s0 =	simm.s32 @!p1 $0x0  }
0x14: {  	s2 =	sld [smem:$0x3F96];
	s0 =	simm.s32 @p1 $0x1  }
0x15: {  	[smem:$0x3FB3] =	sst s0;
	s0 =	simm.s32 @!p2 $0x0  }
0x16: {  	s3 =	sld [smem:$0x3FDB];
	s0 =	simm.s32 @p2 $0x1  }
0x17: {  	s4 =	simm.s32 $0x1BF5;
	[smem:$0x3FB5] =	sst s0  }
0x18: {  	s0 =	sld [smem:$0x3F98];
	_ =	swait.ge [sflag:s4], $0x0  }
0x19: {  	s7 =	sld [smem:$0x3F99]  }
0x1a: {  	s8 =	sadd.s32 $0xFFFFE003, lr  }
0x1b: {  	s9 =	sadd.s32 $0xFFFFFEF7, lr;
	s5 =	simm.s32 $0xFFFFFFFF;
	p2 =	slt.u32 s8, $0xFFFFF086  }
0x1c: {  	p1 =	slt.u32 s9, $0xF7A;
	s5 =	simm.s32 @!p2 $0x0  }
0x1d: {  	s5 =	simm.s32 @p1 $0x1;
	p0 =	seq.s32 s7, s2  }
0x1e: {  	s7 =	smul.u32 @!p0 $0xF7A, s2;
	p2 =	seq.s32 @!p0 s5, $0x0  }
0x1f: {  	s9 =	smul.u32 $0xF7A, s1;
	s8 =	simm.s32 @!p0 $0x1BF5;
	p2 =	por !p2, p0  }
0x20: {  	[sflag:s8] =	ssyncset.s32 @!p0 $0xFFFFF086;
	s6 =	sadd.s32 @!p0 s3, s7;
	s7 =	simm.s32 @!p0 $0x108  }
0x21: {  	s3 =	sadd.s32 s3, s9;
	s6 =	sadd.s32 @!p0 $0x88, s6;
	s7 =	simm.s32 @p2 $0x1082  }
0x22: {  	[simem:s7], [sflag:s8] =	dma.local @!p0 [hbm:s6], $0xF7A  }
0x23: {  	s9 =	sor.u32 $0xD0000000, s2;
	s6 =	simm.s32 $0x108;
	_ =	swait.ge @!p0 [sflag:s8], $0x0  }
0x24: {  	s3 =	sadd.s32 $0x88, s3;
	s6 =	simm.s32 @!p1 $0x1082;
	[sflag:s4] =	ssyncset.s32 $0xFFFFF086  }
0x25: {  	[simem:s6], [sflag:s4] =	dma.local [hbm:s3], $0xF7A  }
0x26: {  	[smem:$0x3F99] =	sst s1;
	(tag) =	ssettag s2;
	_ =	strace s9  }
0x27: {  	s1 =	sld [smem:$0x3FA9]  }
0x28: {  	s2 =	sld [smem:$0x3FAA]  }
0x29: {  	s4 =	sld [smem:$0x3FAC]  }
0x2a: {  	p0 =	seq.s32 s5, $0x0;
	s5 =	sld [smem:$0x3FAD]  }
0x2b: {  	s6 =	sld [smem:$0x3FAE]  }
0x2c: {  	s7 =	sld [smem:$0x3FAF]  }
0x2d: {  	s3 =	simm.s32 $0x108;
	s8 =	sld [smem:$0x3FB0]  }
0x2e: {  	s3 =	simm.s32 @!p0 $0x1082;
	s9 =	sld [smem:$0x3FB1]  }
0x2f: {  	lr =	sadd.s32 s0, s3;
	s0 =	sld [smem:$0x3FA8]  }
0x30: {  	s3 =	sld [smem:$0x3FAB]  }
0x31: {  	[smem:$0x3FB4] =	sst s10  }
0x32: {  	s10 =	sld [smem:$0x3FB2];
	_ =	sdelay $0x3  }
0x33: {  	p0 =	seq.s32 s10, $0x1;
	s10 =	sld [smem:$0x3FB4];
	_ =	sdelay $0x3  }
0x34: {  	[smem:$0x3FB4] =	sst s10  }
0x35: {  	s10 =	sld [smem:$0x3FB3];
	_ =	sdelay $0x3  }
0x36: {  	p1 =	seq.s32 s10, $0x1;
	s10 =	sld [smem:$0x3FB4];
	_ =	sdelay $0x3  }
0x37: {  	[smem:$0x3FB4] =	sst s10  }
0x38: {  	s10 =	sld [smem:$0x3FB5]  }
0x39: {  	_ = 	snop;
	(pc) =	sbr.ind lr, $3  }
0x3a: {  	_ = 	snop  }
0x3b: {  	_ = 	snop  }
0x3c: {  	p2 =	seq.s32 s10, $0x1;
	s10 =	sld [smem:$0x3FB4]  }
0x3d: {  	_ =	shalt  }
0x3e: {  	_ =	shalt  }
0x3f: {  	_ =	shalt  }
0x40: {  	_ =	shalt  }
0x41: {  	_ =	shalt  }
0x42: {  	_ =	shalt  }
0x43: {  	_ =	shalt  }
0x44: {  	_ =	shalt  }
0x45: {  	_ =	shalt  }
0x46: {  	_ =	shalt  }
0x47: {  	_ =	shalt  }
0x48: {  	_ =	shalt  }
0x49: {  	_ =	shalt  }
0x4a: {  	_ =	shalt  }
0x4b: {  	_ =	shalt  }
0x4c: {  	_ =	shalt  }
0x4d: {  	_ =	shalt  }
0x4e: {  	_ =	shalt  }
0x4f: {  	_ =	shalt  }
0x50: {  	_ =	shalt  }
0x51: {  	_ =	shalt  }
0x52: {  	_ =	shalt  }
0x53: {  	_ =	shalt  }
0x54: {  	_ =	shalt  }
0x55: {  	_ =	shalt  }
0x56: {  	_ =	shalt  }
0x57: {  	_ =	shalt  }
0x58: {  	_ =	shalt  }
0x59: {  	_ =	shalt  }
0x5a: {  	_ =	shalt  }
0x5b: {  	_ =	shalt  }
0x5c: {  	_ =	shalt  }
0x5d: {  	_ =	shalt  }
0x5e: {  	_ =	shalt  }
0x5f: {  	_ =	shalt  }
0x60: {  	_ =	shalt  }
0x61: {  	_ =	shalt  }
0x62: {  	_ =	shalt  }
0x63: {  	_ =	shalt  }
0x64: {  	_ =	shalt  }
0x65: {  	_ =	shalt  }
0x66: {  	_ =	shalt  }
0x67: {  	_ =	shalt  }
0x68: {  	_ =	shalt  }
0x69: {  	_ =	shalt  }
0x6a: {  	_ =	shalt  }
0x6b: {  	_ =	shalt  }
0x6c: {  	_ =	shalt  }
0x6d: {  	_ =	shalt  }
0x6e: {  	_ =	shalt  }
0x6f: {  	_ =	shalt  }
0x70: {  	_ =	shalt  }
0x71: {  	_ =	shalt  }
0x72: {  	_ =	shalt  }
0x73: {  	_ =	shalt  }
0x74: {  	_ =	shalt  }
0x75: {  	_ =	shalt  }
0x76: {  	_ =	shalt  }
0x77: {  	_ =	shalt  }
0x78: {  	_ =	shalt  }
0x79: {  	_ =	shalt  }
0x7a: {  	_ =	shalt  }
0x7b: {  	_ =	shalt  }
0x7c: {  	_ =	shalt  }
0x7d: {  	_ =	shalt  }
0x7e: {  	_ =	shalt  }
0x7f: {  	_ =	shalt  }
0x80: {  	_ =	shalt  }
0x81: {  	_ =	shalt  }
0x82: {  	_ =	shalt  }
0x83: {  	_ =	shalt  }
0x84: {  	_ =	shalt  }
0x85: {  	_ =	shalt  }
0x86: {  	_ =	shalt  }
0x87: {  	_ =	shalt  }
.Lfunc_end0:
.L_simem_size_0:
called_computation.2_lowered:
.L_overlay_start_0:
0x88: {  	s2 =	sld [smem:$0x3FD9]  }
0x89: {  	s3 =	sld [smem:$0x3FFE];
	_ =	sdelay $0x1  }
0x8a: {  	s1 =	srdreg.scid  }
0x8b: {  	s0 =	sand.u32 $0x1, s1  }
0x8c: {  	s17 =	sshll.u32 s0, $0xA;
	s2 =	sadd.s32 s3, s2  }
0x8d: {  	s2 =	sadd.s32 s2, s17  }
0x8e: {  	[smem:$0x3FC0] =	sst s2  }
0x8f: {  	_ = 	snop  }
0x90: {  	s2 =	sld [smem:$0x3FC8];
	(tm) =	ssettm $0x1  }
0x91: {  	s18 =	sld [smem:$0x3FFB];
	_ =	sdelay $0x3  }
0x92: {  	_ =	strace s18  }
0x93: {  	s3 =	sld [smem:$0x3FFC];
	_ =	sdelay $0x3  }
0x94: {  	_ =	strace s3  }
0x95: {  	s3 =	sld [smem:$0x3FFD];
	_ =	sdelay $0x3  }
0x96: {  	_ =	strace s3  }
0x97: {  	_ =	strace $0x8FFFFFFF  }
0x98: {  	s19 =	sld [smem:$0x3FDB];
	_ =	sdelay $0x1  }
0x99: {  	s4 =	simm.s32 $_scs_section_size  }
0x9a: {  	s5 =	simm.s32 $_size__tile_overlayer_lowered;
	s6 =	simm.s32 $_tile_overlayer_lowered  }
0x9b: {  	s22 =	simm.s32 $0x1BFF;
	s21 =	sshll.u32 s6, $0x1;
	s3 =	sadd.s32 s4, s19  }
0x9c: {  	s7 =	simm.s32 $0x0;
	s20 =	sshll.u32 s5, $0x1;
	s5 =	sadd.s32 s21, s3  }
0x9d: {  	[timem:s7], [sflag:s22] =	dma.local [hbm:s5], s20  }
0x9e: {  	_ =	swait.ge [sflag:s22], s20  }
0x9f: {  	s4 =	ssub.s32 $0x0, s20;
	[sflag:s22] =	ssyncset.done $0x0  }
0xa0: {  	[sflag:s22] =	ssyncadd.s32 s4;
	_ =	sdelay $0x1  }
0xa1: {  	s23 =	simm.s32 $0x1B8B  }
0xa2: {  	_ =	swait.ge [sflag:s23], $0x1  }
0xa3: {  	[sflag:s23] =	ssyncset.done $0x0  }
0xa4: {  	s25 =	simm.s32 $0x1B8E;
	s24 =	sld [smem:$0x3FFE];
	[sflag:s23] =	ssyncadd.s32 $0xFFFFFFFF  }
0xa5: {  	s26 =	simm.s32 $execute0_lowered;
	[smem:$0x3FD2] =	sst s25  }
0xa6: {  	s5 =	sshll.u32 s26, $0x1;
	_ =	strace $0x8000004C;
	[dreg:$0x1] =	wrdreg $0xFFFFFFFF  }
0xa7: {  	s28 =	simm.s32 $_size_execute0_lowered;
	s3 =	sadd.s32 s3, s5;
	[dreg:$0x0] =	wrdreg $0x0  }
0xa8: {  	s5 =	sshll.u32 s28, $0x1;
	[dreg:$0x2] =	wrdreg s3  }
0xa9: {  	[dreg:$0x3] =	wrdreg s5  }
0xaa: {  	[dreg:$0x4] =	wrdreg $0xC0  }
0xab: {  	_ =	task [dreg:s7], $0x5FFFF  }
0xac: {  	[dreg:$0x1] =	wrdreg $0xFFFFFFFF  }
0xad: {  	[dreg:$0x0] =	wrdreg $0x60  }
0xae: {  	[dreg:$0x2] =	wrdreg s24  }
0xaf: {  	[dreg:$0x3] =	wrdreg s2  }
0xb0: {  	[dreg:$0x4] =	wrdreg $0xC3000  }
0xb1: {  	[dreg:$0x5] =	wrdreg $0x9  }
0xb2: {  	_ =	task.clear_ibuf [dreg:s7], $0x6FFFF;
	_ =	strace $0x9000004C  }
0xb3: {  	s29 =	simm.s32 $0x9;
	_ =	strace $0x8000004E  }
0xb4: {  	_ =	swait.ge [sflag:s29], $0x1  }
0xb5: {  	[sflag:s29] =	ssyncadd.s32 $0xFFFFFFFF  }
0xb6: {  	_ =	strace $0x9000004E  }
0xb7: {  	_ =	sfence  }
0xb8: {  	s30 =	sld [smem:$0x0];
	_ =	sdelay $0x2  }
0xb9: {  	s31 =	sshll.u32 s1, $0xD;
	s1 =	sshrl.u32 s1, $0x2  }
0xba: {  	s3 =	sand.u32 $0x4000, s31;
	s1 =	sadd.s32 s1, s30  }
0xbb: {  	s0 =	sor.u32 s3, s0;
	s1 =	sshll.u32 s1, $0x11  }
0xbc: {  	s0 =	sor.u32 s1, s0  }
0xbd: {  	s0 =	sadd.s32 $0x8F2B, s0  }
0xbe: {  	[sflag:s0] =	ssyncadd.remote.s32 $0x1  }
0xbf: {  	_ =	sfence.sel $0xFFFF  }
0xc0: {  	[dreg:$0x0] =	wrdreg $0xFFFFFFFF;
	(pc) =	sbr.abs _section_cstart, $3  }
0xc1: {  	[dreg:$0x1] =	wrdreg $0xFFFFFFFF  }
0xc2: {  	_ =	task.clear_ibuf [dreg:s7], $0x2FFFF;
	_ =	strace $0x9FFFFFFF  }
0xc3: {  	(tm) =	ssettm $0x7FFFFFFF  }
tec
execute0_lowered:
.L_overlay_start_1:
0x0: {  	(tag) =	ssettag $0x1  }
0x1: {  	s3 =	rddreg [dreg:$0x0]  }
0x2: {  	s0 =	rddreg [dreg:$0x1]  }
0x3: {  	s1 =	rddreg [dreg:$0x2];
	s2 =	simm.s32 $0x0;
	s4 =	srdreg.scid  }
0x4: {  	s20 =	stileid.u32;
	s28 =	simm.s32 $0x80;
	s29 =	simm.s32 $0x2  }
0x5: {  	s30 =	simm.s32 $0x4300;
	s31 =	simm.s32 $0x3;
	[smem:$0x7FF] =	sst s2  }
0x6: {  	s10 =	sand.u32 $0x1, s4;
	s4 =	sadd.s32 $0x2800, s3;
	s11 =	smul.u32 $0x278, s20  }
0x7: {  	s3 =	sadd.s32 $0x2A000, s3;
	s21 =	smul.u32 $0x4F000, s20;
	s5 =	ssub.s32 $0x2, s10  }
0x8: {  	_ =	strace $0x8000004D;
	s19 =	sshll.u32 s10, $0x4;
	s6 =	sshrl.u32 s5, $0x1  }
0x9: {  	s13 =	sor.u32 s20, s19;
	s14 =	sadd.s32 $0x80, s11;
	s15 =	sadd.s32 $0x100, s11  }
0xa: {  	s22 =	sshrl.u32 s21, $0x2;
	s16 =	sadd.s32 $0x180, s11;
	s17 =	sadd.s32 $0x200, s11  }
0xb: {  	s12 =	ssub.s32 s5, s6;
	s23 =	sshll.u32 s14, $0x7;
	s7 =	sshll.u32 s15, $0x7  }
0xc: {  	s5 =	sadd.s32 s22, s1;
	s18 =	smul.u32 $0x4E00, s13;
	s8 =	sshll.u32 s16, $0x7  }
0xd: {  	s9 =	sshll.u32 s17, $0x7;
	s19 =	smul.u32 $0x9C0, s13;
	p0 =	sgt.u32 s13, $0x3  }
0xe: {  	s13 =	simm.s32 $0x6;
	s6 =	sadd.s32 s23, s1;
	s7 =	sadd.s32 s7, s1  }
0xf: {  	s24 =	sadd.s32 s8, s1;
	s9 =	sadd.s32 s9, s1;
	[dreg:$0x4] =	wrdreg s7  }
0x10: {  	s8 =	sshll.u32 s20, $0x5;
	[dreg:$0x5] =	wrdreg s24;
	s18 =	sshrl.u32 s18, $0x3  }
0x11: {  	s25 =	sadd.s32 s0, s19;
	s19 =	smul.u32 $0x2780, s10;
	s18 =	sadd.s32 s0, s18  }
0x12: {  	[dreg:$0x6] =	wrdreg s25;
	s7 =	sadd.s32 $0x20, s25;
	s25 =	smul.u32 $0x4E0, s10  }
0x13: {  	s10 =	smul.u32 $0x9C00, s10;
	[dreg:$0x7] =	wrdreg s7;
	s26 =	sadd.s32 $0x40, s18  }
0x14: {  	s18 =	sadd.s32 s8, s0;
	s11 =	sadd.s32 s11, s19;
	s14 =	sadd.s32 s19, s14  }
0x15: {  	s23 =	sadd.s32 s19, s15;
	s24 =	sadd.s32 s19, s16;
	s8 =	smul.u32 $0x4E, s20  }
0x16: {  	s15 =	simm.s32 $0x8;
	s16 =	simm.s32 $0x9;
	[dreg:$0x8] =	wrdreg s26  }
0x17: {  	s18 =	sadd.s32 $0x13800, s18;
	s11 =	sshll.u32 s11, $0x4;
	s14 =	sshll.u32 s14, $0x4  }
0x18: {  	s26 =	sadd.s32 s19, s17;
	s17 =	simm.s32 $0x0;
	[dreg:$0x9] =	wrdreg s18  }
0x19: {  	s21 =	sadd.s32 s3, s11;
	s22 =	sadd.s32 s3, s14;
	s11 =	sshll.u32 s23, $0x4  }
0x1a: {  	s14 =	sshll.u32 s24, $0x4;
	s23 =	smul.u32 $0x9C0, s20;
	[dreg:$0xa] =	wrdreg s21  }
0x1b: {  	s24 =	sadd.s32 s10, s0;
	s10 =	simm.s32 $0x280;
	[dreg:$0xb] =	wrdreg s22  }
0x1c: {  	s18 =	sadd.s32 s3, s11;
	s19 =	sadd.s32 s3, s14;
	s21 =	sshll.u32 s26, $0x4  }
0x1d: {  	s22 =	sadd.s32 s8, s25;
	s26 =	smax.u32 s12, $0x1;
	s11 =	simm.s32 $0x5  }
0x1e: {  	s12 =	simm.s32 $0x180;
	s14 =	simm.s32 $0x7;
	[dreg:$0xc] =	wrdreg s18  }
0x1f: {  	[dreg:$0xd] =	wrdreg s19;
	s3 =	sadd.s32 s3, s21;
	s25 =	sshll.u32 s22, $0x5  }
0x20: {  	[dreg:$0xf] =	wrdreg s26;
	s20 =	sadd.s32 s23, s24;
	s22 =	simm.s32 $0x300  }
0x21: {  	s23 =	simm.s32 $0xA;
	s24 =	simm.s32 $0x100;
	s26 =	simm.s32 $0x1  }
0x22: {  	[dreg:$0xe] =	wrdreg s3;
	s0 =	sadd.s32 s25, s0;
	s25 =	simm.s32 $0x200  }
0x23: {  	v0 =	vimm.f32 $0.0e+00;
	s3 =	simm.s32 $0x4;
	s21 =	sadd.s32 $0x60, s0;
	s0 =	simm.s32 $0x8300  }
.LBB2_1:
0x24: {  	s18 =	simm.s32 $0x0;
	s19 =	simm.s32 $0x200  }
.LBB2_2:
0x25: {  	p1 =	sne.s32 s19, $0xFE00;
	[tilespmem:s18+$0x370] =	vst v0  }
0x26: {  	[tilespmem:s18+$0x300] =	vst v0  }
0x27: {  	[tilespmem:s18+$0x310] =	vst v0  }
.Ltmp0:
0x28: {  	[tilespmem:s18+$0x320] =	vst v0;
	(pc) =	sbr.rel @p1 .LBB2_2-.Ltmp0, $4  }
0x29: {  	[tilespmem:s18+$0x330] =	vst v0  }
0x2a: {  	[tilespmem:s18+$0x340] =	vst v0  }
0x2b: {  	[tilespmem:s18+$0x350] =	vst v0  }
0x2c: {  	[tilespmem:s18+$0x360] =	vst v0;
	s18 =	sshra.s32 s19, $0x2;
	s19 =	sadd.s32 $0x200, s19  }
0x2d: {  	[tilespmem:s18+$0x370] =	vst v0  }
0x2e: {  	[tilespmem:s18+$0x300] =	vst v0  }
0x2f: {  	[tilespmem:s18+$0x310] =	vst v0  }
0x30: {  	[tilespmem:s18+$0x320] =	vst v0  }
0x31: {  	[tilespmem:s18+$0x330] =	vst v0  }
0x32: {  	[tilespmem:s18+$0x340] =	vst v0  }
0x33: {  	[tilespmem:s18+$0x350] =	vst v0  }
0x34: {  	[tilespmem:s18+$0x360] =	vst v0  }
0x35: {  	[spmem:s5] =	stream.linear.scatter [tilespmem:s22], [sflag:$0xA], $0x4000, $0x38;
	[tilespmem:$0x1FF00] =	vst v63  }
0x36: {  	_ =	swait.ge [sflag:s23], $0x4000  }
0x37: {  	[sflag:s23] =	ssyncset.done $0x0  }
0x38: {  	[sflag:s23] =	ssyncadd.s32 $0xFFFFC000  }
0x39: {  	[spmem:s6] =	stream.linear.scatter [tilespmem:s22], [sflag:$0xA], $0x4000, $0x38;
	[tilespmem:$0x1FF00] =	vst v63  }
0x3a: {  	_ =	swait.ge [sflag:s23], $0x4000  }
0x3b: {  	[sflag:s23] =	ssyncset.done $0x0  }
0x3c: {  	s8 =	smov.u32 s6;
	s6 =	rddreg [dreg:$0x4];
	[sflag:s23] =	ssyncadd.s32 $0xFFFFC000  }
0x3d: {  	[spmem:s6] =	stream.linear.scatter [tilespmem:s22], [sflag:$0xA], $0x4000, $0x38;
	[tilespmem:$0x1FF00] =	vst v63  }
0x3e: {  	_ =	swait.ge [sflag:s23], $0x4000  }
0x3f: {  	[sflag:s23] =	ssyncset.done $0x0  }
0x40: {  	s18 =	rddreg [dreg:$0x5];
	[sflag:s23] =	ssyncadd.s32 $0xFFFFC000  }
0x41: {  	[spmem:s18] =	stream.linear.scatter [tilespmem:s22], [sflag:$0xA], $0x4000, $0x38;
	[tilespmem:$0x1FF00] =	vst v63  }
0x42: {  	_ =	swait.ge [sflag:s23], $0x4000  }
0x43: {  	[sflag:s23] =	ssyncset.done $0x0  }
0x44: {  	[sflag:s23] =	ssyncadd.s32 $0xFFFFC000  }
0x45: {  	[spmem:s9] =	stream.linear.scatter [tilespmem:s22], [sflag:$0xA], $0x3C00, $0x38;
	[tilespmem:$0x1FF00] =	vst v63  }
0x46: {  	_ =	swait.ge [sflag:s23], $0x3C00  }
0x47: {  	[sflag:s23] =	ssyncset.done $0x0  }
0x48: {  	[sflag:s23] =	ssyncadd.s32 $0xFFFFC400  }
0x49: {  	[bflag:$0x0] =	sbarrier.arrive $0xFFFF  }
0x4a: {  	s18 =	simm.s32 $0x0;
	s19 =	rddreg [dreg:$0x6]  }
0x4b: {  	[tilespmem:s18], [sflag:$0x1] =	stream.linear.gather [hbm4b:s19+s18], $0x100, $0x38;
	[tilespmem:$0x1FF00] =	vst v63  }
0x4c: {  	s6 =	rddreg [dreg:$0x7]  }
0x4d: {  	[tilespmem:s24], [sflag:$0x2] =	stream.linear.gather [hbm4b:s6+s18], $0x100, $0x38;
	[tilespmem:$0x1FF00] =	vst v63  }
0x4e: {  	s19 =	rddreg [dreg:$0x8]  }
0x4f: {  	[tilespmem:s25], [sflag:$0x3] =	stream.linear.gather [hbm4b:s19+s18], $0x100, $0x38;
	[tilespmem:$0x1FF00] =	vst v63  }
0x50: {  	_ =	swait.ge [sflag:s26], $0x100  }
0x51: {  	[sflag:s26] =	ssyncset.done $0x0  }
0x52: {  	[sflag:s26] =	ssyncadd.s32 $0xFFFFFF00  }
0x53: {  	[tilespmem:s22], [sflag:$0x4] =	stream.indirect.gather [hbm4b:s4+s28], $0x80, s18, s28, $0xb8;
	[tilespmem:$0x1FF00] =	vst v63  }
0x54: {  	_ =	swait.ge [sflag:s29], $0x100  }
0x55: {  	[sflag:s29] =	ssyncset.done $0x0  }
0x56: {  	[sflag:s29] =	ssyncadd.s32 $0xFFFFFF00  }
0x57: {  	[tilespmem:s30], [sflag:$0x5] =	stream.indirect.gather [hbm4b:s4+s28], $0x80, s24, s28, $0xb8;
	[tilespmem:$0x1FF00] =	vst v63  }
0x58: {  	_ =	swait.ge [sflag:s31], $0x100  }
0x59: {  	[sflag:s31] =	ssyncset.done $0x0  }
0x5a: {  	[sflag:s31] =	ssyncadd.s32 $0xFFFFFF00  }
0x5b: {  	[tilespmem:s0], [sflag:$0x6] =	stream.indirect.gather [hbm4b:s4+s28], $0x80, s25, s28, $0xb8;
	[tilespmem:$0x1FF00] =	vst v63  }
0x5c: {  	_ =	swait.ge [sflag:s3], $0x4000  }
0x5d: {  	[sflag:s3] =	ssyncset.done $0x0  }
0x5e: {  	[sflag:s3] =	ssyncadd.s32 $0xFFFFC000  }
0x5f: {  	[spmem:s1] =	stream.indirect.scatter.add.f32 [tilespmem:s22], [sflag:$0x7], $0x80, s28, s28, $0xb8;
	[tilespmem:$0x1FF00] =	vst v63  }
0x60: {  	_ =	swait.ge [sflag:s11], $0x4000  }
0x61: {  	[sflag:s11] =	ssyncset.done $0x0  }
0x62: {  	[sflag:s11] =	ssyncadd.s32 $0xFFFFC000  }
0x63: {  	[spmem:s1] =	stream.indirect.scatter.add.f32 [tilespmem:s30], [sflag:$0x8], $0x80, s12, s28, $0xb8;
	[tilespmem:$0x1FF00] =	vst v63  }
0x64: {  	_ =	swait.ge [sflag:s13], $0x4000  }
0x65: {  	[sflag:s13] =	ssyncset.done $0x0  }
0x66: {  	[sflag:s13] =	ssyncadd.s32 $0xFFFFC000  }
0x67: {  	[spmem:s1] =	stream.indirect.scatter.add.f32 [tilespmem:s0], [sflag:$0x9], $0x80, s10, s28, $0xb8;
	[tilespmem:$0x1FF00] =	vst v63  }
0x68: {  	_ =	swait.ge [sflag:s14], $0x4000  }
0x69: {  	[sflag:s14] =	ssyncset.done $0x0  }
0x6a: {  	s7 =	smov.u32 s5;
	s5 =	sadd.s32 $0x0, s21;
	[sflag:s14] =	ssyncadd.s32 $0xFFFFC000  }
0x6b: {  	[tilespmem:s2], [sflag:$0x1] =	stream.linear.gather [hbm4b:s5+s2], $0x100, $0x38;
	[tilespmem:$0x1FF00] =	vst v63  }
0x6c: {  	_ =	swait.ge [sflag:s15], $0x4000  }
0x6d: {  	s6 =	sadd.s32 $0x0, s20;
	[sflag:s15] =	ssyncset.done $0x0  }
0x6e: {  	s19 =	sadd.s32 $0x80, s6;
	[sflag:s15] =	ssyncadd.s32 $0xFFFFC000  }
0x6f: {  	[tilespmem:s24], [sflag:$0x2] =	stream.linear.gather [hbm4b:s19+s2], $0x100, $0x38;
	[tilespmem:$0x1FF00] =	vst v63  }
0x70: {  	_ =	swait.ge [sflag:s16], $0x4000  }
0x71: {  	[sflag:s16] =	ssyncset.done $0x0  }
0x72: {  	s18 =	sadd.s32 $0xA0, s6;
	[sflag:s16] =	ssyncadd.s32 $0xFFFFC000  }
0x73: {  	[tilespmem:s25], [sflag:$0x3] =	stream.linear.gather [hbm4b:s18+s2], $0x100, $0x38;
	[tilespmem:$0x1FF00] =	vst v63  }
0x74: {  	_ =	swait.ge [sflag:s26], $0x100  }
0x75: {  	[sflag:s26] =	ssyncset.done $0x0  }
0x76: {  	[sflag:s26] =	ssyncadd.s32 $0xFFFFFF00  }
0x77: {  	[tilespmem:s22], [sflag:$0x4] =	stream.indirect.gather [hbm4b:s4+s28], $0x80, s2, s28, $0xb8;
	[tilespmem:$0x1FF00] =	vst v63  }
0x78: {  	_ =	swait.ge [sflag:s29], $0x100  }
0x79: {  	[sflag:s29] =	ssyncset.done $0x0  }
0x7a: {  	[sflag:s29] =	ssyncadd.s32 $0xFFFFFF00  }
0x7b: {  	[tilespmem:s30], [sflag:$0x5] =	stream.indirect.gather [hbm4b:s4+s28], $0x80, s24, s28, $0xb8;
	[tilespmem:$0x1FF00] =	vst v63  }
0x7c: {  	_ =	swait.ge [sflag:s31], $0x100  }
0x7d: {  	[sflag:s31] =	ssyncset.done $0x0  }
0x7e: {  	[sflag:s31] =	ssyncadd.s32 $0xFFFFFF00  }
0x7f: {  	[tilespmem:s0], [sflag:$0x6] =	stream.indirect.gather [hbm4b:s4+s28], $0x80, s25, s28, $0xb8;
	[tilespmem:$0x1FF00] =	vst v63  }
0x80: {  	_ =	swait.ge [sflag:s3], $0x4000  }
0x81: {  	[sflag:s3] =	ssyncset.done $0x0  }
0x82: {  	[sflag:s3] =	ssyncadd.s32 $0xFFFFC000  }
0x83: {  	[spmem:s1] =	stream.indirect.scatter.add.f32 [tilespmem:s22], [sflag:$0x7], $0x80, s28, s28, $0xb8;
	[tilespmem:$0x1FF00] =	vst v63  }
0x84: {  	_ =	swait.ge [sflag:s11], $0x4000  }
0x85: {  	[sflag:s11] =	ssyncset.done $0x0  }
0x86: {  	[sflag:s11] =	ssyncadd.s32 $0xFFFFC000  }
0x87: {  	[spmem:s1] =	stream.indirect.scatter.add.f32 [tilespmem:s30], [sflag:$0x8], $0x80, s12, s28, $0xb8;
	[tilespmem:$0x1FF00] =	vst v63  }
0x88: {  	_ =	swait.ge [sflag:s13], $0x4000  }
0x89: {  	[sflag:s13] =	ssyncset.done $0x0  }
0x8a: {  	s18 =	simm.s32 $0x60;
	[sflag:s13] =	ssyncadd.s32 $0xFFFFC000  }
.LBB2_4:
0x8b: {  	[spmem:s1] =	stream.indirect.scatter.add.f32 [tilespmem:s0], [sflag:$0x9], $0x80, s10, s28, $0xb8;
	[tilespmem:$0x1FF00] =	vst v63  }
0x8c: {  	s19 =	smov.u32 s18  }
0x8d: {  	p1 =	sne.s32 s18, $0x900;
	s18 =	sadd.s32 $0x60, s18;
	_ =	swait.ge [sflag:s14], $0x4000  }
0x8e: {  	[sflag:s14] =	ssyncset.done $0x0  }
0x8f: {  	s5 =	sadd.s32 s19, s21;
	[sflag:s14] =	ssyncadd.s32 $0xFFFFC000  }
0x90: {  	[tilespmem:s2], [sflag:$0x1] =	stream.linear.gather [hbm4b:s5+s2], $0x100, $0x38;
	[tilespmem:$0x1FF00] =	vst v63  }
0x91: {  	_ =	swait.ge [sflag:s15], $0x4000  }
0x92: {  	s5 =	sadd.s32 s19, s20;
	[sflag:s15] =	ssyncset.done $0x0  }
0x93: {  	s19 =	sadd.s32 $0x80, s5;
	[sflag:s15] =	ssyncadd.s32 $0xFFFFC000  }
0x94: {  	[tilespmem:s24], [sflag:$0x2] =	stream.linear.gather [hbm4b:s19+s2], $0x100, $0x38;
	[tilespmem:$0x1FF00] =	vst v63  }
0x95: {  	_ =	swait.ge [sflag:s16], $0x4000  }
0x96: {  	[sflag:s16] =	ssyncset.done $0x0  }
0x97: {  	s5 =	sadd.s32 $0xA0, s5;
	[sflag:s16] =	ssyncadd.s32 $0xFFFFC000  }
0x98: {  	[tilespmem:s25], [sflag:$0x3] =	stream.linear.gather [hbm4b:s5+s2], $0x100, $0x38;
	[tilespmem:$0x1FF00] =	vst v63  }
0x99: {  	_ =	swait.ge [sflag:s26], $0x100  }
0x9a: {  	[sflag:s26] =	ssyncset.done $0x0  }
0x9b: {  	[sflag:s26] =	ssyncadd.s32 $0xFFFFFF00  }
0x9c: {  	[tilespmem:s22], [sflag:$0x4] =	stream.indirect.gather [hbm4b:s4+s28], $0x80, s2, s28, $0xb8;
	[tilespmem:$0x1FF00] =	vst v63  }
0x9d: {  	_ =	swait.ge [sflag:s29], $0x100  }
0x9e: {  	[sflag:s29] =	ssyncset.done $0x0  }
0x9f: {  	[sflag:s29] =	ssyncadd.s32 $0xFFFFFF00  }
0xa0: {  	[tilespmem:s30], [sflag:$0x5] =	stream.indirect.gather [hbm4b:s4+s28], $0x80, s24, s28, $0xb8;
	[tilespmem:$0x1FF00] =	vst v63  }
0xa1: {  	_ =	swait.ge [sflag:s31], $0x100  }
0xa2: {  	[sflag:s31] =	ssyncset.done $0x0  }
0xa3: {  	[sflag:s31] =	ssyncadd.s32 $0xFFFFFF00  }
0xa4: {  	[tilespmem:s0], [sflag:$0x6] =	stream.indirect.gather [hbm4b:s4+s28], $0x80, s25, s28, $0xb8;
	[tilespmem:$0x1FF00] =	vst v63  }
0xa5: {  	_ =	swait.ge [sflag:s3], $0x4000  }
0xa6: {  	[sflag:s3] =	ssyncset.done $0x0  }
0xa7: {  	[sflag:s3] =	ssyncadd.s32 $0xFFFFC000  }
0xa8: {  	[spmem:s1] =	stream.indirect.scatter.add.f32 [tilespmem:s22], [sflag:$0x7], $0x80, s28, s28, $0xb8;
	[tilespmem:$0x1FF00] =	vst v63  }
0xa9: {  	_ =	swait.ge [sflag:s11], $0x4000  }
0xaa: {  	[sflag:s11] =	ssyncset.done $0x0  }
.Ltmp1:
0xab: {  	[sflag:s11] =	ssyncadd.s32 $0xFFFFC000;
	(pc) =	sbr.rel @p1 .LBB2_4-.Ltmp1, $4  }
0xac: {  	[spmem:s1] =	stream.indirect.scatter.add.f32 [tilespmem:s30], [sflag:$0x8], $0x80, s12, s28, $0xb8;
	[tilespmem:$0x1FF00] =	vst v63  }
0xad: {  	_ =	swait.ge [sflag:s13], $0x4000  }
0xae: {  	[sflag:s13] =	ssyncset.done $0x0  }
0xaf: {  	[sflag:s13] =	ssyncadd.s32 $0xFFFFC000  }
0xb0: {  	[spmem:s1] =	stream.indirect.scatter.add.f32 [tilespmem:s0], [sflag:$0x9], $0x80, s10, s28, $0xb8;
	[tilespmem:$0x1FF00] =	vst v63  }
0xb1: {  	_ =	swait.ge [sflag:s14], $0x4000  }
0xb2: {  	[sflag:s14] =	ssyncset.done $0x0  }
0xb3: {  	[sflag:s14] =	ssyncadd.s32 $0xFFFFC000  }
0xb4: {  	_ =	swait.ge [sflag:s15], $0x4000  }
0xb5: {  	[sflag:s15] =	ssyncset.done $0x0  }
0xb6: {  	[sflag:s15] =	ssyncadd.s32 $0xFFFFC000  }
0xb7: {  	_ =	swait.ge [sflag:s16], $0x4000  }
0xb8: {  	s5 =	simm.s32 @!p0 $0x0;
	[sflag:s16] =	ssyncset.done $0x0  }
0xb9: {  	s18 =	simm.s32 @!p0 $0xA;
	s6 =	rddreg [dreg:$0x9];
	[sflag:s16] =	ssyncadd.s32 $0xFFFFC000  }
0xba: {  	[tilespmem:s5], [sflag:$0xA] =	stream.linear.gather @!p0 [hbm4b:s6+s5], $0x100, $0x38;
	[tilespmem:$0x1FF00] =	vst v63  }
0xbb: {  	_ =	swait.ge @!p0 [sflag:s18], $0x100  }
0xbc: {  	[sflag:s18] =	ssyncset.done @!p0 $0x0  }
0xbd: {  	s19 =	simm.s32 @!p0 $0x80;
	s6 =	simm.s32 @!p0 $0x300;
	[sflag:s18] =	ssyncadd.s32 @!p0 $0xFFFFFF00  }
0xbe: {  	[tilespmem:s6], [sflag:$0xA] =	stream.indirect.gather @!p0 [hbm4b:s4+s19], $0x80, s5, s19, $0xb8;
	[tilespmem:$0x1FF00] =	vst v63  }
0xbf: {  	_ =	swait.ge @!p0 [sflag:s18], $0x4000  }
0xc0: {  	[sflag:s18] =	ssyncset.done @!p0 $0x0  }
0xc1: {  	[sflag:s18] =	ssyncadd.s32 @!p0 $0xFFFFC000  }
0xc2: {  	[spmem:s1] =	stream.indirect.scatter.add.f32 @!p0 [tilespmem:s6], [sflag:$0xA], $0x80, s19, s19, $0xb8;
	[tilespmem:$0x1FF00] =	vst v63  }
0xc3: {  	_ =	swait.ge @!p0 [sflag:s18], $0x4000  }
0xc4: {  	[sflag:s18] =	ssyncset.done @!p0 $0x0  }
0xc5: {  	[sflag:s18] =	ssyncadd.s32 @!p0 $0xFFFFC000  }
0xc6: {  	[bflag:$0x0] =	sbarrier.arrive $0xFFFF  }
0xc7: {  	[tilespmem:s22], [sflag:$0xA] =	stream.linear.gather [spmem:s7], $0x4000, $0x38;
	[tilespmem:$0x1FF00] =	vst v63  }
0xc8: {  	_ =	swait.ge [sflag:s23], $0x4000  }
0xc9: {  	[sflag:s23] =	ssyncset.done $0x0  }
0xca: {  	s18 =	rddreg [dreg:$0xa];
	[sflag:s23] =	ssyncadd.s32 $0xFFFFC000  }
0xcb: {  	[hbm4b:s18+s2] =	stream.linear.scatter [tilespmem:s22], [sflag:$0x4], $0x4000, $0x38;
	[tilespmem:$0x1FF00] =	vst v63  }
0xcc: {  	_ = 	snop  }
0xcd: {  	[tilespmem:s30], [sflag:$0xA] =	stream.linear.gather [spmem:s8], $0x4000, $0x38;
	[tilespmem:$0x1FF00] =	vst v63  }
0xce: {  	_ =	swait.ge [sflag:s23], $0x4000  }
0xcf: {  	[sflag:s23] =	ssyncset.done $0x0  }
0xd0: {  	s19 =	rddreg [dreg:$0xb];
	[sflag:s23] =	ssyncadd.s32 $0xFFFFC000  }
0xd1: {  	[hbm4b:s19+s2] =	stream.linear.scatter [tilespmem:s30], [sflag:$0x5], $0x4000, $0x38;
	[tilespmem:$0x1FF00] =	vst v63  }
0xd2: {  	_ =	swait.ge [sflag:s3], $0x4000  }
0xd3: {  	[sflag:s3] =	ssyncset.done $0x0  }
0xd4: {  	s6 =	smov.u32 s8;
	s8 =	rddreg [dreg:$0x4];
	[sflag:s3] =	ssyncadd.s32 $0xFFFFC000  }
0xd5: {  	[tilespmem:s22], [sflag:$0xA] =	stream.linear.gather [spmem:s8], $0x4000, $0x38;
	[tilespmem:$0x1FF00] =	vst v63  }
0xd6: {  	_ =	swait.ge [sflag:s23], $0x4000  }
0xd7: {  	[sflag:s23] =	ssyncset.done $0x0  }
0xd8: {  	s18 =	rddreg [dreg:$0xc];
	[sflag:s23] =	ssyncadd.s32 $0xFFFFC000  }
0xd9: {  	[hbm4b:s18+s2] =	stream.linear.scatter [tilespmem:s22], [sflag:$0x4], $0x4000, $0x38;
	[tilespmem:$0x1FF00] =	vst v63  }
0xda: {  	_ =	swait.ge [sflag:s11], $0x4000  }
0xdb: {  	[sflag:s11] =	ssyncset.done $0x0  }
0xdc: {  	s19 =	rddreg [dreg:$0x5];
	[sflag:s11] =	ssyncadd.s32 $0xFFFFC000  }
0xdd: {  	[tilespmem:s30], [sflag:$0xA] =	stream.linear.gather [spmem:s19], $0x4000, $0x38;
	[tilespmem:$0x1FF00] =	vst v63  }
0xde: {  	_ =	swait.ge [sflag:s23], $0x4000  }
0xdf: {  	[sflag:s23] =	ssyncset.done $0x0  }
0xe0: {  	s8 =	rddreg [dreg:$0xd];
	[sflag:s23] =	ssyncadd.s32 $0xFFFFC000  }
0xe1: {  	[hbm4b:s8+s2] =	stream.linear.scatter [tilespmem:s30], [sflag:$0x5], $0x4000, $0x38;
	[tilespmem:$0x1FF00] =	vst v63  }
0xe2: {  	_ =	swait.ge [sflag:s3], $0x4000  }
0xe3: {  	[sflag:s3] =	ssyncset.done $0x0  }
0xe4: {  	[sflag:s3] =	ssyncadd.s32 $0xFFFFC000  }
0xe5: {  	[tilespmem:s22], [sflag:$0xA] =	stream.linear.gather [spmem:s9], $0x3C00, $0x38;
	[tilespmem:$0x1FF00] =	vst v63  }
0xe6: {  	_ =	swait.ge [sflag:s23], $0x3C00  }
0xe7: {  	[sflag:s23] =	ssyncset.done $0x0  }
0xe8: {  	s18 =	rddreg [dreg:$0xe];
	[sflag:s23] =	ssyncadd.s32 $0xFFFFC400  }
0xe9: {  	[hbm4b:s18+s2] =	stream.linear.scatter [tilespmem:s22], [sflag:$0x4], $0x3C00, $0x38;
	[tilespmem:$0x1FF00] =	vst v63  }
0xea: {  	_ =	swait.ge [sflag:s3], $0x3C00  }
0xeb: {  	[sflag:s3] =	ssyncset.done $0x0  }
0xec: {  	[sflag:s3] =	ssyncadd.s32 $0xFFFFC400  }
0xed: {  	_ =	swait.ge [sflag:s11], $0x4000  }
0xee: {  	s17 =	sadd.s32 $0x1, s17;
	s19 =	rddreg [dreg:$0xf]  }
0xef: {  	p1 =	sne.s32 s17, s19  }
.Ltmp2:
0xf0: {  	_ = 	snop;
	(pc) =	sbr.rel @p1 .LBB2_1-.Ltmp2, $3  }
0xf1: {  	_ =	sdelay $0x1  }
0xf2: {  	[sflag:s11] =	ssyncset.done $0x0  }
0xf3: {  	s5 =	smov.u32 s7;
	[sflag:s11] =	ssyncadd.s32 $0xFFFFC000  }
0xf4: {  	_ =	sfence.sel $0x180000  }
0xf5: {  	[bflag:$0x0] =	sbarrier.arrive $0xFFFF  }
0xf6: {  	_ =	strace $0x9000004D  }
0xf7: {  	s0 =	stileid.u32;
	[bflag:$0x2] =	sbarrier.arrive $0xFFFF  }
0xf8: {  	p0 =	sne.s32 s0, $0x0;
	s0 =	rddreg [dreg:$0x3]  }
0xf9: {  	s0 =	sadd.s32 @!p0 $0x100000, s0  }
0xfa: {  	[sflag:s0] =	ssyncadd.tile.s32 @!p0 $0x1;
	_ =	shalt  }
.Lfunc_end2:
_tile_overlayer_lowered:
.L_overlay_start_2:
0xfb: {  	(tag) =	ssettag $0x2  }
0xfc: {  	s0 =	rddreg [dreg:$0x0];
	s2 =	stileid.u32  }
0xfd: {  	s1 =	rddreg [dreg:$0x1];
	p0 =	sne.s32 s2, $0x0  }
0xfe: {  	s3 =	rddreg [dreg:$0x2];
	[bflag:$0x3] =	sbarrier.arrive $0xFFFF;
	s2 =	simm.s32 @!p0 $0x1C0A  }
0xff: {  	[timem:s3], [sflag:s2] =	dma.local @!p0 [hbm:s0], s1  }
0x100: {  	s0 =	simm.s32 @!p0 $0xA  }
0x101: {  	_ =	swait.ge @!p0 [sflag:s0], s1  }
0x102: {  	s1 =	ssub.s32 @!p0 $0x0, s1;
	[sflag:s0] =	ssyncset.done @!p0 $0x0  }
0x103: {  	[sflag:s0] =	ssyncadd.s32 @!p0 s1  }
0x104: {  	[bflag:$0x3] =	sbarrier.arrive $0xFFFF  }
0x105: {  	_ =	shalt  }

// kernel: kernel.9.cloned.1.call-start
scs
__scs_entry_jumppad:
0x0: {  	(pc) =	sbr.rel $0x88, $3  }
0x1: {  	(tag) =	ssettag $0x0;
	lr =	simm.s32 $0x1  }
0x2: {  	[smem:$0x3F99] =	sst lr;
	_ =	strace $0xD0000000  }
0x3: {  	_ = 	snop  }
0x4: {  	_ = 	snop  }
0x5: {  	_ = 	snop  }
0x6: {  	_ = 	snop  }
0x7: {  	_ = 	snop  }
__scs_overlays_trampoline_lowered:
0x8: {  	[smem:$0x3FA8] =	sst s0  }
0x9: {  	[smem:$0x3FA9] =	sst s1  }
0xa: {  	[smem:$0x3FAA] =	sst s2  }
0xb: {  	[smem:$0x3FAB] =	sst s3  }
0xc: {  	[smem:$0x3FAC] =	sst s4  }
0xd: {  	[smem:$0x3FAD] =	sst s5  }
0xe: {  	[smem:$0x3FAE] =	sst s6  }
0xf: {  	[smem:$0x3FAF] =	sst s7  }
0x10: {  	[smem:$0x3FB0] =	sst s8  }
0x11: {  	[smem:$0x3FB1] =	sst s9;
	s0 =	simm.s32 @!p0 $0x0  }
0x12: {  	s1 =	sld [smem:$0x3F97];
	s0 =	simm.s32 @p0 $0x1  }
0x13: {  	[smem:$0x3FB2] =	sst s0;
	s0 =	simm.s32 @!p1 $0x0  }
0x14: {  	s2 =	sld [smem:$0x3F96];
	s0 =	simm.s32 @p1 $0x1  }
0x15: {  	[smem:$0x3FB3] =	sst s0;
	s0 =	simm.s32 @!p2 $0x0  }
0x16: {  	s3 =	sld [smem:$0x3FDB];
	s0 =	simm.s32 @p2 $0x1  }
0x17: {  	s4 =	simm.s32 $0x1BF5;
	[smem:$0x3FB5] =	sst s0  }
0x18: {  	s0 =	sld [smem:$0x3F98];
	_ =	swait.ge [sflag:s4], $0x0  }
0x19: {  	s7 =	sld [smem:$0x3F99]  }
0x1a: {  	s8 =	sadd.s32 $0xFFFFE003, lr  }
0x1b: {  	s9 =	sadd.s32 $0xFFFFFEF7, lr;
	s5 =	simm.s32 $0xFFFFFFFF;
	p2 =	slt.u32 s8, $0xFFFFF086  }
0x1c: {  	p1 =	slt.u32 s9, $0xF7A;
	s5 =	simm.s32 @!p2 $0x0  }
0x1d: {  	s5 =	simm.s32 @p1 $0x1;
	p0 =	seq.s32 s7, s2  }
0x1e: {  	s7 =	smul.u32 @!p0 $0xF7A, s2;
	p2 =	seq.s32 @!p0 s5, $0x0  }
0x1f: {  	s9 =	smul.u32 $0xF7A, s1;
	s8 =	simm.s32 @!p0 $0x1BF5;
	p2 =	por !p2, p0  }
0x20: {  	[sflag:s8] =	ssyncset.s32 @!p0 $0xFFFFF086;
	s6 =	sadd.s32 @!p0 s3, s7;
	s7 =	simm.s32 @!p0 $0x108  }
0x21: {  	s3 =	sadd.s32 s3, s9;
	s6 =	sadd.s32 @!p0 $0x88, s6;
	s7 =	simm.s32 @p2 $0x1082  }
0x22: {  	[simem:s7], [sflag:s8] =	dma.local @!p0 [hbm:s6], $0xF7A  }
0x23: {  	s9 =	sor.u32 $0xD0000000, s2;
	s6 =	simm.s32 $0x108;
	_ =	swait.ge @!p0 [sflag:s8], $0x0  }
0x24: {  	s3 =	sadd.s32 $0x88, s3;
	s6 =	simm.s32 @!p1 $0x1082;
	[sflag:s4] =	ssyncset.s32 $0xFFFFF086  }
0x25: {  	[simem:s6], [sflag:s4] =	dma.local [hbm:s3], $0xF7A  }
0x26: {  	[smem:$0x3F99] =	sst s1;
	(tag) =	ssettag s2;
	_ =	strace s9  }
0x27: {  	s1 =	sld [smem:$0x3FA9]  }
0x28: {  	s2 =	sld [smem:$0x3FAA]  }
0x29: {  	s4 =	sld [smem:$0x3FAC]  }
0x2a: {  	p0 =	seq.s32 s5, $0x0;
	s5 =	sld [smem:$0x3FAD]  }
0x2b: {  	s6 =	sld [smem:$0x3FAE]  }
0x2c: {  	s7 =	sld [smem:$0x3FAF]  }
0x2d: {  	s3 =	simm.s32 $0x108;
	s8 =	sld [smem:$0x3FB0]  }
0x2e: {  	s3 =	simm.s32 @!p0 $0x1082;
	s9 =	sld [smem:$0x3FB1]  }
0x2f: {  	lr =	sadd.s32 s0, s3;
	s0 =	sld [smem:$0x3FA8]  }
0x30: {  	s3 =	sld [smem:$0x3FAB]  }
0x31: {  	[smem:$0x3FB4] =	sst s10  }
0x32: {  	s10 =	sld [smem:$0x3FB2];
	_ =	sdelay $0x3  }
0x33: {  	p0 =	seq.s32 s10, $0x1;
	s10 =	sld [smem:$0x3FB4];
	_ =	sdelay $0x3  }
0x34: {  	[smem:$0x3FB4] =	sst s10  }
0x35: {  	s10 =	sld [smem:$0x3FB3];
	_ =	sdelay $0x3  }
0x36: {  	p1 =	seq.s32 s10, $0x1;
	s10 =	sld [smem:$0x3FB4];
	_ =	sdelay $0x3  }
0x37: {  	[smem:$0x3FB4] =	sst s10  }
0x38: {  	s10 =	sld [smem:$0x3FB5]  }
0x39: {  	_ = 	snop;
	(pc) =	sbr.ind lr, $3  }
0x3a: {  	_ = 	snop  }
0x3b: {  	_ = 	snop  }
0x3c: {  	p2 =	seq.s32 s10, $0x1;
	s10 =	sld [smem:$0x3FB4]  }
0x3d: {  	_ =	shalt  }
0x3e: {  	_ =	shalt  }
0x3f: {  	_ =	shalt  }
0x40: {  	_ =	shalt  }
0x41: {  	_ =	shalt  }
0x42: {  	_ =	shalt  }
0x43: {  	_ =	shalt  }
0x44: {  	_ =	shalt  }
0x45: {  	_ =	shalt  }
0x46: {  	_ =	shalt  }
0x47: {  	_ =	shalt  }
0x48: {  	_ =	shalt  }
0x49: {  	_ =	shalt  }
0x4a: {  	_ =	shalt  }
0x4b: {  	_ =	shalt  }
0x4c: {  	_ =	shalt  }
0x4d: {  	_ =	shalt  }
0x4e: {  	_ =	shalt  }
0x4f: {  	_ =	shalt  }
0x50: {  	_ =	shalt  }
0x51: {  	_ =	shalt  }
0x52: {  	_ =	shalt  }
0x53: {  	_ =	shalt  }
0x54: {  	_ =	shalt  }
0x55: {  	_ =	shalt  }
0x56: {  	_ =	shalt  }
0x57: {  	_ =	shalt  }
0x58: {  	_ =	shalt  }
0x59: {  	_ =	shalt  }
0x5a: {  	_ =	shalt  }
0x5b: {  	_ =	shalt  }
0x5c: {  	_ =	shalt  }
0x5d: {  	_ =	shalt  }
0x5e: {  	_ =	shalt  }
0x5f: {  	_ =	shalt  }
0x60: {  	_ =	shalt  }
0x61: {  	_ =	shalt  }
0x62: {  	_ =	shalt  }
0x63: {  	_ =	shalt  }
0x64: {  	_ =	shalt  }
0x65: {  	_ =	shalt  }
0x66: {  	_ =	shalt  }
0x67: {  	_ =	shalt  }
0x68: {  	_ =	shalt  }
0x69: {  	_ =	shalt  }
0x6a: {  	_ =	shalt  }
0x6b: {  	_ =	shalt  }
0x6c: {  	_ =	shalt  }
0x6d: {  	_ =	shalt  }
0x6e: {  	_ =	shalt  }
0x6f: {  	_ =	shalt  }
0x70: {  	_ =	shalt  }
0x71: {  	_ =	shalt  }
0x72: {  	_ =	shalt  }
0x73: {  	_ =	shalt  }
0x74: {  	_ =	shalt  }
0x75: {  	_ =	shalt  }
0x76: {  	_ =	shalt  }
0x77: {  	_ =	shalt  }
0x78: {  	_ =	shalt  }
0x79: {  	_ =	shalt  }
0x7a: {  	_ =	shalt  }
0x7b: {  	_ =	shalt  }
0x7c: {  	_ =	shalt  }
0x7d: {  	_ =	shalt  }
0x7e: {  	_ =	shalt  }
0x7f: {  	_ =	shalt  }
0x80: {  	_ =	shalt  }
0x81: {  	_ =	shalt  }
0x82: {  	_ =	shalt  }
0x83: {  	_ =	shalt  }
0x84: {  	_ =	shalt  }
0x85: {  	_ =	shalt  }
0x86: {  	_ =	shalt  }
0x87: {  	_ =	shalt  }
.Lfunc_end0:
.L_simem_size_0:
called_computation_lowered:
.L_overlay_start_0:
0x88: {  	s2 =	sld [smem:$0x3FD9]  }
0x89: {  	s3 =	sld [smem:$0x3FFE];
	_ =	sdelay $0x1  }
0x8a: {  	s1 =	srdreg.scid  }
0x8b: {  	s0 =	sand.u32 $0x1, s1  }
0x8c: {  	s17 =	sshll.u32 s0, $0xA;
	s2 =	sadd.s32 s3, s2  }
0x8d: {  	s2 =	sadd.s32 s2, s17  }
0x8e: {  	[smem:$0x3FC0] =	sst s2  }
0x8f: {  	_ = 	snop  }
0x90: {  	s2 =	sld [smem:$0x3FC8];
	(tm) =	ssettm $0x1  }
0x91: {  	s18 =	sld [smem:$0x3FFB];
	_ =	sdelay $0x3  }
0x92: {  	_ =	strace s18  }
0x93: {  	s3 =	sld [smem:$0x3FFC];
	_ =	sdelay $0x3  }
0x94: {  	_ =	strace s3  }
0x95: {  	s3 =	sld [smem:$0x3FFD];
	_ =	sdelay $0x3  }
0x96: {  	_ =	strace s3  }
0x97: {  	_ =	strace $0x8FFFFFFF  }
0x98: {  	s19 =	sld [smem:$0x3FDB];
	_ =	sdelay $0x1  }
0x99: {  	s4 =	simm.s32 $_scs_section_size  }
0x9a: {  	s5 =	simm.s32 $_size__tile_overlayer_lowered;
	s6 =	simm.s32 $_tile_overlayer_lowered  }
0x9b: {  	s22 =	simm.s32 $0x1BFF;
	s21 =	sshll.u32 s6, $0x1;
	s3 =	sadd.s32 s4, s19  }
0x9c: {  	s7 =	simm.s32 $0x0;
	s20 =	sshll.u32 s5, $0x1;
	s5 =	sadd.s32 s21, s3  }
0x9d: {  	[timem:s7], [sflag:s22] =	dma.local [hbm:s5], s20  }
0x9e: {  	_ =	swait.ge [sflag:s22], s20  }
0x9f: {  	s4 =	ssub.s32 $0x0, s20;
	[sflag:s22] =	ssyncset.done $0x0  }
0xa0: {  	[sflag:s22] =	ssyncadd.s32 s4;
	_ =	sdelay $0x1  }
0xa1: {  	s23 =	simm.s32 $0x1B8B  }
0xa2: {  	_ =	swait.ge [sflag:s23], $0x1  }
0xa3: {  	[sflag:s23] =	ssyncset.done $0x0  }
0xa4: {  	s25 =	simm.s32 $0x1B8E;
	s24 =	sld [smem:$0x3FFE];
	[sflag:s23] =	ssyncadd.s32 $0xFFFFFFFF  }
0xa5: {  	s26 =	simm.s32 $execute0_lowered;
	[smem:$0x3FD2] =	sst s25  }
0xa6: {  	s5 =	sshll.u32 s26, $0x1;
	_ =	strace $0x80000046;
	[dreg:$0x1] =	wrdreg $0xFFFFFFFF  }
0xa7: {  	s28 =	simm.s32 $_size_execute0_lowered;
	s3 =	sadd.s32 s3, s5;
	[dreg:$0x0] =	wrdreg $0x0  }
0xa8: {  	s5 =	sshll.u32 s28, $0x1;
	[dreg:$0x2] =	wrdreg s3  }
0xa9: {  	[dreg:$0x3] =	wrdreg s5  }
0xaa: {  	[dreg:$0x4] =	wrdreg $0xC0  }
0xab: {  	_ =	task [dreg:s7], $0x5FFFF  }
0xac: {  	[dreg:$0x1] =	wrdreg $0xFFFFFFFF  }
0xad: {  	[dreg:$0x0] =	wrdreg $0x60  }
0xae: {  	[dreg:$0x2] =	wrdreg s2  }
0xaf: {  	[dreg:$0x3] =	wrdreg s24  }
0xb0: {  	[dreg:$0x4] =	wrdreg $0xB000  }
0xb1: {  	[dreg:$0x5] =	wrdreg $0x9  }
0xb2: {  	_ =	task.clear_ibuf [dreg:s7], $0x6FFFF;
	_ =	strace $0x90000046  }
0xb3: {  	s29 =	simm.s32 $0x9;
	_ =	strace $0x80000048  }
0xb4: {  	_ =	swait.ge [sflag:s29], $0x1  }
0xb5: {  	[sflag:s29] =	ssyncadd.s32 $0xFFFFFFFF  }
0xb6: {  	_ =	strace $0x90000048  }
0xb7: {  	_ =	sfence  }
0xb8: {  	s30 =	sld [smem:$0x0];
	_ =	sdelay $0x2  }
0xb9: {  	s31 =	sshll.u32 s1, $0xD;
	s1 =	sshrl.u32 s1, $0x2  }
0xba: {  	s3 =	sand.u32 $0x4000, s31;
	s1 =	sadd.s32 s1, s30  }
0xbb: {  	s0 =	sor.u32 s3, s0;
	s1 =	sshll.u32 s1, $0x11  }
0xbc: {  	s0 =	sor.u32 s1, s0  }
0xbd: {  	s0 =	sadd.s32 $0x8F2B, s0  }
0xbe: {  	[sflag:s0] =	ssyncadd.remote.s32 $0x1  }
0xbf: {  	_ =	sfence.sel $0xFFFF  }
0xc0: {  	[dreg:$0x0] =	wrdreg $0xFFFFFFFF;
	(pc) =	sbr.abs _section_cstart, $3  }
0xc1: {  	[dreg:$0x1] =	wrdreg $0xFFFFFFFF  }
0xc2: {  	_ =	task.clear_ibuf [dreg:s7], $0x2FFFF;
	_ =	strace $0x9FFFFFFF  }
0xc3: {  	(tm) =	ssettm $0x7FFFFFFF  }
tec
execute0_lowered:
.L_overlay_start_1:
0x0: {  	(tag) =	ssettag $0x1  }
0x1: {  	s0 =	rddreg [dreg:$0x0]  }
0x2: {  	s1 =	rddreg [dreg:$0x1];
	s3 =	srdreg.scid  }
0x3: {  	s2 =	rddreg [dreg:$0x2];
	s11 =	stileid.u32;
	s23 =	simm.s32 $0x600  }
0x4: {  	s24 =	simm.s32 $0x700;
	s25 =	simm.s32 $0x680;
	s26 =	simm.s32 $0x780  }
0x5: {  	s28 =	simm.s32 $0x280;
	s29 =	simm.s32 $0x4;
	s30 =	simm.s32 $0x380  }
0x6: {  	s31 =	simm.s32 $0x5;
	s4 =	sand.u32 $0x1, s3;
	s5 =	smul.u32 $0x278, s11  }
0x7: {  	s3 =	simm.s32 $0x0;
	s19 =	sshll.u32 s11, $0x5;
	s20 =	smul.u32 $0x9C0, s11  }
0x8: {  	s6 =	sshll.u32 s4, $0x4;
	s7 =	smul.u32 $0x2780, s4;
	[smem:$0x7FF] =	sst s3  }
0x9: {  	s9 =	ssub.s32 $0x2, s4;
	_ =	strace $0x80000047;
	[dreg:$0x5] =	wrdreg s23  }
0xa: {  	s4 =	smul.u32 $0x9C00, s4;
	s6 =	sor.u32 s11, s6;
	[dreg:$0x6] =	wrdreg s24  }
0xb: {  	s10 =	sshrl.u32 s9, $0x1;
	s15 =	sadd.s32 s5, s2;
	[dreg:$0x7] =	wrdreg s25  }
0xc: {  	s23 =	simm.s32 $0x800;
	[dreg:$0x8] =	wrdreg s26;
	s24 =	simm.s32 $0x2  }
0xd: {  	s26 =	simm.s32 $0x3;
	s25 =	simm.s32 $0x580;
	s11 =	simm.s32 $0xC  }
0xe: {  	s8 =	smul.u32 $0x4E00, s6;
	s7 =	sadd.s32 s5, s7;
	s12 =	ssub.s32 s9, s10  }
0xf: {  	s5 =	sadd.s32 s19, s0;
	p0 =	sgt.u32 s6, $0x3;
	s6 =	simm.s32 $0x7  }
0x10: {  	s9 =	simm.s32 $0xA;
	s10 =	simm.s32 $0xB;
	[dreg:$0x9] =	wrdreg s15  }
0x11: {  	s7 =	sshrl.u32 s7, $0x3;
	s21 =	sadd.s32 $0x13800, s5;
	s22 =	smax.u32 s12, $0x1  }
0x12: {  	s8 =	sshrl.u32 s8, $0x3;
	s1 =	sadd.s32 s7, s1;
	[dreg:$0x10] =	wrdreg s21  }
0x13: {  	[dreg:$0x12] =	wrdreg s22;
	s8 =	sadd.s32 s0, s8;
	s1 =	sadd.s32 $0x2800, s1  }
0x14: {  	s19 =	simm.s32 $0x0;
	s13 =	sadd.s32 $0x900, s8;
	[dreg:$0x11] =	wrdreg s1  }
0x15: {  	s5 =	simm.s32 $0x480;
	s14 =	sadd.s32 $0x920, s8;
	[dreg:$0xa] =	wrdreg s13  }
0x16: {  	s12 =	simm.s32 $0xD;
	s16 =	sadd.s32 $0x940, s8;
	[dreg:$0xb] =	wrdreg s14  }
0x17: {  	s21 =	simm.s32 $0x1;
	s17 =	sadd.s32 $0x960, s8;
	[dreg:$0xc] =	wrdreg s16  }
0x18: {  	s22 =	simm.s32 $0x80;
	s18 =	sadd.s32 $0x980, s8;
	[dreg:$0xd] =	wrdreg s17  }
0x19: {  	s0 =	sadd.s32 s4, s0;
	s8 =	sadd.s32 $0x9A0, s8;
	[dreg:$0xe] =	wrdreg s18  }
0x1a: {  	s7 =	simm.s32 $0x8;
	s0 =	sadd.s32 s20, s0;
	[dreg:$0xf] =	wrdreg s8  }
0x1b: {  	s4 =	simm.s32 $0x10;
	s1 =	simm.s32 $0x6;
	[dreg:$0x4] =	wrdreg s0  }
0x1c: {  	s17 =	simm.s32 $0x880;
	s18 =	simm.s32 $0x11;
	s0 =	simm.s32 $0x180  }
0x1d: {  	v0 =	vimm.f32 $1.000000000e+00;
	v1 =	vimm.f32 $0.0e+00;
	s8 =	simm.s32 $0x9;
	s13 =	simm.s32 $0xE;
	s14 =	simm.s32 $0xF  }
.LBB2_1:
0x1e: {  	[tilespmem:$0x800] =	vst v0  }
0x1f: {  	[tilespmem:$0x810] =	vst v0  }
0x20: {  	[tilespmem:$0x820] =	vst v0  }
0x21: {  	[tilespmem:$0x830] =	vst v0  }
0x22: {  	[tilespmem:$0x840] =	vst v0  }
0x23: {  	[tilespmem:$0x850] =	vst v0  }
0x24: {  	[tilespmem:$0x860] =	vst v0  }
0x25: {  	[tilespmem:$0x870] =	vst v0  }
0x26: {  	[tilespmem:$0x880] =	vst v1  }
0x27: {  	[tilespmem:$0x890] =	vst v1  }
0x28: {  	[tilespmem:$0x8A0] =	vst v1  }
0x29: {  	[tilespmem:$0x8B0] =	vst v1  }
0x2a: {  	[tilespmem:$0x8C0] =	vst v1  }
0x2b: {  	[tilespmem:$0x8D0] =	vst v1  }
0x2c: {  	[tilespmem:$0x8E0] =	vst v1  }
0x2d: {  	[tilespmem:$0x8F0] =	vst v1  }
0x2e: {  	[tilespmem:$0x900] =	vst v1  }
0x2f: {  	[tilespmem:$0x910] =	vst v1  }
0x30: {  	[tilespmem:$0x920] =	vst v1  }
0x31: {  	[tilespmem:$0x930] =	vst v1  }
0x32: {  	[tilespmem:$0x940] =	vst v1  }
0x33: {  	[tilespmem:$0x950] =	vst v1  }
0x34: {  	[tilespmem:$0x960] =	vst v1  }
0x35: {  	[tilespmem:$0x970] =	vst v1  }
0x36: {  	[tilespmem:$0x980] =	vst v1  }
0x37: {  	[tilespmem:$0x990] =	vst v1  }
0x38: {  	[tilespmem:$0x9A0] =	vst v1  }
0x39: {  	[tilespmem:$0x9B0] =	vst v1  }
0x3a: {  	[tilespmem:$0x9C0] =	vst v1  }
0x3b: {  	[tilespmem:$0x9D0] =	vst v1  }
0x3c: {  	[tilespmem:$0x9E0] =	vst v1  }
0x3d: {  	[tilespmem:$0x9F0] =	vst v1  }
0x3e: {  	[tilespmem:$0xA00] =	vst v1  }
0x3f: {  	[tilespmem:$0xA10] =	vst v1  }
0x40: {  	[tilespmem:$0xA20] =	vst v1  }
0x41: {  	[tilespmem:$0xA30] =	vst v1  }
0x42: {  	[tilespmem:$0xA40] =	vst v1  }
0x43: {  	[tilespmem:$0xA50] =	vst v1  }
0x44: {  	[tilespmem:$0xA60] =	vst v1  }
0x45: {  	[tilespmem:$0xA70] =	vst v1  }
0x46: {  	[tilespmem:$0xA80] =	vst v1  }
0x47: {  	[tilespmem:$0xA90] =	vst v1  }
0x48: {  	[tilespmem:$0xAA0] =	vst v1  }
0x49: {  	[tilespmem:$0xAB0] =	vst v1  }
0x4a: {  	[tilespmem:$0xAC0] =	vst v1  }
0x4b: {  	[tilespmem:$0xAD0] =	vst v1  }
0x4c: {  	[dreg:$0x13] =	wrdreg s19;
	[tilespmem:$0xAE0] =	vst v1  }
0x4d: {  	[spmem:s15] =	stream.linear.scatter [tilespmem:s17], [sflag:$0x11], $0x278, $0x38;
	[tilespmem:$0xD78] =	vst v63  }
0x4e: {  	_ =	swait.ge [sflag:s18], $0x278  }
0x4f: {  	[sflag:s18] =	ssyncset.done $0x0  }
0x50: {  	[sflag:s18] =	ssyncadd.s32 $0xFFFFFD88  }
0x51: {  	[bflag:$0x0] =	sbarrier.arrive $0xFFFF  }
0x52: {  	s19 =	rddreg [dreg:$0x4]  }
0x53: {  	s15 =	sadd.s32 $0x0, s19  }
0x54: {  	[tilespmem:s3], [sflag:$0x1] =	stream.linear.gather [hbm4b:s15+s3], $0x100, $0x38;
	[tilespmem:$0xD78] =	vst v63  }
0x55: {  	s20 =	simm.s32 $0x100;
	s16 =	sadd.s32 $0x20, s15  }
0x56: {  	[tilespmem:s20], [sflag:$0x2] =	stream.linear.gather [hbm4b:s16+s3], $0x100, $0x38;
	[tilespmem:$0xD78] =	vst v63  }
0x57: {  	s18 =	simm.s32 $0x200;
	s17 =	sadd.s32 $0x40, s15  }
0x58: {  	[tilespmem:s18], [sflag:$0x3] =	stream.linear.gather [hbm4b:s17+s3], $0x100, $0x38;
	[tilespmem:$0xD78] =	vst v63  }
0x59: {  	s19 =	sadd.s32 $0x60, s15;
	s20 =	simm.s32 $0x300  }
0x5a: {  	[tilespmem:s20], [sflag:$0x4] =	stream.linear.gather [hbm4b:s19+s3], $0x100, $0x38;
	[tilespmem:$0xD78] =	vst v63  }
0x5b: {  	s17 =	sadd.s32 $0x80, s15;
	s18 =	simm.s32 $0x400  }
0x5c: {  	[tilespmem:s18], [sflag:$0x5] =	stream.linear.gather [hbm4b:s17+s3], $0x100, $0x38;
	[tilespmem:$0xD78] =	vst v63  }
0x5d: {  	s19 =	sadd.s32 $0xA0, s15;
	s20 =	simm.s32 $0x500  }
0x5e: {  	[tilespmem:s20], [sflag:$0x6] =	stream.linear.gather [hbm4b:s19+s3], $0x100, $0x38;
	[tilespmem:$0xD78] =	vst v63  }
0x5f: {  	s18 =	rddreg [dreg:$0x5];
	s19 =	sadd.s32 $0xC0, s15  }
0x60: {  	[tilespmem:s18], [sflag:$0x7] =	stream.linear.gather [hbm4b:s19+s3], $0x100, $0x38;
	[tilespmem:$0xD78] =	vst v63  }
0x61: {  	s20 =	rddreg [dreg:$0x6];
	s15 =	sadd.s32 $0xE0, s15  }
0x62: {  	[tilespmem:s20], [sflag:$0x8] =	stream.linear.gather [hbm4b:s15+s3], $0x100, $0x38;
	[tilespmem:$0xD78] =	vst v63  }
0x63: {  	_ =	swait.ge [sflag:s21], $0x100  }
0x64: {  	[sflag:s21] =	ssyncset.done $0x0  }
0x65: {  	[sflag:s21] =	ssyncadd.s32 $0xFFFFFF00  }
0x66: {  	[spmem:s2] =	stream.indirect.scatter.add.f32 [tilespmem:s23], [sflag:$0x9], $0x1, s22, s22, $0xb8;
	[tilespmem:$0xD78] =	vst v63  }
0x67: {  	_ =	swait.ge [sflag:s24], $0x100  }
0x68: {  	[sflag:s24] =	ssyncset.done $0x0  }
0x69: {  	[sflag:s24] =	ssyncadd.s32 $0xFFFFFF00  }
0x6a: {  	[spmem:s2] =	stream.indirect.scatter.add.f32 [tilespmem:s23], [sflag:$0xA], $0x1, s0, s22, $0xb8;
	[tilespmem:$0xD78] =	vst v63  }
0x6b: {  	_ =	swait.ge [sflag:s26], $0x100  }
0x6c: {  	[sflag:s26] =	ssyncset.done $0x0  }
0x6d: {  	[sflag:s26] =	ssyncadd.s32 $0xFFFFFF00  }
0x6e: {  	[spmem:s2] =	stream.indirect.scatter.add.f32 [tilespmem:s23], [sflag:$0xB], $0x1, s28, s22, $0xb8;
	[tilespmem:$0xD78] =	vst v63  }
0x6f: {  	_ =	swait.ge [sflag:s29], $0x100  }
0x70: {  	[sflag:s29] =	ssyncset.done $0x0  }
0x71: {  	[sflag:s29] =	ssyncadd.s32 $0xFFFFFF00  }
0x72: {  	[spmem:s2] =	stream.indirect.scatter.add.f32 [tilespmem:s23], [sflag:$0xC], $0x1, s30, s22, $0xb8;
	[tilespmem:$0xD78] =	vst v63  }
0x73: {  	_ =	swait.ge [sflag:s31], $0x100  }
0x74: {  	[sflag:s31] =	ssyncset.done $0x0  }
0x75: {  	[sflag:s31] =	ssyncadd.s32 $0xFFFFFF00  }
0x76: {  	[spmem:s2] =	stream.indirect.scatter.add.f32 [tilespmem:s23], [sflag:$0xD], $0x1, s5, s22, $0xb8;
	[tilespmem:$0xD78] =	vst v63  }
0x77: {  	_ =	swait.ge [sflag:s1], $0x100  }
0x78: {  	[sflag:s1] =	ssyncset.done $0x0  }
0x79: {  	[sflag:s1] =	ssyncadd.s32 $0xFFFFFF00  }
0x7a: {  	[spmem:s2] =	stream.indirect.scatter.add.f32 [tilespmem:s23], [sflag:$0xE], $0x1, s25, s22, $0xb8;
	[tilespmem:$0xD78] =	vst v63  }
0x7b: {  	_ =	swait.ge [sflag:s6], $0x100  }
0x7c: {  	[sflag:s6] =	ssyncset.done $0x0  }
0x7d: {  	s19 =	rddreg [dreg:$0x7];
	[sflag:s6] =	ssyncadd.s32 $0xFFFFFF00  }
0x7e: {  	[spmem:s2] =	stream.indirect.scatter.add.f32 [tilespmem:s23], [sflag:$0xF], $0x1, s19, s22, $0xb8;
	[tilespmem:$0xD78] =	vst v63  }
0x7f: {  	_ =	swait.ge [sflag:s7], $0x100  }
0x80: {  	[sflag:s7] =	ssyncset.done $0x0  }
0x81: {  	s20 =	rddreg [dreg:$0x8];
	[sflag:s7] =	ssyncadd.s32 $0xFFFFFF00  }
0x82: {  	[spmem:s2] =	stream.indirect.scatter.add.f32 [tilespmem:s23], [sflag:$0x10], $0x1, s20, s22, $0xb8;
	[tilespmem:$0xD78] =	vst v63  }
0x83: {  	_ =	swait.ge [sflag:s8], $0x80  }
0x84: {  	[sflag:s8] =	ssyncset.done $0x0  }
0x85: {  	[sflag:s8] =	ssyncadd.s32 $0xFFFFFF80  }
0x86: {  	_ =	swait.ge [sflag:s9], $0x80  }
0x87: {  	[sflag:s9] =	ssyncset.done $0x0  }
0x88: {  	[sflag:s9] =	ssyncadd.s32 $0xFFFFFF80  }
0x89: {  	_ =	swait.ge [sflag:s10], $0x80  }
0x8a: {  	[sflag:s10] =	ssyncset.done $0x0  }
0x8b: {  	[sflag:s10] =	ssyncadd.s32 $0xFFFFFF80  }
0x8c: {  	_ =	swait.ge [sflag:s11], $0x80  }
0x8d: {  	[sflag:s11] =	ssyncset.done $0x0  }
0x8e: {  	[sflag:s11] =	ssyncadd.s32 $0xFFFFFF80  }
0x8f: {  	_ =	swait.ge [sflag:s12], $0x80  }
0x90: {  	[sflag:s12] =	ssyncset.done $0x0  }
0x91: {  	[sflag:s12] =	ssyncadd.s32 $0xFFFFFF80  }
0x92: {  	_ =	swait.ge [sflag:s13], $0x80  }
0x93: {  	[sflag:s13] =	ssyncset.done $0x0  }
0x94: {  	[sflag:s13] =	ssyncadd.s32 $0xFFFFFF80  }
0x95: {  	_ =	swait.ge [sflag:s14], $0x80  }
0x96: {  	[sflag:s14] =	ssyncset.done $0x0  }
0x97: {  	[sflag:s14] =	ssyncadd.s32 $0xFFFFFF80  }
0x98: {  	s16 =	simm.s32 $0x200;
	_ =	swait.ge [sflag:s4], $0x80  }
0x99: {  	s15 =	simm.s32 $0x100;
	s17 =	rddreg [dreg:$0x4];
	[sflag:s4] =	ssyncset.done $0x0  }
.LBB2_2:
0x9a: {  	[sflag:s4] =	ssyncadd.s32 $0xFFFFFF80;
	s17 =	sadd.s32 s15, s17  }
0x9b: {  	[tilespmem:s3], [sflag:$0x1] =	stream.linear.gather [hbm4b:s17+s3], $0x100, $0x38;
	[tilespmem:$0xD78] =	vst v63  }
0x9c: {  	s19 =	simm.s32 $0x100;
	s20 =	sadd.s32 $0x20, s17  }
0x9d: {  	[tilespmem:s19], [sflag:$0x2] =	stream.linear.gather [hbm4b:s20+s3], $0x100, $0x38;
	[tilespmem:$0xD78] =	vst v63  }
0x9e: {  	s19 =	sadd.s32 $0x40, s17;
	s20 =	simm.s32 $0x200  }
0x9f: {  	[tilespmem:s20], [sflag:$0x3] =	stream.linear.gather [hbm4b:s19+s3], $0x100, $0x38;
	[tilespmem:$0xD78] =	vst v63  }
0xa0: {  	s19 =	sadd.s32 $0x60, s17;
	s20 =	simm.s32 $0x300  }
0xa1: {  	[tilespmem:s20], [sflag:$0x4] =	stream.linear.gather [hbm4b:s19+s3], $0x100, $0x38;
	[tilespmem:$0xD78] =	vst v63  }
0xa2: {  	s18 =	smov.u32 s16;
	s19 =	sadd.s32 $0x80, s17;
	s20 =	simm.s32 $0x400  }
0xa3: {  	[tilespmem:s20], [sflag:$0x5] =	stream.linear.gather [hbm4b:s19+s3], $0x100, $0x38;
	[tilespmem:$0xD78] =	vst v63  }
0xa4: {  	s15 =	smov.u32 s18;
	s18 =	sadd.s32 $0xA0, s17;
	s20 =	simm.s32 $0x500  }
0xa5: {  	[tilespmem:s20], [sflag:$0x6] =	stream.linear.gather [hbm4b:s18+s3], $0x100, $0x38;
	[tilespmem:$0xD78] =	vst v63  }
0xa6: {  	s19 =	rddreg [dreg:$0x5];
	s18 =	sadd.s32 $0xC0, s17  }
0xa7: {  	[tilespmem:s19], [sflag:$0x7] =	stream.linear.gather [hbm4b:s18+s3], $0x100, $0x38;
	[tilespmem:$0xD78] =	vst v63  }
0xa8: {  	s20 =	rddreg [dreg:$0x6];
	s17 =	sadd.s32 $0xE0, s17  }
0xa9: {  	[tilespmem:s20], [sflag:$0x8] =	stream.linear.gather [hbm4b:s17+s3], $0x100, $0x38;
	[tilespmem:$0xD78] =	vst v63  }
0xaa: {  	_ =	swait.ge [sflag:s21], $0x100  }
0xab: {  	[sflag:s21] =	ssyncset.done $0x0  }
0xac: {  	[sflag:s21] =	ssyncadd.s32 $0xFFFFFF00  }
0xad: {  	[spmem:s2] =	stream.indirect.scatter.add.f32 [tilespmem:s23], [sflag:$0x9], $0x1, s22, s22, $0xb8;
	[tilespmem:$0xD78] =	vst v63  }
0xae: {  	_ =	swait.ge [sflag:s24], $0x100  }
0xaf: {  	[sflag:s24] =	ssyncset.done $0x0  }
0xb0: {  	[sflag:s24] =	ssyncadd.s32 $0xFFFFFF00  }
0xb1: {  	[spmem:s2] =	stream.indirect.scatter.add.f32 [tilespmem:s23], [sflag:$0xA], $0x1, s0, s22, $0xb8;
	[tilespmem:$0xD78] =	vst v63  }
0xb2: {  	_ =	swait.ge [sflag:s26], $0x100  }
0xb3: {  	[sflag:s26] =	ssyncset.done $0x0  }
0xb4: {  	[sflag:s26] =	ssyncadd.s32 $0xFFFFFF00  }
0xb5: {  	[spmem:s2] =	stream.indirect.scatter.add.f32 [tilespmem:s23], [sflag:$0xB], $0x1, s28, s22, $0xb8;
	[tilespmem:$0xD78] =	vst v63  }
0xb6: {  	_ =	swait.ge [sflag:s29], $0x100  }
0xb7: {  	[sflag:s29] =	ssyncset.done $0x0  }
0xb8: {  	[sflag:s29] =	ssyncadd.s32 $0xFFFFFF00  }
0xb9: {  	[spmem:s2] =	stream.indirect.scatter.add.f32 [tilespmem:s23], [sflag:$0xC], $0x1, s30, s22, $0xb8;
	[tilespmem:$0xD78] =	vst v63  }
0xba: {  	_ =	swait.ge [sflag:s31], $0x100  }
0xbb: {  	[sflag:s31] =	ssyncset.done $0x0  }
0xbc: {  	[sflag:s31] =	ssyncadd.s32 $0xFFFFFF00  }
0xbd: {  	[spmem:s2] =	stream.indirect.scatter.add.f32 [tilespmem:s23], [sflag:$0xD], $0x1, s5, s22, $0xb8;
	[tilespmem:$0xD78] =	vst v63  }
0xbe: {  	_ =	swait.ge [sflag:s1], $0x100  }
0xbf: {  	[sflag:s1] =	ssyncset.done $0x0  }
0xc0: {  	[sflag:s1] =	ssyncadd.s32 $0xFFFFFF00  }
0xc1: {  	[spmem:s2] =	stream.indirect.scatter.add.f32 [tilespmem:s23], [sflag:$0xE], $0x1, s25, s22, $0xb8;
	[tilespmem:$0xD78] =	vst v63  }
0xc2: {  	_ =	swait.ge [sflag:s6], $0x100  }
0xc3: {  	[sflag:s6] =	ssyncset.done $0x0  }
0xc4: {  	s19 =	rddreg [dreg:$0x7];
	[sflag:s6] =	ssyncadd.s32 $0xFFFFFF00  }
0xc5: {  	[spmem:s2] =	stream.indirect.scatter.add.f32 [tilespmem:s23], [sflag:$0xF], $0x1, s19, s22, $0xb8;
	[tilespmem:$0xD78] =	vst v63  }
0xc6: {  	_ =	swait.ge [sflag:s7], $0x100  }
0xc7: {  	[sflag:s7] =	ssyncset.done $0x0  }
0xc8: {  	s20 =	rddreg [dreg:$0x8];
	[sflag:s7] =	ssyncadd.s32 $0xFFFFFF00  }
0xc9: {  	[spmem:s2] =	stream.indirect.scatter.add.f32 [tilespmem:s23], [sflag:$0x10], $0x1, s20, s22, $0xb8;
	[tilespmem:$0xD78] =	vst v63  }
0xca: {  	_ =	swait.ge [sflag:s8], $0x80  }
0xcb: {  	[sflag:s8] =	ssyncset.done $0x0  }
0xcc: {  	[sflag:s8] =	ssyncadd.s32 $0xFFFFFF80  }
0xcd: {  	_ =	swait.ge [sflag:s9], $0x80  }
0xce: {  	[sflag:s9] =	ssyncset.done $0x0  }
0xcf: {  	[sflag:s9] =	ssyncadd.s32 $0xFFFFFF80  }
0xd0: {  	_ =	swait.ge [sflag:s10], $0x80  }
0xd1: {  	[sflag:s10] =	ssyncset.done $0x0  }
0xd2: {  	[sflag:s10] =	ssyncadd.s32 $0xFFFFFF80  }
0xd3: {  	_ =	swait.ge [sflag:s11], $0x80  }
0xd4: {  	[sflag:s11] =	ssyncset.done $0x0  }
0xd5: {  	[sflag:s11] =	ssyncadd.s32 $0xFFFFFF80  }
0xd6: {  	_ =	swait.ge [sflag:s12], $0x80  }
0xd7: {  	[sflag:s12] =	ssyncset.done $0x0  }
0xd8: {  	[sflag:s12] =	ssyncadd.s32 $0xFFFFFF80  }
0xd9: {  	_ =	swait.ge [sflag:s13], $0x80  }
0xda: {  	[sflag:s13] =	ssyncset.done $0x0  }
0xdb: {  	p1 =	sne.s32 s16, $0x800;
	[sflag:s13] =	ssyncadd.s32 $0xFFFFFF80  }
.Ltmp0:
0xdc: {  	_ =	swait.ge [sflag:s14], $0x80;
	(pc) =	sbr.rel @p1 .LBB2_2-.Ltmp0, $4  }
0xdd: {  	[sflag:s14] =	ssyncset.done $0x0  }
0xde: {  	[sflag:s14] =	ssyncadd.s32 $0xFFFFFF80  }
0xdf: {  	_ =	swait.ge [sflag:s4], $0x80  }
0xe0: {  	s16 =	sadd.s32 $0x100, s16;
	s17 =	rddreg [dreg:$0x4];
	[sflag:s4] =	ssyncset.done $0x0  }
0xe1: {  	[sflag:s4] =	ssyncadd.s32 $0xFFFFFF80;
	s15 =	sadd.s32 s15, s17  }
0xe2: {  	[tilespmem:s3], [sflag:$0x1] =	stream.linear.gather [hbm4b:s15+s3], $0x100, $0x38;
	[tilespmem:$0xD78] =	vst v63  }
0xe3: {  	s28 =	simm.s32 $0x100;
	s16 =	sadd.s32 $0x20, s15  }
0xe4: {  	[tilespmem:s28], [sflag:$0x2] =	stream.linear.gather [hbm4b:s16+s3], $0x100, $0x38;
	[tilespmem:$0xD78] =	vst v63  }
0xe5: {  	s5 =	simm.s32 $0x200;
	s25 =	sadd.s32 $0x40, s15  }
0xe6: {  	[tilespmem:s5], [sflag:$0x3] =	stream.linear.gather [hbm4b:s25+s3], $0x100, $0x38;
	[tilespmem:$0xD78] =	vst v63  }
0xe7: {  	s0 =	sadd.s32 $0x60, s15;
	s25 =	simm.s32 $0x300  }
0xe8: {  	[tilespmem:s25], [sflag:$0x4] =	stream.linear.gather [hbm4b:s0+s3], $0x100, $0x38;
	[tilespmem:$0xD78] =	vst v63  }
0xe9: {  	s17 =	sadd.s32 $0x80, s15;
	s0 =	simm.s32 $0x400  }
0xea: {  	[tilespmem:s0], [sflag:$0x5] =	stream.linear.gather [hbm4b:s17+s3], $0x100, $0x38;
	[tilespmem:$0xD78] =	vst v63  }
0xeb: {  	s30 =	simm.s32 $0x500;
	s18 =	sadd.s32 $0xA0, s15  }
0xec: {  	[tilespmem:s30], [sflag:$0x6] =	stream.linear.gather [hbm4b:s18+s3], $0x100, $0x38;
	[tilespmem:$0xD78] =	vst v63  }
0xed: {  	s19 =	rddreg [dreg:$0x5];
	s20 =	sadd.s32 $0xC0, s15  }
0xee: {  	[tilespmem:s19], [sflag:$0x7] =	stream.linear.gather [hbm4b:s20+s3], $0x100, $0x38;
	[tilespmem:$0xD78] =	vst v63  }
0xef: {  	s15 =	sadd.s32 $0xE0, s15;
	s18 =	rddreg [dreg:$0x6]  }
0xf0: {  	[tilespmem:s18], [sflag:$0x8] =	stream.linear.gather [hbm4b:s15+s3], $0x100, $0x38;
	[tilespmem:$0xD78] =	vst v63  }
0xf1: {  	_ =	swait.ge [sflag:s21], $0x100  }
0xf2: {  	[sflag:s21] =	ssyncset.done $0x0  }
0xf3: {  	[sflag:s21] =	ssyncadd.s32 $0xFFFFFF00  }
0xf4: {  	[spmem:s2] =	stream.indirect.scatter.add.f32 [tilespmem:s23], [sflag:$0x9], $0x1, s22, s22, $0xb8;
	[tilespmem:$0xD78] =	vst v63  }
0xf5: {  	_ =	swait.ge [sflag:s24], $0x100  }
0xf6: {  	[sflag:s24] =	ssyncset.done $0x0  }
0xf7: {  	s16 =	simm.s32 $0x180;
	[sflag:s24] =	ssyncadd.s32 $0xFFFFFF00  }
0xf8: {  	[spmem:s2] =	stream.indirect.scatter.add.f32 [tilespmem:s23], [sflag:$0xA], $0x1, s16, s22, $0xb8;
	[tilespmem:$0xD78] =	vst v63  }
0xf9: {  	_ =	swait.ge [sflag:s26], $0x100  }
0xfa: {  	[sflag:s26] =	ssyncset.done $0x0  }
0xfb: {  	s17 =	simm.s32 $0x280;
	[sflag:s26] =	ssyncadd.s32 $0xFFFFFF00  }
0xfc: {  	[spmem:s2] =	stream.indirect.scatter.add.f32 [tilespmem:s23], [sflag:$0xB], $0x1, s17, s22, $0xb8;
	[tilespmem:$0xD78] =	vst v63  }
0xfd: {  	_ =	swait.ge [sflag:s29], $0x100  }
0xfe: {  	[sflag:s29] =	ssyncset.done $0x0  }
0xff: {  	s18 =	simm.s32 $0x380;
	[sflag:s29] =	ssyncadd.s32 $0xFFFFFF00  }
0x100: {  	[spmem:s2] =	stream.indirect.scatter.add.f32 [tilespmem:s23], [sflag:$0xC], $0x1, s18, s22, $0xb8;
	[tilespmem:$0xD78] =	vst v63  }
0x101: {  	_ =	swait.ge [sflag:s31], $0x100  }
0x102: {  	[sflag:s31] =	ssyncset.done $0x0  }
0x103: {  	s20 =	simm.s32 $0x480;
	[sflag:s31] =	ssyncadd.s32 $0xFFFFFF00  }
0x104: {  	[spmem:s2] =	stream.indirect.scatter.add.f32 [tilespmem:s23], [sflag:$0xD], $0x1, s20, s22, $0xb8;
	[tilespmem:$0xD78] =	vst v63  }
0x105: {  	_ =	swait.ge [sflag:s1], $0x100  }
0x106: {  	[sflag:s1] =	ssyncset.done $0x0  }
0x107: {  	s19 =	simm.s32 $0x580;
	[sflag:s1] =	ssyncadd.s32 $0xFFFFFF00  }
0x108: {  	[spmem:s2] =	stream.indirect.scatter.add.f32 [tilespmem:s23], [sflag:$0xE], $0x1, s19, s22, $0xb8;
	[tilespmem:$0xD78] =	vst v63  }
0x109: {  	_ =	swait.ge [sflag:s6], $0x100  }
0x10a: {  	[sflag:s6] =	ssyncset.done $0x0  }
0x10b: {  	s15 =	rddreg [dreg:$0x7];
	[sflag:s6] =	ssyncadd.s32 $0xFFFFFF00  }
0x10c: {  	[spmem:s2] =	stream.indirect.scatter.add.f32 [tilespmem:s23], [sflag:$0xF], $0x1, s15, s22, $0xb8;
	[tilespmem:$0xD78] =	vst v63  }
0x10d: {  	_ =	swait.ge [sflag:s7], $0x100  }
0x10e: {  	[sflag:s7] =	ssyncset.done $0x0  }
0x10f: {  	s15 =	rddreg [dreg:$0x8];
	[sflag:s7] =	ssyncadd.s32 $0xFFFFFF00  }
0x110: {  	[spmem:s2] =	stream.indirect.scatter.add.f32 [tilespmem:s23], [sflag:$0x10], $0x1, s15, s22, $0xb8;
	[tilespmem:$0xD78] =	vst v63  }
0x111: {  	_ =	swait.ge [sflag:s8], $0x80  }
0x112: {  	[sflag:s8] =	ssyncset.done $0x0  }
0x113: {  	[sflag:s8] =	ssyncadd.s32 $0xFFFFFF80  }
0x114: {  	_ =	swait.ge [sflag:s9], $0x80  }
0x115: {  	[sflag:s9] =	ssyncset.done $0x0  }
0x116: {  	[sflag:s9] =	ssyncadd.s32 $0xFFFFFF80  }
0x117: {  	_ =	swait.ge [sflag:s10], $0x80  }
0x118: {  	[sflag:s10] =	ssyncset.done $0x0  }
0x119: {  	[sflag:s10] =	ssyncadd.s32 $0xFFFFFF80  }
0x11a: {  	_ =	swait.ge [sflag:s11], $0x80  }
0x11b: {  	[sflag:s11] =	ssyncset.done $0x0  }
0x11c: {  	[sflag:s11] =	ssyncadd.s32 $0xFFFFFF80  }
0x11d: {  	_ =	swait.ge [sflag:s12], $0x80  }
0x11e: {  	[sflag:s12] =	ssyncset.done $0x0  }
0x11f: {  	[sflag:s12] =	ssyncadd.s32 $0xFFFFFF80  }
0x120: {  	_ =	swait.ge [sflag:s13], $0x80  }
0x121: {  	[sflag:s13] =	ssyncset.done $0x0  }
0x122: {  	[sflag:s13] =	ssyncadd.s32 $0xFFFFFF80  }
0x123: {  	_ =	swait.ge [sflag:s14], $0x80  }
0x124: {  	[sflag:s14] =	ssyncset.done $0x0  }
0x125: {  	[sflag:s14] =	ssyncadd.s32 $0xFFFFFF80  }
0x126: {  	_ =	swait.ge [sflag:s4], $0x80  }
0x127: {  	[sflag:s4] =	ssyncset.done $0x0  }
0x128: {  	s15 =	rddreg [dreg:$0xa];
	[sflag:s4] =	ssyncadd.s32 $0xFFFFFF80  }
0x129: {  	[tilespmem:s3], [sflag:$0x1] =	stream.linear.gather [hbm4b:s15+s3], $0x100, $0x38;
	[tilespmem:$0xD78] =	vst v63  }
0x12a: {  	s15 =	rddreg [dreg:$0xb]  }
0x12b: {  	[tilespmem:s28], [sflag:$0x2] =	stream.linear.gather [hbm4b:s15+s3], $0x100, $0x38;
	[tilespmem:$0xD78] =	vst v63  }
0x12c: {  	s15 =	rddreg [dreg:$0xc]  }
0x12d: {  	[tilespmem:s5], [sflag:$0x3] =	stream.linear.gather [hbm4b:s15+s3], $0x100, $0x38;
	[tilespmem:$0xD78] =	vst v63  }
0x12e: {  	s5 =	rddreg [dreg:$0xd]  }
0x12f: {  	[tilespmem:s25], [sflag:$0x4] =	stream.linear.gather [hbm4b:s5+s3], $0x100, $0x38;
	[tilespmem:$0xD78] =	vst v63  }
0x130: {  	s25 =	rddreg [dreg:$0xe]  }
0x131: {  	[tilespmem:s0], [sflag:$0x5] =	stream.linear.gather [hbm4b:s25+s3], $0x100, $0x38;
	[tilespmem:$0xD78] =	vst v63  }
0x132: {  	s5 =	rddreg [dreg:$0xf]  }
0x133: {  	[tilespmem:s30], [sflag:$0x6] =	stream.linear.gather [hbm4b:s5+s3], $0x100, $0x38;
	[tilespmem:$0xD78] =	vst v63  }
0x134: {  	_ =	swait.ge [sflag:s21], $0x100  }
0x135: {  	[sflag:s21] =	ssyncset.done $0x0  }
0x136: {  	[sflag:s21] =	ssyncadd.s32 $0xFFFFFF00  }
0x137: {  	[spmem:s2] =	stream.indirect.scatter.add.f32 [tilespmem:s23], [sflag:$0x9], $0x1, s22, s22, $0xb8;
	[tilespmem:$0xD78] =	vst v63  }
0x138: {  	_ =	swait.ge [sflag:s24], $0x100  }
0x139: {  	[sflag:s24] =	ssyncset.done $0x0  }
0x13a: {  	[sflag:s24] =	ssyncadd.s32 $0xFFFFFF00  }
0x13b: {  	[spmem:s2] =	stream.indirect.scatter.add.f32 [tilespmem:s23], [sflag:$0xA], $0x1, s16, s22, $0xb8;
	[tilespmem:$0xD78] =	vst v63  }
0x13c: {  	_ =	swait.ge [sflag:s26], $0x100  }
0x13d: {  	[sflag:s26] =	ssyncset.done $0x0  }
0x13e: {  	[sflag:s26] =	ssyncadd.s32 $0xFFFFFF00  }
0x13f: {  	[spmem:s2] =	stream.indirect.scatter.add.f32 [tilespmem:s23], [sflag:$0xB], $0x1, s17, s22, $0xb8;
	[tilespmem:$0xD78] =	vst v63  }
0x140: {  	_ =	swait.ge [sflag:s29], $0x100  }
0x141: {  	[sflag:s29] =	ssyncset.done $0x0  }
0x142: {  	[sflag:s29] =	ssyncadd.s32 $0xFFFFFF00  }
0x143: {  	[spmem:s2] =	stream.indirect.scatter.add.f32 [tilespmem:s23], [sflag:$0xC], $0x1, s18, s22, $0xb8;
	[tilespmem:$0xD78] =	vst v63  }
0x144: {  	_ =	swait.ge [sflag:s31], $0x100  }
0x145: {  	[sflag:s31] =	ssyncset.done $0x0  }
0x146: {  	[sflag:s31] =	ssyncadd.s32 $0xFFFFFF00  }
0x147: {  	[spmem:s2] =	stream.indirect.scatter.add.f32 [tilespmem:s23], [sflag:$0xD], $0x1, s20, s22, $0xb8;
	[tilespmem:$0xD78] =	vst v63  }
0x148: {  	_ =	swait.ge [sflag:s1], $0x100  }
0x149: {  	[sflag:s1] =	ssyncset.done $0x0  }
0x14a: {  	[sflag:s1] =	ssyncadd.s32 $0xFFFFFF00  }
0x14b: {  	[spmem:s2] =	stream.indirect.scatter.add.f32 [tilespmem:s23], [sflag:$0xE], $0x1, s19, s22, $0xb8;
	[tilespmem:$0xD78] =	vst v63  }
0x14c: {  	_ =	swait.ge [sflag:s8], $0x80  }
0x14d: {  	[sflag:s8] =	ssyncset.done $0x0  }
0x14e: {  	[sflag:s8] =	ssyncadd.s32 $0xFFFFFF80  }
0x14f: {  	_ =	swait.ge [sflag:s9], $0x80  }
0x150: {  	[sflag:s9] =	ssyncset.done $0x0  }
0x151: {  	[sflag:s9] =	ssyncadd.s32 $0xFFFFFF80  }
0x152: {  	_ =	swait.ge [sflag:s10], $0x80  }
0x153: {  	[sflag:s10] =	ssyncset.done $0x0  }
0x154: {  	[sflag:s10] =	ssyncadd.s32 $0xFFFFFF80  }
0x155: {  	_ =	swait.ge [sflag:s11], $0x80  }
0x156: {  	[sflag:s11] =	ssyncset.done $0x0  }
0x157: {  	[sflag:s11] =	ssyncadd.s32 $0xFFFFFF80  }
0x158: {  	_ =	swait.ge [sflag:s12], $0x80  }
0x159: {  	[sflag:s12] =	ssyncset.done $0x0  }
0x15a: {  	[sflag:s12] =	ssyncadd.s32 $0xFFFFFF80  }
0x15b: {  	_ =	swait.ge [sflag:s13], $0x80  }
0x15c: {  	[sflag:s13] =	ssyncset.done $0x0  }
0x15d: {  	s15 =	simm.s32 @!p0 $0x0;
	s16 =	rddreg [dreg:$0x10];
	[sflag:s13] =	ssyncadd.s32 $0xFFFFFF80  }
0x15e: {  	[tilespmem:s15], [sflag:$0x11] =	stream.linear.gather @!p0 [hbm4b:s16+s15], $0x100, $0x38;
	[tilespmem:$0xD78] =	vst v63  }
0x15f: {  	s15 =	simm.s32 @!p0 $0x11  }
0x160: {  	_ =	swait.ge @!p0 [sflag:s15], $0x100  }
0x161: {  	[sflag:s15] =	ssyncset.done @!p0 $0x0  }
0x162: {  	s17 =	simm.s32 @!p0 $0x800;
	s16 =	simm.s32 @!p0 $0x80;
	[sflag:s15] =	ssyncadd.s32 @!p0 $0xFFFFFF00  }
0x163: {  	[spmem:s2] =	stream.indirect.scatter.add.f32 @!p0 [tilespmem:s17], [sflag:$0x11], $0x1, s16, s16, $0xb8;
	[tilespmem:$0xD78] =	vst v63  }
0x164: {  	_ =	swait.ge @!p0 [sflag:s15], $0x80  }
0x165: {  	[sflag:s15] =	ssyncset.done @!p0 $0x0  }
0x166: {  	[sflag:s15] =	ssyncadd.s32 @!p0 $0xFFFFFF80  }
0x167: {  	[bflag:$0x0] =	sbarrier.arrive $0xFFFF  }
0x168: {  	s18 =	simm.s32 $0x11;
	s17 =	simm.s32 $0x880;
	s15 =	rddreg [dreg:$0x9]  }
0x169: {  	[tilespmem:s17], [sflag:$0x11] =	stream.linear.gather [spmem:s15], $0x278, $0x38;
	[tilespmem:$0xD78] =	vst v63  }
0x16a: {  	_ =	swait.ge [sflag:s18], $0x278  }
0x16b: {  	[sflag:s18] =	ssyncset.done $0x0  }
0x16c: {  	s20 =	rddreg [dreg:$0x11];
	[sflag:s18] =	ssyncadd.s32 $0xFFFFFD88  }
0x16d: {  	[hbm4b:s20+s3] =	stream.linear.scatter [tilespmem:s17], [sflag:$0x11], $0x278, $0x38;
	[tilespmem:$0xD78] =	vst v63  }
0x16e: {  	_ =	swait.ge [sflag:s18], $0x278  }
0x16f: {  	s16 =	rddreg [dreg:$0x13]  }
0x170: {  	s20 =	rddreg [dreg:$0x12];
	s19 =	sadd.s32 $0x1, s16  }
0x171: {  	p1 =	sne.s32 s19, s20  }
.Ltmp1:
0x172: {  	_ = 	snop;
	(pc) =	sbr.rel @p1 .LBB2_1-.Ltmp1, $4  }
0x173: {  	_ = 	snop  }
0x174: {  	s28 =	simm.s32 $0x280  }
0x175: {  	s0 =	simm.s32 $0x180;
	s25 =	simm.s32 $0x580;
	[sflag:s18] =	ssyncset.done $0x0  }
0x176: {  	s30 =	simm.s32 $0x380;
	s5 =	simm.s32 $0x480;
	[sflag:s18] =	ssyncadd.s32 $0xFFFFFD88  }
0x177: {  	_ =	sfence.sel $0x180000  }
0x178: {  	[bflag:$0x0] =	sbarrier.arrive $0xFFFF  }
0x179: {  	_ =	strace $0x90000047  }
0x17a: {  	s0 =	stileid.u32;
	[bflag:$0x2] =	sbarrier.arrive $0xFFFF  }
0x17b: {  	p0 =	sne.s32 s0, $0x0;
	s0 =	rddreg [dreg:$0x3]  }
0x17c: {  	s0 =	sadd.s32 @!p0 $0x100000, s0  }
0x17d: {  	[sflag:s0] =	ssyncadd.tile.s32 @!p0 $0x1;
	_ =	shalt  }
.Lfunc_end2:
_tile_overlayer_lowered:
.L_overlay_start_2:
0x17e: {  	(tag) =	ssettag $0x2  }
0x17f: {  	s0 =	rddreg [dreg:$0x0];
	s2 =	stileid.u32  }
0x180: {  	s1 =	rddreg [dreg:$0x1];
	p0 =	sne.s32 s2, $0x0  }
0x181: {  	s3 =	rddreg [dreg:$0x2];
	[bflag:$0x3] =	sbarrier.arrive $0xFFFF;
	s2 =	simm.s32 @!p0 $0x1C11  }
0x182: {  	[timem:s3], [sflag:s2] =	dma.local @!p0 [hbm:s0], s1  }
0x183: {  	s0 =	simm.s32 @!p0 $0x11  }
0x184: {  	_ =	swait.ge @!p0 [sflag:s0], s1  }
0x185: {  	s1 =	ssub.s32 @!p0 $0x0, s1;
	[sflag:s0] =	ssyncset.done @!p0 $0x0  }
0x186: {  	[sflag:s0] =	ssyncadd.s32 @!p0 s1  }
0x187: {  	[bflag:$0x3] =	sbarrier.arrive $0xFFFF  }
0x188: {  	_ =	shalt  }

</sc_bundles>
